<compile_context>
chip_gen: v7x
topology: tpu7x:2x2x1
jax: 0.10.2.dev20260603
libtpu: 0.0.44.dev20260713+nightly
codegen_flags: <defaults>
</compile_context>

<pallas_src>
import functools

import jax
import jax.numpy as jnp
from jax import lax
from jax.experimental import pallas as pl
from jax.experimental.pallas import tpu as pltpu
from jax.experimental.pallas import tpu_sc as plsc

N = 10000
E = 320000
D_IN = 128
D_HID = 256
D_OUT = 128
NUM_GRAPHS = 64

NPAD = 10240
PADROWS = NPAD - N
CHUNK = 128
SC_TILES = 16
EPAD = 327680
ROWS = EPAD // CHUNK
KI = 16
BM = 10240
MB = NPAD // BM

_mesh = plsc.VectorSubcoreMesh(core_axis_name="c", subcore_axis_name="s")


def _make_aggregate(edge_split):

    @functools.partial(
        pl.kernel,
        out_type=jax.ShapeDtypeStruct((2 * NPAD, 128), jnp.float32),
        mesh=_mesh,
        scratch_types=[
            pltpu.VMEM((KI * CHUNK,), jnp.int32),
            pltpu.VMEM((KI, CHUNK), jnp.int32),
            pltpu.VMEM((CHUNK, 128), jnp.float32),
            pltpu.VMEM((CHUNK, 128), jnp.float32),
            pltpu.VMEM_SHARED((NPAD, 128), jnp.float32),
            pltpu.SemaphoreType.DMA,
            pltpu.SemaphoreType.DMA,
            pltpu.SemaphoreType.DMA,
            pltpu.SemaphoreType.DMA,
        ],
    )
    def agg(g_hbm, src_hbm, dst_hbm, out_hbm, sidx_v, didx_v, rows_a, rows_b,
            acc_sh, gsem_a, gsem_b, ssem_a, ssem_b):
        c = lax.axis_index("c")
        s = lax.axis_index("s")
        rpt = NPAD // SC_TILES
        r0 = s * rpt
        pltpu.sync_copy(g_hbm.at[pl.ds(c * NPAD + r0, rpt)],
                        acc_sh.at[pl.ds(r0, rpt)])
        plsc.subcore_barrier()
        if edge_split:
            nchunks = EPAD // (2 * SC_TILES * CHUNK)
            drow0 = c * (ROWS // 2) + s * nchunks
        else:
            nchunks = EPAD // (SC_TILES * CHUNK)
            drow0 = s * nchunks

        bufs = (rows_a, rows_b)
        gsems = (gsem_a, gsem_b)
        ssems = (ssem_a, ssem_b)
        toff = c * NPAD

        def group(gi, carry):
            pltpu.sync_copy(src_hbm.at[pl.ds((drow0 + gi * KI) * CHUNK,
                                             KI * CHUNK)], sidx_v)
            pltpu.sync_copy(dst_hbm.at[pl.ds(drow0 + gi * KI, KI)], didx_v)
            if not edge_split:
                def addoff(k, carry2):
                    for u in range(8):
                        sl = pl.ds((k * 8 + u) * 16, 16)
                        sidx_v[sl] = sidx_v[sl] + toff
                    return carry2

                lax.fori_loop(0, KI * CHUNK // 128, addoff, 0)
            gh = [None] * KI
            sh = [None] * KI
            gh[0] = pltpu.async_copy(g_hbm.at[sidx_v.at[pl.ds(0, CHUNK)]], bufs[0],
                                     gsems[0])
            for b in range(1, KI):
                if b >= 2:
                    sh[b - 2].wait()
                gh[b] = pltpu.async_copy(g_hbm.at[sidx_v.at[pl.ds(b * CHUNK, CHUNK)]],
                                         bufs[b % 2], gsems[b % 2])
                gh[b - 1].wait()
                sh[b - 1] = pltpu.async_copy(bufs[(b - 1) % 2],
                                             acc_sh.at[didx_v.at[b - 1]],
                                             ssems[(b - 1) % 2], add=True)
            gh[KI - 1].wait()
            sh[KI - 1] = pltpu.async_copy(bufs[(KI - 1) % 2],
                                          acc_sh.at[didx_v.at[KI - 1]],
                                          ssems[(KI - 1) % 2], add=True)
            sh[KI - 2].wait()
            sh[KI - 1].wait()
            return carry

        lax.fori_loop(0, nchunks // KI, group, 0)
        plsc.subcore_barrier()
        pltpu.sync_copy(acc_sh.at[pl.ds(r0, rpt)],
                        out_hbm.at[pl.ds(c * NPAD + r0, rpt)])

    return agg


_aggregate_fsplit = _make_aggregate(edge_split=False)
_aggregate_esplit = _make_aggregate(edge_split=True)


EPT = EPAD // 32
DEG_BATCH = 2048


@functools.partial(
    pl.kernel,
    out_type=jax.ShapeDtypeStruct((2 * NPAD,), jnp.float32),
    mesh=_mesh,
    compiler_params=pltpu.CompilerParams(needs_layout_passes=False),
    scratch_types=[
        pltpu.VMEM((DEG_BATCH,), jnp.int32),
        pltpu.VMEM((8 * NPAD + 128,), jnp.float32),
        pltpu.VMEM((NPAD,), jnp.float32),
        pltpu.VMEM((NPAD,), jnp.float32),
        pltpu.VMEM_SHARED((SC_TILES, NPAD), jnp.float32),
    ],
)
def _deg_kernel(dst_hbm, out_hbm, didx_v, hist_v, res_v, tbuf_v, sh):
    c = lax.axis_index("c")
    s = lax.axis_index("s")
    w = s * 2 + c
    zeros16 = jnp.zeros((16,), jnp.float32)
    ones16 = jnp.ones((16,), jnp.float32)
    lane = lax.iota(jnp.int32, 16)
    rowbase = (lane & 7) * NPAD
    mask_lo = lane < 8
    mask_hi = lane >= 8
    dump = 8 * NPAD + lane

    def zero(j, carry):
        for u in range(8):
            hist_v[pl.ds((j * 8 + u) * 16, 16)] = zeros16
        return carry

    lax.fori_loop(0, (8 * NPAD + 128) // 128, zero, 0)

    def count_batch(bi, carry):
        pltpu.sync_copy(dst_hbm.at[pl.ds(w * EPT + bi * DEG_BATCH,
                                         DEG_BATCH)], didx_v)

        def count(j, carry2):
            for u in range(4):
                comb = rowbase + didx_v[pl.ds((j * 4 + u) * 16, 16)]
                plsc.addupdate_scatter(hist_v,
                                       [jnp.where(mask_lo, comb, dump)],
                                       ones16)
                plsc.addupdate_scatter(hist_v,
                                       [jnp.where(mask_hi, comb, dump)],
                                       ones16)
            return carry2

        lax.fori_loop(0, DEG_BATCH // 64, count, 0)
        return carry

    lax.fori_loop(0, EPT // DEG_BATCH, count_batch, 0)

    def rowsum(j, carry):
        acc = hist_v[pl.ds(j * 16, 16)]
        for r in range(1, 8):
            acc = acc + hist_v[pl.ds(r * NPAD + j * 16, 16)]
        res_v[pl.ds(j * 16, 16)] = acc
        return carry

    lax.fori_loop(0, NPAD // 16, rowsum, 0)
    pltpu.sync_copy(res_v, sh.at[s])
    plsc.subcore_barrier()
    npt = NPAD // SC_TILES
    for t in range(SC_TILES):
        pltpu.sync_copy(sh.at[t, pl.ds(s * npt, npt)],
                        tbuf_v.at[pl.ds(t * npt, npt)])

    def colsum(j, carry):
        acc = tbuf_v[pl.ds(j * 16, 16)]
        for t in range(1, SC_TILES):
            acc = acc + tbuf_v[pl.ds(t * npt + j * 16, 16)]
        res_v[pl.ds(j * 16, 16)] = acc
        return carry

    lax.fori_loop(0, npt // 16, colsum, 0)
    pltpu.sync_copy(res_v.at[pl.ds(0, npt)],
                    out_hbm.at[pl.ds(c * NPAD + s * npt, npt)])


def _tc1_body(x_b, w1_b, deg_b, g_b, dinv_b):
    deg = deg_b[0, :] + deg_b[1, :] + 1.0
    dinv = lax.rsqrt(deg)
    h = jnp.dot(x_b[...], w1_b[...], preferred_element_type=jnp.float32)
    g_b[...] = h * dinv[:, None]
    dinv_b[...] = dinv[:, None]


def _tc1(x_p, w1, cnt):
    return pl.pallas_call(
        _tc1_body,
        grid=(2, MB),
        in_specs=[
            pl.BlockSpec((BM, D_IN), lambda c, m: (m, 0)),
            pl.BlockSpec((D_IN, D_HID // 2), lambda c, m: (0, c)),
            pl.BlockSpec((2, BM), lambda c, m: (0, m)),
        ],
        out_specs=[
            pl.BlockSpec((BM, D_HID // 2), lambda c, m: (c * MB + m, 0)),
            pl.BlockSpec((BM, 1), lambda c, m: (m, 0)),
        ],
        out_shape=[
            jax.ShapeDtypeStruct((2 * NPAD, D_HID // 2), jnp.float32),
            jax.ShapeDtypeStruct((NPAD, 1), jnp.float32),
        ],
    )(x_p, w1, cnt)


def _tc2_body(sa_b, sb_b, dinv_b, b1_b, w2_b, g2_b):
    srow = jnp.concatenate([sa_b[...], sb_b[...]], axis=1)
    dv = dinv_b[...]
    pre = srow * dv + b1_b[...]
    h1 = jnp.where(pre > 0, pre, jnp.exp(pre) - 1.0)
    h2 = jnp.dot(h1, w2_b[...], preferred_element_type=jnp.float32)
    g2_b[...] = h2 * dv * (pl.program_id(0) == 0).astype(jnp.float32)


def _tc2(s1, dinv, b1r, w2):
    return pl.pallas_call(
        _tc2_body,
        grid=(2, MB),
        in_specs=[
            pl.BlockSpec((BM, D_HID // 2), lambda c, m: (m, 0)),
            pl.BlockSpec((BM, D_HID // 2), lambda c, m: (MB + m, 0)),
            pl.BlockSpec((BM, 1), lambda c, m: (m, 0)),
            pl.BlockSpec((1, D_HID), lambda c, m: (0, 0)),
            pl.BlockSpec((D_HID, D_OUT), lambda c, m: (0, 0)),
        ],
        out_specs=pl.BlockSpec((BM, D_OUT), lambda c, m: (c * MB + m, 0)),
        out_shape=jax.ShapeDtypeStruct((2 * NPAD, D_OUT), jnp.float32),
    )(s1, s1, dinv, b1r, w2)


def _tc3_body(sa_b, sb_b, dinv_b, b2_b, batch_b, out_b, acc, cnt):
    m = pl.program_id(0)

    @pl.when(m == 0)
    def _():
        acc[...] = jnp.zeros_like(acc)
        cnt[...] = jnp.zeros_like(cnt)

    srow = sa_b[...] + sb_b[...]
    h2 = srow * dinv_b[...] + b2_b[...]
    bt = batch_b[0, 0, :]
    oh = (bt[None, :] == lax.broadcasted_iota(jnp.int32, (NUM_GRAPHS, BM), 0)
          ).astype(jnp.float32)
    acc[...] += jnp.dot(oh, h2, preferred_element_type=jnp.float32)
    cnt[...] += jnp.sum(oh, axis=1, keepdims=True)

    @pl.when(m == pl.num_programs(0) - 1)
    def _():
        out_b[...] = acc[...] / jnp.maximum(cnt[...], 1.0)


def _tc3(s2, dinv, b2r, batch3):
    return pl.pallas_call(
        _tc3_body,
        grid=(MB,),
        in_specs=[
            pl.BlockSpec((BM, D_OUT), lambda m: (m, 0)),
            pl.BlockSpec((BM, D_OUT), lambda m: (MB + m, 0)),
            pl.BlockSpec((BM, 1), lambda m: (m, 0)),
            pl.BlockSpec((1, D_OUT), lambda m: (0, 0)),
            pl.BlockSpec((1, 1, BM), lambda m: (m, 0, 0)),
        ],
        out_specs=pl.BlockSpec((NUM_GRAPHS, D_OUT), lambda m: (0, 0)),
        out_shape=jax.ShapeDtypeStruct((NUM_GRAPHS, D_OUT), jnp.float32),
        scratch_shapes=[
            pltpu.VMEM((NUM_GRAPHS, D_OUT), jnp.float32),
            pltpu.VMEM((NUM_GRAPHS, 1), jnp.float32),
        ],
    )(s2, s2, dinv, b2r, batch3)


def kernel(x, edge_index, batch, W1, b1, W2, b2):
    src = edge_index[0]
    dst = edge_index[1]
    pad_ids = N + (jnp.arange(EPAD - E, dtype=jnp.int32) % PADROWS)
    srcp = jnp.concatenate([src, pad_ids])
    dstp1d = jnp.concatenate([dst, pad_ids])
    dstp = dstp1d.reshape(ROWS, CHUNK)
    x_p = jnp.pad(x, ((0, NPAD - N), (0, 0)))
    batch3 = jnp.pad(batch, (0, NPAD - N),
                     constant_values=NUM_GRAPHS).reshape(MB, 1, BM)
    b1r = b1.reshape(1, D_HID)
    b2r = b2.reshape(1, D_OUT)

    cnt = _deg_kernel(dstp1d).reshape(2, NPAD)
    g1, dinv = _tc1(x_p, W1, cnt)
    s1 = _aggregate_fsplit(g1, srcp, dstp)
    g2 = _tc2(s1, dinv, b1r, W2)
    s2 = _aggregate_esplit(g2, srcp, dstp)
    return _tc3(s2, dinv, b2r, batch3)

# --- scband reference (transcript-rebuilt; emitter-appended) ---
"""Pipeline reference for scband-gcnencoder-3848290697594 (READ-ONLY COPY).

The authoritative reference and input builder live on the scoring server;
editing this copy changes nothing except your own understanding.
"""

import jax, jax.numpy as jnp
import numpy as np

N = 10000
E = 320000
D_IN = 128
D_HID = 256
D_OUT = 128
NUM_GRAPHS = 64


def setup_inputs(seed: int = 0) -> dict:
    key = jax.random.key(seed)
    ks = jax.random.split(key, 8)
    x = jax.random.normal(ks[0], (N, D_IN), dtype=jnp.float32)
    edge_index = jax.random.randint(ks[1], (2, E), 0, N, dtype=jnp.int32)
    batch = jnp.sort(jax.random.randint(ks[2], (N,), 0, NUM_GRAPHS, dtype=jnp.int32))
    W1 = jax.random.normal(ks[3], (D_IN, D_HID), dtype=jnp.float32) * (1.0 / np.sqrt(D_IN))
    b1 = jnp.zeros((D_HID,), dtype=jnp.float32)
    W2 = jax.random.normal(ks[4], (D_HID, D_OUT), dtype=jnp.float32) * (1.0 / np.sqrt(D_HID))
    b2 = jnp.zeros((D_OUT,), dtype=jnp.float32)
    return {"x": x, "edge_index": edge_index, "batch": batch, "W1": W1, "b1": b1, "W2": W2, "b2": b2}


def _gcn_conv(x, edge_index, W, b):
    # PyG GCNConv: x' = D^{-1/2} (A + I) D^{-1/2} (x W) + b
    loop = jnp.arange(N, dtype=edge_index.dtype)
    src = jnp.concatenate([edge_index[0], loop])
    dst = jnp.concatenate([edge_index[1], loop])
    deg = jnp.zeros((N,), dtype=x.dtype).at[dst].add(1.0)
    dinv = jnp.where(deg > 0, 1.0 / jnp.sqrt(deg), 0.0)
    norm = dinv[src] * dinv[dst]
    h = x @ W
    msg = h[src] * norm[:, None]
    out = jnp.zeros((N, W.shape[1]), dtype=x.dtype).at[dst].add(msg)
    return out + b


def reference(x, edge_index, batch, W1, b1, W2, b2):
    # dropout is identity in eval mode (training=False)
    h = jax.nn.elu(_gcn_conv(x, edge_index, W1, b1))
    h = _gcn_conv(h, edge_index, W2, b2)
    # global_mean_pool over batch segments
    sums = jax.ops.segment_sum(h, batch, num_segments=NUM_GRAPHS)
    cnt = jax.ops.segment_sum(jnp.ones((N, 1), dtype=h.dtype), batch, num_segments=NUM_GRAPHS)
    return sums / jnp.maximum(cnt, 1.0)

if __name__ == "__main__":
    import jax
    _d = setup_inputs()
    print(jax.jit(kernel)(*tuple(_d.values())))

</pallas_src>

<mosaic_0001>
#map = affine_map<(d0, d1) -> (0, 0)>
#map1 = affine_map<(d0, d1) -> (0)>
module attributes {stable_mosaic.version = 14 : i64} {
  func.func @agg(%arg0: i32, %arg1: i32, %arg2: memref<20480x128xf32, #tpu.memory_space<hbm>>, %arg3: memref<327680xi32, #tpu.memory_space<hbm>>, %arg4: memref<2560x128xi32, #tpu.memory_space<hbm>>, %arg5: memref<20480x128xf32, #tpu.memory_space<hbm>>, %arg6: memref<2048xi32, #tpu.memory_space<vmem>>, %arg7: memref<16x128xi32, #tpu.memory_space<vmem>>, %arg8: memref<128x128xf32, #tpu.memory_space<vmem>>, %arg9: memref<128x128xf32, #tpu.memory_space<vmem>>, %arg10: memref<10240x128xf32, #tpu.memory_space<vmem_shared>>, %arg11: memref<!tpu.dma_semaphore, #tpu.memory_space<semaphore_mem>>, %arg12: memref<!tpu.dma_semaphore, #tpu.memory_space<semaphore_mem>>, %arg13: memref<!tpu.dma_semaphore, #tpu.memory_space<semaphore_mem>>, %arg14: memref<!tpu.dma_semaphore, #tpu.memory_space<semaphore_mem>>) attributes {dimension_semantics = [#tpu.dimension_semantics<core_parallel>, #tpu.dimension_semantics<subcore_parallel>], iteration_bounds = array<i64: 2, 16>, scalar_prefetch = 0 : i64, scratch_operands = 9 : i64, tpu.core_type = #tpu.core_type<sc_vector_subcore>, window_params = [{transform_indices = #map}, {transform_indices = #map1}, {transform_indices = #map}, {transform_indices = #map}]} {
    %mul3A = arith.constant 640 : i32
    %mul3A_0 = arith.muli %arg1, %mul3A : i32
    %mul3A_1 = arith.constant 10240 : i32
    %mul3A_2 = arith.muli %arg0, %mul3A_1 : i32
    %add3A = arith.addi %mul3A_2, %mul3A_0 : i32
    "tpu.region"() ({
      %run_scoped3A = tpu.sem_alloc : memref<!tpu.dma_semaphore, #tpu.memory_space<semaphore_mem>>
      %dma_start3A = arith.constant 0 : i32
      %dma_start3A_16 = tpu.memref_slice %arg10[%mul3A_0, %dma_start3A] : memref<10240x128xf32, #tpu.memory_space<vmem_shared>> -> memref<640x128xf32, #tpu.memory_space<vmem_shared>>
      %dma_start3A_17 = arith.constant 0 : i32
      %dma_start3A_18 = tpu.memref_slice %arg2[%add3A, %dma_start3A_17] : memref<20480x128xf32, #tpu.memory_space<hbm>> -> memref<640x128xf32, #tpu.memory_space<hbm>>
      tpu.enqueue_dma source(%dma_start3A_18 : memref<640x128xf32, #tpu.memory_space<hbm>>) target(%dma_start3A_16 : memref<640x128xf32, #tpu.memory_space<vmem_shared>>) target_semaphore(%run_scoped3A : memref<!tpu.dma_semaphore, #tpu.memory_space<semaphore_mem>>)
      %dma_wait3A = arith.constant 0 : i32
      %dma_wait3A_19 = tpu.memref_slice %arg10[%mul3A_0, %dma_wait3A] : memref<10240x128xf32, #tpu.memory_space<vmem_shared>> -> memref<640x128xf32, #tpu.memory_space<vmem_shared>>
      %dma_wait3A_20 = arith.constant 0 : i32
      %dma_wait3A_21 = tpu.memref_slice %arg2[%add3A, %dma_wait3A_20] : memref<20480x128xf32, #tpu.memory_space<hbm>> -> memref<640x128xf32, #tpu.memory_space<hbm>>
      tpu.wait_dma2 semaphore(%run_scoped3A : memref<!tpu.dma_semaphore, #tpu.memory_space<semaphore_mem>>) src(%dma_wait3A_21 : memref<640x128xf32, #tpu.memory_space<hbm>>) dst(%dma_wait3A_19 : memref<640x128xf32, #tpu.memory_space<vmem_shared>>)
      tpu.yield
    }) : () -> ()
    %barrier3A = arith.constant 0 : index
    tpu.barrier barrier_id(%barrier3A)
    %mul3A_3 = arith.constant 160 : i32
    %mul3A_4 = arith.muli %arg1, %mul3A_3 : i32
    %mul3A_5 = arith.constant 10240 : i32
    %mul3A_6 = arith.muli %arg0, %mul3A_5 : i32
    %scan3A = arith.constant 0 : i32
    %scan3A_7 = arith.constant 0 : i32
    %scan3A_8 = arith.constant 10 : i32
    %scan3A_9 = arith.addi %scan3A_7, %scan3A_8 : i32
    %scan3A_10 = arith.constant 1 : i32
    scf.for %scan3A_16 = %scan3A_7 to %scan3A_9 step %scan3A_10  : i32 {
      %mul3A_17 = arith.constant 16 : i32
      %mul3A_18 = arith.muli %scan3A_16, %mul3A_17 : i32
      %add3A_19 = arith.addi %mul3A_4, %mul3A_18 : i32
      %mul3A_20 = arith.constant 128 : i32
      %mul3A_21 = arith.muli %add3A_19, %mul3A_20 : i32
      "tpu.region"() ({
        %run_scoped3A = tpu.sem_alloc : memref<!tpu.dma_semaphore, #tpu.memory_space<semaphore_mem>>
        %dma_start3A_413 = tpu.memref_slice %arg3[%mul3A_21] : memref<327680xi32, #tpu.memory_space<hbm>> -> memref<2048xi32, #tpu.memory_space<hbm>>
        %dma_start3A_414 = tpu.memref_slice %arg3[%mul3A_21] : memref<327680xi32, #tpu.memory_space<hbm>> -> memref<2048xi32, #tpu.memory_space<hbm>>
        tpu.enqueue_dma source(%dma_start3A_414 : memref<2048xi32, #tpu.memory_space<hbm>>) target(%arg6 : memref<2048xi32, #tpu.memory_space<vmem>>) target_semaphore(%run_scoped3A : memref<!tpu.dma_semaphore, #tpu.memory_space<semaphore_mem>>)
        %dma_wait3A_415 = tpu.memref_slice %arg3[%mul3A_21] : memref<327680xi32, #tpu.memory_space<hbm>> -> memref<2048xi32, #tpu.memory_space<hbm>>
        %dma_wait3A_416 = tpu.memref_slice %arg3[%mul3A_21] : memref<327680xi32, #tpu.memory_space<hbm>> -> memref<2048xi32, #tpu.memory_space<hbm>>
        tpu.wait_dma2 semaphore(%run_scoped3A : memref<!tpu.dma_semaphore, #tpu.memory_space<semaphore_mem>>) src(%dma_wait3A_416 : memref<2048xi32, #tpu.memory_space<hbm>>) dst(%arg6 : memref<2048xi32, #tpu.memory_space<vmem>>)
        tpu.yield
      }) : () -> ()
      %mul3A_22 = arith.constant 16 : i32
      %mul3A_23 = arith.muli %scan3A_16, %mul3A_22 : i32
      %add3A_24 = arith.addi %mul3A_4, %mul3A_23 : i32
      "tpu.region"() ({
        %run_scoped3A = tpu.sem_alloc : memref<!tpu.dma_semaphore, #tpu.memory_space<semaphore_mem>>
        %dma_start3A_413 = arith.constant 0 : i32
        %dma_start3A_414 = tpu.memref_slice %arg4[%add3A_24, %dma_start3A_413] : memref<2560x128xi32, #tpu.memory_space<hbm>> -> memref<16x128xi32, #tpu.memory_space<hbm>>
        %dma_start3A_415 = arith.constant 0 : i32
        %dma_start3A_416 = tpu.memref_slice %arg4[%add3A_24, %dma_start3A_415] : memref<2560x128xi32, #tpu.memory_space<hbm>> -> memref<16x128xi32, #tpu.memory_space<hbm>>
        tpu.enqueue_dma source(%dma_start3A_416 : memref<16x128xi32, #tpu.memory_space<hbm>>) target(%arg7 : memref<16x128xi32, #tpu.memory_space<vmem>>) target_semaphore(%run_scoped3A : memref<!tpu.dma_semaphore, #tpu.memory_space<semaphore_mem>>)
        %dma_wait3A_417 = arith.constant 0 : i32
        %dma_wait3A_418 = tpu.memref_slice %arg4[%add3A_24, %dma_wait3A_417] : memref<2560x128xi32, #tpu.memory_space<hbm>> -> memref<16x128xi32, #tpu.memory_space<hbm>>
        %dma_wait3A_419 = arith.constant 0 : i32
        %dma_wait3A_420 = tpu.memref_slice %arg4[%add3A_24, %dma_wait3A_419] : memref<2560x128xi32, #tpu.memory_space<hbm>> -> memref<16x128xi32, #tpu.memory_space<hbm>>
        tpu.wait_dma2 semaphore(%run_scoped3A : memref<!tpu.dma_semaphore, #tpu.memory_space<semaphore_mem>>) src(%dma_wait3A_420 : memref<16x128xi32, #tpu.memory_space<hbm>>) dst(%arg7 : memref<16x128xi32, #tpu.memory_space<vmem>>)
        tpu.yield
      }) : () -> ()
      %scan3A_25 = arith.constant 0 : i32
      %scan3A_26 = arith.constant 0 : i32
      %scan3A_27 = arith.constant 16 : i32
      %scan3A_28 = arith.addi %scan3A_26, %scan3A_27 : i32
      %scan3A_29 = arith.constant 1 : i32
      scf.for %scan3A_413 = %scan3A_26 to %scan3A_28 step %scan3A_29  : i32 {
        %mul3A_414 = arith.constant 8 : i32
        %mul3A_415 = arith.muli %scan3A_413, %mul3A_414 : i32
        %add3A_416 = arith.constant 0 : i32
        %add3A_417 = arith.addi %mul3A_415, %add3A_416 : i32
        %mul3A_418 = arith.constant 16 : i32
        %mul3A_419 = arith.muli %add3A_417, %mul3A_418 : i32
        %get3A = arith.index_cast %mul3A_419 : i32 to index
        %get3A_420 = tpu.vector_load %arg6[%get3A] {strides = array<i32>} : memref<2048xi32, #tpu.memory_space<vmem>>, vector<16xi32>,
        %add3A_421 = vector.broadcast %mul3A_6 : i32 to vector<16xi32>
        %add3A_422 = arith.addi %get3A_420, %add3A_421 : vector<16xi32>
        %swap3A = arith.index_cast %mul3A_419 : i32 to index
        %swap3A_423 = tpu.vector_load %arg6[%swap3A] {strides = array<i32>} : memref<2048xi32, #tpu.memory_space<vmem>>, vector<16xi32>,
        %swap3A_424 = vector.shape_cast %swap3A_423 : vector<16xi32> to vector<16xi32>
        %swap3A_425 = vector.shape_cast %add3A_422 : vector<16xi32> to vector<16xi32>
        tpu.vector_store %arg6[%swap3A], %swap3A_425 {strides = array<i32>} : memref<2048xi32, #tpu.memory_space<vmem>>, vector<16xi32>,
        %mul3A_426 = arith.constant 8 : i32
        %mul3A_427 = arith.muli %scan3A_413, %mul3A_426 : i32
        %add3A_428 = arith.constant 1 : i32
        %add3A_429 = arith.addi %mul3A_427, %add3A_428 : i32
        %mul3A_430 = arith.constant 16 : i32
        %mul3A_431 = arith.muli %add3A_429, %mul3A_430 : i32
        %get3A_432 = arith.index_cast %mul3A_431 : i32 to index
        %get3A_433 = tpu.vector_load %arg6[%get3A_432] {strides = array<i32>} : memref<2048xi32, #tpu.memory_space<vmem>>, vector<16xi32>,
        %add3A_434 = vector.broadcast %mul3A_6 : i32 to vector<16xi32>
        %add3A_435 = arith.addi %get3A_433, %add3A_434 : vector<16xi32>
        %swap3A_436 = arith.index_cast %mul3A_431 : i32 to index
        %swap3A_437 = tpu.vector_load %arg6[%swap3A_436] {strides = array<i32>} : memref<2048xi32, #tpu.memory_space<vmem>>, vector<16xi32>,
        %swap3A_438 = vector.shape_cast %swap3A_437 : vector<16xi32> to vector<16xi32>
        %swap3A_439 = vector.shape_cast %add3A_435 : vector<16xi32> to vector<16xi32>
        tpu.vector_store %arg6[%swap3A_436], %swap3A_439 {strides = array<i32>} : memref<2048xi32, #tpu.memory_space<vmem>>, vector<16xi32>,
        %mul3A_440 = arith.constant 8 : i32
        %mul3A_441 = arith.muli %scan3A_413, %mul3A_440 : i32
        %add3A_442 = arith.constant 2 : i32
        %add3A_443 = arith.addi %mul3A_441, %add3A_442 : i32
        %mul3A_444 = arith.constant 16 : i32
        %mul3A_445 = arith.muli %add3A_443, %mul3A_444 : i32
        %get3A_446 = arith.index_cast %mul3A_445 : i32 to index
        %get3A_447 = tpu.vector_load %arg6[%get3A_446] {strides = array<i32>} : memref<2048xi32, #tpu.memory_space<vmem>>, vector<16xi32>,
        %add3A_448 = vector.broadcast %mul3A_6 : i32 to vector<16xi32>
        %add3A_449 = arith.addi %get3A_447, %add3A_448 : vector<16xi32>
        %swap3A_450 = arith.index_cast %mul3A_445 : i32 to index
        %swap3A_451 = tpu.vector_load %arg6[%swap3A_450] {strides = array<i32>} : memref<2048xi32, #tpu.memory_space<vmem>>, vector<16xi32>,
        %swap3A_452 = vector.shape_cast %swap3A_451 : vector<16xi32> to vector<16xi32>
        %swap3A_453 = vector.shape_cast %add3A_449 : vector<16xi32> to vector<16xi32>
        tpu.vector_store %arg6[%swap3A_450], %swap3A_453 {strides = array<i32>} : memref<2048xi32, #tpu.memory_space<vmem>>, vector<16xi32>,
        %mul3A_454 = arith.constant 8 : i32
        %mul3A_455 = arith.muli %scan3A_413, %mul3A_454 : i32
        %add3A_456 = arith.constant 3 : i32
        %add3A_457 = arith.addi %mul3A_455, %add3A_456 : i32
        %mul3A_458 = arith.constant 16 : i32
        %mul3A_459 = arith.muli %add3A_457, %mul3A_458 : i32
        %get3A_460 = arith.index_cast %mul3A_459 : i32 to index
        %get3A_461 = tpu.vector_load %arg6[%get3A_460] {strides = array<i32>} : memref<2048xi32, #tpu.memory_space<vmem>>, vector<16xi32>,
        %add3A_462 = vector.broadcast %mul3A_6 : i32 to vector<16xi32>
        %add3A_463 = arith.addi %get3A_461, %add3A_462 : vector<16xi32>
        %swap3A_464 = arith.index_cast %mul3A_459 : i32 to index
        %swap3A_465 = tpu.vector_load %arg6[%swap3A_464] {strides = array<i32>} : memref<2048xi32, #tpu.memory_space<vmem>>, vector<16xi32>,
        %swap3A_466 = vector.shape_cast %swap3A_465 : vector<16xi32> to vector<16xi32>
        %swap3A_467 = vector.shape_cast %add3A_463 : vector<16xi32> to vector<16xi32>
        tpu.vector_store %arg6[%swap3A_464], %swap3A_467 {strides = array<i32>} : memref<2048xi32, #tpu.memory_space<vmem>>, vector<16xi32>,
        %mul3A_468 = arith.constant 8 : i32
        %mul3A_469 = arith.muli %scan3A_413, %mul3A_468 : i32
        %add3A_470 = arith.constant 4 : i32
        %add3A_471 = arith.addi %mul3A_469, %add3A_470 : i32
        %mul3A_472 = arith.constant 16 : i32
        %mul3A_473 = arith.muli %add3A_471, %mul3A_472 : i32
        %get3A_474 = arith.index_cast %mul3A_473 : i32 to index
        %get3A_475 = tpu.vector_load %arg6[%get3A_474] {strides = array<i32>} : memref<2048xi32, #tpu.memory_space<vmem>>, vector<16xi32>,
        %add3A_476 = vector.broadcast %mul3A_6 : i32 to vector<16xi32>
        %add3A_477 = arith.addi %get3A_475, %add3A_476 : vector<16xi32>
        %swap3A_478 = arith.index_cast %mul3A_473 : i32 to index
        %swap3A_479 = tpu.vector_load %arg6[%swap3A_478] {strides = array<i32>} : memref<2048xi32, #tpu.memory_space<vmem>>, vector<16xi32>,
        %swap3A_480 = vector.shape_cast %swap3A_479 : vector<16xi32> to vector<16xi32>
        %swap3A_481 = vector.shape_cast %add3A_477 : vector<16xi32> to vector<16xi32>
        tpu.vector_store %arg6[%swap3A_478], %swap3A_481 {strides = array<i32>} : memref<2048xi32, #tpu.memory_space<vmem>>, vector<16xi32>,
        %mul3A_482 = arith.constant 8 : i32
        %mul3A_483 = arith.muli %scan3A_413, %mul3A_482 : i32
        %add3A_484 = arith.constant 5 : i32
        %add3A_485 = arith.addi %mul3A_483, %add3A_484 : i32
        %mul3A_486 = arith.constant 16 : i32
        %mul3A_487 = arith.muli %add3A_485, %mul3A_486 : i32
        %get3A_488 = arith.index_cast %mul3A_487 : i32 to index
        %get3A_489 = tpu.vector_load %arg6[%get3A_488] {strides = array<i32>} : memref<2048xi32, #tpu.memory_space<vmem>>, vector<16xi32>,
        %add3A_490 = vector.broadcast %mul3A_6 : i32 to vector<16xi32>
        %add3A_491 = arith.addi %get3A_489, %add3A_490 : vector<16xi32>
        %swap3A_492 = arith.index_cast %mul3A_487 : i32 to index
        %swap3A_493 = tpu.vector_load %arg6[%swap3A_492] {strides = array<i32>} : memref<2048xi32, #tpu.memory_space<vmem>>, vector<16xi32>,
        %swap3A_494 = vector.shape_cast %swap3A_493 : vector<16xi32> to vector<16xi32>
        %swap3A_495 = vector.shape_cast %add3A_491 : vector<16xi32> to vector<16xi32>
        tpu.vector_store %arg6[%swap3A_492], %swap3A_495 {strides = array<i32>} : memref<2048xi32, #tpu.memory_space<vmem>>, vector<16xi32>,
        %mul3A_496 = arith.constant 8 : i32
        %mul3A_497 = arith.muli %scan3A_413, %mul3A_496 : i32
        %add3A_498 = arith.constant 6 : i32
        %add3A_499 = arith.addi %mul3A_497, %add3A_498 : i32
        %mul3A_500 = arith.constant 16 : i32
        %mul3A_501 = arith.muli %add3A_499, %mul3A_500 : i32
        %get3A_502 = arith.index_cast %mul3A_501 : i32 to index
        %get3A_503 = tpu.vector_load %arg6[%get3A_502] {strides = array<i32>} : memref<2048xi32, #tpu.memory_space<vmem>>, vector<16xi32>,
        %add3A_504 = vector.broadcast %mul3A_6 : i32 to vector<16xi32>
        %add3A_505 = arith.addi %get3A_503, %add3A_504 : vector<16xi32>
        %swap3A_506 = arith.index_cast %mul3A_501 : i32 to index
        %swap3A_507 = tpu.vector_load %arg6[%swap3A_506] {strides = array<i32>} : memref<2048xi32, #tpu.memory_space<vmem>>, vector<16xi32>,
        %swap3A_508 = vector.shape_cast %swap3A_507 : vector<16xi32> to vector<16xi32>
        %swap3A_509 = vector.shape_cast %add3A_505 : vector<16xi32> to vector<16xi32>
        tpu.vector_store %arg6[%swap3A_506], %swap3A_509 {strides = array<i32>} : memref<2048xi32, #tpu.memory_space<vmem>>, vector<16xi32>,
        %mul3A_510 = arith.constant 8 : i32
        %mul3A_511 = arith.muli %scan3A_413, %mul3A_510 : i32
        %add3A_512 = arith.constant 7 : i32
        %add3A_513 = arith.addi %mul3A_511, %add3A_512 : i32
        %mul3A_514 = arith.constant 16 : i32
        %mul3A_515 = arith.muli %add3A_513, %mul3A_514 : i32
        %get3A_516 = arith.index_cast %mul3A_515 : i32 to index
        %get3A_517 = tpu.vector_load %arg6[%get3A_516] {strides = array<i32>} : memref<2048xi32, #tpu.memory_space<vmem>>, vector<16xi32>,
        %add3A_518 = vector.broadcast %mul3A_6 : i32 to vector<16xi32>
        %add3A_519 = arith.addi %get3A_517, %add3A_518 : vector<16xi32>
        %swap3A_520 = arith.index_cast %mul3A_515 : i32 to index
        %swap3A_521 = tpu.vector_load %arg6[%swap3A_520] {strides = array<i32>} : memref<2048xi32, #tpu.memory_space<vmem>>, vector<16xi32>,
        %swap3A_522 = vector.shape_cast %swap3A_521 : vector<16xi32> to vector<16xi32>
        %swap3A_523 = vector.shape_cast %add3A_519 : vector<16xi32> to vector<16xi32>
        tpu.vector_store %arg6[%swap3A_520], %swap3A_523 {strides = array<i32>} : memref<2048xi32, #tpu.memory_space<vmem>>, vector<16xi32>,
      }
      %scan3A_30 = arith.constant 16 : i32
      %dma_start3A = arith.constant 0 : i32
      %dma_start3A_31 = tpu.memref_slice %arg6[%dma_start3A] : memref<2048xi32, #tpu.memory_space<vmem>> -> memref<128xi32, #tpu.memory_space<vmem>>
      %dma_start3A_32 = arith.constant 0 : i32
      %dma_start3A_33 = arith.constant 0 : i32
      %dma_start3A_34 = tpu.memref_slice %arg2[%dma_start3A_32, %dma_start3A_33] : memref<20480x128xf32, #tpu.memory_space<hbm>> -> memref<20480x128xf32, #tpu.memory_space<hbm>>
      tpu.enqueue_indirect_dma source(%dma_start3A_34 : memref<20480x128xf32, #tpu.memory_space<hbm>>) target(%arg8 : memref<128x128xf32, #tpu.memory_space<vmem>>) offsets(%dma_start3A_31 : memref<128xi32, #tpu.memory_space<vmem>>) semaphore(%arg11 : memref<!tpu.dma_semaphore, #tpu.memory_space<semaphore_mem>>)
      %dma_start3A_35 = arith.constant 128 : i32
      %dma_start3A_36 = tpu.memref_slice %arg6[%dma_start3A_35] : memref<2048xi32, #tpu.memory_space<vmem>> -> memref<128xi32, #tpu.memory_space<vmem>>
      %dma_start3A_37 = arith.constant 0 : i32
      %dma_start3A_38 = arith.constant 0 : i32
      %dma_start3A_39 = tpu.memref_slice %arg2[%dma_start3A_37, %dma_start3A_38] : memref<20480x128xf32, #tpu.memory_space<hbm>> -> memref<20480x128xf32, #tpu.memory_space<hbm>>
      tpu.enqueue_indirect_dma source(%dma_start3A_39 : memref<20480x128xf32, #tpu.memory_space<hbm>>) target(%arg9 : memref<128x128xf32, #tpu.memory_space<vmem>>) offsets(%dma_start3A_36 : memref<128xi32, #tpu.memory_space<vmem>>) semaphore(%arg12 : memref<!tpu.dma_semaphore, #tpu.memory_space<semaphore_mem>>)
      %dma_wait3A = arith.constant 0 : i32
      %dma_wait3A_40 = tpu.memref_slice %arg6[%dma_wait3A] : memref<2048xi32, #tpu.memory_space<vmem>> -> memref<128xi32, #tpu.memory_space<vmem>>
      %dma_wait3A_41 = arith.constant 0 : i32
      %dma_wait3A_42 = arith.constant 0 : i32
      %dma_wait3A_43 = tpu.memref_slice %arg2[%dma_wait3A_41, %dma_wait3A_42] : memref<20480x128xf32, #tpu.memory_space<hbm>> -> memref<20480x128xf32, #tpu.memory_space<hbm>>
      tpu.wait_indirect_dma semaphore(%arg11 : memref<!tpu.dma_semaphore, #tpu.memory_space<semaphore_mem>>) src(%dma_wait3A_43 : memref<20480x128xf32, #tpu.memory_space<hbm>>) dst(%arg8 : memref<128x128xf32, #tpu.memory_space<vmem>>)
      %dma_start3A_44 = arith.constant 0 : i32
      %dma_start3A_45 = arith.constant 0 : i32
      %dma_start3A_46 = tpu.memref_slice %arg7[%dma_start3A_44, %dma_start3A_45] : memref<16x128xi32, #tpu.memory_space<vmem>> -> memref<1x128xi32, #tpu.memory_space<vmem>>
      %dma_start3A_47 = tpu.memref_squeeze %dma_start3A_46 : memref<1x128xi32, #tpu.memory_space<vmem>> -> memref<128xi32, #tpu.memory_space<vmem>>
      %dma_start3A_48 = arith.constant 0 : i32
      %dma_start3A_49 = arith.constant 0 : i32
      %dma_start3A_50 = tpu.memref_slice %arg10[%dma_start3A_48, %dma_start3A_49] : memref<10240x128xf32, #tpu.memory_space<vmem_shared>> -> memref<10240x128xf32, #tpu.memory_space<vmem_shared>>
      tpu.enqueue_indirect_dma source(%arg8 : memref<128x128xf32, #tpu.memory_space<vmem>>) target(%dma_start3A_50 : memref<10240x128xf32, #tpu.memory_space<vmem_shared>>) offsets(%dma_start3A_47 : memref<128xi32, #tpu.memory_space<vmem>>) semaphore(%arg13 : memref<!tpu.dma_semaphore, #tpu.memory_space<semaphore_mem>>) {add = true}
      %dma_wait3A_51 = arith.constant 0 : i32
      %dma_wait3A_52 = arith.constant 0 : i32
      %dma_wait3A_53 = tpu.memref_slice %arg7[%dma_wait3A_51, %dma_wait3A_52] : memref<16x128xi32, #tpu.memory_space<vmem>> -> memref<1x128xi32, #tpu.memory_space<vmem>>
      %dma_wait3A_54 = tpu.memref_squeeze %dma_wait3A_53 : memref<1x128xi32, #tpu.memory_space<vmem>> -> memref<128xi32, #tpu.memory_space<vmem>>
      %dma_wait3A_55 = arith.constant 0 : i32
      %dma_wait3A_56 = arith.constant 0 : i32
      %dma_wait3A_57 = tpu.memref_slice %arg10[%dma_wait3A_55, %dma_wait3A_56] : memref<10240x128xf32, #tpu.memory_space<vmem_shared>> -> memref<10240x128xf32, #tpu.memory_space<vmem_shared>>
      tpu.wait_indirect_dma semaphore(%arg13 : memref<!tpu.dma_semaphore, #tpu.memory_space<semaphore_mem>>) src(%arg8 : memref<128x128xf32, #tpu.memory_space<vmem>>) dst(%dma_wait3A_57 : memref<10240x128xf32, #tpu.memory_space<vmem_shared>>)
      %dma_start3A_58 = arith.constant 256 : i32
      %dma_start3A_59 = tpu.memref_slice %arg6[%dma_start3A_58] : memref<2048xi32, #tpu.memory_space<vmem>> -> memref<128xi32, #tpu.memory_space<vmem>>
      %dma_start3A_60 = arith.constant 0 : i32
      %dma_start3A_61 = arith.constant 0 : i32
      %dma_start3A_62 = tpu.memref_slice %arg2[%dma_start3A_60, %dma_start3A_61] : memref<20480x128xf32, #tpu.memory_space<hbm>> -> memref<20480x128xf32, #tpu.memory_space<hbm>>
      tpu.enqueue_indirect_dma source(%dma_start3A_62 : memref<20480x128xf32, #tpu.memory_space<hbm>>) target(%arg8 : memref<128x128xf32, #tpu.memory_space<vmem>>) offsets(%dma_start3A_59 : memref<128xi32, #tpu.memory_space<vmem>>) semaphore(%arg11 : memref<!tpu.dma_semaphore, #tpu.memory_space<semaphore_mem>>)
      %dma_wait3A_63 = arith.constant 128 : i32
      %dma_wait3A_64 = tpu.memref_slice %arg6[%dma_wait3A_63] : memref<2048xi32, #tpu.memory_space<vmem>> -> memref<128xi32, #tpu.memory_space<vmem>>
      %dma_wait3A_65 = arith.constant 0 : i32
      %dma_wait3A_66 = arith.constant 0 : i32
      %dma_wait3A_67 = tpu.memref_slice %arg2[%dma_wait3A_65, %dma_wait3A_66] : memref<20480x128xf32, #tpu.memory_space<hbm>> -> memref<20480x128xf32, #tpu.memory_space<hbm>>
      tpu.wait_indirect_dma semaphore(%arg12 : memref<!tpu.dma_semaphore, #tpu.memory_space<semaphore_mem>>) src(%dma_wait3A_67 : memref<20480x128xf32, #tpu.memory_space<hbm>>) dst(%arg9 : memref<128x128xf32, #tpu.memory_space<vmem>>)
      %dma_start3A_68 = arith.constant 1 : i32
      %dma_start3A_69 = arith.constant 0 : i32
      %dma_start3A_70 = tpu.memref_slice %arg7[%dma_start3A_68, %dma_start3A_69] : memref<16x128xi32, #tpu.memory_space<vmem>> -> memref<1x128xi32, #tpu.memory_space<vmem>>
      %dma_start3A_71 = tpu.memref_squeeze %dma_start3A_70 : memref<1x128xi32, #tpu.memory_space<vmem>> -> memref<128xi32, #tpu.memory_space<vmem>>
      %dma_start3A_72 = arith.constant 0 : i32
      %dma_start3A_73 = arith.constant 0 : i32
      %dma_start3A_74 = tpu.memref_slice %arg10[%dma_start3A_72, %dma_start3A_73] : memref<10240x128xf32, #tpu.memory_space<vmem_shared>> -> memref<10240x128xf32, #tpu.memory_space<vmem_shared>>
      tpu.enqueue_indirect_dma source(%arg9 : memref<128x128xf32, #tpu.memory_space<vmem>>) target(%dma_start3A_74 : memref<10240x128xf32, #tpu.memory_space<vmem_shared>>) offsets(%dma_start3A_71 : memref<128xi32, #tpu.memory_space<vmem>>) semaphore(%arg14 : memref<!tpu.dma_semaphore, #tpu.memory_space<semaphore_mem>>) {add = true}
      %dma_wait3A_75 = arith.constant 1 : i32
      %dma_wait3A_76 = arith.constant 0 : i32
      %dma_wait3A_77 = tpu.memref_slice %arg7[%dma_wait3A_75, %dma_wait3A_76] : memref<16x128xi32, #tpu.memory_space<vmem>> -> memref<1x128xi32, #tpu.memory_space<vmem>>
      %dma_wait3A_78 = tpu.memref_squeeze %dma_wait3A_77 : memref<1x128xi32, #tpu.memory_space<vmem>> -> memref<128xi32, #tpu.memory_space<vmem>>
      %dma_wait3A_79 = arith.constant 0 : i32
      %dma_wait3A_80 = arith.constant 0 : i32
      %dma_wait3A_81 = tpu.memref_slice %arg10[%dma_wait3A_79, %dma_wait3A_80] : memref<10240x128xf32, #tpu.memory_space<vmem_shared>> -> memref<10240x128xf32, #tpu.memory_space<vmem_shared>>
      tpu.wait_indirect_dma semaphore(%arg14 : memref<!tpu.dma_semaphore, #tpu.memory_space<semaphore_mem>>) src(%arg9 : memref<128x128xf32, #tpu.memory_space<vmem>>) dst(%dma_wait3A_81 : memref<10240x128xf32, #tpu.memory_space<vmem_shared>>)
      %dma_start3A_82 = arith.constant 384 : i32
      %dma_start3A_83 = tpu.memref_slice %arg6[%dma_start3A_82] : memref<2048xi32, #tpu.memory_space<vmem>> -> memref<128xi32, #tpu.memory_space<vmem>>
      %dma_start3A_84 = arith.constant 0 : i32
      %dma_start3A_85 = arith.constant 0 : i32
      %dma_start3A_86 = tpu.memref_slice %arg2[%dma_start3A_84, %dma_start3A_85] : memref<20480x128xf32, #tpu.memory_space<hbm>> -> memref<20480x128xf32, #tpu.memory_space<hbm>>
      tpu.enqueue_indirect_dma source(%dma_start3A_86 : memref<20480x128xf32, #tpu.memory_space<hbm>>) target(%arg9 : memref<128x128xf32, #tpu.memory_space<vmem>>) offsets(%dma_start3A_83 : memref<128xi32, #tpu.memory_space<vmem>>) semaphore(%arg12 : memref<!tpu.dma_semaphore, #tpu.memory_space<semaphore_mem>>)
      %dma_wait3A_87 = arith.constant 256 : i32
      %dma_wait3A_88 = tpu.memref_slice %arg6[%dma_wait3A_87] : memref<2048xi32, #tpu.memory_space<vmem>> -> memref<128xi32, #tpu.memory_space<vmem>>
      %dma_wait3A_89 = arith.constant 0 : i32
      %dma_wait3A_90 = arith.constant 0 : i32
      %dma_wait3A_91 = tpu.memref_slice %arg2[%dma_wait3A_89, %dma_wait3A_90] : memref<20480x128xf32, #tpu.memory_space<hbm>> -> memref<20480x128xf32, #tpu.memory_space<hbm>>
      tpu.wait_indirect_dma semaphore(%arg11 : memref<!tpu.dma_semaphore, #tpu.memory_space<semaphore_mem>>) src(%dma_wait3A_91 : memref<20480x128xf32, #tpu.memory_space<hbm>>) dst(%arg8 : memref<128x128xf32, #tpu.memory_space<vmem>>)
      %dma_start3A_92 = arith.constant 2 : i32
      %dma_start3A_93 = arith.constant 0 : i32
      %dma_start3A_94 = tpu.memref_slice %arg7[%dma_start3A_92, %dma_start3A_93] : memref<16x128xi32, #tpu.memory_space<vmem>> -> memref<1x128xi32, #tpu.memory_space<vmem>>
      %dma_start3A_95 = tpu.memref_squeeze %dma_start3A_94 : memref<1x128xi32, #tpu.memory_space<vmem>> -> memref<128xi32, #tpu.memory_space<vmem>>
      %dma_start3A_96 = arith.constant 0 : i32
      %dma_start3A_97 = arith.constant 0 : i32
      %dma_start3A_98 = tpu.memref_slice %arg10[%dma_start3A_96, %dma_start3A_97] : memref<10240x128xf32, #tpu.memory_space<vmem_shared>> -> memref<10240x128xf32, #tpu.memory_space<vmem_shared>>
      tpu.enqueue_indirect_dma source(%arg8 : memref<128x128xf32, #tpu.memory_space<vmem>>) target(%dma_start3A_98 : memref<10240x128xf32, #tpu.memory_space<vmem_shared>>) offsets(%dma_start3A_95 : memref<128xi32, #tpu.memory_space<vmem>>) semaphore(%arg13 : memref<!tpu.dma_semaphore, #tpu.memory_space<semaphore_mem>>) {add = true}
      %dma_wait3A_99 = arith.constant 2 : i32
      %dma_wait3A_100 = arith.constant 0 : i32
      %dma_wait3A_101 = tpu.memref_slice %arg7[%dma_wait3A_99, %dma_wait3A_100] : memref<16x128xi32, #tpu.memory_space<vmem>> -> memref<1x128xi32, #tpu.memory_space<vmem>>
      %dma_wait3A_102 = tpu.memref_squeeze %dma_wait3A_101 : memref<1x128xi32, #tpu.memory_space<vmem>> -> memref<128xi32, #tpu.memory_space<vmem>>
      %dma_wait3A_103 = arith.constant 0 : i32
      %dma_wait3A_104 = arith.constant 0 : i32
      %dma_wait3A_105 = tpu.memref_slice %arg10[%dma_wait3A_103, %dma_wait3A_104] : memref<10240x128xf32, #tpu.memory_space<vmem_shared>> -> memref<10240x128xf32, #tpu.memory_space<vmem_shared>>
      tpu.wait_indirect_dma semaphore(%arg13 : memref<!tpu.dma_semaphore, #tpu.memory_space<semaphore_mem>>) src(%arg8 : memref<128x128xf32, #tpu.memory_space<vmem>>) dst(%dma_wait3A_105 : memref<10240x128xf32, #tpu.memory_space<vmem_shared>>)
      %dma_start3A_106 = arith.constant 512 : i32
      %dma_start3A_107 = tpu.memref_slice %arg6[%dma_start3A_106] : memref<2048xi32, #tpu.memory_space<vmem>> -> memref<128xi32, #tpu.memory_space<vmem>>
      %dma_start3A_108 = arith.constant 0 : i32
      %dma_start3A_109 = arith.constant 0 : i32
      %dma_start3A_110 = tpu.memref_slice %arg2[%dma_start3A_108, %dma_start3A_109] : memref<20480x128xf32, #tpu.memory_space<hbm>> -> memref<20480x128xf32, #tpu.memory_space<hbm>>
      tpu.enqueue_indirect_dma source(%dma_start3A_110 : memref<20480x128xf32, #tpu.memory_space<hbm>>) target(%arg8 : memref<128x128xf32, #tpu.memory_space<vmem>>) offsets(%dma_start3A_107 : memref<128xi32, #tpu.memory_space<vmem>>) semaphore(%arg11 : memref<!tpu.dma_semaphore, #tpu.memory_space<semaphore_mem>>)
      %dma_wait3A_111 = arith.constant 384 : i32
      %dma_wait3A_112 = tpu.memref_slice %arg6[%dma_wait3A_111] : memref<2048xi32, #tpu.memory_space<vmem>> -> memref<128xi32, #tpu.memory_space<vmem>>
      %dma_wait3A_113 = arith.constant 0 : i32
      %dma_wait3A_114 = arith.constant 0 : i32
      %dma_wait3A_115 = tpu.memref_slice %arg2[%dma_wait3A_113, %dma_wait3A_114] : memref<20480x128xf32, #tpu.memory_space<hbm>> -> memref<20480x128xf32, #tpu.memory_space<hbm>>
      tpu.wait_indirect_dma semaphore(%arg12 : memref<!tpu.dma_semaphore, #tpu.memory_space<semaphore_mem>>) src(%dma_wait3A_115 : memref<20480x128xf32, #tpu.memory_space<hbm>>) dst(%arg9 : memref<128x128xf32, #tpu.memory_space<vmem>>)
      %dma_start3A_116 = arith.constant 3 : i32
      %dma_start3A_117 = arith.constant 0 : i32
      %dma_start3A_118 = tpu.memref_slice %arg7[%dma_start3A_116, %dma_start3A_117] : memref<16x128xi32, #tpu.memory_space<vmem>> -> memref<1x128xi32, #tpu.memory_space<vmem>>
      %dma_start3A_119 = tpu.memref_squeeze %dma_start3A_118 : memref<1x128xi32, #tpu.memory_space<vmem>> -> memref<128xi32, #tpu.memory_space<vmem>>
      %dma_start3A_120 = arith.constant 0 : i32
      %dma_start3A_121 = arith.constant 0 : i32
      %dma_start3A_122 = tpu.memref_slice %arg10[%dma_start3A_120, %dma_start3A_121] : memref<10240x128xf32, #tpu.memory_space<vmem_shared>> -> memref<10240x128xf32, #tpu.memory_space<vmem_shared>>
      tpu.enqueue_indirect_dma source(%arg9 : memref<128x128xf32, #tpu.memory_space<vmem>>) target(%dma_start3A_122 : memref<10240x128xf32, #tpu.memory_space<vmem_shared>>) offsets(%dma_start3A_119 : memref<128xi32, #tpu.memory_space<vmem>>) semaphore(%arg14 : memref<!tpu.dma_semaphore, #tpu.memory_space<semaphore_mem>>) {add = true}
      %dma_wait3A_123 = arith.constant 3 : i32
      %dma_wait3A_124 = arith.constant 0 : i32
      %dma_wait3A_125 = tpu.memref_slice %arg7[%dma_wait3A_123, %dma_wait3A_124] : memref<16x128xi32, #tpu.memory_space<vmem>> -> memref<1x128xi32, #tpu.memory_space<vmem>>
      %dma_wait3A_126 = tpu.memref_squeeze %dma_wait3A_125 : memref<1x128xi32, #tpu.memory_space<vmem>> -> memref<128xi32, #tpu.memory_space<vmem>>
      %dma_wait3A_127 = arith.constant 0 : i32
      %dma_wait3A_128 = arith.constant 0 : i32
      %dma_wait3A_129 = tpu.memref_slice %arg10[%dma_wait3A_127, %dma_wait3A_128] : memref<10240x128xf32, #tpu.memory_space<vmem_shared>> -> memref<10240x128xf32, #tpu.memory_space<vmem_shared>>
      tpu.wait_indirect_dma semaphore(%arg14 : memref<!tpu.dma_semaphore, #tpu.memory_space<semaphore_mem>>) src(%arg9 : memref<128x128xf32, #tpu.memory_space<vmem>>) dst(%dma_wait3A_129 : memref<10240x128xf32, #tpu.memory_space<vmem_shared>>)
      %dma_start3A_130 = arith.constant 640 : i32
      %dma_start3A_131 = tpu.memref_slice %arg6[%dma_start3A_130] : memref<2048xi32, #tpu.memory_space<vmem>> -> memref<128xi32, #tpu.memory_space<vmem>>
      %dma_start3A_132 = arith.constant 0 : i32
      %dma_start3A_133 = arith.constant 0 : i32
      %dma_start3A_134 = tpu.memref_slice %arg2[%dma_start3A_132, %dma_start3A_133] : memref<20480x128xf32, #tpu.memory_space<hbm>> -> memref<20480x128xf32, #tpu.memory_space<hbm>>
      tpu.enqueue_indirect_dma source(%dma_start3A_134 : memref<20480x128xf32, #tpu.memory_space<hbm>>) target(%arg9 : memref<128x128xf32, #tpu.memory_space<vmem>>) offsets(%dma_start3A_131 : memref<128xi32, #tpu.memory_space<vmem>>) semaphore(%arg12 : memref<!tpu.dma_semaphore, #tpu.memory_space<semaphore_mem>>)
      %dma_wait3A_135 = arith.constant 512 : i32
      %dma_wait3A_136 = tpu.memref_slice %arg6[%dma_wait3A_135] : memref<2048xi32, #tpu.memory_space<vmem>> -> memref<128xi32, #tpu.memory_space<vmem>>
      %dma_wait3A_137 = arith.constant 0 : i32
      %dma_wait3A_138 = arith.constant 0 : i32
      %dma_wait3A_139 = tpu.memref_slice %arg2[%dma_wait3A_137, %dma_wait3A_138] : memref<20480x128xf32, #tpu.memory_space<hbm>> -> memref<20480x128xf32, #tpu.memory_space<hbm>>
      tpu.wait_indirect_dma semaphore(%arg11 : memref<!tpu.dma_semaphore, #tpu.memory_space<semaphore_mem>>) src(%dma_wait3A_139 : memref<20480x128xf32, #tpu.memory_space<hbm>>) dst(%arg8 : memref<128x128xf32, #tpu.memory_space<vmem>>)
      %dma_start3A_140 = arith.constant 4 : i32
      %dma_start3A_141 = arith.constant 0 : i32
      %dma_start3A_142 = tpu.memref_slice %arg7[%dma_start3A_140, %dma_start3A_141] : memref<16x128xi32, #tpu.memory_space<vmem>> -> memref<1x128xi32, #tpu.memory_space<vmem>>
      %dma_start3A_143 = tpu.memref_squeeze %dma_start3A_142 : memref<1x128xi32, #tpu.memory_space<vmem>> -> memref<128xi32, #tpu.memory_space<vmem>>
      %dma_start3A_144 = arith.constant 0 : i32
      %dma_start3A_145 = arith.constant 0 : i32
      %dma_start3A_146 = tpu.memref_slice %arg10[%dma_start3A_144, %dma_start3A_145] : memref<10240x128xf32, #tpu.memory_space<vmem_shared>> -> memref<10240x128xf32, #tpu.memory_space<vmem_shared>>
      tpu.enqueue_indirect_dma source(%arg8 : memref<128x128xf32, #tpu.memory_space<vmem>>) target(%dma_start3A_146 : memref<10240x128xf32, #tpu.memory_space<vmem_shared>>) offsets(%dma_start3A_143 : memref<128xi32, #tpu.memory_space<vmem>>) semaphore(%arg13 : memref<!tpu.dma_semaphore, #tpu.memory_space<semaphore_mem>>) {add = true}
      %dma_wait3A_147 = arith.constant 4 : i32
      %dma_wait3A_148 = arith.constant 0 : i32
      %dma_wait3A_149 = tpu.memref_slice %arg7[%dma_wait3A_147, %dma_wait3A_148] : memref<16x128xi32, #tpu.memory_space<vmem>> -> memref<1x128xi32, #tpu.memory_space<vmem>>
      %dma_wait3A_150 = tpu.memref_squeeze %dma_wait3A_149 : memref<1x128xi32, #tpu.memory_space<vmem>> -> memref<128xi32, #tpu.memory_space<vmem>>
      %dma_wait3A_151 = arith.constant 0 : i32
      %dma_wait3A_152 = arith.constant 0 : i32
      %dma_wait3A_153 = tpu.memref_slice %arg10[%dma_wait3A_151, %dma_wait3A_152] : memref<10240x128xf32, #tpu.memory_space<vmem_shared>> -> memref<10240x128xf32, #tpu.memory_space<vmem_shared>>
      tpu.wait_indirect_dma semaphore(%arg13 : memref<!tpu.dma_semaphore, #tpu.memory_space<semaphore_mem>>) src(%arg8 : memref<128x128xf32, #tpu.memory_space<vmem>>) dst(%dma_wait3A_153 : memref<10240x128xf32, #tpu.memory_space<vmem_shared>>)
      %dma_start3A_154 = arith.constant 768 : i32
      %dma_start3A_155 = tpu.memref_slice %arg6[%dma_start3A_154] : memref<2048xi32, #tpu.memory_space<vmem>> -> memref<128xi32, #tpu.memory_space<vmem>>
      %dma_start3A_156 = arith.constant 0 : i32
      %dma_start3A_157 = arith.constant 0 : i32
      %dma_start3A_158 = tpu.memref_slice %arg2[%dma_start3A_156, %dma_start3A_157] : memref<20480x128xf32, #tpu.memory_space<hbm>> -> memref<20480x128xf32, #tpu.memory_space<hbm>>
      tpu.enqueue_indirect_dma source(%dma_start3A_158 : memref<20480x128xf32, #tpu.memory_space<hbm>>) target(%arg8 : memref<128x128xf32, #tpu.memory_space<vmem>>) offsets(%dma_start3A_155 : memref<128xi32, #tpu.memory_space<vmem>>) semaphore(%arg11 : memref<!tpu.dma_semaphore, #tpu.memory_space<semaphore_mem>>)
      %dma_wait3A_159 = arith.constant 640 : i32
      %dma_wait3A_160 = tpu.memref_slice %arg6[%dma_wait3A_159] : memref<2048xi32, #tpu.memory_space<vmem>> -> memref<128xi32, #tpu.memory_space<vmem>>
      %dma_wait3A_161 = arith.constant 0 : i32
      %dma_wait3A_162 = arith.constant 0 : i32
      %dma_wait3A_163 = tpu.memref_slice %arg2[%dma_wait3A_161, %dma_wait3A_162] : memref<20480x128xf32, #tpu.memory_space<hbm>> -> memref<20480x128xf32, #tpu.memory_space<hbm>>
      tpu.wait_indirect_dma semaphore(%arg12 : memref<!tpu.dma_semaphore, #tpu.memory_space<semaphore_mem>>) src(%dma_wait3A_163 : memref<20480x128xf32, #tpu.memory_space<hbm>>) dst(%arg9 : memref<128x128xf32, #tpu.memory_space<vmem>>)
      %dma_start3A_164 = arith.constant 5 : i32
      %dma_start3A_165 = arith.constant 0 : i32
      %dma_start3A_166 = tpu.memref_slice %arg7[%dma_start3A_164, %dma_start3A_165] : memref<16x128xi32, #tpu.memory_space<vmem>> -> memref<1x128xi32, #tpu.memory_space<vmem>>
      %dma_start3A_167 = tpu.memref_squeeze %dma_start3A_166 : memref<1x128xi32, #tpu.memory_space<vmem>> -> memref<128xi32, #tpu.memory_space<vmem>>
      %dma_start3A_168 = arith.constant 0 : i32
      %dma_start3A_169 = arith.constant 0 : i32
      %dma_start3A_170 = tpu.memref_slice %arg10[%dma_start3A_168, %dma_start3A_169] : memref<10240x128xf32, #tpu.memory_space<vmem_shared>> -> memref<10240x128xf32, #tpu.memory_space<vmem_shared>>
      tpu.enqueue_indirect_dma source(%arg9 : memref<128x128xf32, #tpu.memory_space<vmem>>) target(%dma_start3A_170 : memref<10240x128xf32, #tpu.memory_space<vmem_shared>>) offsets(%dma_start3A_167 : memref<128xi32, #tpu.memory_space<vmem>>) semaphore(%arg14 : memref<!tpu.dma_semaphore, #tpu.memory_space<semaphore_mem>>) {add = true}
      %dma_wait3A_171 = arith.constant 5 : i32
      %dma_wait3A_172 = arith.constant 0 : i32
      %dma_wait3A_173 = tpu.memref_slice %arg7[%dma_wait3A_171, %dma_wait3A_172] : memref<16x128xi32, #tpu.memory_space<vmem>> -> memref<1x128xi32, #tpu.memory_space<vmem>>
      %dma_wait3A_174 = tpu.memref_squeeze %dma_wait3A_173 : memref<1x128xi32, #tpu.memory_space<vmem>> -> memref<128xi32, #tpu.memory_space<vmem>>
      %dma_wait3A_175 = arith.constant 0 : i32
      %dma_wait3A_176 = arith.constant 0 : i32
      %dma_wait3A_177 = tpu.memref_slice %arg10[%dma_wait3A_175, %dma_wait3A_176] : memref<10240x128xf32, #tpu.memory_space<vmem_shared>> -> memref<10240x128xf32, #tpu.memory_space<vmem_shared>>
      tpu.wait_indirect_dma semaphore(%arg14 : memref<!tpu.dma_semaphore, #tpu.memory_space<semaphore_mem>>) src(%arg9 : memref<128x128xf32, #tpu.memory_space<vmem>>) dst(%dma_wait3A_177 : memref<10240x128xf32, #tpu.memory_space<vmem_shared>>)
      %dma_start3A_178 = arith.constant 896 : i32
      %dma_start3A_179 = tpu.memref_slice %arg6[%dma_start3A_178] : memref<2048xi32, #tpu.memory_space<vmem>> -> memref<128xi32, #tpu.memory_space<vmem>>
      %dma_start3A_180 = arith.constant 0 : i32
      %dma_start3A_181 = arith.constant 0 : i32
      %dma_start3A_182 = tpu.memref_slice %arg2[%dma_start3A_180, %dma_start3A_181] : memref<20480x128xf32, #tpu.memory_space<hbm>> -> memref<20480x128xf32, #tpu.memory_space<hbm>>
      tpu.enqueue_indirect_dma source(%dma_start3A_182 : memref<20480x128xf32, #tpu.memory_space<hbm>>) target(%arg9 : memref<128x128xf32, #tpu.memory_space<vmem>>) offsets(%dma_start3A_179 : memref<128xi32, #tpu.memory_space<vmem>>) semaphore(%arg12 : memref<!tpu.dma_semaphore, #tpu.memory_space<semaphore_mem>>)
      %dma_wait3A_183 = arith.constant 768 : i32
      %dma_wait3A_184 = tpu.memref_slice %arg6[%dma_wait3A_183] : memref<2048xi32, #tpu.memory_space<vmem>> -> memref<128xi32, #tpu.memory_space<vmem>>
      %dma_wait3A_185 = arith.constant 0 : i32
      %dma_wait3A_186 = arith.constant 0 : i32
      %dma_wait3A_187 = tpu.memref_slice %arg2[%dma_wait3A_185, %dma_wait3A_186] : memref<20480x128xf32, #tpu.memory_space<hbm>> -> memref<20480x128xf32, #tpu.memory_space<hbm>>
      tpu.wait_indirect_dma semaphore(%arg11 : memref<!tpu.dma_semaphore, #tpu.memory_space<semaphore_mem>>) src(%dma_wait3A_187 : memref<20480x128xf32, #tpu.memory_space<hbm>>) dst(%arg8 : memref<128x128xf32, #tpu.memory_space<vmem>>)
      %dma_start3A_188 = arith.constant 6 : i32
      %dma_start3A_189 = arith.constant 0 : i32
      %dma_start3A_190 = tpu.memref_slice %arg7[%dma_start3A_188, %dma_start3A_189] : memref<16x128xi32, #tpu.memory_space<vmem>> -> memref<1x128xi32, #tpu.memory_space<vmem>>
      %dma_start3A_191 = tpu.memref_squeeze %dma_start3A_190 : memref<1x128xi32, #tpu.memory_space<vmem>> -> memref<128xi32, #tpu.memory_space<vmem>>
      %dma_start3A_192 = arith.constant 0 : i32
      %dma_start3A_193 = arith.constant 0 : i32
      %dma_start3A_194 = tpu.memref_slice %arg10[%dma_start3A_192, %dma_start3A_193] : memref<10240x128xf32, #tpu.memory_space<vmem_shared>> -> memref<10240x128xf32, #tpu.memory_space<vmem_shared>>
      tpu.enqueue_indirect_dma source(%arg8 : memref<128x128xf32, #tpu.memory_space<vmem>>) target(%dma_start3A_194 : memref<10240x128xf32, #tpu.memory_space<vmem_shared>>) offsets(%dma_start3A_191 : memref<128xi32, #tpu.memory_space<vmem>>) semaphore(%arg13 : memref<!tpu.dma_semaphore, #tpu.memory_space<semaphore_mem>>) {add = true}
      %dma_wait3A_195 = arith.constant 6 : i32
      %dma_wait3A_196 = arith.constant 0 : i32
      %dma_wait3A_197 = tpu.memref_slice %arg7[%dma_wait3A_195, %dma_wait3A_196] : memref<16x128xi32, #tpu.memory_space<vmem>> -> memref<1x128xi32, #tpu.memory_space<vmem>>
      %dma_wait3A_198 = tpu.memref_squeeze %dma_wait3A_197 : memref<1x128xi32, #tpu.memory_space<vmem>> -> memref<128xi32, #tpu.memory_space<vmem>>
      %dma_wait3A_199 = arith.constant 0 : i32
      %dma_wait3A_200 = arith.constant 0 : i32
      %dma_wait3A_201 = tpu.memref_slice %arg10[%dma_wait3A_199, %dma_wait3A_200] : memref<10240x128xf32, #tpu.memory_space<vmem_shared>> -> memref<10240x128xf32, #tpu.memory_space<vmem_shared>>
      tpu.wait_indirect_dma semaphore(%arg13 : memref<!tpu.dma_semaphore, #tpu.memory_space<semaphore_mem>>) src(%arg8 : memref<128x128xf32, #tpu.memory_space<vmem>>) dst(%dma_wait3A_201 : memref<10240x128xf32, #tpu.memory_space<vmem_shared>>)
      %dma_start3A_202 = arith.constant 1024 : i32
      %dma_start3A_203 = tpu.memref_slice %arg6[%dma_start3A_202] : memref<2048xi32, #tpu.memory_space<vmem>> -> memref<128xi32, #tpu.memory_space<vmem>>
      %dma_start3A_204 = arith.constant 0 : i32
      %dma_start3A_205 = arith.constant 0 : i32
      %dma_start3A_206 = tpu.memref_slice %arg2[%dma_start3A_204, %dma_start3A_205] : memref<20480x128xf32, #tpu.memory_space<hbm>> -> memref<20480x128xf32, #tpu.memory_space<hbm>>
      tpu.enqueue_indirect_dma source(%dma_start3A_206 : memref<20480x128xf32, #tpu.memory_space<hbm>>) target(%arg8 : memref<128x128xf32, #tpu.memory_space<vmem>>) offsets(%dma_start3A_203 : memref<128xi32, #tpu.memory_space<vmem>>) semaphore(%arg11 : memref<!tpu.dma_semaphore, #tpu.memory_space<semaphore_mem>>)
      %dma_wait3A_207 = arith.constant 896 : i32
      %dma_wait3A_208 = tpu.memref_slice %arg6[%dma_wait3A_207] : memref<2048xi32, #tpu.memory_space<vmem>> -> memref<128xi32, #tpu.memory_space<vmem>>
      %dma_wait3A_209 = arith.constant 0 : i32
      %dma_wait3A_210 = arith.constant 0 : i32
      %dma_wait3A_211 = tpu.memref_slice %arg2[%dma_wait3A_209, %dma_wait3A_210] : memref<20480x128xf32, #tpu.memory_space<hbm>> -> memref<20480x128xf32, #tpu.memory_space<hbm>>
      tpu.wait_indirect_dma semaphore(%arg12 : memref<!tpu.dma_semaphore, #tpu.memory_space<semaphore_mem>>) src(%dma_wait3A_211 : memref<20480x128xf32, #tpu.memory_space<hbm>>) dst(%arg9 : memref<128x128xf32, #tpu.memory_space<vmem>>)
      %dma_start3A_212 = arith.constant 7 : i32
      %dma_start3A_213 = arith.constant 0 : i32
      %dma_start3A_214 = tpu.memref_slice %arg7[%dma_start3A_212, %dma_start3A_213] : memref<16x128xi32, #tpu.memory_space<vmem>> -> memref<1x128xi32, #tpu.memory_space<vmem>>
      %dma_start3A_215 = tpu.memref_squeeze %dma_start3A_214 : memref<1x128xi32, #tpu.memory_space<vmem>> -> memref<128xi32, #tpu.memory_space<vmem>>
      %dma_start3A_216 = arith.constant 0 : i32
      %dma_start3A_217 = arith.constant 0 : i32
      %dma_start3A_218 = tpu.memref_slice %arg10[%dma_start3A_216, %dma_start3A_217] : memref<10240x128xf32, #tpu.memory_space<vmem_shared>> -> memref<10240x128xf32, #tpu.memory_space<vmem_shared>>
      tpu.enqueue_indirect_dma source(%arg9 : memref<128x128xf32, #tpu.memory_space<vmem>>) target(%dma_start3A_218 : memref<10240x128xf32, #tpu.memory_space<vmem_shared>>) offsets(%dma_start3A_215 : memref<128xi32, #tpu.memory_space<vmem>>) semaphore(%arg14 : memref<!tpu.dma_semaphore, #tpu.memory_space<semaphore_mem>>) {add = true}
      %dma_wait3A_219 = arith.constant 7 : i32
      %dma_wait3A_220 = arith.constant 0 : i32
      %dma_wait3A_221 = tpu.memref_slice %arg7[%dma_wait3A_219, %dma_wait3A_220] : memref<16x128xi32, #tpu.memory_space<vmem>> -> memref<1x128xi32, #tpu.memory_space<vmem>>
      %dma_wait3A_222 = tpu.memref_squeeze %dma_wait3A_221 : memref<1x128xi32, #tpu.memory_space<vmem>> -> memref<128xi32, #tpu.memory_space<vmem>>
      %dma_wait3A_223 = arith.constant 0 : i32
      %dma_wait3A_224 = arith.constant 0 : i32
      %dma_wait3A_225 = tpu.memref_slice %arg10[%dma_wait3A_223, %dma_wait3A_224] : memref<10240x128xf32, #tpu.memory_space<vmem_shared>> -> memref<10240x128xf32, #tpu.memory_space<vmem_shared>>
      tpu.wait_indirect_dma semaphore(%arg14 : memref<!tpu.dma_semaphore, #tpu.memory_space<semaphore_mem>>) src(%arg9 : memref<128x128xf32, #tpu.memory_space<vmem>>) dst(%dma_wait3A_225 : memref<10240x128xf32, #tpu.memory_space<vmem_shared>>)
      %dma_start3A_226 = arith.constant 1152 : i32
      %dma_start3A_227 = tpu.memref_slice %arg6[%dma_start3A_226] : memref<2048xi32, #tpu.memory_space<vmem>> -> memref<128xi32, #tpu.memory_space<vmem>>
      %dma_start3A_228 = arith.constant 0 : i32
      %dma_start3A_229 = arith.constant 0 : i32
      %dma_start3A_230 = tpu.memref_slice %arg2[%dma_start3A_228, %dma_start3A_229] : memref<20480x128xf32, #tpu.memory_space<hbm>> -> memref<20480x128xf32, #tpu.memory_space<hbm>>
      tpu.enqueue_indirect_dma source(%dma_start3A_230 : memref<20480x128xf32, #tpu.memory_space<hbm>>) target(%arg9 : memref<128x128xf32, #tpu.memory_space<vmem>>) offsets(%dma_start3A_227 : memref<128xi32, #tpu.memory_space<vmem>>) semaphore(%arg12 : memref<!tpu.dma_semaphore, #tpu.memory_space<semaphore_mem>>)
      %dma_wait3A_231 = arith.constant 1024 : i32
      %dma_wait3A_232 = tpu.memref_slice %arg6[%dma_wait3A_231] : memref<2048xi32, #tpu.memory_space<vmem>> -> memref<128xi32, #tpu.memory_space<vmem>>
      %dma_wait3A_233 = arith.constant 0 : i32
      %dma_wait3A_234 = arith.constant 0 : i32
      %dma_wait3A_235 = tpu.memref_slice %arg2[%dma_wait3A_233, %dma_wait3A_234] : memref<20480x128xf32, #tpu.memory_space<hbm>> -> memref<20480x128xf32, #tpu.memory_space<hbm>>
      tpu.wait_indirect_dma semaphore(%arg11 : memref<!tpu.dma_semaphore, #tpu.memory_space<semaphore_mem>>) src(%dma_wait3A_235 : memref<20480x128xf32, #tpu.memory_space<hbm>>) dst(%arg8 : memref<128x128xf32, #tpu.memory_space<vmem>>)
      %dma_start3A_236 = arith.constant 8 : i32
      %dma_start3A_237 = arith.constant 0 : i32
      %dma_start3A_238 = tpu.memref_slice %arg7[%dma_start3A_236, %dma_start3A_237] : memref<16x128xi32, #tpu.memory_space<vmem>> -> memref<1x128xi32, #tpu.memory_space<vmem>>
      %dma_start3A_239 = tpu.memref_squeeze %dma_start3A_238 : memref<1x128xi32, #tpu.memory_space<vmem>> -> memref<128xi32, #tpu.memory_space<vmem>>
      %dma_start3A_240 = arith.constant 0 : i32
      %dma_start3A_241 = arith.constant 0 : i32
      %dma_start3A_242 = tpu.memref_slice %arg10[%dma_start3A_240, %dma_start3A_241] : memref<10240x128xf32, #tpu.memory_space<vmem_shared>> -> memref<10240x128xf32, #tpu.memory_space<vmem_shared>>
      tpu.enqueue_indirect_dma source(%arg8 : memref<128x128xf32, #tpu.memory_space<vmem>>) target(%dma_start3A_242 : memref<10240x128xf32, #tpu.memory_space<vmem_shared>>) offsets(%dma_start3A_239 : memref<128xi32, #tpu.memory_space<vmem>>) semaphore(%arg13 : memref<!tpu.dma_semaphore, #tpu.memory_space<semaphore_mem>>) {add = true}
      %dma_wait3A_243 = arith.constant 8 : i32
      %dma_wait3A_244 = arith.constant 0 : i32
      %dma_wait3A_245 = tpu.memref_slice %arg7[%dma_wait3A_243, %dma_wait3A_244] : memref<16x128xi32, #tpu.memory_space<vmem>> -> memref<1x128xi32, #tpu.memory_space<vmem>>
      %dma_wait3A_246 = tpu.memref_squeeze %dma_wait3A_245 : memref<1x128xi32, #tpu.memory_space<vmem>> -> memref<128xi32, #tpu.memory_space<vmem>>
      %dma_wait3A_247 = arith.constant 0 : i32
      %dma_wait3A_248 = arith.constant 0 : i32
      %dma_wait3A_249 = tpu.memref_slice %arg10[%dma_wait3A_247, %dma_wait3A_248] : memref<10240x128xf32, #tpu.memory_space<vmem_shared>> -> memref<10240x128xf32, #tpu.memory_space<vmem_shared>>
      tpu.wait_indirect_dma semaphore(%arg13 : memref<!tpu.dma_semaphore, #tpu.memory_space<semaphore_mem>>) src(%arg8 : memref<128x128xf32, #tpu.memory_space<vmem>>) dst(%dma_wait3A_249 : memref<10240x128xf32, #tpu.memory_space<vmem_shared>>)
      %dma_start3A_250 = arith.constant 1280 : i32
      %dma_start3A_251 = tpu.memref_slice %arg6[%dma_start3A_250] : memref<2048xi32, #tpu.memory_space<vmem>> -> memref<128xi32, #tpu.memory_space<vmem>>
      %dma_start3A_252 = arith.constant 0 : i32
      %dma_start3A_253 = arith.constant 0 : i32
      %dma_start3A_254 = tpu.memref_slice %arg2[%dma_start3A_252, %dma_start3A_253] : memref<20480x128xf32, #tpu.memory_space<hbm>> -> memref<20480x128xf32, #tpu.memory_space<hbm>>
      tpu.enqueue_indirect_dma source(%dma_start3A_254 : memref<20480x128xf32, #tpu.memory_space<hbm>>) target(%arg8 : memref<128x128xf32, #tpu.memory_space<vmem>>) offsets(%dma_start3A_251 : memref<128xi32, #tpu.memory_space<vmem>>) semaphore(%arg11 : memref<!tpu.dma_semaphore, #tpu.memory_space<semaphore_mem>>)
      %dma_wait3A_255 = arith.constant 1152 : i32
      %dma_wait3A_256 = tpu.memref_slice %arg6[%dma_wait3A_255] : memref<2048xi32, #tpu.memory_space<vmem>> -> memref<128xi32, #tpu.memory_space<vmem>>
      %dma_wait3A_257 = arith.constant 0 : i32
      %dma_wait3A_258 = arith.constant 0 : i32
      %dma_wait3A_259 = tpu.memref_slice %arg2[%dma_wait3A_257, %dma_wait3A_258] : memref<20480x128xf32, #tpu.memory_space<hbm>> -> memref<20480x128xf32, #tpu.memory_space<hbm>>
      tpu.wait_indirect_dma semaphore(%arg12 : memref<!tpu.dma_semaphore, #tpu.memory_space<semaphore_mem>>) src(%dma_wait3A_259 : memref<20480x128xf32, #tpu.memory_space<hbm>>) dst(%arg9 : memref<128x128xf32, #tpu.memory_space<vmem>>)
      %dma_start3A_260 = arith.constant 9 : i32
      %dma_start3A_261 = arith.constant 0 : i32
      %dma_start3A_262 = tpu.memref_slice %arg7[%dma_start3A_260, %dma_start3A_261] : memref<16x128xi32, #tpu.memory_space<vmem>> -> memref<1x128xi32, #tpu.memory_space<vmem>>
      %dma_start3A_263 = tpu.memref_squeeze %dma_start3A_262 : memref<1x128xi32, #tpu.memory_space<vmem>> -> memref<128xi32, #tpu.memory_space<vmem>>
      %dma_start3A_264 = arith.constant 0 : i32
      %dma_start3A_265 = arith.constant 0 : i32
      %dma_start3A_266 = tpu.memref_slice %arg10[%dma_start3A_264, %dma_start3A_265] : memref<10240x128xf32, #tpu.memory_space<vmem_shared>> -> memref<10240x128xf32, #tpu.memory_space<vmem_shared>>
      tpu.enqueue_indirect_dma source(%arg9 : memref<128x128xf32, #tpu.memory_space<vmem>>) target(%dma_start3A_266 : memref<10240x128xf32, #tpu.memory_space<vmem_shared>>) offsets(%dma_start3A_263 : memref<128xi32, #tpu.memory_space<vmem>>) semaphore(%arg14 : memref<!tpu.dma_semaphore, #tpu.memory_space<semaphore_mem>>) {add = true}
      %dma_wait3A_267 = arith.constant 9 : i32
      %dma_wait3A_268 = arith.constant 0 : i32
      %dma_wait3A_269 = tpu.memref_slice %arg7[%dma_wait3A_267, %dma_wait3A_268] : memref<16x128xi32, #tpu.memory_space<vmem>> -> memref<1x128xi32, #tpu.memory_space<vmem>>
      %dma_wait3A_270 = tpu.memref_squeeze %dma_wait3A_269 : memref<1x128xi32, #tpu.memory_space<vmem>> -> memref<128xi32, #tpu.memory_space<vmem>>
      %dma_wait3A_271 = arith.constant 0 : i32
      %dma_wait3A_272 = arith.constant 0 : i32
      %dma_wait3A_273 = tpu.memref_slice %arg10[%dma_wait3A_271, %dma_wait3A_272] : memref<10240x128xf32, #tpu.memory_space<vmem_shared>> -> memref<10240x128xf32, #tpu.memory_space<vmem_shared>>
      tpu.wait_indirect_dma semaphore(%arg14 : memref<!tpu.dma_semaphore, #tpu.memory_space<semaphore_mem>>) src(%arg9 : memref<128x128xf32, #tpu.memory_space<vmem>>) dst(%dma_wait3A_273 : memref<10240x128xf32, #tpu.memory_space<vmem_shared>>)
      %dma_start3A_274 = arith.constant 1408 : i32
      %dma_start3A_275 = tpu.memref_slice %arg6[%dma_start3A_274] : memref<2048xi32, #tpu.memory_space<vmem>> -> memref<128xi32, #tpu.memory_space<vmem>>
      %dma_start3A_276 = arith.constant 0 : i32
      %dma_start3A_277 = arith.constant 0 : i32
      %dma_start3A_278 = tpu.memref_slice %arg2[%dma_start3A_276, %dma_start3A_277] : memref<20480x128xf32, #tpu.memory_space<hbm>> -> memref<20480x128xf32, #tpu.memory_space<hbm>>
      tpu.enqueue_indirect_dma source(%dma_start3A_278 : memref<20480x128xf32, #tpu.memory_space<hbm>>) target(%arg9 : memref<128x128xf32, #tpu.memory_space<vmem>>) offsets(%dma_start3A_275 : memref<128xi32, #tpu.memory_space<vmem>>) semaphore(%arg12 : memref<!tpu.dma_semaphore, #tpu.memory_space<semaphore_mem>>)
      %dma_wait3A_279 = arith.constant 1280 : i32
      %dma_wait3A_280 = tpu.memref_slice %arg6[%dma_wait3A_279] : memref<2048xi32, #tpu.memory_space<vmem>> -> memref<128xi32, #tpu.memory_space<vmem>>
      %dma_wait3A_281 = arith.constant 0 : i32
      %dma_wait3A_282 = arith.constant 0 : i32
      %dma_wait3A_283 = tpu.memref_slice %arg2[%dma_wait3A_281, %dma_wait3A_282] : memref<20480x128xf32, #tpu.memory_space<hbm>> -> memref<20480x128xf32, #tpu.memory_space<hbm>>
      tpu.wait_indirect_dma semaphore(%arg11 : memref<!tpu.dma_semaphore, #tpu.memory_space<semaphore_mem>>) src(%dma_wait3A_283 : memref<20480x128xf32, #tpu.memory_space<hbm>>) dst(%arg8 : memref<128x128xf32, #tpu.memory_space<vmem>>)
      %dma_start3A_284 = arith.constant 10 : i32
      %dma_start3A_285 = arith.constant 0 : i32
      %dma_start3A_286 = tpu.memref_slice %arg7[%dma_start3A_284, %dma_start3A_285] : memref<16x128xi32, #tpu.memory_space<vmem>> -> memref<1x128xi32, #tpu.memory_space<vmem>>
      %dma_start3A_287 = tpu.memref_squeeze %dma_start3A_286 : memref<1x128xi32, #tpu.memory_space<vmem>> -> memref<128xi32, #tpu.memory_space<vmem>>
      %dma_start3A_288 = arith.constant 0 : i32
      %dma_start3A_289 = arith.constant 0 : i32
      %dma_start3A_290 = tpu.memref_slice %arg10[%dma_start3A_288, %dma_start3A_289] : memref<10240x128xf32, #tpu.memory_space<vmem_shared>> -> memref<10240x128xf32, #tpu.memory_space<vmem_shared>>
      tpu.enqueue_indirect_dma source(%arg8 : memref<128x128xf32, #tpu.memory_space<vmem>>) target(%dma_start3A_290 : memref<10240x128xf32, #tpu.memory_space<vmem_shared>>) offsets(%dma_start3A_287 : memref<128xi32, #tpu.memory_space<vmem>>) semaphore(%arg13 : memref<!tpu.dma_semaphore, #tpu.memory_space<semaphore_mem>>) {add = true}
      %dma_wait3A_291 = arith.constant 10 : i32
      %dma_wait3A_292 = arith.constant 0 : i32
      %dma_wait3A_293 = tpu.memref_slice %arg7[%dma_wait3A_291, %dma_wait3A_292] : memref<16x128xi32, #tpu.memory_space<vmem>> -> memref<1x128xi32, #tpu.memory_space<vmem>>
      %dma_wait3A_294 = tpu.memref_squeeze %dma_wait3A_293 : memref<1x128xi32, #tpu.memory_space<vmem>> -> memref<128xi32, #tpu.memory_space<vmem>>
      %dma_wait3A_295 = arith.constant 0 : i32
      %dma_wait3A_296 = arith.constant 0 : i32
      %dma_wait3A_297 = tpu.memref_slice %arg10[%dma_wait3A_295, %dma_wait3A_296] : memref<10240x128xf32, #tpu.memory_space<vmem_shared>> -> memref<10240x128xf32, #tpu.memory_space<vmem_shared>>
      tpu.wait_indirect_dma semaphore(%arg13 : memref<!tpu.dma_semaphore, #tpu.memory_space<semaphore_mem>>) src(%arg8 : memref<128x128xf32, #tpu.memory_space<vmem>>) dst(%dma_wait3A_297 : memref<10240x128xf32, #tpu.memory_space<vmem_shared>>)
      %dma_start3A_298 = arith.constant 1536 : i32
      %dma_start3A_299 = tpu.memref_slice %arg6[%dma_start3A_298] : memref<2048xi32, #tpu.memory_space<vmem>> -> memref<128xi32, #tpu.memory_space<vmem>>
      %dma_start3A_300 = arith.constant 0 : i32
      %dma_start3A_301 = arith.constant 0 : i32
      %dma_start3A_302 = tpu.memref_slice %arg2[%dma_start3A_300, %dma_start3A_301] : memref<20480x128xf32, #tpu.memory_space<hbm>> -> memref<20480x128xf32, #tpu.memory_space<hbm>>
      tpu.enqueue_indirect_dma source(%dma_start3A_302 : memref<20480x128xf32, #tpu.memory_space<hbm>>) target(%arg8 : memref<128x128xf32, #tpu.memory_space<vmem>>) offsets(%dma_start3A_299 : memref<128xi32, #tpu.memory_space<vmem>>) semaphore(%arg11 : memref<!tpu.dma_semaphore, #tpu.memory_space<semaphore_mem>>)
      %dma_wait3A_303 = arith.constant 1408 : i32
      %dma_wait3A_304 = tpu.memref_slice %arg6[%dma_wait3A_303] : memref<2048xi32, #tpu.memory_space<vmem>> -> memref<128xi32, #tpu.memory_space<vmem>>
      %dma_wait3A_305 = arith.constant 0 : i32
      %dma_wait3A_306 = arith.constant 0 : i32
      %dma_wait3A_307 = tpu.memref_slice %arg2[%dma_wait3A_305, %dma_wait3A_306] : memref<20480x128xf32, #tpu.memory_space<hbm>> -> memref<20480x128xf32, #tpu.memory_space<hbm>>
      tpu.wait_indirect_dma semaphore(%arg12 : memref<!tpu.dma_semaphore, #tpu.memory_space<semaphore_mem>>) src(%dma_wait3A_307 : memref<20480x128xf32, #tpu.memory_space<hbm>>) dst(%arg9 : memref<128x128xf32, #tpu.memory_space<vmem>>)
      %dma_start3A_308 = arith.constant 11 : i32
      %dma_start3A_309 = arith.constant 0 : i32
      %dma_start3A_310 = tpu.memref_slice %arg7[%dma_start3A_308, %dma_start3A_309] : memref<16x128xi32, #tpu.memory_space<vmem>> -> memref<1x128xi32, #tpu.memory_space<vmem>>
      %dma_start3A_311 = tpu.memref_squeeze %dma_start3A_310 : memref<1x128xi32, #tpu.memory_space<vmem>> -> memref<128xi32, #tpu.memory_space<vmem>>
      %dma_start3A_312 = arith.constant 0 : i32
      %dma_start3A_313 = arith.constant 0 : i32
      %dma_start3A_314 = tpu.memref_slice %arg10[%dma_start3A_312, %dma_start3A_313] : memref<10240x128xf32, #tpu.memory_space<vmem_shared>> -> memref<10240x128xf32, #tpu.memory_space<vmem_shared>>
      tpu.enqueue_indirect_dma source(%arg9 : memref<128x128xf32, #tpu.memory_space<vmem>>) target(%dma_start3A_314 : memref<10240x128xf32, #tpu.memory_space<vmem_shared>>) offsets(%dma_start3A_311 : memref<128xi32, #tpu.memory_space<vmem>>) semaphore(%arg14 : memref<!tpu.dma_semaphore, #tpu.memory_space<semaphore_mem>>) {add = true}
      %dma_wait3A_315 = arith.constant 11 : i32
      %dma_wait3A_316 = arith.constant 0 : i32
      %dma_wait3A_317 = tpu.memref_slice %arg7[%dma_wait3A_315, %dma_wait3A_316] : memref<16x128xi32, #tpu.memory_space<vmem>> -> memref<1x128xi32, #tpu.memory_space<vmem>>
      %dma_wait3A_318 = tpu.memref_squeeze %dma_wait3A_317 : memref<1x128xi32, #tpu.memory_space<vmem>> -> memref<128xi32, #tpu.memory_space<vmem>>
      %dma_wait3A_319 = arith.constant 0 : i32
      %dma_wait3A_320 = arith.constant 0 : i32
      %dma_wait3A_321 = tpu.memref_slice %arg10[%dma_wait3A_319, %dma_wait3A_320] : memref<10240x128xf32, #tpu.memory_space<vmem_shared>> -> memref<10240x128xf32, #tpu.memory_space<vmem_shared>>
      tpu.wait_indirect_dma semaphore(%arg14 : memref<!tpu.dma_semaphore, #tpu.memory_space<semaphore_mem>>) src(%arg9 : memref<128x128xf32, #tpu.memory_space<vmem>>) dst(%dma_wait3A_321 : memref<10240x128xf32, #tpu.memory_space<vmem_shared>>)
      %dma_start3A_322 = arith.constant 1664 : i32
      %dma_start3A_323 = tpu.memref_slice %arg6[%dma_start3A_322] : memref<2048xi32, #tpu.memory_space<vmem>> -> memref<128xi32, #tpu.memory_space<vmem>>
      %dma_start3A_324 = arith.constant 0 : i32
      %dma_start3A_325 = arith.constant 0 : i32
      %dma_start3A_326 = tpu.memref_slice %arg2[%dma_start3A_324, %dma_start3A_325] : memref<20480x128xf32, #tpu.memory_space<hbm>> -> memref<20480x128xf32, #tpu.memory_space<hbm>>
      tpu.enqueue_indirect_dma source(%dma_start3A_326 : memref<20480x128xf32, #tpu.memory_space<hbm>>) target(%arg9 : memref<128x128xf32, #tpu.memory_space<vmem>>) offsets(%dma_start3A_323 : memref<128xi32, #tpu.memory_space<vmem>>) semaphore(%arg12 : memref<!tpu.dma_semaphore, #tpu.memory_space<semaphore_mem>>)
      %dma_wait3A_327 = arith.constant 1536 : i32
      %dma_wait3A_328 = tpu.memref_slice %arg6[%dma_wait3A_327] : memref<2048xi32, #tpu.memory_space<vmem>> -> memref<128xi32, #tpu.memory_space<vmem>>
      %dma_wait3A_329 = arith.constant 0 : i32
      %dma_wait3A_330 = arith.constant 0 : i32
      %dma_wait3A_331 = tpu.memref_slice %arg2[%dma_wait3A_329, %dma_wait3A_330] : memref<20480x128xf32, #tpu.memory_space<hbm>> -> memref<20480x128xf32, #tpu.memory_space<hbm>>
      tpu.wait_indirect_dma semaphore(%arg11 : memref<!tpu.dma_semaphore, #tpu.memory_space<semaphore_mem>>) src(%dma_wait3A_331 : memref<20480x128xf32, #tpu.memory_space<hbm>>) dst(%arg8 : memref<128x128xf32, #tpu.memory_space<vmem>>)
      %dma_start3A_332 = arith.constant 12 : i32
      %dma_start3A_333 = arith.constant 0 : i32
      %dma_start3A_334 = tpu.memref_slice %arg7[%dma_start3A_332, %dma_start3A_333] : memref<16x128xi32, #tpu.memory_space<vmem>> -> memref<1x128xi32, #tpu.memory_space<vmem>>
      %dma_start3A_335 = tpu.memref_squeeze %dma_start3A_334 : memref<1x128xi32, #tpu.memory_space<vmem>> -> memref<128xi32, #tpu.memory_space<vmem>>
      %dma_start3A_336 = arith.constant 0 : i32
      %dma_start3A_337 = arith.constant 0 : i32
      %dma_start3A_338 = tpu.memref_slice %arg10[%dma_start3A_336, %dma_start3A_337] : memref<10240x128xf32, #tpu.memory_space<vmem_shared>> -> memref<10240x128xf32, #tpu.memory_space<vmem_shared>>
      tpu.enqueue_indirect_dma source(%arg8 : memref<128x128xf32, #tpu.memory_space<vmem>>) target(%dma_start3A_338 : memref<10240x128xf32, #tpu.memory_space<vmem_shared>>) offsets(%dma_start3A_335 : memref<128xi32, #tpu.memory_space<vmem>>) semaphore(%arg13 : memref<!tpu.dma_semaphore, #tpu.memory_space<semaphore_mem>>) {add = true}
      %dma_wait3A_339 = arith.constant 12 : i32
      %dma_wait3A_340 = arith.constant 0 : i32
      %dma_wait3A_341 = tpu.memref_slice %arg7[%dma_wait3A_339, %dma_wait3A_340] : memref<16x128xi32, #tpu.memory_space<vmem>> -> memref<1x128xi32, #tpu.memory_space<vmem>>
      %dma_wait3A_342 = tpu.memref_squeeze %dma_wait3A_341 : memref<1x128xi32, #tpu.memory_space<vmem>> -> memref<128xi32, #tpu.memory_space<vmem>>
      %dma_wait3A_343 = arith.constant 0 : i32
      %dma_wait3A_344 = arith.constant 0 : i32
      %dma_wait3A_345 = tpu.memref_slice %arg10[%dma_wait3A_343, %dma_wait3A_344] : memref<10240x128xf32, #tpu.memory_space<vmem_shared>> -> memref<10240x128xf32, #tpu.memory_space<vmem_shared>>
      tpu.wait_indirect_dma semaphore(%arg13 : memref<!tpu.dma_semaphore, #tpu.memory_space<semaphore_mem>>) src(%arg8 : memref<128x128xf32, #tpu.memory_space<vmem>>) dst(%dma_wait3A_345 : memref<10240x128xf32, #tpu.memory_space<vmem_shared>>)
      %dma_start3A_346 = arith.constant 1792 : i32
      %dma_start3A_347 = tpu.memref_slice %arg6[%dma_start3A_346] : memref<2048xi32, #tpu.memory_space<vmem>> -> memref<128xi32, #tpu.memory_space<vmem>>
      %dma_start3A_348 = arith.constant 0 : i32
      %dma_start3A_349 = arith.constant 0 : i32
      %dma_start3A_350 = tpu.memref_slice %arg2[%dma_start3A_348, %dma_start3A_349] : memref<20480x128xf32, #tpu.memory_space<hbm>> -> memref<20480x128xf32, #tpu.memory_space<hbm>>
      tpu.enqueue_indirect_dma source(%dma_start3A_350 : memref<20480x128xf32, #tpu.memory_space<hbm>>) target(%arg8 : memref<128x128xf32, #tpu.memory_space<vmem>>) offsets(%dma_start3A_347 : memref<128xi32, #tpu.memory_space<vmem>>) semaphore(%arg11 : memref<!tpu.dma_semaphore, #tpu.memory_space<semaphore_mem>>)
      %dma_wait3A_351 = arith.constant 1664 : i32
      %dma_wait3A_352 = tpu.memref_slice %arg6[%dma_wait3A_351] : memref<2048xi32, #tpu.memory_space<vmem>> -> memref<128xi32, #tpu.memory_space<vmem>>
      %dma_wait3A_353 = arith.constant 0 : i32
      %dma_wait3A_354 = arith.constant 0 : i32
      %dma_wait3A_355 = tpu.memref_slice %arg2[%dma_wait3A_353, %dma_wait3A_354] : memref<20480x128xf32, #tpu.memory_space<hbm>> -> memref<20480x128xf32, #tpu.memory_space<hbm>>
      tpu.wait_indirect_dma semaphore(%arg12 : memref<!tpu.dma_semaphore, #tpu.memory_space<semaphore_mem>>) src(%dma_wait3A_355 : memref<20480x128xf32, #tpu.memory_space<hbm>>) dst(%arg9 : memref<128x128xf32, #tpu.memory_space<vmem>>)
      %dma_start3A_356 = arith.constant 13 : i32
      %dma_start3A_357 = arith.constant 0 : i32
      %dma_start3A_358 = tpu.memref_slice %arg7[%dma_start3A_356, %dma_start3A_357] : memref<16x128xi32, #tpu.memory_space<vmem>> -> memref<1x128xi32, #tpu.memory_space<vmem>>
      %dma_start3A_359 = tpu.memref_squeeze %dma_start3A_358 : memref<1x128xi32, #tpu.memory_space<vmem>> -> memref<128xi32, #tpu.memory_space<vmem>>
      %dma_start3A_360 = arith.constant 0 : i32
      %dma_start3A_361 = arith.constant 0 : i32
      %dma_start3A_362 = tpu.memref_slice %arg10[%dma_start3A_360, %dma_start3A_361] : memref<10240x128xf32, #tpu.memory_space<vmem_shared>> -> memref<10240x128xf32, #tpu.memory_space<vmem_shared>>
      tpu.enqueue_indirect_dma source(%arg9 : memref<128x128xf32, #tpu.memory_space<vmem>>) target(%dma_start3A_362 : memref<10240x128xf32, #tpu.memory_space<vmem_shared>>) offsets(%dma_start3A_359 : memref<128xi32, #tpu.memory_space<vmem>>) semaphore(%arg14 : memref<!tpu.dma_semaphore, #tpu.memory_space<semaphore_mem>>) {add = true}
      %dma_wait3A_363 = arith.constant 13 : i32
      %dma_wait3A_364 = arith.constant 0 : i32
      %dma_wait3A_365 = tpu.memref_slice %arg7[%dma_wait3A_363, %dma_wait3A_364] : memref<16x128xi32, #tpu.memory_space<vmem>> -> memref<1x128xi32, #tpu.memory_space<vmem>>
      %dma_wait3A_366 = tpu.memref_squeeze %dma_wait3A_365 : memref<1x128xi32, #tpu.memory_space<vmem>> -> memref<128xi32, #tpu.memory_space<vmem>>
      %dma_wait3A_367 = arith.constant 0 : i32
      %dma_wait3A_368 = arith.constant 0 : i32
      %dma_wait3A_369 = tpu.memref_slice %arg10[%dma_wait3A_367, %dma_wait3A_368] : memref<10240x128xf32, #tpu.memory_space<vmem_shared>> -> memref<10240x128xf32, #tpu.memory_space<vmem_shared>>
      tpu.wait_indirect_dma semaphore(%arg14 : memref<!tpu.dma_semaphore, #tpu.memory_space<semaphore_mem>>) src(%arg9 : memref<128x128xf32, #tpu.memory_space<vmem>>) dst(%dma_wait3A_369 : memref<10240x128xf32, #tpu.memory_space<vmem_shared>>)
      %dma_start3A_370 = arith.constant 1920 : i32
      %dma_start3A_371 = tpu.memref_slice %arg6[%dma_start3A_370] : memref<2048xi32, #tpu.memory_space<vmem>> -> memref<128xi32, #tpu.memory_space<vmem>>
      %dma_start3A_372 = arith.constant 0 : i32
      %dma_start3A_373 = arith.constant 0 : i32
      %dma_start3A_374 = tpu.memref_slice %arg2[%dma_start3A_372, %dma_start3A_373] : memref<20480x128xf32, #tpu.memory_space<hbm>> -> memref<20480x128xf32, #tpu.memory_space<hbm>>
      tpu.enqueue_indirect_dma source(%dma_start3A_374 : memref<20480x128xf32, #tpu.memory_space<hbm>>) target(%arg9 : memref<128x128xf32, #tpu.memory_space<vmem>>) offsets(%dma_start3A_371 : memref<128xi32, #tpu.memory_space<vmem>>) semaphore(%arg12 : memref<!tpu.dma_semaphore, #tpu.memory_space<semaphore_mem>>)
      %dma_wait3A_375 = arith.constant 1792 : i32
      %dma_wait3A_376 = tpu.memref_slice %arg6[%dma_wait3A_375] : memref<2048xi32, #tpu.memory_space<vmem>> -> memref<128xi32, #tpu.memory_space<vmem>>
      %dma_wait3A_377 = arith.constant 0 : i32
      %dma_wait3A_378 = arith.constant 0 : i32
      %dma_wait3A_379 = tpu.memref_slice %arg2[%dma_wait3A_377, %dma_wait3A_378] : memref<20480x128xf32, #tpu.memory_space<hbm>> -> memref<20480x128xf32, #tpu.memory_space<hbm>>
      tpu.wait_indirect_dma semaphore(%arg11 : memref<!tpu.dma_semaphore, #tpu.memory_space<semaphore_mem>>) src(%dma_wait3A_379 : memref<20480x128xf32, #tpu.memory_space<hbm>>) dst(%arg8 : memref<128x128xf32, #tpu.memory_space<vmem>>)
      %dma_start3A_380 = arith.constant 14 : i32
      %dma_start3A_381 = arith.constant 0 : i32
      %dma_start3A_382 = tpu.memref_slice %arg7[%dma_start3A_380, %dma_start3A_381] : memref<16x128xi32, #tpu.memory_space<vmem>> -> memref<1x128xi32, #tpu.memory_space<vmem>>
      %dma_start3A_383 = tpu.memref_squeeze %dma_start3A_382 : memref<1x128xi32, #tpu.memory_space<vmem>> -> memref<128xi32, #tpu.memory_space<vmem>>
      %dma_start3A_384 = arith.constant 0 : i32
      %dma_start3A_385 = arith.constant 0 : i32
      %dma_start3A_386 = tpu.memref_slice %arg10[%dma_start3A_384, %dma_start3A_385] : memref<10240x128xf32, #tpu.memory_space<vmem_shared>> -> memref<10240x128xf32, #tpu.memory_space<vmem_shared>>
      tpu.enqueue_indirect_dma source(%arg8 : memref<128x128xf32, #tpu.memory_space<vmem>>) target(%dma_start3A_386 : memref<10240x128xf32, #tpu.memory_space<vmem_shared>>) offsets(%dma_start3A_383 : memref<128xi32, #tpu.memory_space<vmem>>) semaphore(%arg13 : memref<!tpu.dma_semaphore, #tpu.memory_space<semaphore_mem>>) {add = true}
      %dma_wait3A_387 = arith.constant 1920 : i32
      %dma_wait3A_388 = tpu.memref_slice %arg6[%dma_wait3A_387] : memref<2048xi32, #tpu.memory_space<vmem>> -> memref<128xi32, #tpu.memory_space<vmem>>
      %dma_wait3A_389 = arith.constant 0 : i32
      %dma_wait3A_390 = arith.constant 0 : i32
      %dma_wait3A_391 = tpu.memref_slice %arg2[%dma_wait3A_389, %dma_wait3A_390] : memref<20480x128xf32, #tpu.memory_space<hbm>> -> memref<20480x128xf32, #tpu.memory_space<hbm>>
      tpu.wait_indirect_dma semaphore(%arg12 : memref<!tpu.dma_semaphore, #tpu.memory_space<semaphore_mem>>) src(%dma_wait3A_391 : memref<20480x128xf32, #tpu.memory_space<hbm>>) dst(%arg9 : memref<128x128xf32, #tpu.memory_space<vmem>>)
      %dma_start3A_392 = arith.constant 15 : i32
      %dma_start3A_393 = arith.constant 0 : i32
      %dma_start3A_394 = tpu.memref_slice %arg7[%dma_start3A_392, %dma_start3A_393] : memref<16x128xi32, #tpu.memory_space<vmem>> -> memref<1x128xi32, #tpu.memory_space<vmem>>
      %dma_start3A_395 = tpu.memref_squeeze %dma_start3A_394 : memref<1x128xi32, #tpu.memory_space<vmem>> -> memref<128xi32, #tpu.memory_space<vmem>>
      %dma_start3A_396 = arith.constant 0 : i32
      %dma_start3A_397 = arith.constant 0 : i32
      %dma_start3A_398 = tpu.memref_slice %arg10[%dma_start3A_396, %dma_start3A_397] : memref<10240x128xf32, #tpu.memory_space<vmem_shared>> -> memref<10240x128xf32, #tpu.memory_space<vmem_shared>>
      tpu.enqueue_indirect_dma source(%arg9 : memref<128x128xf32, #tpu.memory_space<vmem>>) target(%dma_start3A_398 : memref<10240x128xf32, #tpu.memory_space<vmem_shared>>) offsets(%dma_start3A_395 : memref<128xi32, #tpu.memory_space<vmem>>) semaphore(%arg14 : memref<!tpu.dma_semaphore, #tpu.memory_space<semaphore_mem>>) {add = true}
      %dma_wait3A_399 = arith.constant 14 : i32
      %dma_wait3A_400 = arith.constant 0 : i32
      %dma_wait3A_401 = tpu.memref_slice %arg7[%dma_wait3A_399, %dma_wait3A_400] : memref<16x128xi32, #tpu.memory_space<vmem>> -> memref<1x128xi32, #tpu.memory_space<vmem>>
      %dma_wait3A_402 = tpu.memref_squeeze %dma_wait3A_401 : memref<1x128xi32, #tpu.memory_space<vmem>> -> memref<128xi32, #tpu.memory_space<vmem>>
      %dma_wait3A_403 = arith.constant 0 : i32
      %dma_wait3A_404 = arith.constant 0 : i32
      %dma_wait3A_405 = tpu.memref_slice %arg10[%dma_wait3A_403, %dma_wait3A_404] : memref<10240x128xf32, #tpu.memory_space<vmem_shared>> -> memref<10240x128xf32, #tpu.memory_space<vmem_shared>>
      tpu.wait_indirect_dma semaphore(%arg13 : memref<!tpu.dma_semaphore, #tpu.memory_space<semaphore_mem>>) src(%arg8 : memref<128x128xf32, #tpu.memory_space<vmem>>) dst(%dma_wait3A_405 : memref<10240x128xf32, #tpu.memory_space<vmem_shared>>)
      %dma_wait3A_406 = arith.constant 15 : i32
      %dma_wait3A_407 = arith.constant 0 : i32
      %dma_wait3A_408 = tpu.memref_slice %arg7[%dma_wait3A_406, %dma_wait3A_407] : memref<16x128xi32, #tpu.memory_space<vmem>> -> memref<1x128xi32, #tpu.memory_space<vmem>>
      %dma_wait3A_409 = tpu.memref_squeeze %dma_wait3A_408 : memref<1x128xi32, #tpu.memory_space<vmem>> -> memref<128xi32, #tpu.memory_space<vmem>>
      %dma_wait3A_410 = arith.constant 0 : i32
      %dma_wait3A_411 = arith.constant 0 : i32
      %dma_wait3A_412 = tpu.memref_slice %arg10[%dma_wait3A_410, %dma_wait3A_411] : memref<10240x128xf32, #tpu.memory_space<vmem_shared>> -> memref<10240x128xf32, #tpu.memory_space<vmem_shared>>
      tpu.wait_indirect_dma semaphore(%arg14 : memref<!tpu.dma_semaphore, #tpu.memory_space<semaphore_mem>>) src(%arg9 : memref<128x128xf32, #tpu.memory_space<vmem>>) dst(%dma_wait3A_412 : memref<10240x128xf32, #tpu.memory_space<vmem_shared>>)
    }
    %scan3A_11 = arith.constant 10 : i32
    %barrier3A_12 = arith.constant 0 : index
    tpu.barrier barrier_id(%barrier3A_12)
    %mul3A_13 = arith.constant 10240 : i32
    %mul3A_14 = arith.muli %arg0, %mul3A_13 : i32
    %add3A_15 = arith.addi %mul3A_14, %mul3A_0 : i32
    "tpu.region"() ({
      %run_scoped3A = tpu.sem_alloc : memref<!tpu.dma_semaphore, #tpu.memory_space<semaphore_mem>>
      %dma_start3A = arith.constant 0 : i32
      %dma_start3A_16 = tpu.memref_slice %arg5[%add3A_15, %dma_start3A] : memref<20480x128xf32, #tpu.memory_space<hbm>> -> memref<640x128xf32, #tpu.memory_space<hbm>>
      %dma_start3A_17 = arith.constant 0 : i32
      %dma_start3A_18 = tpu.memref_slice %arg10[%mul3A_0, %dma_start3A_17] : memref<10240x128xf32, #tpu.memory_space<vmem_shared>> -> memref<640x128xf32, #tpu.memory_space<vmem_shared>>
      tpu.enqueue_dma source(%dma_start3A_18 : memref<640x128xf32, #tpu.memory_space<vmem_shared>>) target(%dma_start3A_16 : memref<640x128xf32, #tpu.memory_space<hbm>>) target_semaphore(%run_scoped3A : memref<!tpu.dma_semaphore, #tpu.memory_space<semaphore_mem>>)
      %dma_wait3A = arith.constant 0 : i32
      %dma_wait3A_19 = tpu.memref_slice %arg5[%add3A_15, %dma_wait3A] : memref<20480x128xf32, #tpu.memory_space<hbm>> -> memref<640x128xf32, #tpu.memory_space<hbm>>
      %dma_wait3A_20 = arith.constant 0 : i32
      %dma_wait3A_21 = tpu.memref_slice %arg10[%mul3A_0, %dma_wait3A_20] : memref<10240x128xf32, #tpu.memory_space<vmem_shared>> -> memref<640x128xf32, #tpu.memory_space<vmem_shared>>
      tpu.wait_dma2 semaphore(%run_scoped3A : memref<!tpu.dma_semaphore, #tpu.memory_space<semaphore_mem>>) src(%dma_wait3A_21 : memref<640x128xf32, #tpu.memory_space<vmem_shared>>) dst(%dma_wait3A_19 : memref<640x128xf32, #tpu.memory_space<hbm>>)
      tpu.yield
    }) : () -> ()
    return
  }
}

#map = affine_map<(d0, d1) -> (0)>
module attributes {stable_mosaic.version = 14 : i64} {
  func.func @_deg_kernel(%arg0: i32, %arg1: i32, %arg2: memref<327680xi32, #tpu.memory_space<hbm>>, %arg3: memref<20480xf32, #tpu.memory_space<hbm>>, %arg4: memref<2048xi32, #tpu.memory_space<vmem>>, %arg5: memref<82048xf32, #tpu.memory_space<vmem>>, %arg6: memref<10240xf32, #tpu.memory_space<vmem>>, %arg7: memref<10240xf32, #tpu.memory_space<vmem>>, %arg8: memref<16x10240xf32, #tpu.memory_space<vmem_shared>>) attributes {dimension_semantics = [#tpu.dimension_semantics<core_parallel>, #tpu.dimension_semantics<subcore_parallel>], iteration_bounds = array<i64: 2, 16>, scalar_prefetch = 0 : i64, scratch_operands = 5 : i64, tpu.core_type = #tpu.core_type<sc_vector_subcore>, window_params = [{transform_indices = #map}, {transform_indices = #map}]} {
    %mul3A = arith.constant 2 : i32
    %mul3A_0 = arith.muli %arg1, %mul3A : i32
    %add3A = arith.addi %mul3A_0, %arg0 : i32
    %broadcast_in_dim3A = arith.constant 0.000000e+00 : f32
    %broadcast_in_dim3A_1 = vector.broadcast %broadcast_in_dim3A : f32 to vector<16xf32>
    %broadcast_in_dim3A_2 = arith.constant 1.000000e+00 : f32
    %broadcast_in_dim3A_3 = vector.broadcast %broadcast_in_dim3A_2 : f32 to vector<16xf32>
    %iota3A = tpu.iota {dimensions = array<i32: 0>} : vector<16xi32>
    %and3A = arith.constant 7 : i32
    %and3A_4 = vector.broadcast %and3A : i32 to vector<16xi32>
    %and3A_5 = arith.andi %iota3A, %and3A_4 : vector<16xi32>
    %mul3A_6 = arith.constant 10240 : i32
    %mul3A_7 = vector.broadcast %mul3A_6 : i32 to vector<16xi32>
    %mul3A_8 = arith.muli %and3A_5, %mul3A_7 : vector<16xi32>
    %lt3A = arith.constant 8 : i32
    %lt3A_9 = vector.broadcast %lt3A : i32 to vector<16xi32>
    %lt3A_10 = arith.cmpi slt, %iota3A, %lt3A_9 : vector<16xi32>
    %ge3A = arith.constant 8 : i32
    %ge3A_11 = vector.broadcast %ge3A : i32 to vector<16xi32>
    %ge3A_12 = arith.cmpi sge, %iota3A, %ge3A_11 : vector<16xi32>
    %add3A_13 = arith.constant 81920 : i32
    %add3A_14 = vector.broadcast %add3A_13 : i32 to vector<16xi32>
    %add3A_15 = arith.addi %add3A_14, %iota3A : vector<16xi32>
    %scan3A = arith.constant 0 : i32
    %scan3A_16 = arith.constant 0 : i32
    %scan3A_17 = arith.constant 641 : i32
    %scan3A_18 = arith.addi %scan3A_16, %scan3A_17 : i32
    %scan3A_19 = arith.constant 1 : i32
    scf.for %scan3A_91 = %scan3A_16 to %scan3A_18 step %scan3A_19  : i32 {
      %mul3A_92 = arith.constant 8 : i32
      %mul3A_93 = arith.muli %scan3A_91, %mul3A_92 : i32
      %add3A_94 = arith.constant 0 : i32
      %add3A_95 = arith.addi %mul3A_93, %add3A_94 : i32
      %mul3A_96 = arith.constant 16 : i32
      %mul3A_97 = arith.muli %add3A_95, %mul3A_96 : i32
      %swap3A = arith.index_cast %mul3A_97 : i32 to index
      %swap3A_98 = tpu.vector_load %arg5[%swap3A] {strides = array<i32>} : memref<82048xf32, #tpu.memory_space<vmem>>, vector<16xf32>,
      tpu.vector_store %arg5[%swap3A], %broadcast_in_dim3A_1 {strides = array<i32>} : memref<82048xf32, #tpu.memory_space<vmem>>, vector<16xf32>,
      %mul3A_99 = arith.constant 8 : i32
      %mul3A_100 = arith.muli %scan3A_91, %mul3A_99 : i32
      %add3A_101 = arith.constant 1 : i32
      %add3A_102 = arith.addi %mul3A_100, %add3A_101 : i32
      %mul3A_103 = arith.constant 16 : i32
      %mul3A_104 = arith.muli %add3A_102, %mul3A_103 : i32
      %swap3A_105 = arith.index_cast %mul3A_104 : i32 to index
      %swap3A_106 = tpu.vector_load %arg5[%swap3A_105] {strides = array<i32>} : memref<82048xf32, #tpu.memory_space<vmem>>, vector<16xf32>,
      tpu.vector_store %arg5[%swap3A_105], %broadcast_in_dim3A_1 {strides = array<i32>} : memref<82048xf32, #tpu.memory_space<vmem>>, vector<16xf32>,
      %mul3A_107 = arith.constant 8 : i32
      %mul3A_108 = arith.muli %scan3A_91, %mul3A_107 : i32
      %add3A_109 = arith.constant 2 : i32
      %add3A_110 = arith.addi %mul3A_108, %add3A_109 : i32
      %mul3A_111 = arith.constant 16 : i32
      %mul3A_112 = arith.muli %add3A_110, %mul3A_111 : i32
      %swap3A_113 = arith.index_cast %mul3A_112 : i32 to index
      %swap3A_114 = tpu.vector_load %arg5[%swap3A_113] {strides = array<i32>} : memref<82048xf32, #tpu.memory_space<vmem>>, vector<16xf32>,
      tpu.vector_store %arg5[%swap3A_113], %broadcast_in_dim3A_1 {strides = array<i32>} : memref<82048xf32, #tpu.memory_space<vmem>>, vector<16xf32>,
      %mul3A_115 = arith.constant 8 : i32
      %mul3A_116 = arith.muli %scan3A_91, %mul3A_115 : i32
      %add3A_117 = arith.constant 3 : i32
      %add3A_118 = arith.addi %mul3A_116, %add3A_117 : i32
      %mul3A_119 = arith.constant 16 : i32
      %mul3A_120 = arith.muli %add3A_118, %mul3A_119 : i32
      %swap3A_121 = arith.index_cast %mul3A_120 : i32 to index
      %swap3A_122 = tpu.vector_load %arg5[%swap3A_121] {strides = array<i32>} : memref<82048xf32, #tpu.memory_space<vmem>>, vector<16xf32>,
      tpu.vector_store %arg5[%swap3A_121], %broadcast_in_dim3A_1 {strides = array<i32>} : memref<82048xf32, #tpu.memory_space<vmem>>, vector<16xf32>,
      %mul3A_123 = arith.constant 8 : i32
      %mul3A_124 = arith.muli %scan3A_91, %mul3A_123 : i32
      %add3A_125 = arith.constant 4 : i32
      %add3A_126 = arith.addi %mul3A_124, %add3A_125 : i32
      %mul3A_127 = arith.constant 16 : i32
      %mul3A_128 = arith.muli %add3A_126, %mul3A_127 : i32
      %swap3A_129 = arith.index_cast %mul3A_128 : i32 to index
      %swap3A_130 = tpu.vector_load %arg5[%swap3A_129] {strides = array<i32>} : memref<82048xf32, #tpu.memory_space<vmem>>, vector<16xf32>,
      tpu.vector_store %arg5[%swap3A_129], %broadcast_in_dim3A_1 {strides = array<i32>} : memref<82048xf32, #tpu.memory_space<vmem>>, vector<16xf32>,
      %mul3A_131 = arith.constant 8 : i32
      %mul3A_132 = arith.muli %scan3A_91, %mul3A_131 : i32
      %add3A_133 = arith.constant 5 : i32
      %add3A_134 = arith.addi %mul3A_132, %add3A_133 : i32
      %mul3A_135 = arith.constant 16 : i32
      %mul3A_136 = arith.muli %add3A_134, %mul3A_135 : i32
      %swap3A_137 = arith.index_cast %mul3A_136 : i32 to index
      %swap3A_138 = tpu.vector_load %arg5[%swap3A_137] {strides = array<i32>} : memref<82048xf32, #tpu.memory_space<vmem>>, vector<16xf32>,
      tpu.vector_store %arg5[%swap3A_137], %broadcast_in_dim3A_1 {strides = array<i32>} : memref<82048xf32, #tpu.memory_space<vmem>>, vector<16xf32>,
      %mul3A_139 = arith.constant 8 : i32
      %mul3A_140 = arith.muli %scan3A_91, %mul3A_139 : i32
      %add3A_141 = arith.constant 6 : i32
      %add3A_142 = arith.addi %mul3A_140, %add3A_141 : i32
      %mul3A_143 = arith.constant 16 : i32
      %mul3A_144 = arith.muli %add3A_142, %mul3A_143 : i32
      %swap3A_145 = arith.index_cast %mul3A_144 : i32 to index
      %swap3A_146 = tpu.vector_load %arg5[%swap3A_145] {strides = array<i32>} : memref<82048xf32, #tpu.memory_space<vmem>>, vector<16xf32>,
      tpu.vector_store %arg5[%swap3A_145], %broadcast_in_dim3A_1 {strides = array<i32>} : memref<82048xf32, #tpu.memory_space<vmem>>, vector<16xf32>,
      %mul3A_147 = arith.constant 8 : i32
      %mul3A_148 = arith.muli %scan3A_91, %mul3A_147 : i32
      %add3A_149 = arith.constant 7 : i32
      %add3A_150 = arith.addi %mul3A_148, %add3A_149 : i32
      %mul3A_151 = arith.constant 16 : i32
      %mul3A_152 = arith.muli %add3A_150, %mul3A_151 : i32
      %swap3A_153 = arith.index_cast %mul3A_152 : i32 to index
      %swap3A_154 = tpu.vector_load %arg5[%swap3A_153] {strides = array<i32>} : memref<82048xf32, #tpu.memory_space<vmem>>, vector<16xf32>,
      tpu.vector_store %arg5[%swap3A_153], %broadcast_in_dim3A_1 {strides = array<i32>} : memref<82048xf32, #tpu.memory_space<vmem>>, vector<16xf32>,
    }
    %scan3A_20 = arith.constant 641 : i32
    %scan3A_21 = arith.constant 0 : i32
    %scan3A_22 = arith.constant 0 : i32
    %scan3A_23 = arith.constant 5 : i32
    %scan3A_24 = arith.addi %scan3A_22, %scan3A_23 : i32
    %scan3A_25 = arith.constant 1 : i32
    scf.for %scan3A_91 = %scan3A_22 to %scan3A_24 step %scan3A_25  : i32 {
      %mul3A_92 = arith.constant 10240 : i32
      %mul3A_93 = arith.muli %add3A, %mul3A_92 : i32
      %mul3A_94 = arith.constant 2048 : i32
      %mul3A_95 = arith.muli %scan3A_91, %mul3A_94 : i32
      %add3A_96 = arith.addi %mul3A_93, %mul3A_95 : i32
      "tpu.region"() ({
        %run_scoped3A_103 = tpu.sem_alloc : memref<!tpu.dma_semaphore, #tpu.memory_space<semaphore_mem>>
        %dma_start3A = tpu.memref_slice %arg2[%add3A_96] : memref<327680xi32, #tpu.memory_space<hbm>> -> memref<2048xi32, #tpu.memory_space<hbm>>
        %dma_start3A_104 = tpu.memref_slice %arg2[%add3A_96] : memref<327680xi32, #tpu.memory_space<hbm>> -> memref<2048xi32, #tpu.memory_space<hbm>>
        tpu.enqueue_dma source(%dma_start3A_104 : memref<2048xi32, #tpu.memory_space<hbm>>) target(%arg4 : memref<2048xi32, #tpu.memory_space<vmem>>) target_semaphore(%run_scoped3A_103 : memref<!tpu.dma_semaphore, #tpu.memory_space<semaphore_mem>>)
        %dma_wait3A = tpu.memref_slice %arg2[%add3A_96] : memref<327680xi32, #tpu.memory_space<hbm>> -> memref<2048xi32, #tpu.memory_space<hbm>>
        %dma_wait3A_105 = tpu.memref_slice %arg2[%add3A_96] : memref<327680xi32, #tpu.memory_space<hbm>> -> memref<2048xi32, #tpu.memory_space<hbm>>
        tpu.wait_dma2 semaphore(%run_scoped3A_103 : memref<!tpu.dma_semaphore, #tpu.memory_space<semaphore_mem>>) src(%dma_wait3A_105 : memref<2048xi32, #tpu.memory_space<hbm>>) dst(%arg4 : memref<2048xi32, #tpu.memory_space<vmem>>)
        tpu.yield
      }) : () -> ()
      %scan3A_97 = arith.constant 0 : i32
      %scan3A_98 = arith.constant 0 : i32
      %scan3A_99 = arith.constant 32 : i32
      %scan3A_100 = arith.addi %scan3A_98, %scan3A_99 : i32
      %scan3A_101 = arith.constant 1 : i32
      scf.for %scan3A_103 = %scan3A_98 to %scan3A_100 step %scan3A_101  : i32 {
        %mul3A_104 = arith.constant 4 : i32
        %mul3A_105 = arith.muli %scan3A_103, %mul3A_104 : i32
        %add3A_106 = arith.constant 0 : i32
        %add3A_107 = arith.addi %mul3A_105, %add3A_106 : i32
        %mul3A_108 = arith.constant 16 : i32
        %mul3A_109 = arith.muli %add3A_107, %mul3A_108 : i32
        %get3A = arith.index_cast %mul3A_109 : i32 to index
        %get3A_110 = tpu.vector_load %arg4[%get3A] {strides = array<i32>} : memref<2048xi32, #tpu.memory_space<vmem>>, vector<16xi32>,
        %add3A_111 = arith.addi %mul3A_8, %get3A_110 : vector<16xi32>
        %select_n3A = arith.select %lt3A_10, %add3A_111, %add3A_15 : vector<16xi1>, vector<16xi32>
        tpu.vector_store_idx %arg5[%select_n3A], %broadcast_in_dim3A_3 {add = true} : memref<82048xf32, #tpu.memory_space<vmem>>[vector<16xi32>], vector<16xf32>,
        %select_n3A_112 = arith.select %ge3A_12, %add3A_111, %add3A_15 : vector<16xi1>, vector<16xi32>
        tpu.vector_store_idx %arg5[%select_n3A_112], %broadcast_in_dim3A_3 {add = true} : memref<82048xf32, #tpu.memory_space<vmem>>[vector<16xi32>], vector<16xf32>,
        %mul3A_113 = arith.constant 4 : i32
        %mul3A_114 = arith.muli %scan3A_103, %mul3A_113 : i32
        %add3A_115 = arith.constant 1 : i32
        %add3A_116 = arith.addi %mul3A_114, %add3A_115 : i32
        %mul3A_117 = arith.constant 16 : i32
        %mul3A_118 = arith.muli %add3A_116, %mul3A_117 : i32
        %get3A_119 = arith.index_cast %mul3A_118 : i32 to index
        %get3A_120 = tpu.vector_load %arg4[%get3A_119] {strides = array<i32>} : memref<2048xi32, #tpu.memory_space<vmem>>, vector<16xi32>,
        %add3A_121 = arith.addi %mul3A_8, %get3A_120 : vector<16xi32>
        %select_n3A_122 = arith.select %lt3A_10, %add3A_121, %add3A_15 : vector<16xi1>, vector<16xi32>
        tpu.vector_store_idx %arg5[%select_n3A_122], %broadcast_in_dim3A_3 {add = true} : memref<82048xf32, #tpu.memory_space<vmem>>[vector<16xi32>], vector<16xf32>,
        %select_n3A_123 = arith.select %ge3A_12, %add3A_121, %add3A_15 : vector<16xi1>, vector<16xi32>
        tpu.vector_store_idx %arg5[%select_n3A_123], %broadcast_in_dim3A_3 {add = true} : memref<82048xf32, #tpu.memory_space<vmem>>[vector<16xi32>], vector<16xf32>,
        %mul3A_124 = arith.constant 4 : i32
        %mul3A_125 = arith.muli %scan3A_103, %mul3A_124 : i32
        %add3A_126 = arith.constant 2 : i32
        %add3A_127 = arith.addi %mul3A_125, %add3A_126 : i32
        %mul3A_128 = arith.constant 16 : i32
        %mul3A_129 = arith.muli %add3A_127, %mul3A_128 : i32
        %get3A_130 = arith.index_cast %mul3A_129 : i32 to index
        %get3A_131 = tpu.vector_load %arg4[%get3A_130] {strides = array<i32>} : memref<2048xi32, #tpu.memory_space<vmem>>, vector<16xi32>,
        %add3A_132 = arith.addi %mul3A_8, %get3A_131 : vector<16xi32>
        %select_n3A_133 = arith.select %lt3A_10, %add3A_132, %add3A_15 : vector<16xi1>, vector<16xi32>
        tpu.vector_store_idx %arg5[%select_n3A_133], %broadcast_in_dim3A_3 {add = true} : memref<82048xf32, #tpu.memory_space<vmem>>[vector<16xi32>], vector<16xf32>,
        %select_n3A_134 = arith.select %ge3A_12, %add3A_132, %add3A_15 : vector<16xi1>, vector<16xi32>
        tpu.vector_store_idx %arg5[%select_n3A_134], %broadcast_in_dim3A_3 {add = true} : memref<82048xf32, #tpu.memory_space<vmem>>[vector<16xi32>], vector<16xf32>,
        %mul3A_135 = arith.constant 4 : i32
        %mul3A_136 = arith.muli %scan3A_103, %mul3A_135 : i32
        %add3A_137 = arith.constant 3 : i32
        %add3A_138 = arith.addi %mul3A_136, %add3A_137 : i32
        %mul3A_139 = arith.constant 16 : i32
        %mul3A_140 = arith.muli %add3A_138, %mul3A_139 : i32
        %get3A_141 = arith.index_cast %mul3A_140 : i32 to index
        %get3A_142 = tpu.vector_load %arg4[%get3A_141] {strides = array<i32>} : memref<2048xi32, #tpu.memory_space<vmem>>, vector<16xi32>,
        %add3A_143 = arith.addi %mul3A_8, %get3A_142 : vector<16xi32>
        %select_n3A_144 = arith.select %lt3A_10, %add3A_143, %add3A_15 : vector<16xi1>, vector<16xi32>
        tpu.vector_store_idx %arg5[%select_n3A_144], %broadcast_in_dim3A_3 {add = true} : memref<82048xf32, #tpu.memory_space<vmem>>[vector<16xi32>], vector<16xf32>,
        %select_n3A_145 = arith.select %ge3A_12, %add3A_143, %add3A_15 : vector<16xi1>, vector<16xi32>
        tpu.vector_store_idx %arg5[%select_n3A_145], %broadcast_in_dim3A_3 {add = true} : memref<82048xf32, #tpu.memory_space<vmem>>[vector<16xi32>], vector<16xf32>,
      }
      %scan3A_102 = arith.constant 32 : i32
    }
    %scan3A_26 = arith.constant 5 : i32
    %scan3A_27 = arith.constant 0 : i32
    %scan3A_28 = arith.constant 0 : i32
    %scan3A_29 = arith.constant 640 : i32
    %scan3A_30 = arith.addi %scan3A_28, %scan3A_29 : i32
    %scan3A_31 = arith.constant 1 : i32
    scf.for %scan3A_91 = %scan3A_28 to %scan3A_30 step %scan3A_31  : i32 {
      %mul3A_92 = arith.constant 16 : i32
      %mul3A_93 = arith.muli %scan3A_91, %mul3A_92 : i32
      %get3A = arith.index_cast %mul3A_93 : i32 to index
      %get3A_94 = tpu.vector_load %arg5[%get3A] {strides = array<i32>} : memref<82048xf32, #tpu.memory_space<vmem>>, vector<16xf32>,
      %mul3A_95 = arith.constant 16 : i32
      %mul3A_96 = arith.muli %scan3A_91, %mul3A_95 : i32
      %add3A_97 = arith.constant 10240 : i32
      %add3A_98 = arith.addi %add3A_97, %mul3A_96 : i32
      %get3A_99 = arith.index_cast %add3A_98 : i32 to index
      %get3A_100 = tpu.vector_load %arg5[%get3A_99] {strides = array<i32>} : memref<82048xf32, #tpu.memory_space<vmem>>, vector<16xf32>,
      %add3A_101 = arith.addf %get3A_94, %get3A_100 : vector<16xf32>
      %mul3A_102 = arith.constant 16 : i32
      %mul3A_103 = arith.muli %scan3A_91, %mul3A_102 : i32
      %add3A_104 = arith.constant 20480 : i32
      %add3A_105 = arith.addi %add3A_104, %mul3A_103 : i32
      %get3A_106 = arith.index_cast %add3A_105 : i32 to index
      %get3A_107 = tpu.vector_load %arg5[%get3A_106] {strides = array<i32>} : memref<82048xf32, #tpu.memory_space<vmem>>, vector<16xf32>,
      %add3A_108 = arith.addf %add3A_101, %get3A_107 : vector<16xf32>
      %mul3A_109 = arith.constant 16 : i32
      %mul3A_110 = arith.muli %scan3A_91, %mul3A_109 : i32
      %add3A_111 = arith.constant 30720 : i32
      %add3A_112 = arith.addi %add3A_111, %mul3A_110 : i32
      %get3A_113 = arith.index_cast %add3A_112 : i32 to index
      %get3A_114 = tpu.vector_load %arg5[%get3A_113] {strides = array<i32>} : memref<82048xf32, #tpu.memory_space<vmem>>, vector<16xf32>,
      %add3A_115 = arith.addf %add3A_108, %get3A_114 : vector<16xf32>
      %mul3A_116 = arith.constant 16 : i32
      %mul3A_117 = arith.muli %scan3A_91, %mul3A_116 : i32
      %add3A_118 = arith.constant 40960 : i32
      %add3A_119 = arith.addi %add3A_118, %mul3A_117 : i32
      %get3A_120 = arith.index_cast %add3A_119 : i32 to index
      %get3A_121 = tpu.vector_load %arg5[%get3A_120] {strides = array<i32>} : memref<82048xf32, #tpu.memory_space<vmem>>, vector<16xf32>,
      %add3A_122 = arith.addf %add3A_115, %get3A_121 : vector<16xf32>
      %mul3A_123 = arith.constant 16 : i32
      %mul3A_124 = arith.muli %scan3A_91, %mul3A_123 : i32
      %add3A_125 = arith.constant 51200 : i32
      %add3A_126 = arith.addi %add3A_125, %mul3A_124 : i32
      %get3A_127 = arith.index_cast %add3A_126 : i32 to index
      %get3A_128 = tpu.vector_load %arg5[%get3A_127] {strides = array<i32>} : memref<82048xf32, #tpu.memory_space<vmem>>, vector<16xf32>,
      %add3A_129 = arith.addf %add3A_122, %get3A_128 : vector<16xf32>
      %mul3A_130 = arith.constant 16 : i32
      %mul3A_131 = arith.muli %scan3A_91, %mul3A_130 : i32
      %add3A_132 = arith.constant 61440 : i32
      %add3A_133 = arith.addi %add3A_132, %mul3A_131 : i32
      %get3A_134 = arith.index_cast %add3A_133 : i32 to index
      %get3A_135 = tpu.vector_load %arg5[%get3A_134] {strides = array<i32>} : memref<82048xf32, #tpu.memory_space<vmem>>, vector<16xf32>,
      %add3A_136 = arith.addf %add3A_129, %get3A_135 : vector<16xf32>
      %mul3A_137 = arith.constant 16 : i32
      %mul3A_138 = arith.muli %scan3A_91, %mul3A_137 : i32
      %add3A_139 = arith.constant 71680 : i32
      %add3A_140 = arith.addi %add3A_139, %mul3A_138 : i32
      %get3A_141 = arith.index_cast %add3A_140 : i32 to index
      %get3A_142 = tpu.vector_load %arg5[%get3A_141] {strides = array<i32>} : memref<82048xf32, #tpu.memory_space<vmem>>, vector<16xf32>,
      %add3A_143 = arith.addf %add3A_136, %get3A_142 : vector<16xf32>
      %mul3A_144 = arith.constant 16 : i32
      %mul3A_145 = arith.muli %scan3A_91, %mul3A_144 : i32
      %swap3A = arith.index_cast %mul3A_145 : i32 to index
      %swap3A_146 = tpu.vector_load %arg6[%swap3A] {strides = array<i32>} : memref<10240xf32, #tpu.memory_space<vmem>>, vector<16xf32>,
      tpu.vector_store %arg6[%swap3A], %add3A_143 {strides = array<i32>} : memref<10240xf32, #tpu.memory_space<vmem>>, vector<16xf32>,
    }
    %scan3A_32 = arith.constant 640 : i32
    "tpu.region"() ({
      %run_scoped3A_91 = tpu.sem_alloc : memref<!tpu.dma_semaphore, #tpu.memory_space<semaphore_mem>>
      %dma_start3A = arith.constant 0 : i32
      %dma_start3A_92 = tpu.memref_slice %arg8[%arg1, %dma_start3A] : memref<16x10240xf32, #tpu.memory_space<vmem_shared>> -> memref<1x10240xf32, #tpu.memory_space<vmem_shared>>
      %dma_start3A_93 = tpu.memref_squeeze %dma_start3A_92 : memref<1x10240xf32, #tpu.memory_space<vmem_shared>> -> memref<10240xf32, #tpu.memory_space<vmem_shared>>
      %dma_start3A_94 = arith.constant 0 : i32
      %dma_start3A_95 = tpu.memref_slice %arg8[%arg1, %dma_start3A_94] : memref<16x10240xf32, #tpu.memory_space<vmem_shared>> -> memref<1x10240xf32, #tpu.memory_space<vmem_shared>>
      %dma_start3A_96 = tpu.memref_squeeze %dma_start3A_95 : memref<1x10240xf32, #tpu.memory_space<vmem_shared>> -> memref<10240xf32, #tpu.memory_space<vmem_shared>>
      tpu.enqueue_dma source(%arg6 : memref<10240xf32, #tpu.memory_space<vmem>>) target(%dma_start3A_96 : memref<10240xf32, #tpu.memory_space<vmem_shared>>) target_semaphore(%run_scoped3A_91 : memref<!tpu.dma_semaphore, #tpu.memory_space<semaphore_mem>>)
      %dma_wait3A = arith.constant 0 : i32
      %dma_wait3A_97 = tpu.memref_slice %arg8[%arg1, %dma_wait3A] : memref<16x10240xf32, #tpu.memory_space<vmem_shared>> -> memref<1x10240xf32, #tpu.memory_space<vmem_shared>>
      %dma_wait3A_98 = tpu.memref_squeeze %dma_wait3A_97 : memref<1x10240xf32, #tpu.memory_space<vmem_shared>> -> memref<10240xf32, #tpu.memory_space<vmem_shared>>
      %dma_wait3A_99 = arith.constant 0 : i32
      %dma_wait3A_100 = tpu.memref_slice %arg8[%arg1, %dma_wait3A_99] : memref<16x10240xf32, #tpu.memory_space<vmem_shared>> -> memref<1x10240xf32, #tpu.memory_space<vmem_shared>>
      %dma_wait3A_101 = tpu.memref_squeeze %dma_wait3A_100 : memref<1x10240xf32, #tpu.memory_space<vmem_shared>> -> memref<10240xf32, #tpu.memory_space<vmem_shared>>
      tpu.wait_dma2 semaphore(%run_scoped3A_91 : memref<!tpu.dma_semaphore, #tpu.memory_space<semaphore_mem>>) src(%arg6 : memref<10240xf32, #tpu.memory_space<vmem>>) dst(%dma_wait3A_101 : memref<10240xf32, #tpu.memory_space<vmem_shared>>)
      tpu.yield
    }) : () -> ()
    %barrier3A = arith.constant 0 : index
    tpu.barrier barrier_id(%barrier3A)
    %mul3A_33 = arith.constant 640 : i32
    %mul3A_34 = arith.muli %arg1, %mul3A_33 : i32
    %run_scoped3A = arith.constant 0 : i32
    "tpu.region"() ({
      %run_scoped3A_91 = tpu.sem_alloc : memref<!tpu.dma_semaphore, #tpu.memory_space<semaphore_mem>>
      %dma_start3A = arith.constant 0 : i32
      %dma_start3A_92 = tpu.memref_slice %arg7[%dma_start3A] : memref<10240xf32, #tpu.memory_space<vmem>> -> memref<640xf32, #tpu.memory_space<vmem>>
      %dma_start3A_93 = tpu.memref_slice %arg8[%run_scoped3A, %mul3A_34] : memref<16x10240xf32, #tpu.memory_space<vmem_shared>> -> memref<1x640xf32, #tpu.memory_space<vmem_shared>>
      %dma_start3A_94 = tpu.memref_squeeze %dma_start3A_93 : memref<1x640xf32, #tpu.memory_space<vmem_shared>> -> memref<640xf32, #tpu.memory_space<vmem_shared>>
      %dma_start3A_95 = arith.constant 0 : i32
      %dma_start3A_96 = tpu.memref_slice %arg7[%dma_start3A_95] : memref<10240xf32, #tpu.memory_space<vmem>> -> memref<640xf32, #tpu.memory_space<vmem>>
      %dma_start3A_97 = tpu.memref_slice %arg8[%run_scoped3A, %mul3A_34] : memref<16x10240xf32, #tpu.memory_space<vmem_shared>> -> memref<1x640xf32, #tpu.memory_space<vmem_shared>>
      %dma_start3A_98 = tpu.memref_squeeze %dma_start3A_97 : memref<1x640xf32, #tpu.memory_space<vmem_shared>> -> memref<640xf32, #tpu.memory_space<vmem_shared>>
      tpu.enqueue_dma source(%dma_start3A_98 : memref<640xf32, #tpu.memory_space<vmem_shared>>) target(%dma_start3A_96 : memref<640xf32, #tpu.memory_space<vmem>>) target_semaphore(%run_scoped3A_91 : memref<!tpu.dma_semaphore, #tpu.memory_space<semaphore_mem>>)
      %dma_wait3A = arith.constant 0 : i32
      %dma_wait3A_99 = tpu.memref_slice %arg7[%dma_wait3A] : memref<10240xf32, #tpu.memory_space<vmem>> -> memref<640xf32, #tpu.memory_space<vmem>>
      %dma_wait3A_100 = tpu.memref_slice %arg8[%run_scoped3A, %mul3A_34] : memref<16x10240xf32, #tpu.memory_space<vmem_shared>> -> memref<1x640xf32, #tpu.memory_space<vmem_shared>>
      %dma_wait3A_101 = tpu.memref_squeeze %dma_wait3A_100 : memref<1x640xf32, #tpu.memory_space<vmem_shared>> -> memref<640xf32, #tpu.memory_space<vmem_shared>>
      %dma_wait3A_102 = arith.constant 0 : i32
      %dma_wait3A_103 = tpu.memref_slice %arg7[%dma_wait3A_102] : memref<10240xf32, #tpu.memory_space<vmem>> -> memref<640xf32, #tpu.memory_space<vmem>>
      %dma_wait3A_104 = tpu.memref_slice %arg8[%run_scoped3A, %mul3A_34] : memref<16x10240xf32, #tpu.memory_space<vmem_shared>> -> memref<1x640xf32, #tpu.memory_space<vmem_shared>>
      %dma_wait3A_105 = tpu.memref_squeeze %dma_wait3A_104 : memref<1x640xf32, #tpu.memory_space<vmem_shared>> -> memref<640xf32, #tpu.memory_space<vmem_shared>>
      tpu.wait_dma2 semaphore(%run_scoped3A_91 : memref<!tpu.dma_semaphore, #tpu.memory_space<semaphore_mem>>) src(%dma_wait3A_105 : memref<640xf32, #tpu.memory_space<vmem_shared>>) dst(%dma_wait3A_103 : memref<640xf32, #tpu.memory_space<vmem>>)
      tpu.yield
    }) : () -> ()
    %mul3A_35 = arith.constant 640 : i32
    %mul3A_36 = arith.muli %arg1, %mul3A_35 : i32
    %run_scoped3A_37 = arith.constant 1 : i32
    "tpu.region"() ({
      %run_scoped3A_91 = tpu.sem_alloc : memref<!tpu.dma_semaphore, #tpu.memory_space<semaphore_mem>>
      %dma_start3A = arith.constant 640 : i32
      %dma_start3A_92 = tpu.memref_slice %arg7[%dma_start3A] : memref<10240xf32, #tpu.memory_space<vmem>> -> memref<640xf32, #tpu.memory_space<vmem>>
      %dma_start3A_93 = tpu.memref_slice %arg8[%run_scoped3A_37, %mul3A_36] : memref<16x10240xf32, #tpu.memory_space<vmem_shared>> -> memref<1x640xf32, #tpu.memory_space<vmem_shared>>
      %dma_start3A_94 = tpu.memref_squeeze %dma_start3A_93 : memref<1x640xf32, #tpu.memory_space<vmem_shared>> -> memref<640xf32, #tpu.memory_space<vmem_shared>>
      %dma_start3A_95 = arith.constant 640 : i32
      %dma_start3A_96 = tpu.memref_slice %arg7[%dma_start3A_95] : memref<10240xf32, #tpu.memory_space<vmem>> -> memref<640xf32, #tpu.memory_space<vmem>>
      %dma_start3A_97 = tpu.memref_slice %arg8[%run_scoped3A_37, %mul3A_36] : memref<16x10240xf32, #tpu.memory_space<vmem_shared>> -> memref<1x640xf32, #tpu.memory_space<vmem_shared>>
      %dma_start3A_98 = tpu.memref_squeeze %dma_start3A_97 : memref<1x640xf32, #tpu.memory_space<vmem_shared>> -> memref<640xf32, #tpu.memory_space<vmem_shared>>
      tpu.enqueue_dma source(%dma_start3A_98 : memref<640xf32, #tpu.memory_space<vmem_shared>>) target(%dma_start3A_96 : memref<640xf32, #tpu.memory_space<vmem>>) target_semaphore(%run_scoped3A_91 : memref<!tpu.dma_semaphore, #tpu.memory_space<semaphore_mem>>)
      %dma_wait3A = arith.constant 640 : i32
      %dma_wait3A_99 = tpu.memref_slice %arg7[%dma_wait3A] : memref<10240xf32, #tpu.memory_space<vmem>> -> memref<640xf32, #tpu.memory_space<vmem>>
      %dma_wait3A_100 = tpu.memref_slice %arg8[%run_scoped3A_37, %mul3A_36] : memref<16x10240xf32, #tpu.memory_space<vmem_shared>> -> memref<1x640xf32, #tpu.memory_space<vmem_shared>>
      %dma_wait3A_101 = tpu.memref_squeeze %dma_wait3A_100 : memref<1x640xf32, #tpu.memory_space<vmem_shared>> -> memref<640xf32, #tpu.memory_space<vmem_shared>>
      %dma_wait3A_102 = arith.constant 640 : i32
      %dma_wait3A_103 = tpu.memref_slice %arg7[%dma_wait3A_102] : memref<10240xf32, #tpu.memory_space<vmem>> -> memref<640xf32, #tpu.memory_space<vmem>>
      %dma_wait3A_104 = tpu.memref_slice %arg8[%run_scoped3A_37, %mul3A_36] : memref<16x10240xf32, #tpu.memory_space<vmem_shared>> -> memref<1x640xf32, #tpu.memory_space<vmem_shared>>
      %dma_wait3A_105 = tpu.memref_squeeze %dma_wait3A_104 : memref<1x640xf32, #tpu.memory_space<vmem_shared>> -> memref<640xf32, #tpu.memory_space<vmem_shared>>
      tpu.wait_dma2 semaphore(%run_scoped3A_91 : memref<!tpu.dma_semaphore, #tpu.memory_space<semaphore_mem>>) src(%dma_wait3A_105 : memref<640xf32, #tpu.memory_space<vmem_shared>>) dst(%dma_wait3A_103 : memref<640xf32, #tpu.memory_space<vmem>>)
      tpu.yield
    }) : () -> ()
    %mul3A_38 = arith.constant 640 : i32
    %mul3A_39 = arith.muli %arg1, %mul3A_38 : i32
    %run_scoped3A_40 = arith.constant 2 : i32
    "tpu.region"() ({
      %run_scoped3A_91 = tpu.sem_alloc : memref<!tpu.dma_semaphore, #tpu.memory_space<semaphore_mem>>
      %dma_start3A = arith.constant 1280 : i32
      %dma_start3A_92 = tpu.memref_slice %arg7[%dma_start3A] : memref<10240xf32, #tpu.memory_space<vmem>> -> memref<640xf32, #tpu.memory_space<vmem>>
      %dma_start3A_93 = tpu.memref_slice %arg8[%run_scoped3A_40, %mul3A_39] : memref<16x10240xf32, #tpu.memory_space<vmem_shared>> -> memref<1x640xf32, #tpu.memory_space<vmem_shared>>
      %dma_start3A_94 = tpu.memref_squeeze %dma_start3A_93 : memref<1x640xf32, #tpu.memory_space<vmem_shared>> -> memref<640xf32, #tpu.memory_space<vmem_shared>>
      %dma_start3A_95 = arith.constant 1280 : i32
      %dma_start3A_96 = tpu.memref_slice %arg7[%dma_start3A_95] : memref<10240xf32, #tpu.memory_space<vmem>> -> memref<640xf32, #tpu.memory_space<vmem>>
      %dma_start3A_97 = tpu.memref_slice %arg8[%run_scoped3A_40, %mul3A_39] : memref<16x10240xf32, #tpu.memory_space<vmem_shared>> -> memref<1x640xf32, #tpu.memory_space<vmem_shared>>
      %dma_start3A_98 = tpu.memref_squeeze %dma_start3A_97 : memref<1x640xf32, #tpu.memory_space<vmem_shared>> -> memref<640xf32, #tpu.memory_space<vmem_shared>>
      tpu.enqueue_dma source(%dma_start3A_98 : memref<640xf32, #tpu.memory_space<vmem_shared>>) target(%dma_start3A_96 : memref<640xf32, #tpu.memory_space<vmem>>) target_semaphore(%run_scoped3A_91 : memref<!tpu.dma_semaphore, #tpu.memory_space<semaphore_mem>>)
      %dma_wait3A = arith.constant 1280 : i32
      %dma_wait3A_99 = tpu.memref_slice %arg7[%dma_wait3A] : memref<10240xf32, #tpu.memory_space<vmem>> -> memref<640xf32, #tpu.memory_space<vmem>>
      %dma_wait3A_100 = tpu.memref_slice %arg8[%run_scoped3A_40, %mul3A_39] : memref<16x10240xf32, #tpu.memory_space<vmem_shared>> -> memref<1x640xf32, #tpu.memory_space<vmem_shared>>
      %dma_wait3A_101 = tpu.memref_squeeze %dma_wait3A_100 : memref<1x640xf32, #tpu.memory_space<vmem_shared>> -> memref<640xf32, #tpu.memory_space<vmem_shared>>
      %dma_wait3A_102 = arith.constant 1280 : i32
      %dma_wait3A_103 = tpu.memref_slice %arg7[%dma_wait3A_102] : memref<10240xf32, #tpu.memory_space<vmem>> -> memref<640xf32, #tpu.memory_space<vmem>>
      %dma_wait3A_104 = tpu.memref_slice %arg8[%run_scoped3A_40, %mul3A_39] : memref<16x10240xf32, #tpu.memory_space<vmem_shared>> -> memref<1x640xf32, #tpu.memory_space<vmem_shared>>
      %dma_wait3A_105 = tpu.memref_squeeze %dma_wait3A_104 : memref<1x640xf32, #tpu.memory_space<vmem_shared>> -> memref<640xf32, #tpu.memory_space<vmem_shared>>
      tpu.wait_dma2 semaphore(%run_scoped3A_91 : memref<!tpu.dma_semaphore, #tpu.memory_space<semaphore_mem>>) src(%dma_wait3A_105 : memref<640xf32, #tpu.memory_space<vmem_shared>>) dst(%dma_wait3A_103 : memref<640xf32, #tpu.memory_space<vmem>>)
      tpu.yield
    }) : () -> ()
    %mul3A_41 = arith.constant 640 : i32
    %mul3A_42 = arith.muli %arg1, %mul3A_41 : i32
    %run_scoped3A_43 = arith.constant 3 : i32
    "tpu.region"() ({
      %run_scoped3A_91 = tpu.sem_alloc : memref<!tpu.dma_semaphore, #tpu.memory_space<semaphore_mem>>
      %dma_start3A = arith.constant 1920 : i32
      %dma_start3A_92 = tpu.memref_slice %arg7[%dma_start3A] : memref<10240xf32, #tpu.memory_space<vmem>> -> memref<640xf32, #tpu.memory_space<vmem>>
      %dma_start3A_93 = tpu.memref_slice %arg8[%run_scoped3A_43, %mul3A_42] : memref<16x10240xf32, #tpu.memory_space<vmem_shared>> -> memref<1x640xf32, #tpu.memory_space<vmem_shared>>
      %dma_start3A_94 = tpu.memref_squeeze %dma_start3A_93 : memref<1x640xf32, #tpu.memory_space<vmem_shared>> -> memref<640xf32, #tpu.memory_space<vmem_shared>>
      %dma_start3A_95 = arith.constant 1920 : i32
      %dma_start3A_96 = tpu.memref_slice %arg7[%dma_start3A_95] : memref<10240xf32, #tpu.memory_space<vmem>> -> memref<640xf32, #tpu.memory_space<vmem>>
      %dma_start3A_97 = tpu.memref_slice %arg8[%run_scoped3A_43, %mul3A_42] : memref<16x10240xf32, #tpu.memory_space<vmem_shared>> -> memref<1x640xf32, #tpu.memory_space<vmem_shared>>
      %dma_start3A_98 = tpu.memref_squeeze %dma_start3A_97 : memref<1x640xf32, #tpu.memory_space<vmem_shared>> -> memref<640xf32, #tpu.memory_space<vmem_shared>>
      tpu.enqueue_dma source(%dma_start3A_98 : memref<640xf32, #tpu.memory_space<vmem_shared>>) target(%dma_start3A_96 : memref<640xf32, #tpu.memory_space<vmem>>) target_semaphore(%run_scoped3A_91 : memref<!tpu.dma_semaphore, #tpu.memory_space<semaphore_mem>>)
      %dma_wait3A = arith.constant 1920 : i32
      %dma_wait3A_99 = tpu.memref_slice %arg7[%dma_wait3A] : memref<10240xf32, #tpu.memory_space<vmem>> -> memref<640xf32, #tpu.memory_space<vmem>>
      %dma_wait3A_100 = tpu.memref_slice %arg8[%run_scoped3A_43, %mul3A_42] : memref<16x10240xf32, #tpu.memory_space<vmem_shared>> -> memref<1x640xf32, #tpu.memory_space<vmem_shared>>
      %dma_wait3A_101 = tpu.memref_squeeze %dma_wait3A_100 : memref<1x640xf32, #tpu.memory_space<vmem_shared>> -> memref<640xf32, #tpu.memory_space<vmem_shared>>
      %dma_wait3A_102 = arith.constant 1920 : i32
      %dma_wait3A_103 = tpu.memref_slice %arg7[%dma_wait3A_102] : memref<10240xf32, #tpu.memory_space<vmem>> -> memref<640xf32, #tpu.memory_space<vmem>>
      %dma_wait3A_104 = tpu.memref_slice %arg8[%run_scoped3A_43, %mul3A_42] : memref<16x10240xf32, #tpu.memory_space<vmem_shared>> -> memref<1x640xf32, #tpu.memory_space<vmem_shared>>
      %dma_wait3A_105 = tpu.memref_squeeze %dma_wait3A_104 : memref<1x640xf32, #tpu.memory_space<vmem_shared>> -> memref<640xf32, #tpu.memory_space<vmem_shared>>
      tpu.wait_dma2 semaphore(%run_scoped3A_91 : memref<!tpu.dma_semaphore, #tpu.memory_space<semaphore_mem>>) src(%dma_wait3A_105 : memref<640xf32, #tpu.memory_space<vmem_shared>>) dst(%dma_wait3A_103 : memref<640xf32, #tpu.memory_space<vmem>>)
      tpu.yield
    }) : () -> ()
    %mul3A_44 = arith.constant 640 : i32
    %mul3A_45 = arith.muli %arg1, %mul3A_44 : i32
    %run_scoped3A_46 = arith.constant 4 : i32
    "tpu.region"() ({
      %run_scoped3A_91 = tpu.sem_alloc : memref<!tpu.dma_semaphore, #tpu.memory_space<semaphore_mem>>
      %dma_start3A = arith.constant 2560 : i32
      %dma_start3A_92 = tpu.memref_slice %arg7[%dma_start3A] : memref<10240xf32, #tpu.memory_space<vmem>> -> memref<640xf32, #tpu.memory_space<vmem>>
      %dma_start3A_93 = tpu.memref_slice %arg8[%run_scoped3A_46, %mul3A_45] : memref<16x10240xf32, #tpu.memory_space<vmem_shared>> -> memref<1x640xf32, #tpu.memory_space<vmem_shared>>
      %dma_start3A_94 = tpu.memref_squeeze %dma_start3A_93 : memref<1x640xf32, #tpu.memory_space<vmem_shared>> -> memref<640xf32, #tpu.memory_space<vmem_shared>>
      %dma_start3A_95 = arith.constant 2560 : i32
      %dma_start3A_96 = tpu.memref_slice %arg7[%dma_start3A_95] : memref<10240xf32, #tpu.memory_space<vmem>> -> memref<640xf32, #tpu.memory_space<vmem>>
      %dma_start3A_97 = tpu.memref_slice %arg8[%run_scoped3A_46, %mul3A_45] : memref<16x10240xf32, #tpu.memory_space<vmem_shared>> -> memref<1x640xf32, #tpu.memory_space<vmem_shared>>
      %dma_start3A_98 = tpu.memref_squeeze %dma_start3A_97 : memref<1x640xf32, #tpu.memory_space<vmem_shared>> -> memref<640xf32, #tpu.memory_space<vmem_shared>>
      tpu.enqueue_dma source(%dma_start3A_98 : memref<640xf32, #tpu.memory_space<vmem_shared>>) target(%dma_start3A_96 : memref<640xf32, #tpu.memory_space<vmem>>) target_semaphore(%run_scoped3A_91 : memref<!tpu.dma_semaphore, #tpu.memory_space<semaphore_mem>>)
      %dma_wait3A = arith.constant 2560 : i32
      %dma_wait3A_99 = tpu.memref_slice %arg7[%dma_wait3A] : memref<10240xf32, #tpu.memory_space<vmem>> -> memref<640xf32, #tpu.memory_space<vmem>>
      %dma_wait3A_100 = tpu.memref_slice %arg8[%run_scoped3A_46, %mul3A_45] : memref<16x10240xf32, #tpu.memory_space<vmem_shared>> -> memref<1x640xf32, #tpu.memory_space<vmem_shared>>
      %dma_wait3A_101 = tpu.memref_squeeze %dma_wait3A_100 : memref<1x640xf32, #tpu.memory_space<vmem_shared>> -> memref<640xf32, #tpu.memory_space<vmem_shared>>
      %dma_wait3A_102 = arith.constant 2560 : i32
      %dma_wait3A_103 = tpu.memref_slice %arg7[%dma_wait3A_102] : memref<10240xf32, #tpu.memory_space<vmem>> -> memref<640xf32, #tpu.memory_space<vmem>>
      %dma_wait3A_104 = tpu.memref_slice %arg8[%run_scoped3A_46, %mul3A_45] : memref<16x10240xf32, #tpu.memory_space<vmem_shared>> -> memref<1x640xf32, #tpu.memory_space<vmem_shared>>
      %dma_wait3A_105 = tpu.memref_squeeze %dma_wait3A_104 : memref<1x640xf32, #tpu.memory_space<vmem_shared>> -> memref<640xf32, #tpu.memory_space<vmem_shared>>
      tpu.wait_dma2 semaphore(%run_scoped3A_91 : memref<!tpu.dma_semaphore, #tpu.memory_space<semaphore_mem>>) src(%dma_wait3A_105 : memref<640xf32, #tpu.memory_space<vmem_shared>>) dst(%dma_wait3A_103 : memref<640xf32, #tpu.memory_space<vmem>>)
      tpu.yield
    }) : () -> ()
    %mul3A_47 = arith.constant 640 : i32
    %mul3A_48 = arith.muli %arg1, %mul3A_47 : i32
    %run_scoped3A_49 = arith.constant 5 : i32
    "tpu.region"() ({
      %run_scoped3A_91 = tpu.sem_alloc : memref<!tpu.dma_semaphore, #tpu.memory_space<semaphore_mem>>
      %dma_start3A = arith.constant 3200 : i32
      %dma_start3A_92 = tpu.memref_slice %arg7[%dma_start3A] : memref<10240xf32, #tpu.memory_space<vmem>> -> memref<640xf32, #tpu.memory_space<vmem>>
      %dma_start3A_93 = tpu.memref_slice %arg8[%run_scoped3A_49, %mul3A_48] : memref<16x10240xf32, #tpu.memory_space<vmem_shared>> -> memref<1x640xf32, #tpu.memory_space<vmem_shared>>
      %dma_start3A_94 = tpu.memref_squeeze %dma_start3A_93 : memref<1x640xf32, #tpu.memory_space<vmem_shared>> -> memref<640xf32, #tpu.memory_space<vmem_shared>>
      %dma_start3A_95 = arith.constant 3200 : i32
      %dma_start3A_96 = tpu.memref_slice %arg7[%dma_start3A_95] : memref<10240xf32, #tpu.memory_space<vmem>> -> memref<640xf32, #tpu.memory_space<vmem>>
      %dma_start3A_97 = tpu.memref_slice %arg8[%run_scoped3A_49, %mul3A_48] : memref<16x10240xf32, #tpu.memory_space<vmem_shared>> -> memref<1x640xf32, #tpu.memory_space<vmem_shared>>
      %dma_start3A_98 = tpu.memref_squeeze %dma_start3A_97 : memref<1x640xf32, #tpu.memory_space<vmem_shared>> -> memref<640xf32, #tpu.memory_space<vmem_shared>>
      tpu.enqueue_dma source(%dma_start3A_98 : memref<640xf32, #tpu.memory_space<vmem_shared>>) target(%dma_start3A_96 : memref<640xf32, #tpu.memory_space<vmem>>) target_semaphore(%run_scoped3A_91 : memref<!tpu.dma_semaphore, #tpu.memory_space<semaphore_mem>>)
      %dma_wait3A = arith.constant 3200 : i32
      %dma_wait3A_99 = tpu.memref_slice %arg7[%dma_wait3A] : memref<10240xf32, #tpu.memory_space<vmem>> -> memref<640xf32, #tpu.memory_space<vmem>>
      %dma_wait3A_100 = tpu.memref_slice %arg8[%run_scoped3A_49, %mul3A_48] : memref<16x10240xf32, #tpu.memory_space<vmem_shared>> -> memref<1x640xf32, #tpu.memory_space<vmem_shared>>
      %dma_wait3A_101 = tpu.memref_squeeze %dma_wait3A_100 : memref<1x640xf32, #tpu.memory_space<vmem_shared>> -> memref<640xf32, #tpu.memory_space<vmem_shared>>
      %dma_wait3A_102 = arith.constant 3200 : i32
      %dma_wait3A_103 = tpu.memref_slice %arg7[%dma_wait3A_102] : memref<10240xf32, #tpu.memory_space<vmem>> -> memref<640xf32, #tpu.memory_space<vmem>>
      %dma_wait3A_104 = tpu.memref_slice %arg8[%run_scoped3A_49, %mul3A_48] : memref<16x10240xf32, #tpu.memory_space<vmem_shared>> -> memref<1x640xf32, #tpu.memory_space<vmem_shared>>
      %dma_wait3A_105 = tpu.memref_squeeze %dma_wait3A_104 : memref<1x640xf32, #tpu.memory_space<vmem_shared>> -> memref<640xf32, #tpu.memory_space<vmem_shared>>
      tpu.wait_dma2 semaphore(%run_scoped3A_91 : memref<!tpu.dma_semaphore, #tpu.memory_space<semaphore_mem>>) src(%dma_wait3A_105 : memref<640xf32, #tpu.memory_space<vmem_shared>>) dst(%dma_wait3A_103 : memref<640xf32, #tpu.memory_space<vmem>>)
      tpu.yield
    }) : () -> ()
    %mul3A_50 = arith.constant 640 : i32
    %mul3A_51 = arith.muli %arg1, %mul3A_50 : i32
    %run_scoped3A_52 = arith.constant 6 : i32
    "tpu.region"() ({
      %run_scoped3A_91 = tpu.sem_alloc : memref<!tpu.dma_semaphore, #tpu.memory_space<semaphore_mem>>
      %dma_start3A = arith.constant 3840 : i32
      %dma_start3A_92 = tpu.memref_slice %arg7[%dma_start3A] : memref<10240xf32, #tpu.memory_space<vmem>> -> memref<640xf32, #tpu.memory_space<vmem>>
      %dma_start3A_93 = tpu.memref_slice %arg8[%run_scoped3A_52, %mul3A_51] : memref<16x10240xf32, #tpu.memory_space<vmem_shared>> -> memref<1x640xf32, #tpu.memory_space<vmem_shared>>
      %dma_start3A_94 = tpu.memref_squeeze %dma_start3A_93 : memref<1x640xf32, #tpu.memory_space<vmem_shared>> -> memref<640xf32, #tpu.memory_space<vmem_shared>>
      %dma_start3A_95 = arith.constant 3840 : i32
      %dma_start3A_96 = tpu.memref_slice %arg7[%dma_start3A_95] : memref<10240xf32, #tpu.memory_space<vmem>> -> memref<640xf32, #tpu.memory_space<vmem>>
      %dma_start3A_97 = tpu.memref_slice %arg8[%run_scoped3A_52, %mul3A_51] : memref<16x10240xf32, #tpu.memory_space<vmem_shared>> -> memref<1x640xf32, #tpu.memory_space<vmem_shared>>
      %dma_start3A_98 = tpu.memref_squeeze %dma_start3A_97 : memref<1x640xf32, #tpu.memory_space<vmem_shared>> -> memref<640xf32, #tpu.memory_space<vmem_shared>>
      tpu.enqueue_dma source(%dma_start3A_98 : memref<640xf32, #tpu.memory_space<vmem_shared>>) target(%dma_start3A_96 : memref<640xf32, #tpu.memory_space<vmem>>) target_semaphore(%run_scoped3A_91 : memref<!tpu.dma_semaphore, #tpu.memory_space<semaphore_mem>>)
      %dma_wait3A = arith.constant 3840 : i32
      %dma_wait3A_99 = tpu.memref_slice %arg7[%dma_wait3A] : memref<10240xf32, #tpu.memory_space<vmem>> -> memref<640xf32, #tpu.memory_space<vmem>>
      %dma_wait3A_100 = tpu.memref_slice %arg8[%run_scoped3A_52, %mul3A_51] : memref<16x10240xf32, #tpu.memory_space<vmem_shared>> -> memref<1x640xf32, #tpu.memory_space<vmem_shared>>
      %dma_wait3A_101 = tpu.memref_squeeze %dma_wait3A_100 : memref<1x640xf32, #tpu.memory_space<vmem_shared>> -> memref<640xf32, #tpu.memory_space<vmem_shared>>
      %dma_wait3A_102 = arith.constant 3840 : i32
      %dma_wait3A_103 = tpu.memref_slice %arg7[%dma_wait3A_102] : memref<10240xf32, #tpu.memory_space<vmem>> -> memref<640xf32, #tpu.memory_space<vmem>>
      %dma_wait3A_104 = tpu.memref_slice %arg8[%run_scoped3A_52, %mul3A_51] : memref<16x10240xf32, #tpu.memory_space<vmem_shared>> -> memref<1x640xf32, #tpu.memory_space<vmem_shared>>
      %dma_wait3A_105 = tpu.memref_squeeze %dma_wait3A_104 : memref<1x640xf32, #tpu.memory_space<vmem_shared>> -> memref<640xf32, #tpu.memory_space<vmem_shared>>
      tpu.wait_dma2 semaphore(%run_scoped3A_91 : memref<!tpu.dma_semaphore, #tpu.memory_space<semaphore_mem>>) src(%dma_wait3A_105 : memref<640xf32, #tpu.memory_space<vmem_shared>>) dst(%dma_wait3A_103 : memref<640xf32, #tpu.memory_space<vmem>>)
      tpu.yield
    }) : () -> ()
    %mul3A_53 = arith.constant 640 : i32
    %mul3A_54 = arith.muli %arg1, %mul3A_53 : i32
    %run_scoped3A_55 = arith.constant 7 : i32
    "tpu.region"() ({
      %run_scoped3A_91 = tpu.sem_alloc : memref<!tpu.dma_semaphore, #tpu.memory_space<semaphore_mem>>
      %dma_start3A = arith.constant 4480 : i32
      %dma_start3A_92 = tpu.memref_slice %arg7[%dma_start3A] : memref<10240xf32, #tpu.memory_space<vmem>> -> memref<640xf32, #tpu.memory_space<vmem>>
      %dma_start3A_93 = tpu.memref_slice %arg8[%run_scoped3A_55, %mul3A_54] : memref<16x10240xf32, #tpu.memory_space<vmem_shared>> -> memref<1x640xf32, #tpu.memory_space<vmem_shared>>
      %dma_start3A_94 = tpu.memref_squeeze %dma_start3A_93 : memref<1x640xf32, #tpu.memory_space<vmem_shared>> -> memref<640xf32, #tpu.memory_space<vmem_shared>>
      %dma_start3A_95 = arith.constant 4480 : i32
      %dma_start3A_96 = tpu.memref_slice %arg7[%dma_start3A_95] : memref<10240xf32, #tpu.memory_space<vmem>> -> memref<640xf32, #tpu.memory_space<vmem>>
      %dma_start3A_97 = tpu.memref_slice %arg8[%run_scoped3A_55, %mul3A_54] : memref<16x10240xf32, #tpu.memory_space<vmem_shared>> -> memref<1x640xf32, #tpu.memory_space<vmem_shared>>
      %dma_start3A_98 = tpu.memref_squeeze %dma_start3A_97 : memref<1x640xf32, #tpu.memory_space<vmem_shared>> -> memref<640xf32, #tpu.memory_space<vmem_shared>>
      tpu.enqueue_dma source(%dma_start3A_98 : memref<640xf32, #tpu.memory_space<vmem_shared>>) target(%dma_start3A_96 : memref<640xf32, #tpu.memory_space<vmem>>) target_semaphore(%run_scoped3A_91 : memref<!tpu.dma_semaphore, #tpu.memory_space<semaphore_mem>>)
      %dma_wait3A = arith.constant 4480 : i32
      %dma_wait3A_99 = tpu.memref_slice %arg7[%dma_wait3A] : memref<10240xf32, #tpu.memory_space<vmem>> -> memref<640xf32, #tpu.memory_space<vmem>>
      %dma_wait3A_100 = tpu.memref_slice %arg8[%run_scoped3A_55, %mul3A_54] : memref<16x10240xf32, #tpu.memory_space<vmem_shared>> -> memref<1x640xf32, #tpu.memory_space<vmem_shared>>
      %dma_wait3A_101 = tpu.memref_squeeze %dma_wait3A_100 : memref<1x640xf32, #tpu.memory_space<vmem_shared>> -> memref<640xf32, #tpu.memory_space<vmem_shared>>
      %dma_wait3A_102 = arith.constant 4480 : i32
      %dma_wait3A_103 = tpu.memref_slice %arg7[%dma_wait3A_102] : memref<10240xf32, #tpu.memory_space<vmem>> -> memref<640xf32, #tpu.memory_space<vmem>>
      %dma_wait3A_104 = tpu.memref_slice %arg8[%run_scoped3A_55, %mul3A_54] : memref<16x10240xf32, #tpu.memory_space<vmem_shared>> -> memref<1x640xf32, #tpu.memory_space<vmem_shared>>
      %dma_wait3A_105 = tpu.memref_squeeze %dma_wait3A_104 : memref<1x640xf32, #tpu.memory_space<vmem_shared>> -> memref<640xf32, #tpu.memory_space<vmem_shared>>
      tpu.wait_dma2 semaphore(%run_scoped3A_91 : memref<!tpu.dma_semaphore, #tpu.memory_space<semaphore_mem>>) src(%dma_wait3A_105 : memref<640xf32, #tpu.memory_space<vmem_shared>>) dst(%dma_wait3A_103 : memref<640xf32, #tpu.memory_space<vmem>>)
      tpu.yield
    }) : () -> ()
    %mul3A_56 = arith.constant 640 : i32
    %mul3A_57 = arith.muli %arg1, %mul3A_56 : i32
    %run_scoped3A_58 = arith.constant 8 : i32
    "tpu.region"() ({
      %run_scoped3A_91 = tpu.sem_alloc : memref<!tpu.dma_semaphore, #tpu.memory_space<semaphore_mem>>
      %dma_start3A = arith.constant 5120 : i32
      %dma_start3A_92 = tpu.memref_slice %arg7[%dma_start3A] : memref<10240xf32, #tpu.memory_space<vmem>> -> memref<640xf32, #tpu.memory_space<vmem>>
      %dma_start3A_93 = tpu.memref_slice %arg8[%run_scoped3A_58, %mul3A_57] : memref<16x10240xf32, #tpu.memory_space<vmem_shared>> -> memref<1x640xf32, #tpu.memory_space<vmem_shared>>
      %dma_start3A_94 = tpu.memref_squeeze %dma_start3A_93 : memref<1x640xf32, #tpu.memory_space<vmem_shared>> -> memref<640xf32, #tpu.memory_space<vmem_shared>>
      %dma_start3A_95 = arith.constant 5120 : i32
      %dma_start3A_96 = tpu.memref_slice %arg7[%dma_start3A_95] : memref<10240xf32, #tpu.memory_space<vmem>> -> memref<640xf32, #tpu.memory_space<vmem>>
      %dma_start3A_97 = tpu.memref_slice %arg8[%run_scoped3A_58, %mul3A_57] : memref<16x10240xf32, #tpu.memory_space<vmem_shared>> -> memref<1x640xf32, #tpu.memory_space<vmem_shared>>
      %dma_start3A_98 = tpu.memref_squeeze %dma_start3A_97 : memref<1x640xf32, #tpu.memory_space<vmem_shared>> -> memref<640xf32, #tpu.memory_space<vmem_shared>>
      tpu.enqueue_dma source(%dma_start3A_98 : memref<640xf32, #tpu.memory_space<vmem_shared>>) target(%dma_start3A_96 : memref<640xf32, #tpu.memory_space<vmem>>) target_semaphore(%run_scoped3A_91 : memref<!tpu.dma_semaphore, #tpu.memory_space<semaphore_mem>>)
      %dma_wait3A = arith.constant 5120 : i32
      %dma_wait3A_99 = tpu.memref_slice %arg7[%dma_wait3A] : memref<10240xf32, #tpu.memory_space<vmem>> -> memref<640xf32, #tpu.memory_space<vmem>>
      %dma_wait3A_100 = tpu.memref_slice %arg8[%run_scoped3A_58, %mul3A_57] : memref<16x10240xf32, #tpu.memory_space<vmem_shared>> -> memref<1x640xf32, #tpu.memory_space<vmem_shared>>
      %dma_wait3A_101 = tpu.memref_squeeze %dma_wait3A_100 : memref<1x640xf32, #tpu.memory_space<vmem_shared>> -> memref<640xf32, #tpu.memory_space<vmem_shared>>
      %dma_wait3A_102 = arith.constant 5120 : i32
      %dma_wait3A_103 = tpu.memref_slice %arg7[%dma_wait3A_102] : memref<10240xf32, #tpu.memory_space<vmem>> -> memref<640xf32, #tpu.memory_space<vmem>>
      %dma_wait3A_104 = tpu.memref_slice %arg8[%run_scoped3A_58, %mul3A_57] : memref<16x10240xf32, #tpu.memory_space<vmem_shared>> -> memref<1x640xf32, #tpu.memory_space<vmem_shared>>
      %dma_wait3A_105 = tpu.memref_squeeze %dma_wait3A_104 : memref<1x640xf32, #tpu.memory_space<vmem_shared>> -> memref<640xf32, #tpu.memory_space<vmem_shared>>
      tpu.wait_dma2 semaphore(%run_scoped3A_91 : memref<!tpu.dma_semaphore, #tpu.memory_space<semaphore_mem>>) src(%dma_wait3A_105 : memref<640xf32, #tpu.memory_space<vmem_shared>>) dst(%dma_wait3A_103 : memref<640xf32, #tpu.memory_space<vmem>>)
      tpu.yield
    }) : () -> ()
    %mul3A_59 = arith.constant 640 : i32
    %mul3A_60 = arith.muli %arg1, %mul3A_59 : i32
    %run_scoped3A_61 = arith.constant 9 : i32
    "tpu.region"() ({
      %run_scoped3A_91 = tpu.sem_alloc : memref<!tpu.dma_semaphore, #tpu.memory_space<semaphore_mem>>
      %dma_start3A = arith.constant 5760 : i32
      %dma_start3A_92 = tpu.memref_slice %arg7[%dma_start3A] : memref<10240xf32, #tpu.memory_space<vmem>> -> memref<640xf32, #tpu.memory_space<vmem>>
      %dma_start3A_93 = tpu.memref_slice %arg8[%run_scoped3A_61, %mul3A_60] : memref<16x10240xf32, #tpu.memory_space<vmem_shared>> -> memref<1x640xf32, #tpu.memory_space<vmem_shared>>
      %dma_start3A_94 = tpu.memref_squeeze %dma_start3A_93 : memref<1x640xf32, #tpu.memory_space<vmem_shared>> -> memref<640xf32, #tpu.memory_space<vmem_shared>>
      %dma_start3A_95 = arith.constant 5760 : i32
      %dma_start3A_96 = tpu.memref_slice %arg7[%dma_start3A_95] : memref<10240xf32, #tpu.memory_space<vmem>> -> memref<640xf32, #tpu.memory_space<vmem>>
      %dma_start3A_97 = tpu.memref_slice %arg8[%run_scoped3A_61, %mul3A_60] : memref<16x10240xf32, #tpu.memory_space<vmem_shared>> -> memref<1x640xf32, #tpu.memory_space<vmem_shared>>
      %dma_start3A_98 = tpu.memref_squeeze %dma_start3A_97 : memref<1x640xf32, #tpu.memory_space<vmem_shared>> -> memref<640xf32, #tpu.memory_space<vmem_shared>>
      tpu.enqueue_dma source(%dma_start3A_98 : memref<640xf32, #tpu.memory_space<vmem_shared>>) target(%dma_start3A_96 : memref<640xf32, #tpu.memory_space<vmem>>) target_semaphore(%run_scoped3A_91 : memref<!tpu.dma_semaphore, #tpu.memory_space<semaphore_mem>>)
      %dma_wait3A = arith.constant 5760 : i32
      %dma_wait3A_99 = tpu.memref_slice %arg7[%dma_wait3A] : memref<10240xf32, #tpu.memory_space<vmem>> -> memref<640xf32, #tpu.memory_space<vmem>>
      %dma_wait3A_100 = tpu.memref_slice %arg8[%run_scoped3A_61, %mul3A_60] : memref<16x10240xf32, #tpu.memory_space<vmem_shared>> -> memref<1x640xf32, #tpu.memory_space<vmem_shared>>
      %dma_wait3A_101 = tpu.memref_squeeze %dma_wait3A_100 : memref<1x640xf32, #tpu.memory_space<vmem_shared>> -> memref<640xf32, #tpu.memory_space<vmem_shared>>
      %dma_wait3A_102 = arith.constant 5760 : i32
      %dma_wait3A_103 = tpu.memref_slice %arg7[%dma_wait3A_102] : memref<10240xf32, #tpu.memory_space<vmem>> -> memref<640xf32, #tpu.memory_space<vmem>>
      %dma_wait3A_104 = tpu.memref_slice %arg8[%run_scoped3A_61, %mul3A_60] : memref<16x10240xf32, #tpu.memory_space<vmem_shared>> -> memref<1x640xf32, #tpu.memory_space<vmem_shared>>
      %dma_wait3A_105 = tpu.memref_squeeze %dma_wait3A_104 : memref<1x640xf32, #tpu.memory_space<vmem_shared>> -> memref<640xf32, #tpu.memory_space<vmem_shared>>
      tpu.wait_dma2 semaphore(%run_scoped3A_91 : memref<!tpu.dma_semaphore, #tpu.memory_space<semaphore_mem>>) src(%dma_wait3A_105 : memref<640xf32, #tpu.memory_space<vmem_shared>>) dst(%dma_wait3A_103 : memref<640xf32, #tpu.memory_space<vmem>>)
      tpu.yield
    }) : () -> ()
    %mul3A_62 = arith.constant 640 : i32
    %mul3A_63 = arith.muli %arg1, %mul3A_62 : i32
    %run_scoped3A_64 = arith.constant 10 : i32
    "tpu.region"() ({
      %run_scoped3A_91 = tpu.sem_alloc : memref<!tpu.dma_semaphore, #tpu.memory_space<semaphore_mem>>
      %dma_start3A = arith.constant 6400 : i32
      %dma_start3A_92 = tpu.memref_slice %arg7[%dma_start3A] : memref<10240xf32, #tpu.memory_space<vmem>> -> memref<640xf32, #tpu.memory_space<vmem>>
      %dma_start3A_93 = tpu.memref_slice %arg8[%run_scoped3A_64, %mul3A_63] : memref<16x10240xf32, #tpu.memory_space<vmem_shared>> -> memref<1x640xf32, #tpu.memory_space<vmem_shared>>
      %dma_start3A_94 = tpu.memref_squeeze %dma_start3A_93 : memref<1x640xf32, #tpu.memory_space<vmem_shared>> -> memref<640xf32, #tpu.memory_space<vmem_shared>>
      %dma_start3A_95 = arith.constant 6400 : i32
      %dma_start3A_96 = tpu.memref_slice %arg7[%dma_start3A_95] : memref<10240xf32, #tpu.memory_space<vmem>> -> memref<640xf32, #tpu.memory_space<vmem>>
      %dma_start3A_97 = tpu.memref_slice %arg8[%run_scoped3A_64, %mul3A_63] : memref<16x10240xf32, #tpu.memory_space<vmem_shared>> -> memref<1x640xf32, #tpu.memory_space<vmem_shared>>
      %dma_start3A_98 = tpu.memref_squeeze %dma_start3A_97 : memref<1x640xf32, #tpu.memory_space<vmem_shared>> -> memref<640xf32, #tpu.memory_space<vmem_shared>>
      tpu.enqueue_dma source(%dma_start3A_98 : memref<640xf32, #tpu.memory_space<vmem_shared>>) target(%dma_start3A_96 : memref<640xf32, #tpu.memory_space<vmem>>) target_semaphore(%run_scoped3A_91 : memref<!tpu.dma_semaphore, #tpu.memory_space<semaphore_mem>>)
      %dma_wait3A = arith.constant 6400 : i32
      %dma_wait3A_99 = tpu.memref_slice %arg7[%dma_wait3A] : memref<10240xf32, #tpu.memory_space<vmem>> -> memref<640xf32, #tpu.memory_space<vmem>>
      %dma_wait3A_100 = tpu.memref_slice %arg8[%run_scoped3A_64, %mul3A_63] : memref<16x10240xf32, #tpu.memory_space<vmem_shared>> -> memref<1x640xf32, #tpu.memory_space<vmem_shared>>
      %dma_wait3A_101 = tpu.memref_squeeze %dma_wait3A_100 : memref<1x640xf32, #tpu.memory_space<vmem_shared>> -> memref<640xf32, #tpu.memory_space<vmem_shared>>
      %dma_wait3A_102 = arith.constant 6400 : i32
      %dma_wait3A_103 = tpu.memref_slice %arg7[%dma_wait3A_102] : memref<10240xf32, #tpu.memory_space<vmem>> -> memref<640xf32, #tpu.memory_space<vmem>>
      %dma_wait3A_104 = tpu.memref_slice %arg8[%run_scoped3A_64, %mul3A_63] : memref<16x10240xf32, #tpu.memory_space<vmem_shared>> -> memref<1x640xf32, #tpu.memory_space<vmem_shared>>
      %dma_wait3A_105 = tpu.memref_squeeze %dma_wait3A_104 : memref<1x640xf32, #tpu.memory_space<vmem_shared>> -> memref<640xf32, #tpu.memory_space<vmem_shared>>
      tpu.wait_dma2 semaphore(%run_scoped3A_91 : memref<!tpu.dma_semaphore, #tpu.memory_space<semaphore_mem>>) src(%dma_wait3A_105 : memref<640xf32, #tpu.memory_space<vmem_shared>>) dst(%dma_wait3A_103 : memref<640xf32, #tpu.memory_space<vmem>>)
      tpu.yield
    }) : () -> ()
    %mul3A_65 = arith.constant 640 : i32
    %mul3A_66 = arith.muli %arg1, %mul3A_65 : i32
    %run_scoped3A_67 = arith.constant 11 : i32
    "tpu.region"() ({
      %run_scoped3A_91 = tpu.sem_alloc : memref<!tpu.dma_semaphore, #tpu.memory_space<semaphore_mem>>
      %dma_start3A = arith.constant 7040 : i32
      %dma_start3A_92 = tpu.memref_slice %arg7[%dma_start3A] : memref<10240xf32, #tpu.memory_space<vmem>> -> memref<640xf32, #tpu.memory_space<vmem>>
      %dma_start3A_93 = tpu.memref_slice %arg8[%run_scoped3A_67, %mul3A_66] : memref<16x10240xf32, #tpu.memory_space<vmem_shared>> -> memref<1x640xf32, #tpu.memory_space<vmem_shared>>
      %dma_start3A_94 = tpu.memref_squeeze %dma_start3A_93 : memref<1x640xf32, #tpu.memory_space<vmem_shared>> -> memref<640xf32, #tpu.memory_space<vmem_shared>>
      %dma_start3A_95 = arith.constant 7040 : i32
      %dma_start3A_96 = tpu.memref_slice %arg7[%dma_start3A_95] : memref<10240xf32, #tpu.memory_space<vmem>> -> memref<640xf32, #tpu.memory_space<vmem>>
      %dma_start3A_97 = tpu.memref_slice %arg8[%run_scoped3A_67, %mul3A_66] : memref<16x10240xf32, #tpu.memory_space<vmem_shared>> -> memref<1x640xf32, #tpu.memory_space<vmem_shared>>
      %dma_start3A_98 = tpu.memref_squeeze %dma_start3A_97 : memref<1x640xf32, #tpu.memory_space<vmem_shared>> -> memref<640xf32, #tpu.memory_space<vmem_shared>>
      tpu.enqueue_dma source(%dma_start3A_98 : memref<640xf32, #tpu.memory_space<vmem_shared>>) target(%dma_start3A_96 : memref<640xf32, #tpu.memory_space<vmem>>) target_semaphore(%run_scoped3A_91 : memref<!tpu.dma_semaphore, #tpu.memory_space<semaphore_mem>>)
      %dma_wait3A = arith.constant 7040 : i32
      %dma_wait3A_99 = tpu.memref_slice %arg7[%dma_wait3A] : memref<10240xf32, #tpu.memory_space<vmem>> -> memref<640xf32, #tpu.memory_space<vmem>>
      %dma_wait3A_100 = tpu.memref_slice %arg8[%run_scoped3A_67, %mul3A_66] : memref<16x10240xf32, #tpu.memory_space<vmem_shared>> -> memref<1x640xf32, #tpu.memory_space<vmem_shared>>
      %dma_wait3A_101 = tpu.memref_squeeze %dma_wait3A_100 : memref<1x640xf32, #tpu.memory_space<vmem_shared>> -> memref<640xf32, #tpu.memory_space<vmem_shared>>
      %dma_wait3A_102 = arith.constant 7040 : i32
      %dma_wait3A_103 = tpu.memref_slice %arg7[%dma_wait3A_102] : memref<10240xf32, #tpu.memory_space<vmem>> -> memref<640xf32, #tpu.memory_space<vmem>>
      %dma_wait3A_104 = tpu.memref_slice %arg8[%run_scoped3A_67, %mul3A_66] : memref<16x10240xf32, #tpu.memory_space<vmem_shared>> -> memref<1x640xf32, #tpu.memory_space<vmem_shared>>
      %dma_wait3A_105 = tpu.memref_squeeze %dma_wait3A_104 : memref<1x640xf32, #tpu.memory_space<vmem_shared>> -> memref<640xf32, #tpu.memory_space<vmem_shared>>
      tpu.wait_dma2 semaphore(%run_scoped3A_91 : memref<!tpu.dma_semaphore, #tpu.memory_space<semaphore_mem>>) src(%dma_wait3A_105 : memref<640xf32, #tpu.memory_space<vmem_shared>>) dst(%dma_wait3A_103 : memref<640xf32, #tpu.memory_space<vmem>>)
      tpu.yield
    }) : () -> ()
    %mul3A_68 = arith.constant 640 : i32
    %mul3A_69 = arith.muli %arg1, %mul3A_68 : i32
    %run_scoped3A_70 = arith.constant 12 : i32
    "tpu.region"() ({
      %run_scoped3A_91 = tpu.sem_alloc : memref<!tpu.dma_semaphore, #tpu.memory_space<semaphore_mem>>
      %dma_start3A = arith.constant 7680 : i32
      %dma_start3A_92 = tpu.memref_slice %arg7[%dma_start3A] : memref<10240xf32, #tpu.memory_space<vmem>> -> memref<640xf32, #tpu.memory_space<vmem>>
      %dma_start3A_93 = tpu.memref_slice %arg8[%run_scoped3A_70, %mul3A_69] : memref<16x10240xf32, #tpu.memory_space<vmem_shared>> -> memref<1x640xf32, #tpu.memory_space<vmem_shared>>
      %dma_start3A_94 = tpu.memref_squeeze %dma_start3A_93 : memref<1x640xf32, #tpu.memory_space<vmem_shared>> -> memref<640xf32, #tpu.memory_space<vmem_shared>>
      %dma_start3A_95 = arith.constant 7680 : i32
      %dma_start3A_96 = tpu.memref_slice %arg7[%dma_start3A_95] : memref<10240xf32, #tpu.memory_space<vmem>> -> memref<640xf32, #tpu.memory_space<vmem>>
      %dma_start3A_97 = tpu.memref_slice %arg8[%run_scoped3A_70, %mul3A_69] : memref<16x10240xf32, #tpu.memory_space<vmem_shared>> -> memref<1x640xf32, #tpu.memory_space<vmem_shared>>
      %dma_start3A_98 = tpu.memref_squeeze %dma_start3A_97 : memref<1x640xf32, #tpu.memory_space<vmem_shared>> -> memref<640xf32, #tpu.memory_space<vmem_shared>>
      tpu.enqueue_dma source(%dma_start3A_98 : memref<640xf32, #tpu.memory_space<vmem_shared>>) target(%dma_start3A_96 : memref<640xf32, #tpu.memory_space<vmem>>) target_semaphore(%run_scoped3A_91 : memref<!tpu.dma_semaphore, #tpu.memory_space<semaphore_mem>>)
      %dma_wait3A = arith.constant 7680 : i32
      %dma_wait3A_99 = tpu.memref_slice %arg7[%dma_wait3A] : memref<10240xf32, #tpu.memory_space<vmem>> -> memref<640xf32, #tpu.memory_space<vmem>>
      %dma_wait3A_100 = tpu.memref_slice %arg8[%run_scoped3A_70, %mul3A_69] : memref<16x10240xf32, #tpu.memory_space<vmem_shared>> -> memref<1x640xf32, #tpu.memory_space<vmem_shared>>
      %dma_wait3A_101 = tpu.memref_squeeze %dma_wait3A_100 : memref<1x640xf32, #tpu.memory_space<vmem_shared>> -> memref<640xf32, #tpu.memory_space<vmem_shared>>
      %dma_wait3A_102 = arith.constant 7680 : i32
      %dma_wait3A_103 = tpu.memref_slice %arg7[%dma_wait3A_102] : memref<10240xf32, #tpu.memory_space<vmem>> -> memref<640xf32, #tpu.memory_space<vmem>>
      %dma_wait3A_104 = tpu.memref_slice %arg8[%run_scoped3A_70, %mul3A_69] : memref<16x10240xf32, #tpu.memory_space<vmem_shared>> -> memref<1x640xf32, #tpu.memory_space<vmem_shared>>
      %dma_wait3A_105 = tpu.memref_squeeze %dma_wait3A_104 : memref<1x640xf32, #tpu.memory_space<vmem_shared>> -> memref<640xf32, #tpu.memory_space<vmem_shared>>
      tpu.wait_dma2 semaphore(%run_scoped3A_91 : memref<!tpu.dma_semaphore, #tpu.memory_space<semaphore_mem>>) src(%dma_wait3A_105 : memref<640xf32, #tpu.memory_space<vmem_shared>>) dst(%dma_wait3A_103 : memref<640xf32, #tpu.memory_space<vmem>>)
      tpu.yield
    }) : () -> ()
    %mul3A_71 = arith.constant 640 : i32
    %mul3A_72 = arith.muli %arg1, %mul3A_71 : i32
    %run_scoped3A_73 = arith.constant 13 : i32
    "tpu.region"() ({
      %run_scoped3A_91 = tpu.sem_alloc : memref<!tpu.dma_semaphore, #tpu.memory_space<semaphore_mem>>
      %dma_start3A = arith.constant 8320 : i32
      %dma_start3A_92 = tpu.memref_slice %arg7[%dma_start3A] : memref<10240xf32, #tpu.memory_space<vmem>> -> memref<640xf32, #tpu.memory_space<vmem>>
      %dma_start3A_93 = tpu.memref_slice %arg8[%run_scoped3A_73, %mul3A_72] : memref<16x10240xf32, #tpu.memory_space<vmem_shared>> -> memref<1x640xf32, #tpu.memory_space<vmem_shared>>
      %dma_start3A_94 = tpu.memref_squeeze %dma_start3A_93 : memref<1x640xf32, #tpu.memory_space<vmem_shared>> -> memref<640xf32, #tpu.memory_space<vmem_shared>>
      %dma_start3A_95 = arith.constant 8320 : i32
      %dma_start3A_96 = tpu.memref_slice %arg7[%dma_start3A_95] : memref<10240xf32, #tpu.memory_space<vmem>> -> memref<640xf32, #tpu.memory_space<vmem>>
      %dma_start3A_97 = tpu.memref_slice %arg8[%run_scoped3A_73, %mul3A_72] : memref<16x10240xf32, #tpu.memory_space<vmem_shared>> -> memref<1x640xf32, #tpu.memory_space<vmem_shared>>
      %dma_start3A_98 = tpu.memref_squeeze %dma_start3A_97 : memref<1x640xf32, #tpu.memory_space<vmem_shared>> -> memref<640xf32, #tpu.memory_space<vmem_shared>>
      tpu.enqueue_dma source(%dma_start3A_98 : memref<640xf32, #tpu.memory_space<vmem_shared>>) target(%dma_start3A_96 : memref<640xf32, #tpu.memory_space<vmem>>) target_semaphore(%run_scoped3A_91 : memref<!tpu.dma_semaphore, #tpu.memory_space<semaphore_mem>>)
      %dma_wait3A = arith.constant 8320 : i32
      %dma_wait3A_99 = tpu.memref_slice %arg7[%dma_wait3A] : memref<10240xf32, #tpu.memory_space<vmem>> -> memref<640xf32, #tpu.memory_space<vmem>>
      %dma_wait3A_100 = tpu.memref_slice %arg8[%run_scoped3A_73, %mul3A_72] : memref<16x10240xf32, #tpu.memory_space<vmem_shared>> -> memref<1x640xf32, #tpu.memory_space<vmem_shared>>
      %dma_wait3A_101 = tpu.memref_squeeze %dma_wait3A_100 : memref<1x640xf32, #tpu.memory_space<vmem_shared>> -> memref<640xf32, #tpu.memory_space<vmem_shared>>
      %dma_wait3A_102 = arith.constant 8320 : i32
      %dma_wait3A_103 = tpu.memref_slice %arg7[%dma_wait3A_102] : memref<10240xf32, #tpu.memory_space<vmem>> -> memref<640xf32, #tpu.memory_space<vmem>>
      %dma_wait3A_104 = tpu.memref_slice %arg8[%run_scoped3A_73, %mul3A_72] : memref<16x10240xf32, #tpu.memory_space<vmem_shared>> -> memref<1x640xf32, #tpu.memory_space<vmem_shared>>
      %dma_wait3A_105 = tpu.memref_squeeze %dma_wait3A_104 : memref<1x640xf32, #tpu.memory_space<vmem_shared>> -> memref<640xf32, #tpu.memory_space<vmem_shared>>
      tpu.wait_dma2 semaphore(%run_scoped3A_91 : memref<!tpu.dma_semaphore, #tpu.memory_space<semaphore_mem>>) src(%dma_wait3A_105 : memref<640xf32, #tpu.memory_space<vmem_shared>>) dst(%dma_wait3A_103 : memref<640xf32, #tpu.memory_space<vmem>>)
      tpu.yield
    }) : () -> ()
    %mul3A_74 = arith.constant 640 : i32
    %mul3A_75 = arith.muli %arg1, %mul3A_74 : i32
    %run_scoped3A_76 = arith.constant 14 : i32
    "tpu.region"() ({
      %run_scoped3A_91 = tpu.sem_alloc : memref<!tpu.dma_semaphore, #tpu.memory_space<semaphore_mem>>
      %dma_start3A = arith.constant 8960 : i32
      %dma_start3A_92 = tpu.memref_slice %arg7[%dma_start3A] : memref<10240xf32, #tpu.memory_space<vmem>> -> memref<640xf32, #tpu.memory_space<vmem>>
      %dma_start3A_93 = tpu.memref_slice %arg8[%run_scoped3A_76, %mul3A_75] : memref<16x10240xf32, #tpu.memory_space<vmem_shared>> -> memref<1x640xf32, #tpu.memory_space<vmem_shared>>
      %dma_start3A_94 = tpu.memref_squeeze %dma_start3A_93 : memref<1x640xf32, #tpu.memory_space<vmem_shared>> -> memref<640xf32, #tpu.memory_space<vmem_shared>>
      %dma_start3A_95 = arith.constant 8960 : i32
      %dma_start3A_96 = tpu.memref_slice %arg7[%dma_start3A_95] : memref<10240xf32, #tpu.memory_space<vmem>> -> memref<640xf32, #tpu.memory_space<vmem>>
      %dma_start3A_97 = tpu.memref_slice %arg8[%run_scoped3A_76, %mul3A_75] : memref<16x10240xf32, #tpu.memory_space<vmem_shared>> -> memref<1x640xf32, #tpu.memory_space<vmem_shared>>
      %dma_start3A_98 = tpu.memref_squeeze %dma_start3A_97 : memref<1x640xf32, #tpu.memory_space<vmem_shared>> -> memref<640xf32, #tpu.memory_space<vmem_shared>>
      tpu.enqueue_dma source(%dma_start3A_98 : memref<640xf32, #tpu.memory_space<vmem_shared>>) target(%dma_start3A_96 : memref<640xf32, #tpu.memory_space<vmem>>) target_semaphore(%run_scoped3A_91 : memref<!tpu.dma_semaphore, #tpu.memory_space<semaphore_mem>>)
      %dma_wait3A = arith.constant 8960 : i32
      %dma_wait3A_99 = tpu.memref_slice %arg7[%dma_wait3A] : memref<10240xf32, #tpu.memory_space<vmem>> -> memref<640xf32, #tpu.memory_space<vmem>>
      %dma_wait3A_100 = tpu.memref_slice %arg8[%run_scoped3A_76, %mul3A_75] : memref<16x10240xf32, #tpu.memory_space<vmem_shared>> -> memref<1x640xf32, #tpu.memory_space<vmem_shared>>
      %dma_wait3A_101 = tpu.memref_squeeze %dma_wait3A_100 : memref<1x640xf32, #tpu.memory_space<vmem_shared>> -> memref<640xf32, #tpu.memory_space<vmem_shared>>
      %dma_wait3A_102 = arith.constant 8960 : i32
      %dma_wait3A_103 = tpu.memref_slice %arg7[%dma_wait3A_102] : memref<10240xf32, #tpu.memory_space<vmem>> -> memref<640xf32, #tpu.memory_space<vmem>>
      %dma_wait3A_104 = tpu.memref_slice %arg8[%run_scoped3A_76, %mul3A_75] : memref<16x10240xf32, #tpu.memory_space<vmem_shared>> -> memref<1x640xf32, #tpu.memory_space<vmem_shared>>
      %dma_wait3A_105 = tpu.memref_squeeze %dma_wait3A_104 : memref<1x640xf32, #tpu.memory_space<vmem_shared>> -> memref<640xf32, #tpu.memory_space<vmem_shared>>
      tpu.wait_dma2 semaphore(%run_scoped3A_91 : memref<!tpu.dma_semaphore, #tpu.memory_space<semaphore_mem>>) src(%dma_wait3A_105 : memref<640xf32, #tpu.memory_space<vmem_shared>>) dst(%dma_wait3A_103 : memref<640xf32, #tpu.memory_space<vmem>>)
      tpu.yield
    }) : () -> ()
    %mul3A_77 = arith.constant 640 : i32
    %mul3A_78 = arith.muli %arg1, %mul3A_77 : i32
    %run_scoped3A_79 = arith.constant 15 : i32
    "tpu.region"() ({
      %run_scoped3A_91 = tpu.sem_alloc : memref<!tpu.dma_semaphore, #tpu.memory_space<semaphore_mem>>
      %dma_start3A = arith.constant 9600 : i32
      %dma_start3A_92 = tpu.memref_slice %arg7[%dma_start3A] : memref<10240xf32, #tpu.memory_space<vmem>> -> memref<640xf32, #tpu.memory_space<vmem>>
      %dma_start3A_93 = tpu.memref_slice %arg8[%run_scoped3A_79, %mul3A_78] : memref<16x10240xf32, #tpu.memory_space<vmem_shared>> -> memref<1x640xf32, #tpu.memory_space<vmem_shared>>
      %dma_start3A_94 = tpu.memref_squeeze %dma_start3A_93 : memref<1x640xf32, #tpu.memory_space<vmem_shared>> -> memref<640xf32, #tpu.memory_space<vmem_shared>>
      %dma_start3A_95 = arith.constant 9600 : i32
      %dma_start3A_96 = tpu.memref_slice %arg7[%dma_start3A_95] : memref<10240xf32, #tpu.memory_space<vmem>> -> memref<640xf32, #tpu.memory_space<vmem>>
      %dma_start3A_97 = tpu.memref_slice %arg8[%run_scoped3A_79, %mul3A_78] : memref<16x10240xf32, #tpu.memory_space<vmem_shared>> -> memref<1x640xf32, #tpu.memory_space<vmem_shared>>
      %dma_start3A_98 = tpu.memref_squeeze %dma_start3A_97 : memref<1x640xf32, #tpu.memory_space<vmem_shared>> -> memref<640xf32, #tpu.memory_space<vmem_shared>>
      tpu.enqueue_dma source(%dma_start3A_98 : memref<640xf32, #tpu.memory_space<vmem_shared>>) target(%dma_start3A_96 : memref<640xf32, #tpu.memory_space<vmem>>) target_semaphore(%run_scoped3A_91 : memref<!tpu.dma_semaphore, #tpu.memory_space<semaphore_mem>>)
      %dma_wait3A = arith.constant 9600 : i32
      %dma_wait3A_99 = tpu.memref_slice %arg7[%dma_wait3A] : memref<10240xf32, #tpu.memory_space<vmem>> -> memref<640xf32, #tpu.memory_space<vmem>>
      %dma_wait3A_100 = tpu.memref_slice %arg8[%run_scoped3A_79, %mul3A_78] : memref<16x10240xf32, #tpu.memory_space<vmem_shared>> -> memref<1x640xf32, #tpu.memory_space<vmem_shared>>
      %dma_wait3A_101 = tpu.memref_squeeze %dma_wait3A_100 : memref<1x640xf32, #tpu.memory_space<vmem_shared>> -> memref<640xf32, #tpu.memory_space<vmem_shared>>
      %dma_wait3A_102 = arith.constant 9600 : i32
      %dma_wait3A_103 = tpu.memref_slice %arg7[%dma_wait3A_102] : memref<10240xf32, #tpu.memory_space<vmem>> -> memref<640xf32, #tpu.memory_space<vmem>>
      %dma_wait3A_104 = tpu.memref_slice %arg8[%run_scoped3A_79, %mul3A_78] : memref<16x10240xf32, #tpu.memory_space<vmem_shared>> -> memref<1x640xf32, #tpu.memory_space<vmem_shared>>
      %dma_wait3A_105 = tpu.memref_squeeze %dma_wait3A_104 : memref<1x640xf32, #tpu.memory_space<vmem_shared>> -> memref<640xf32, #tpu.memory_space<vmem_shared>>
      tpu.wait_dma2 semaphore(%run_scoped3A_91 : memref<!tpu.dma_semaphore, #tpu.memory_space<semaphore_mem>>) src(%dma_wait3A_105 : memref<640xf32, #tpu.memory_space<vmem_shared>>) dst(%dma_wait3A_103 : memref<640xf32, #tpu.memory_space<vmem>>)
      tpu.yield
    }) : () -> ()
    %scan3A_80 = arith.constant 0 : i32
    %scan3A_81 = arith.constant 0 : i32
    %scan3A_82 = arith.constant 40 : i32
    %scan3A_83 = arith.addi %scan3A_81, %scan3A_82 : i32
    %scan3A_84 = arith.constant 1 : i32
    scf.for %scan3A_91 = %scan3A_81 to %scan3A_83 step %scan3A_84  : i32 {
      %mul3A_92 = arith.constant 16 : i32
      %mul3A_93 = arith.muli %scan3A_91, %mul3A_92 : i32
      %get3A = arith.index_cast %mul3A_93 : i32 to index
      %get3A_94 = tpu.vector_load %arg7[%get3A] {strides = array<i32>} : memref<10240xf32, #tpu.memory_space<vmem>>, vector<16xf32>,
      %mul3A_95 = arith.constant 16 : i32
      %mul3A_96 = arith.muli %scan3A_91, %mul3A_95 : i32
      %add3A_97 = arith.constant 640 : i32
      %add3A_98 = arith.addi %add3A_97, %mul3A_96 : i32
      %get3A_99 = arith.index_cast %add3A_98 : i32 to index
      %get3A_100 = tpu.vector_load %arg7[%get3A_99] {strides = array<i32>} : memref<10240xf32, #tpu.memory_space<vmem>>, vector<16xf32>,
      %add3A_101 = arith.addf %get3A_94, %get3A_100 : vector<16xf32>
      %mul3A_102 = arith.constant 16 : i32
      %mul3A_103 = arith.muli %scan3A_91, %mul3A_102 : i32
      %add3A_104 = arith.constant 1280 : i32
      %add3A_105 = arith.addi %add3A_104, %mul3A_103 : i32
      %get3A_106 = arith.index_cast %add3A_105 : i32 to index
      %get3A_107 = tpu.vector_load %arg7[%get3A_106] {strides = array<i32>} : memref<10240xf32, #tpu.memory_space<vmem>>, vector<16xf32>,
      %add3A_108 = arith.addf %add3A_101, %get3A_107 : vector<16xf32>
      %mul3A_109 = arith.constant 16 : i32
      %mul3A_110 = arith.muli %scan3A_91, %mul3A_109 : i32
      %add3A_111 = arith.constant 1920 : i32
      %add3A_112 = arith.addi %add3A_111, %mul3A_110 : i32
      %get3A_113 = arith.index_cast %add3A_112 : i32 to index
      %get3A_114 = tpu.vector_load %arg7[%get3A_113] {strides = array<i32>} : memref<10240xf32, #tpu.memory_space<vmem>>, vector<16xf32>,
      %add3A_115 = arith.addf %add3A_108, %get3A_114 : vector<16xf32>
      %mul3A_116 = arith.constant 16 : i32
      %mul3A_117 = arith.muli %scan3A_91, %mul3A_116 : i32
      %add3A_118 = arith.constant 2560 : i32
      %add3A_119 = arith.addi %add3A_118, %mul3A_117 : i32
      %get3A_120 = arith.index_cast %add3A_119 : i32 to index
      %get3A_121 = tpu.vector_load %arg7[%get3A_120] {strides = array<i32>} : memref<10240xf32, #tpu.memory_space<vmem>>, vector<16xf32>,
      %add3A_122 = arith.addf %add3A_115, %get3A_121 : vector<16xf32>
      %mul3A_123 = arith.constant 16 : i32
      %mul3A_124 = arith.muli %scan3A_91, %mul3A_123 : i32
      %add3A_125 = arith.constant 3200 : i32
      %add3A_126 = arith.addi %add3A_125, %mul3A_124 : i32
      %get3A_127 = arith.index_cast %add3A_126 : i32 to index
      %get3A_128 = tpu.vector_load %arg7[%get3A_127] {strides = array<i32>} : memref<10240xf32, #tpu.memory_space<vmem>>, vector<16xf32>,
      %add3A_129 = arith.addf %add3A_122, %get3A_128 : vector<16xf32>
      %mul3A_130 = arith.constant 16 : i32
      %mul3A_131 = arith.muli %scan3A_91, %mul3A_130 : i32
      %add3A_132 = arith.constant 3840 : i32
      %add3A_133 = arith.addi %add3A_132, %mul3A_131 : i32
      %get3A_134 = arith.index_cast %add3A_133 : i32 to index
      %get3A_135 = tpu.vector_load %arg7[%get3A_134] {strides = array<i32>} : memref<10240xf32, #tpu.memory_space<vmem>>, vector<16xf32>,
      %add3A_136 = arith.addf %add3A_129, %get3A_135 : vector<16xf32>
      %mul3A_137 = arith.constant 16 : i32
      %mul3A_138 = arith.muli %scan3A_91, %mul3A_137 : i32
      %add3A_139 = arith.constant 4480 : i32
      %add3A_140 = arith.addi %add3A_139, %mul3A_138 : i32
      %get3A_141 = arith.index_cast %add3A_140 : i32 to index
      %get3A_142 = tpu.vector_load %arg7[%get3A_141] {strides = array<i32>} : memref<10240xf32, #tpu.memory_space<vmem>>, vector<16xf32>,
      %add3A_143 = arith.addf %add3A_136, %get3A_142 : vector<16xf32>
      %mul3A_144 = arith.constant 16 : i32
      %mul3A_145 = arith.muli %scan3A_91, %mul3A_144 : i32
      %add3A_146 = arith.constant 5120 : i32
      %add3A_147 = arith.addi %add3A_146, %mul3A_145 : i32
      %get3A_148 = arith.index_cast %add3A_147 : i32 to index
      %get3A_149 = tpu.vector_load %arg7[%get3A_148] {strides = array<i32>} : memref<10240xf32, #tpu.memory_space<vmem>>, vector<16xf32>,
      %add3A_150 = arith.addf %add3A_143, %get3A_149 : vector<16xf32>
      %mul3A_151 = arith.constant 16 : i32
      %mul3A_152 = arith.muli %scan3A_91, %mul3A_151 : i32
      %add3A_153 = arith.constant 5760 : i32
      %add3A_154 = arith.addi %add3A_153, %mul3A_152 : i32
      %get3A_155 = arith.index_cast %add3A_154 : i32 to index
      %get3A_156 = tpu.vector_load %arg7[%get3A_155] {strides = array<i32>} : memref<10240xf32, #tpu.memory_space<vmem>>, vector<16xf32>,
      %add3A_157 = arith.addf %add3A_150, %get3A_156 : vector<16xf32>
      %mul3A_158 = arith.constant 16 : i32
      %mul3A_159 = arith.muli %scan3A_91, %mul3A_158 : i32
      %add3A_160 = arith.constant 6400 : i32
      %add3A_161 = arith.addi %add3A_160, %mul3A_159 : i32
      %get3A_162 = arith.index_cast %add3A_161 : i32 to index
      %get3A_163 = tpu.vector_load %arg7[%get3A_162] {strides = array<i32>} : memref<10240xf32, #tpu.memory_space<vmem>>, vector<16xf32>,
      %add3A_164 = arith.addf %add3A_157, %get3A_163 : vector<16xf32>
      %mul3A_165 = arith.constant 16 : i32
      %mul3A_166 = arith.muli %scan3A_91, %mul3A_165 : i32
      %add3A_167 = arith.constant 7040 : i32
      %add3A_168 = arith.addi %add3A_167, %mul3A_166 : i32
      %get3A_169 = arith.index_cast %add3A_168 : i32 to index
      %get3A_170 = tpu.vector_load %arg7[%get3A_169] {strides = array<i32>} : memref<10240xf32, #tpu.memory_space<vmem>>, vector<16xf32>,
      %add3A_171 = arith.addf %add3A_164, %get3A_170 : vector<16xf32>
      %mul3A_172 = arith.constant 16 : i32
      %mul3A_173 = arith.muli %scan3A_91, %mul3A_172 : i32
      %add3A_174 = arith.constant 7680 : i32
      %add3A_175 = arith.addi %add3A_174, %mul3A_173 : i32
      %get3A_176 = arith.index_cast %add3A_175 : i32 to index
      %get3A_177 = tpu.vector_load %arg7[%get3A_176] {strides = array<i32>} : memref<10240xf32, #tpu.memory_space<vmem>>, vector<16xf32>,
      %add3A_178 = arith.addf %add3A_171, %get3A_177 : vector<16xf32>
      %mul3A_179 = arith.constant 16 : i32
      %mul3A_180 = arith.muli %scan3A_91, %mul3A_179 : i32
      %add3A_181 = arith.constant 8320 : i32
      %add3A_182 = arith.addi %add3A_181, %mul3A_180 : i32
      %get3A_183 = arith.index_cast %add3A_182 : i32 to index
      %get3A_184 = tpu.vector_load %arg7[%get3A_183] {strides = array<i32>} : memref<10240xf32, #tpu.memory_space<vmem>>, vector<16xf32>,
      %add3A_185 = arith.addf %add3A_178, %get3A_184 : vector<16xf32>
      %mul3A_186 = arith.constant 16 : i32
      %mul3A_187 = arith.muli %scan3A_91, %mul3A_186 : i32
      %add3A_188 = arith.constant 8960 : i32
      %add3A_189 = arith.addi %add3A_188, %mul3A_187 : i32
      %get3A_190 = arith.index_cast %add3A_189 : i32 to index
      %get3A_191 = tpu.vector_load %arg7[%get3A_190] {strides = array<i32>} : memref<10240xf32, #tpu.memory_space<vmem>>, vector<16xf32>,
      %add3A_192 = arith.addf %add3A_185, %get3A_191 : vector<16xf32>
      %mul3A_193 = arith.constant 16 : i32
      %mul3A_194 = arith.muli %scan3A_91, %mul3A_193 : i32
      %add3A_195 = arith.constant 9600 : i32
      %add3A_196 = arith.addi %add3A_195, %mul3A_194 : i32
      %get3A_197 = arith.index_cast %add3A_196 : i32 to index
      %get3A_198 = tpu.vector_load %arg7[%get3A_197] {strides = array<i32>} : memref<10240xf32, #tpu.memory_space<vmem>>, vector<16xf32>,
      %add3A_199 = arith.addf %add3A_192, %get3A_198 : vector<16xf32>
      %mul3A_200 = arith.constant 16 : i32
      %mul3A_201 = arith.muli %scan3A_91, %mul3A_200 : i32
      %swap3A = arith.index_cast %mul3A_201 : i32 to index
      %swap3A_202 = tpu.vector_load %arg6[%swap3A] {strides = array<i32>} : memref<10240xf32, #tpu.memory_space<vmem>>, vector<16xf32>,
      tpu.vector_store %arg6[%swap3A], %add3A_199 {strides = array<i32>} : memref<10240xf32, #tpu.memory_space<vmem>>, vector<16xf32>,
    }
    %scan3A_85 = arith.constant 40 : i32
    %mul3A_86 = arith.constant 10240 : i32
    %mul3A_87 = arith.muli %arg0, %mul3A_86 : i32
    %mul3A_88 = arith.constant 640 : i32
    %mul3A_89 = arith.muli %arg1, %mul3A_88 : i32
    %add3A_90 = arith.addi %mul3A_87, %mul3A_89 : i32
    "tpu.region"() ({
      %run_scoped3A_91 = tpu.sem_alloc : memref<!tpu.dma_semaphore, #tpu.memory_space<semaphore_mem>>
      %dma_start3A = arith.constant 0 : i32
      %dma_start3A_92 = tpu.memref_slice %arg6[%dma_start3A] : memref<10240xf32, #tpu.memory_space<vmem>> -> memref<640xf32, #tpu.memory_space<vmem>>
      %dma_start3A_93 = tpu.memref_slice %arg3[%add3A_90] : memref<20480xf32, #tpu.memory_space<hbm>> -> memref<640xf32, #tpu.memory_space<hbm>>
      %dma_start3A_94 = tpu.memref_slice %arg3[%add3A_90] : memref<20480xf32, #tpu.memory_space<hbm>> -> memref<640xf32, #tpu.memory_space<hbm>>
      %dma_start3A_95 = arith.constant 0 : i32
      %dma_start3A_96 = tpu.memref_slice %arg6[%dma_start3A_95] : memref<10240xf32, #tpu.memory_space<vmem>> -> memref<640xf32, #tpu.memory_space<vmem>>
      tpu.enqueue_dma source(%dma_start3A_96 : memref<640xf32, #tpu.memory_space<vmem>>) target(%dma_start3A_94 : memref<640xf32, #tpu.memory_space<hbm>>) target_semaphore(%run_scoped3A_91 : memref<!tpu.dma_semaphore, #tpu.memory_space<semaphore_mem>>)
      %dma_wait3A = arith.constant 0 : i32
      %dma_wait3A_97 = tpu.memref_slice %arg6[%dma_wait3A] : memref<10240xf32, #tpu.memory_space<vmem>> -> memref<640xf32, #tpu.memory_space<vmem>>
      %dma_wait3A_98 = tpu.memref_slice %arg3[%add3A_90] : memref<20480xf32, #tpu.memory_space<hbm>> -> memref<640xf32, #tpu.memory_space<hbm>>
      %dma_wait3A_99 = tpu.memref_slice %arg3[%add3A_90] : memref<20480xf32, #tpu.memory_space<hbm>> -> memref<640xf32, #tpu.memory_space<hbm>>
      %dma_wait3A_100 = arith.constant 0 : i32
      %dma_wait3A_101 = tpu.memref_slice %arg6[%dma_wait3A_100] : memref<10240xf32, #tpu.memory_space<vmem>> -> memref<640xf32, #tpu.memory_space<vmem>>
      tpu.wait_dma2 semaphore(%run_scoped3A_91 : memref<!tpu.dma_semaphore, #tpu.memory_space<semaphore_mem>>) src(%dma_wait3A_101 : memref<640xf32, #tpu.memory_space<vmem>>) dst(%dma_wait3A_99 : memref<640xf32, #tpu.memory_space<hbm>>)
      tpu.yield
    }) : () -> ()
    return
  }
}

#map = affine_map<(d0, d1) -> (0, 0)>
#map1 = affine_map<(d0, d1) -> (0)>
module attributes {stable_mosaic.version = 14 : i64} {
  func.func @agg(%arg0: i32, %arg1: i32, %arg2: memref<20480x128xf32, #tpu.memory_space<hbm>>, %arg3: memref<327680xi32, #tpu.memory_space<hbm>>, %arg4: memref<2560x128xi32, #tpu.memory_space<hbm>>, %arg5: memref<20480x128xf32, #tpu.memory_space<hbm>>, %arg6: memref<2048xi32, #tpu.memory_space<vmem>>, %arg7: memref<16x128xi32, #tpu.memory_space<vmem>>, %arg8: memref<128x128xf32, #tpu.memory_space<vmem>>, %arg9: memref<128x128xf32, #tpu.memory_space<vmem>>, %arg10: memref<10240x128xf32, #tpu.memory_space<vmem_shared>>, %arg11: memref<!tpu.dma_semaphore, #tpu.memory_space<semaphore_mem>>, %arg12: memref<!tpu.dma_semaphore, #tpu.memory_space<semaphore_mem>>, %arg13: memref<!tpu.dma_semaphore, #tpu.memory_space<semaphore_mem>>, %arg14: memref<!tpu.dma_semaphore, #tpu.memory_space<semaphore_mem>>) attributes {dimension_semantics = [#tpu.dimension_semantics<core_parallel>, #tpu.dimension_semantics<subcore_parallel>], iteration_bounds = array<i64: 2, 16>, scalar_prefetch = 0 : i64, scratch_operands = 9 : i64, tpu.core_type = #tpu.core_type<sc_vector_subcore>, window_params = [{transform_indices = #map}, {transform_indices = #map1}, {transform_indices = #map}, {transform_indices = #map}]} {
    %mul3A = arith.constant 640 : i32
    %mul3A_0 = arith.muli %arg1, %mul3A : i32
    %mul3A_1 = arith.constant 10240 : i32
    %mul3A_2 = arith.muli %arg0, %mul3A_1 : i32
    %add3A = arith.addi %mul3A_2, %mul3A_0 : i32
    "tpu.region"() ({
      %run_scoped3A = tpu.sem_alloc : memref<!tpu.dma_semaphore, #tpu.memory_space<semaphore_mem>>
      %dma_start3A = arith.constant 0 : i32
      %dma_start3A_19 = tpu.memref_slice %arg10[%mul3A_0, %dma_start3A] : memref<10240x128xf32, #tpu.memory_space<vmem_shared>> -> memref<640x128xf32, #tpu.memory_space<vmem_shared>>
      %dma_start3A_20 = arith.constant 0 : i32
      %dma_start3A_21 = tpu.memref_slice %arg2[%add3A, %dma_start3A_20] : memref<20480x128xf32, #tpu.memory_space<hbm>> -> memref<640x128xf32, #tpu.memory_space<hbm>>
      tpu.enqueue_dma source(%dma_start3A_21 : memref<640x128xf32, #tpu.memory_space<hbm>>) target(%dma_start3A_19 : memref<640x128xf32, #tpu.memory_space<vmem_shared>>) target_semaphore(%run_scoped3A : memref<!tpu.dma_semaphore, #tpu.memory_space<semaphore_mem>>)
      %dma_wait3A = arith.constant 0 : i32
      %dma_wait3A_22 = tpu.memref_slice %arg10[%mul3A_0, %dma_wait3A] : memref<10240x128xf32, #tpu.memory_space<vmem_shared>> -> memref<640x128xf32, #tpu.memory_space<vmem_shared>>
      %dma_wait3A_23 = arith.constant 0 : i32
      %dma_wait3A_24 = tpu.memref_slice %arg2[%add3A, %dma_wait3A_23] : memref<20480x128xf32, #tpu.memory_space<hbm>> -> memref<640x128xf32, #tpu.memory_space<hbm>>
      tpu.wait_dma2 semaphore(%run_scoped3A : memref<!tpu.dma_semaphore, #tpu.memory_space<semaphore_mem>>) src(%dma_wait3A_24 : memref<640x128xf32, #tpu.memory_space<hbm>>) dst(%dma_wait3A_22 : memref<640x128xf32, #tpu.memory_space<vmem_shared>>)
      tpu.yield
    }) : () -> ()
    %barrier3A = arith.constant 0 : index
    tpu.barrier barrier_id(%barrier3A)
    %mul3A_3 = arith.constant 1280 : i32
    %mul3A_4 = arith.muli %arg0, %mul3A_3 : i32
    %mul3A_5 = arith.constant 80 : i32
    %mul3A_6 = arith.muli %arg1, %mul3A_5 : i32
    %add3A_7 = arith.addi %mul3A_4, %mul3A_6 : i32
    %mul3A_8 = arith.constant 10240 : i32
    %mul3A_9 = arith.muli %arg0, %mul3A_8 : i32
    %scan3A = arith.constant 0 : i32
    %scan3A_10 = arith.constant 0 : i32
    %scan3A_11 = arith.constant 5 : i32
    %scan3A_12 = arith.addi %scan3A_10, %scan3A_11 : i32
    %scan3A_13 = arith.constant 1 : i32
    scf.for %scan3A_19 = %scan3A_10 to %scan3A_12 step %scan3A_13  : i32 {
      %mul3A_20 = arith.constant 16 : i32
      %mul3A_21 = arith.muli %scan3A_19, %mul3A_20 : i32
      %add3A_22 = arith.addi %add3A_7, %mul3A_21 : i32
      %mul3A_23 = arith.constant 128 : i32
      %mul3A_24 = arith.muli %add3A_22, %mul3A_23 : i32
      "tpu.region"() ({
        %run_scoped3A = tpu.sem_alloc : memref<!tpu.dma_semaphore, #tpu.memory_space<semaphore_mem>>
        %dma_start3A_410 = tpu.memref_slice %arg3[%mul3A_24] : memref<327680xi32, #tpu.memory_space<hbm>> -> memref<2048xi32, #tpu.memory_space<hbm>>
        %dma_start3A_411 = tpu.memref_slice %arg3[%mul3A_24] : memref<327680xi32, #tpu.memory_space<hbm>> -> memref<2048xi32, #tpu.memory_space<hbm>>
        tpu.enqueue_dma source(%dma_start3A_411 : memref<2048xi32, #tpu.memory_space<hbm>>) target(%arg6 : memref<2048xi32, #tpu.memory_space<vmem>>) target_semaphore(%run_scoped3A : memref<!tpu.dma_semaphore, #tpu.memory_space<semaphore_mem>>)
        %dma_wait3A_412 = tpu.memref_slice %arg3[%mul3A_24] : memref<327680xi32, #tpu.memory_space<hbm>> -> memref<2048xi32, #tpu.memory_space<hbm>>
        %dma_wait3A_413 = tpu.memref_slice %arg3[%mul3A_24] : memref<327680xi32, #tpu.memory_space<hbm>> -> memref<2048xi32, #tpu.memory_space<hbm>>
        tpu.wait_dma2 semaphore(%run_scoped3A : memref<!tpu.dma_semaphore, #tpu.memory_space<semaphore_mem>>) src(%dma_wait3A_413 : memref<2048xi32, #tpu.memory_space<hbm>>) dst(%arg6 : memref<2048xi32, #tpu.memory_space<vmem>>)
        tpu.yield
      }) : () -> ()
      %mul3A_25 = arith.constant 16 : i32
      %mul3A_26 = arith.muli %scan3A_19, %mul3A_25 : i32
      %add3A_27 = arith.addi %add3A_7, %mul3A_26 : i32
      "tpu.region"() ({
        %run_scoped3A = tpu.sem_alloc : memref<!tpu.dma_semaphore, #tpu.memory_space<semaphore_mem>>
        %dma_start3A_410 = arith.constant 0 : i32
        %dma_start3A_411 = tpu.memref_slice %arg4[%add3A_27, %dma_start3A_410] : memref<2560x128xi32, #tpu.memory_space<hbm>> -> memref<16x128xi32, #tpu.memory_space<hbm>>
        %dma_start3A_412 = arith.constant 0 : i32
        %dma_start3A_413 = tpu.memref_slice %arg4[%add3A_27, %dma_start3A_412] : memref<2560x128xi32, #tpu.memory_space<hbm>> -> memref<16x128xi32, #tpu.memory_space<hbm>>
        tpu.enqueue_dma source(%dma_start3A_413 : memref<16x128xi32, #tpu.memory_space<hbm>>) target(%arg7 : memref<16x128xi32, #tpu.memory_space<vmem>>) target_semaphore(%run_scoped3A : memref<!tpu.dma_semaphore, #tpu.memory_space<semaphore_mem>>)
        %dma_wait3A_414 = arith.constant 0 : i32
        %dma_wait3A_415 = tpu.memref_slice %arg4[%add3A_27, %dma_wait3A_414] : memref<2560x128xi32, #tpu.memory_space<hbm>> -> memref<16x128xi32, #tpu.memory_space<hbm>>
        %dma_wait3A_416 = arith.constant 0 : i32
        %dma_wait3A_417 = tpu.memref_slice %arg4[%add3A_27, %dma_wait3A_416] : memref<2560x128xi32, #tpu.memory_space<hbm>> -> memref<16x128xi32, #tpu.memory_space<hbm>>
        tpu.wait_dma2 semaphore(%run_scoped3A : memref<!tpu.dma_semaphore, #tpu.memory_space<semaphore_mem>>) src(%dma_wait3A_417 : memref<16x128xi32, #tpu.memory_space<hbm>>) dst(%arg7 : memref<16x128xi32, #tpu.memory_space<vmem>>)
        tpu.yield
      }) : () -> ()
      %dma_start3A = arith.constant 0 : i32
      %dma_start3A_28 = tpu.memref_slice %arg6[%dma_start3A] : memref<2048xi32, #tpu.memory_space<vmem>> -> memref<128xi32, #tpu.memory_space<vmem>>
      %dma_start3A_29 = arith.constant 0 : i32
      %dma_start3A_30 = arith.constant 0 : i32
      %dma_start3A_31 = tpu.memref_slice %arg2[%dma_start3A_29, %dma_start3A_30] : memref<20480x128xf32, #tpu.memory_space<hbm>> -> memref<20480x128xf32, #tpu.memory_space<hbm>>
      tpu.enqueue_indirect_dma source(%dma_start3A_31 : memref<20480x128xf32, #tpu.memory_space<hbm>>) target(%arg8 : memref<128x128xf32, #tpu.memory_space<vmem>>) offsets(%dma_start3A_28 : memref<128xi32, #tpu.memory_space<vmem>>) semaphore(%arg11 : memref<!tpu.dma_semaphore, #tpu.memory_space<semaphore_mem>>)
      %dma_start3A_32 = arith.constant 128 : i32
      %dma_start3A_33 = tpu.memref_slice %arg6[%dma_start3A_32] : memref<2048xi32, #tpu.memory_space<vmem>> -> memref<128xi32, #tpu.memory_space<vmem>>
      %dma_start3A_34 = arith.constant 0 : i32
      %dma_start3A_35 = arith.constant 0 : i32
      %dma_start3A_36 = tpu.memref_slice %arg2[%dma_start3A_34, %dma_start3A_35] : memref<20480x128xf32, #tpu.memory_space<hbm>> -> memref<20480x128xf32, #tpu.memory_space<hbm>>
      tpu.enqueue_indirect_dma source(%dma_start3A_36 : memref<20480x128xf32, #tpu.memory_space<hbm>>) target(%arg9 : memref<128x128xf32, #tpu.memory_space<vmem>>) offsets(%dma_start3A_33 : memref<128xi32, #tpu.memory_space<vmem>>) semaphore(%arg12 : memref<!tpu.dma_semaphore, #tpu.memory_space<semaphore_mem>>)
      %dma_wait3A = arith.constant 0 : i32
      %dma_wait3A_37 = tpu.memref_slice %arg6[%dma_wait3A] : memref<2048xi32, #tpu.memory_space<vmem>> -> memref<128xi32, #tpu.memory_space<vmem>>
      %dma_wait3A_38 = arith.constant 0 : i32
      %dma_wait3A_39 = arith.constant 0 : i32
      %dma_wait3A_40 = tpu.memref_slice %arg2[%dma_wait3A_38, %dma_wait3A_39] : memref<20480x128xf32, #tpu.memory_space<hbm>> -> memref<20480x128xf32, #tpu.memory_space<hbm>>
      tpu.wait_indirect_dma semaphore(%arg11 : memref<!tpu.dma_semaphore, #tpu.memory_space<semaphore_mem>>) src(%dma_wait3A_40 : memref<20480x128xf32, #tpu.memory_space<hbm>>) dst(%arg8 : memref<128x128xf32, #tpu.memory_space<vmem>>)
      %dma_start3A_41 = arith.constant 0 : i32
      %dma_start3A_42 = arith.constant 0 : i32
      %dma_start3A_43 = tpu.memref_slice %arg7[%dma_start3A_41, %dma_start3A_42] : memref<16x128xi32, #tpu.memory_space<vmem>> -> memref<1x128xi32, #tpu.memory_space<vmem>>
      %dma_start3A_44 = tpu.memref_squeeze %dma_start3A_43 : memref<1x128xi32, #tpu.memory_space<vmem>> -> memref<128xi32, #tpu.memory_space<vmem>>
      %dma_start3A_45 = arith.constant 0 : i32
      %dma_start3A_46 = arith.constant 0 : i32
      %dma_start3A_47 = tpu.memref_slice %arg10[%dma_start3A_45, %dma_start3A_46] : memref<10240x128xf32, #tpu.memory_space<vmem_shared>> -> memref<10240x128xf32, #tpu.memory_space<vmem_shared>>
      tpu.enqueue_indirect_dma source(%arg8 : memref<128x128xf32, #tpu.memory_space<vmem>>) target(%dma_start3A_47 : memref<10240x128xf32, #tpu.memory_space<vmem_shared>>) offsets(%dma_start3A_44 : memref<128xi32, #tpu.memory_space<vmem>>) semaphore(%arg13 : memref<!tpu.dma_semaphore, #tpu.memory_space<semaphore_mem>>) {add = true}
      %dma_wait3A_48 = arith.constant 0 : i32
      %dma_wait3A_49 = arith.constant 0 : i32
      %dma_wait3A_50 = tpu.memref_slice %arg7[%dma_wait3A_48, %dma_wait3A_49] : memref<16x128xi32, #tpu.memory_space<vmem>> -> memref<1x128xi32, #tpu.memory_space<vmem>>
      %dma_wait3A_51 = tpu.memref_squeeze %dma_wait3A_50 : memref<1x128xi32, #tpu.memory_space<vmem>> -> memref<128xi32, #tpu.memory_space<vmem>>
      %dma_wait3A_52 = arith.constant 0 : i32
      %dma_wait3A_53 = arith.constant 0 : i32
      %dma_wait3A_54 = tpu.memref_slice %arg10[%dma_wait3A_52, %dma_wait3A_53] : memref<10240x128xf32, #tpu.memory_space<vmem_shared>> -> memref<10240x128xf32, #tpu.memory_space<vmem_shared>>
      tpu.wait_indirect_dma semaphore(%arg13 : memref<!tpu.dma_semaphore, #tpu.memory_space<semaphore_mem>>) src(%arg8 : memref<128x128xf32, #tpu.memory_space<vmem>>) dst(%dma_wait3A_54 : memref<10240x128xf32, #tpu.memory_space<vmem_shared>>)
      %dma_start3A_55 = arith.constant 256 : i32
      %dma_start3A_56 = tpu.memref_slice %arg6[%dma_start3A_55] : memref<2048xi32, #tpu.memory_space<vmem>> -> memref<128xi32, #tpu.memory_space<vmem>>
      %dma_start3A_57 = arith.constant 0 : i32
      %dma_start3A_58 = arith.constant 0 : i32
      %dma_start3A_59 = tpu.memref_slice %arg2[%dma_start3A_57, %dma_start3A_58] : memref<20480x128xf32, #tpu.memory_space<hbm>> -> memref<20480x128xf32, #tpu.memory_space<hbm>>
      tpu.enqueue_indirect_dma source(%dma_start3A_59 : memref<20480x128xf32, #tpu.memory_space<hbm>>) target(%arg8 : memref<128x128xf32, #tpu.memory_space<vmem>>) offsets(%dma_start3A_56 : memref<128xi32, #tpu.memory_space<vmem>>) semaphore(%arg11 : memref<!tpu.dma_semaphore, #tpu.memory_space<semaphore_mem>>)
      %dma_wait3A_60 = arith.constant 128 : i32
      %dma_wait3A_61 = tpu.memref_slice %arg6[%dma_wait3A_60] : memref<2048xi32, #tpu.memory_space<vmem>> -> memref<128xi32, #tpu.memory_space<vmem>>
      %dma_wait3A_62 = arith.constant 0 : i32
      %dma_wait3A_63 = arith.constant 0 : i32
      %dma_wait3A_64 = tpu.memref_slice %arg2[%dma_wait3A_62, %dma_wait3A_63] : memref<20480x128xf32, #tpu.memory_space<hbm>> -> memref<20480x128xf32, #tpu.memory_space<hbm>>
      tpu.wait_indirect_dma semaphore(%arg12 : memref<!tpu.dma_semaphore, #tpu.memory_space<semaphore_mem>>) src(%dma_wait3A_64 : memref<20480x128xf32, #tpu.memory_space<hbm>>) dst(%arg9 : memref<128x128xf32, #tpu.memory_space<vmem>>)
      %dma_start3A_65 = arith.constant 1 : i32
      %dma_start3A_66 = arith.constant 0 : i32
      %dma_start3A_67 = tpu.memref_slice %arg7[%dma_start3A_65, %dma_start3A_66] : memref<16x128xi32, #tpu.memory_space<vmem>> -> memref<1x128xi32, #tpu.memory_space<vmem>>
      %dma_start3A_68 = tpu.memref_squeeze %dma_start3A_67 : memref<1x128xi32, #tpu.memory_space<vmem>> -> memref<128xi32, #tpu.memory_space<vmem>>
      %dma_start3A_69 = arith.constant 0 : i32
      %dma_start3A_70 = arith.constant 0 : i32
      %dma_start3A_71 = tpu.memref_slice %arg10[%dma_start3A_69, %dma_start3A_70] : memref<10240x128xf32, #tpu.memory_space<vmem_shared>> -> memref<10240x128xf32, #tpu.memory_space<vmem_shared>>
      tpu.enqueue_indirect_dma source(%arg9 : memref<128x128xf32, #tpu.memory_space<vmem>>) target(%dma_start3A_71 : memref<10240x128xf32, #tpu.memory_space<vmem_shared>>) offsets(%dma_start3A_68 : memref<128xi32, #tpu.memory_space<vmem>>) semaphore(%arg14 : memref<!tpu.dma_semaphore, #tpu.memory_space<semaphore_mem>>) {add = true}
      %dma_wait3A_72 = arith.constant 1 : i32
      %dma_wait3A_73 = arith.constant 0 : i32
      %dma_wait3A_74 = tpu.memref_slice %arg7[%dma_wait3A_72, %dma_wait3A_73] : memref<16x128xi32, #tpu.memory_space<vmem>> -> memref<1x128xi32, #tpu.memory_space<vmem>>
      %dma_wait3A_75 = tpu.memref_squeeze %dma_wait3A_74 : memref<1x128xi32, #tpu.memory_space<vmem>> -> memref<128xi32, #tpu.memory_space<vmem>>
      %dma_wait3A_76 = arith.constant 0 : i32
      %dma_wait3A_77 = arith.constant 0 : i32
      %dma_wait3A_78 = tpu.memref_slice %arg10[%dma_wait3A_76, %dma_wait3A_77] : memref<10240x128xf32, #tpu.memory_space<vmem_shared>> -> memref<10240x128xf32, #tpu.memory_space<vmem_shared>>
      tpu.wait_indirect_dma semaphore(%arg14 : memref<!tpu.dma_semaphore, #tpu.memory_space<semaphore_mem>>) src(%arg9 : memref<128x128xf32, #tpu.memory_space<vmem>>) dst(%dma_wait3A_78 : memref<10240x128xf32, #tpu.memory_space<vmem_shared>>)
      %dma_start3A_79 = arith.constant 384 : i32
      %dma_start3A_80 = tpu.memref_slice %arg6[%dma_start3A_79] : memref<2048xi32, #tpu.memory_space<vmem>> -> memref<128xi32, #tpu.memory_space<vmem>>
      %dma_start3A_81 = arith.constant 0 : i32
      %dma_start3A_82 = arith.constant 0 : i32
      %dma_start3A_83 = tpu.memref_slice %arg2[%dma_start3A_81, %dma_start3A_82] : memref<20480x128xf32, #tpu.memory_space<hbm>> -> memref<20480x128xf32, #tpu.memory_space<hbm>>
      tpu.enqueue_indirect_dma source(%dma_start3A_83 : memref<20480x128xf32, #tpu.memory_space<hbm>>) target(%arg9 : memref<128x128xf32, #tpu.memory_space<vmem>>) offsets(%dma_start3A_80 : memref<128xi32, #tpu.memory_space<vmem>>) semaphore(%arg12 : memref<!tpu.dma_semaphore, #tpu.memory_space<semaphore_mem>>)
      %dma_wait3A_84 = arith.constant 256 : i32
      %dma_wait3A_85 = tpu.memref_slice %arg6[%dma_wait3A_84] : memref<2048xi32, #tpu.memory_space<vmem>> -> memref<128xi32, #tpu.memory_space<vmem>>
      %dma_wait3A_86 = arith.constant 0 : i32
      %dma_wait3A_87 = arith.constant 0 : i32
      %dma_wait3A_88 = tpu.memref_slice %arg2[%dma_wait3A_86, %dma_wait3A_87] : memref<20480x128xf32, #tpu.memory_space<hbm>> -> memref<20480x128xf32, #tpu.memory_space<hbm>>
      tpu.wait_indirect_dma semaphore(%arg11 : memref<!tpu.dma_semaphore, #tpu.memory_space<semaphore_mem>>) src(%dma_wait3A_88 : memref<20480x128xf32, #tpu.memory_space<hbm>>) dst(%arg8 : memref<128x128xf32, #tpu.memory_space<vmem>>)
      %dma_start3A_89 = arith.constant 2 : i32
      %dma_start3A_90 = arith.constant 0 : i32
      %dma_start3A_91 = tpu.memref_slice %arg7[%dma_start3A_89, %dma_start3A_90] : memref<16x128xi32, #tpu.memory_space<vmem>> -> memref<1x128xi32, #tpu.memory_space<vmem>>
      %dma_start3A_92 = tpu.memref_squeeze %dma_start3A_91 : memref<1x128xi32, #tpu.memory_space<vmem>> -> memref<128xi32, #tpu.memory_space<vmem>>
      %dma_start3A_93 = arith.constant 0 : i32
      %dma_start3A_94 = arith.constant 0 : i32
      %dma_start3A_95 = tpu.memref_slice %arg10[%dma_start3A_93, %dma_start3A_94] : memref<10240x128xf32, #tpu.memory_space<vmem_shared>> -> memref<10240x128xf32, #tpu.memory_space<vmem_shared>>
      tpu.enqueue_indirect_dma source(%arg8 : memref<128x128xf32, #tpu.memory_space<vmem>>) target(%dma_start3A_95 : memref<10240x128xf32, #tpu.memory_space<vmem_shared>>) offsets(%dma_start3A_92 : memref<128xi32, #tpu.memory_space<vmem>>) semaphore(%arg13 : memref<!tpu.dma_semaphore, #tpu.memory_space<semaphore_mem>>) {add = true}
      %dma_wait3A_96 = arith.constant 2 : i32
      %dma_wait3A_97 = arith.constant 0 : i32
      %dma_wait3A_98 = tpu.memref_slice %arg7[%dma_wait3A_96, %dma_wait3A_97] : memref<16x128xi32, #tpu.memory_space<vmem>> -> memref<1x128xi32, #tpu.memory_space<vmem>>
      %dma_wait3A_99 = tpu.memref_squeeze %dma_wait3A_98 : memref<1x128xi32, #tpu.memory_space<vmem>> -> memref<128xi32, #tpu.memory_space<vmem>>
      %dma_wait3A_100 = arith.constant 0 : i32
      %dma_wait3A_101 = arith.constant 0 : i32
      %dma_wait3A_102 = tpu.memref_slice %arg10[%dma_wait3A_100, %dma_wait3A_101] : memref<10240x128xf32, #tpu.memory_space<vmem_shared>> -> memref<10240x128xf32, #tpu.memory_space<vmem_shared>>
      tpu.wait_indirect_dma semaphore(%arg13 : memref<!tpu.dma_semaphore, #tpu.memory_space<semaphore_mem>>) src(%arg8 : memref<128x128xf32, #tpu.memory_space<vmem>>) dst(%dma_wait3A_102 : memref<10240x128xf32, #tpu.memory_space<vmem_shared>>)
      %dma_start3A_103 = arith.constant 512 : i32
      %dma_start3A_104 = tpu.memref_slice %arg6[%dma_start3A_103] : memref<2048xi32, #tpu.memory_space<vmem>> -> memref<128xi32, #tpu.memory_space<vmem>>
      %dma_start3A_105 = arith.constant 0 : i32
      %dma_start3A_106 = arith.constant 0 : i32
      %dma_start3A_107 = tpu.memref_slice %arg2[%dma_start3A_105, %dma_start3A_106] : memref<20480x128xf32, #tpu.memory_space<hbm>> -> memref<20480x128xf32, #tpu.memory_space<hbm>>
      tpu.enqueue_indirect_dma source(%dma_start3A_107 : memref<20480x128xf32, #tpu.memory_space<hbm>>) target(%arg8 : memref<128x128xf32, #tpu.memory_space<vmem>>) offsets(%dma_start3A_104 : memref<128xi32, #tpu.memory_space<vmem>>) semaphore(%arg11 : memref<!tpu.dma_semaphore, #tpu.memory_space<semaphore_mem>>)
      %dma_wait3A_108 = arith.constant 384 : i32
      %dma_wait3A_109 = tpu.memref_slice %arg6[%dma_wait3A_108] : memref<2048xi32, #tpu.memory_space<vmem>> -> memref<128xi32, #tpu.memory_space<vmem>>
      %dma_wait3A_110 = arith.constant 0 : i32
      %dma_wait3A_111 = arith.constant 0 : i32
      %dma_wait3A_112 = tpu.memref_slice %arg2[%dma_wait3A_110, %dma_wait3A_111] : memref<20480x128xf32, #tpu.memory_space<hbm>> -> memref<20480x128xf32, #tpu.memory_space<hbm>>
      tpu.wait_indirect_dma semaphore(%arg12 : memref<!tpu.dma_semaphore, #tpu.memory_space<semaphore_mem>>) src(%dma_wait3A_112 : memref<20480x128xf32, #tpu.memory_space<hbm>>) dst(%arg9 : memref<128x128xf32, #tpu.memory_space<vmem>>)
      %dma_start3A_113 = arith.constant 3 : i32
      %dma_start3A_114 = arith.constant 0 : i32
      %dma_start3A_115 = tpu.memref_slice %arg7[%dma_start3A_113, %dma_start3A_114] : memref<16x128xi32, #tpu.memory_space<vmem>> -> memref<1x128xi32, #tpu.memory_space<vmem>>
      %dma_start3A_116 = tpu.memref_squeeze %dma_start3A_115 : memref<1x128xi32, #tpu.memory_space<vmem>> -> memref<128xi32, #tpu.memory_space<vmem>>
      %dma_start3A_117 = arith.constant 0 : i32
      %dma_start3A_118 = arith.constant 0 : i32
      %dma_start3A_119 = tpu.memref_slice %arg10[%dma_start3A_117, %dma_start3A_118] : memref<10240x128xf32, #tpu.memory_space<vmem_shared>> -> memref<10240x128xf32, #tpu.memory_space<vmem_shared>>
      tpu.enqueue_indirect_dma source(%arg9 : memref<128x128xf32, #tpu.memory_space<vmem>>) target(%dma_start3A_119 : memref<10240x128xf32, #tpu.memory_space<vmem_shared>>) offsets(%dma_start3A_116 : memref<128xi32, #tpu.memory_space<vmem>>) semaphore(%arg14 : memref<!tpu.dma_semaphore, #tpu.memory_space<semaphore_mem>>) {add = true}
      %dma_wait3A_120 = arith.constant 3 : i32
      %dma_wait3A_121 = arith.constant 0 : i32
      %dma_wait3A_122 = tpu.memref_slice %arg7[%dma_wait3A_120, %dma_wait3A_121] : memref<16x128xi32, #tpu.memory_space<vmem>> -> memref<1x128xi32, #tpu.memory_space<vmem>>
      %dma_wait3A_123 = tpu.memref_squeeze %dma_wait3A_122 : memref<1x128xi32, #tpu.memory_space<vmem>> -> memref<128xi32, #tpu.memory_space<vmem>>
      %dma_wait3A_124 = arith.constant 0 : i32
      %dma_wait3A_125 = arith.constant 0 : i32
      %dma_wait3A_126 = tpu.memref_slice %arg10[%dma_wait3A_124, %dma_wait3A_125] : memref<10240x128xf32, #tpu.memory_space<vmem_shared>> -> memref<10240x128xf32, #tpu.memory_space<vmem_shared>>
      tpu.wait_indirect_dma semaphore(%arg14 : memref<!tpu.dma_semaphore, #tpu.memory_space<semaphore_mem>>) src(%arg9 : memref<128x128xf32, #tpu.memory_space<vmem>>) dst(%dma_wait3A_126 : memref<10240x128xf32, #tpu.memory_space<vmem_shared>>)
      %dma_start3A_127 = arith.constant 640 : i32
      %dma_start3A_128 = tpu.memref_slice %arg6[%dma_start3A_127] : memref<2048xi32, #tpu.memory_space<vmem>> -> memref<128xi32, #tpu.memory_space<vmem>>
      %dma_start3A_129 = arith.constant 0 : i32
      %dma_start3A_130 = arith.constant 0 : i32
      %dma_start3A_131 = tpu.memref_slice %arg2[%dma_start3A_129, %dma_start3A_130] : memref<20480x128xf32, #tpu.memory_space<hbm>> -> memref<20480x128xf32, #tpu.memory_space<hbm>>
      tpu.enqueue_indirect_dma source(%dma_start3A_131 : memref<20480x128xf32, #tpu.memory_space<hbm>>) target(%arg9 : memref<128x128xf32, #tpu.memory_space<vmem>>) offsets(%dma_start3A_128 : memref<128xi32, #tpu.memory_space<vmem>>) semaphore(%arg12 : memref<!tpu.dma_semaphore, #tpu.memory_space<semaphore_mem>>)
      %dma_wait3A_132 = arith.constant 512 : i32
      %dma_wait3A_133 = tpu.memref_slice %arg6[%dma_wait3A_132] : memref<2048xi32, #tpu.memory_space<vmem>> -> memref<128xi32, #tpu.memory_space<vmem>>
      %dma_wait3A_134 = arith.constant 0 : i32
      %dma_wait3A_135 = arith.constant 0 : i32
      %dma_wait3A_136 = tpu.memref_slice %arg2[%dma_wait3A_134, %dma_wait3A_135] : memref<20480x128xf32, #tpu.memory_space<hbm>> -> memref<20480x128xf32, #tpu.memory_space<hbm>>
      tpu.wait_indirect_dma semaphore(%arg11 : memref<!tpu.dma_semaphore, #tpu.memory_space<semaphore_mem>>) src(%dma_wait3A_136 : memref<20480x128xf32, #tpu.memory_space<hbm>>) dst(%arg8 : memref<128x128xf32, #tpu.memory_space<vmem>>)
      %dma_start3A_137 = arith.constant 4 : i32
      %dma_start3A_138 = arith.constant 0 : i32
      %dma_start3A_139 = tpu.memref_slice %arg7[%dma_start3A_137, %dma_start3A_138] : memref<16x128xi32, #tpu.memory_space<vmem>> -> memref<1x128xi32, #tpu.memory_space<vmem>>
      %dma_start3A_140 = tpu.memref_squeeze %dma_start3A_139 : memref<1x128xi32, #tpu.memory_space<vmem>> -> memref<128xi32, #tpu.memory_space<vmem>>
      %dma_start3A_141 = arith.constant 0 : i32
      %dma_start3A_142 = arith.constant 0 : i32
      %dma_start3A_143 = tpu.memref_slice %arg10[%dma_start3A_141, %dma_start3A_142] : memref<10240x128xf32, #tpu.memory_space<vmem_shared>> -> memref<10240x128xf32, #tpu.memory_space<vmem_shared>>
      tpu.enqueue_indirect_dma source(%arg8 : memref<128x128xf32, #tpu.memory_space<vmem>>) target(%dma_start3A_143 : memref<10240x128xf32, #tpu.memory_space<vmem_shared>>) offsets(%dma_start3A_140 : memref<128xi32, #tpu.memory_space<vmem>>) semaphore(%arg13 : memref<!tpu.dma_semaphore, #tpu.memory_space<semaphore_mem>>) {add = true}
      %dma_wait3A_144 = arith.constant 4 : i32
      %dma_wait3A_145 = arith.constant 0 : i32
      %dma_wait3A_146 = tpu.memref_slice %arg7[%dma_wait3A_144, %dma_wait3A_145] : memref<16x128xi32, #tpu.memory_space<vmem>> -> memref<1x128xi32, #tpu.memory_space<vmem>>
      %dma_wait3A_147 = tpu.memref_squeeze %dma_wait3A_146 : memref<1x128xi32, #tpu.memory_space<vmem>> -> memref<128xi32, #tpu.memory_space<vmem>>
      %dma_wait3A_148 = arith.constant 0 : i32
      %dma_wait3A_149 = arith.constant 0 : i32
      %dma_wait3A_150 = tpu.memref_slice %arg10[%dma_wait3A_148, %dma_wait3A_149] : memref<10240x128xf32, #tpu.memory_space<vmem_shared>> -> memref<10240x128xf32, #tpu.memory_space<vmem_shared>>
      tpu.wait_indirect_dma semaphore(%arg13 : memref<!tpu.dma_semaphore, #tpu.memory_space<semaphore_mem>>) src(%arg8 : memref<128x128xf32, #tpu.memory_space<vmem>>) dst(%dma_wait3A_150 : memref<10240x128xf32, #tpu.memory_space<vmem_shared>>)
      %dma_start3A_151 = arith.constant 768 : i32
      %dma_start3A_152 = tpu.memref_slice %arg6[%dma_start3A_151] : memref<2048xi32, #tpu.memory_space<vmem>> -> memref<128xi32, #tpu.memory_space<vmem>>
      %dma_start3A_153 = arith.constant 0 : i32
      %dma_start3A_154 = arith.constant 0 : i32
      %dma_start3A_155 = tpu.memref_slice %arg2[%dma_start3A_153, %dma_start3A_154] : memref<20480x128xf32, #tpu.memory_space<hbm>> -> memref<20480x128xf32, #tpu.memory_space<hbm>>
      tpu.enqueue_indirect_dma source(%dma_start3A_155 : memref<20480x128xf32, #tpu.memory_space<hbm>>) target(%arg8 : memref<128x128xf32, #tpu.memory_space<vmem>>) offsets(%dma_start3A_152 : memref<128xi32, #tpu.memory_space<vmem>>) semaphore(%arg11 : memref<!tpu.dma_semaphore, #tpu.memory_space<semaphore_mem>>)
      %dma_wait3A_156 = arith.constant 640 : i32
      %dma_wait3A_157 = tpu.memref_slice %arg6[%dma_wait3A_156] : memref<2048xi32, #tpu.memory_space<vmem>> -> memref<128xi32, #tpu.memory_space<vmem>>
      %dma_wait3A_158 = arith.constant 0 : i32
      %dma_wait3A_159 = arith.constant 0 : i32
      %dma_wait3A_160 = tpu.memref_slice %arg2[%dma_wait3A_158, %dma_wait3A_159] : memref<20480x128xf32, #tpu.memory_space<hbm>> -> memref<20480x128xf32, #tpu.memory_space<hbm>>
      tpu.wait_indirect_dma semaphore(%arg12 : memref<!tpu.dma_semaphore, #tpu.memory_space<semaphore_mem>>) src(%dma_wait3A_160 : memref<20480x128xf32, #tpu.memory_space<hbm>>) dst(%arg9 : memref<128x128xf32, #tpu.memory_space<vmem>>)
      %dma_start3A_161 = arith.constant 5 : i32
      %dma_start3A_162 = arith.constant 0 : i32
      %dma_start3A_163 = tpu.memref_slice %arg7[%dma_start3A_161, %dma_start3A_162] : memref<16x128xi32, #tpu.memory_space<vmem>> -> memref<1x128xi32, #tpu.memory_space<vmem>>
      %dma_start3A_164 = tpu.memref_squeeze %dma_start3A_163 : memref<1x128xi32, #tpu.memory_space<vmem>> -> memref<128xi32, #tpu.memory_space<vmem>>
      %dma_start3A_165 = arith.constant 0 : i32
      %dma_start3A_166 = arith.constant 0 : i32
      %dma_start3A_167 = tpu.memref_slice %arg10[%dma_start3A_165, %dma_start3A_166] : memref<10240x128xf32, #tpu.memory_space<vmem_shared>> -> memref<10240x128xf32, #tpu.memory_space<vmem_shared>>
      tpu.enqueue_indirect_dma source(%arg9 : memref<128x128xf32, #tpu.memory_space<vmem>>) target(%dma_start3A_167 : memref<10240x128xf32, #tpu.memory_space<vmem_shared>>) offsets(%dma_start3A_164 : memref<128xi32, #tpu.memory_space<vmem>>) semaphore(%arg14 : memref<!tpu.dma_semaphore, #tpu.memory_space<semaphore_mem>>) {add = true}
      %dma_wait3A_168 = arith.constant 5 : i32
      %dma_wait3A_169 = arith.constant 0 : i32
      %dma_wait3A_170 = tpu.memref_slice %arg7[%dma_wait3A_168, %dma_wait3A_169] : memref<16x128xi32, #tpu.memory_space<vmem>> -> memref<1x128xi32, #tpu.memory_space<vmem>>
      %dma_wait3A_171 = tpu.memref_squeeze %dma_wait3A_170 : memref<1x128xi32, #tpu.memory_space<vmem>> -> memref<128xi32, #tpu.memory_space<vmem>>
      %dma_wait3A_172 = arith.constant 0 : i32
      %dma_wait3A_173 = arith.constant 0 : i32
      %dma_wait3A_174 = tpu.memref_slice %arg10[%dma_wait3A_172, %dma_wait3A_173] : memref<10240x128xf32, #tpu.memory_space<vmem_shared>> -> memref<10240x128xf32, #tpu.memory_space<vmem_shared>>
      tpu.wait_indirect_dma semaphore(%arg14 : memref<!tpu.dma_semaphore, #tpu.memory_space<semaphore_mem>>) src(%arg9 : memref<128x128xf32, #tpu.memory_space<vmem>>) dst(%dma_wait3A_174 : memref<10240x128xf32, #tpu.memory_space<vmem_shared>>)
      %dma_start3A_175 = arith.constant 896 : i32
      %dma_start3A_176 = tpu.memref_slice %arg6[%dma_start3A_175] : memref<2048xi32, #tpu.memory_space<vmem>> -> memref<128xi32, #tpu.memory_space<vmem>>
      %dma_start3A_177 = arith.constant 0 : i32
      %dma_start3A_178 = arith.constant 0 : i32
      %dma_start3A_179 = tpu.memref_slice %arg2[%dma_start3A_177, %dma_start3A_178] : memref<20480x128xf32, #tpu.memory_space<hbm>> -> memref<20480x128xf32, #tpu.memory_space<hbm>>
      tpu.enqueue_indirect_dma source(%dma_start3A_179 : memref<20480x128xf32, #tpu.memory_space<hbm>>) target(%arg9 : memref<128x128xf32, #tpu.memory_space<vmem>>) offsets(%dma_start3A_176 : memref<128xi32, #tpu.memory_space<vmem>>) semaphore(%arg12 : memref<!tpu.dma_semaphore, #tpu.memory_space<semaphore_mem>>)
      %dma_wait3A_180 = arith.constant 768 : i32
      %dma_wait3A_181 = tpu.memref_slice %arg6[%dma_wait3A_180] : memref<2048xi32, #tpu.memory_space<vmem>> -> memref<128xi32, #tpu.memory_space<vmem>>
      %dma_wait3A_182 = arith.constant 0 : i32
      %dma_wait3A_183 = arith.constant 0 : i32
      %dma_wait3A_184 = tpu.memref_slice %arg2[%dma_wait3A_182, %dma_wait3A_183] : memref<20480x128xf32, #tpu.memory_space<hbm>> -> memref<20480x128xf32, #tpu.memory_space<hbm>>
      tpu.wait_indirect_dma semaphore(%arg11 : memref<!tpu.dma_semaphore, #tpu.memory_space<semaphore_mem>>) src(%dma_wait3A_184 : memref<20480x128xf32, #tpu.memory_space<hbm>>) dst(%arg8 : memref<128x128xf32, #tpu.memory_space<vmem>>)
      %dma_start3A_185 = arith.constant 6 : i32
      %dma_start3A_186 = arith.constant 0 : i32
      %dma_start3A_187 = tpu.memref_slice %arg7[%dma_start3A_185, %dma_start3A_186] : memref<16x128xi32, #tpu.memory_space<vmem>> -> memref<1x128xi32, #tpu.memory_space<vmem>>
      %dma_start3A_188 = tpu.memref_squeeze %dma_start3A_187 : memref<1x128xi32, #tpu.memory_space<vmem>> -> memref<128xi32, #tpu.memory_space<vmem>>
      %dma_start3A_189 = arith.constant 0 : i32
      %dma_start3A_190 = arith.constant 0 : i32
      %dma_start3A_191 = tpu.memref_slice %arg10[%dma_start3A_189, %dma_start3A_190] : memref<10240x128xf32, #tpu.memory_space<vmem_shared>> -> memref<10240x128xf32, #tpu.memory_space<vmem_shared>>
      tpu.enqueue_indirect_dma source(%arg8 : memref<128x128xf32, #tpu.memory_space<vmem>>) target(%dma_start3A_191 : memref<10240x128xf32, #tpu.memory_space<vmem_shared>>) offsets(%dma_start3A_188 : memref<128xi32, #tpu.memory_space<vmem>>) semaphore(%arg13 : memref<!tpu.dma_semaphore, #tpu.memory_space<semaphore_mem>>) {add = true}
      %dma_wait3A_192 = arith.constant 6 : i32
      %dma_wait3A_193 = arith.constant 0 : i32
      %dma_wait3A_194 = tpu.memref_slice %arg7[%dma_wait3A_192, %dma_wait3A_193] : memref<16x128xi32, #tpu.memory_space<vmem>> -> memref<1x128xi32, #tpu.memory_space<vmem>>
      %dma_wait3A_195 = tpu.memref_squeeze %dma_wait3A_194 : memref<1x128xi32, #tpu.memory_space<vmem>> -> memref<128xi32, #tpu.memory_space<vmem>>
      %dma_wait3A_196 = arith.constant 0 : i32
      %dma_wait3A_197 = arith.constant 0 : i32
      %dma_wait3A_198 = tpu.memref_slice %arg10[%dma_wait3A_196, %dma_wait3A_197] : memref<10240x128xf32, #tpu.memory_space<vmem_shared>> -> memref<10240x128xf32, #tpu.memory_space<vmem_shared>>
      tpu.wait_indirect_dma semaphore(%arg13 : memref<!tpu.dma_semaphore, #tpu.memory_space<semaphore_mem>>) src(%arg8 : memref<128x128xf32, #tpu.memory_space<vmem>>) dst(%dma_wait3A_198 : memref<10240x128xf32, #tpu.memory_space<vmem_shared>>)
      %dma_start3A_199 = arith.constant 1024 : i32
      %dma_start3A_200 = tpu.memref_slice %arg6[%dma_start3A_199] : memref<2048xi32, #tpu.memory_space<vmem>> -> memref<128xi32, #tpu.memory_space<vmem>>
      %dma_start3A_201 = arith.constant 0 : i32
      %dma_start3A_202 = arith.constant 0 : i32
      %dma_start3A_203 = tpu.memref_slice %arg2[%dma_start3A_201, %dma_start3A_202] : memref<20480x128xf32, #tpu.memory_space<hbm>> -> memref<20480x128xf32, #tpu.memory_space<hbm>>
      tpu.enqueue_indirect_dma source(%dma_start3A_203 : memref<20480x128xf32, #tpu.memory_space<hbm>>) target(%arg8 : memref<128x128xf32, #tpu.memory_space<vmem>>) offsets(%dma_start3A_200 : memref<128xi32, #tpu.memory_space<vmem>>) semaphore(%arg11 : memref<!tpu.dma_semaphore, #tpu.memory_space<semaphore_mem>>)
      %dma_wait3A_204 = arith.constant 896 : i32
      %dma_wait3A_205 = tpu.memref_slice %arg6[%dma_wait3A_204] : memref<2048xi32, #tpu.memory_space<vmem>> -> memref<128xi32, #tpu.memory_space<vmem>>
      %dma_wait3A_206 = arith.constant 0 : i32
      %dma_wait3A_207 = arith.constant 0 : i32
      %dma_wait3A_208 = tpu.memref_slice %arg2[%dma_wait3A_206, %dma_wait3A_207] : memref<20480x128xf32, #tpu.memory_space<hbm>> -> memref<20480x128xf32, #tpu.memory_space<hbm>>
      tpu.wait_indirect_dma semaphore(%arg12 : memref<!tpu.dma_semaphore, #tpu.memory_space<semaphore_mem>>) src(%dma_wait3A_208 : memref<20480x128xf32, #tpu.memory_space<hbm>>) dst(%arg9 : memref<128x128xf32, #tpu.memory_space<vmem>>)
      %dma_start3A_209 = arith.constant 7 : i32
      %dma_start3A_210 = arith.constant 0 : i32
      %dma_start3A_211 = tpu.memref_slice %arg7[%dma_start3A_209, %dma_start3A_210] : memref<16x128xi32, #tpu.memory_space<vmem>> -> memref<1x128xi32, #tpu.memory_space<vmem>>
      %dma_start3A_212 = tpu.memref_squeeze %dma_start3A_211 : memref<1x128xi32, #tpu.memory_space<vmem>> -> memref<128xi32, #tpu.memory_space<vmem>>
      %dma_start3A_213 = arith.constant 0 : i32
      %dma_start3A_214 = arith.constant 0 : i32
      %dma_start3A_215 = tpu.memref_slice %arg10[%dma_start3A_213, %dma_start3A_214] : memref<10240x128xf32, #tpu.memory_space<vmem_shared>> -> memref<10240x128xf32, #tpu.memory_space<vmem_shared>>
      tpu.enqueue_indirect_dma source(%arg9 : memref<128x128xf32, #tpu.memory_space<vmem>>) target(%dma_start3A_215 : memref<10240x128xf32, #tpu.memory_space<vmem_shared>>) offsets(%dma_start3A_212 : memref<128xi32, #tpu.memory_space<vmem>>) semaphore(%arg14 : memref<!tpu.dma_semaphore, #tpu.memory_space<semaphore_mem>>) {add = true}
      %dma_wait3A_216 = arith.constant 7 : i32
      %dma_wait3A_217 = arith.constant 0 : i32
      %dma_wait3A_218 = tpu.memref_slice %arg7[%dma_wait3A_216, %dma_wait3A_217] : memref<16x128xi32, #tpu.memory_space<vmem>> -> memref<1x128xi32, #tpu.memory_space<vmem>>
      %dma_wait3A_219 = tpu.memref_squeeze %dma_wait3A_218 : memref<1x128xi32, #tpu.memory_space<vmem>> -> memref<128xi32, #tpu.memory_space<vmem>>
      %dma_wait3A_220 = arith.constant 0 : i32
      %dma_wait3A_221 = arith.constant 0 : i32
      %dma_wait3A_222 = tpu.memref_slice %arg10[%dma_wait3A_220, %dma_wait3A_221] : memref<10240x128xf32, #tpu.memory_space<vmem_shared>> -> memref<10240x128xf32, #tpu.memory_space<vmem_shared>>
      tpu.wait_indirect_dma semaphore(%arg14 : memref<!tpu.dma_semaphore, #tpu.memory_space<semaphore_mem>>) src(%arg9 : memref<128x128xf32, #tpu.memory_space<vmem>>) dst(%dma_wait3A_222 : memref<10240x128xf32, #tpu.memory_space<vmem_shared>>)
      %dma_start3A_223 = arith.constant 1152 : i32
      %dma_start3A_224 = tpu.memref_slice %arg6[%dma_start3A_223] : memref<2048xi32, #tpu.memory_space<vmem>> -> memref<128xi32, #tpu.memory_space<vmem>>
      %dma_start3A_225 = arith.constant 0 : i32
      %dma_start3A_226 = arith.constant 0 : i32
      %dma_start3A_227 = tpu.memref_slice %arg2[%dma_start3A_225, %dma_start3A_226] : memref<20480x128xf32, #tpu.memory_space<hbm>> -> memref<20480x128xf32, #tpu.memory_space<hbm>>
      tpu.enqueue_indirect_dma source(%dma_start3A_227 : memref<20480x128xf32, #tpu.memory_space<hbm>>) target(%arg9 : memref<128x128xf32, #tpu.memory_space<vmem>>) offsets(%dma_start3A_224 : memref<128xi32, #tpu.memory_space<vmem>>) semaphore(%arg12 : memref<!tpu.dma_semaphore, #tpu.memory_space<semaphore_mem>>)
      %dma_wait3A_228 = arith.constant 1024 : i32
      %dma_wait3A_229 = tpu.memref_slice %arg6[%dma_wait3A_228] : memref<2048xi32, #tpu.memory_space<vmem>> -> memref<128xi32, #tpu.memory_space<vmem>>
      %dma_wait3A_230 = arith.constant 0 : i32
      %dma_wait3A_231 = arith.constant 0 : i32
      %dma_wait3A_232 = tpu.memref_slice %arg2[%dma_wait3A_230, %dma_wait3A_231] : memref<20480x128xf32, #tpu.memory_space<hbm>> -> memref<20480x128xf32, #tpu.memory_space<hbm>>
      tpu.wait_indirect_dma semaphore(%arg11 : memref<!tpu.dma_semaphore, #tpu.memory_space<semaphore_mem>>) src(%dma_wait3A_232 : memref<20480x128xf32, #tpu.memory_space<hbm>>) dst(%arg8 : memref<128x128xf32, #tpu.memory_space<vmem>>)
      %dma_start3A_233 = arith.constant 8 : i32
      %dma_start3A_234 = arith.constant 0 : i32
      %dma_start3A_235 = tpu.memref_slice %arg7[%dma_start3A_233, %dma_start3A_234] : memref<16x128xi32, #tpu.memory_space<vmem>> -> memref<1x128xi32, #tpu.memory_space<vmem>>
      %dma_start3A_236 = tpu.memref_squeeze %dma_start3A_235 : memref<1x128xi32, #tpu.memory_space<vmem>> -> memref<128xi32, #tpu.memory_space<vmem>>
      %dma_start3A_237 = arith.constant 0 : i32
      %dma_start3A_238 = arith.constant 0 : i32
      %dma_start3A_239 = tpu.memref_slice %arg10[%dma_start3A_237, %dma_start3A_238] : memref<10240x128xf32, #tpu.memory_space<vmem_shared>> -> memref<10240x128xf32, #tpu.memory_space<vmem_shared>>
      tpu.enqueue_indirect_dma source(%arg8 : memref<128x128xf32, #tpu.memory_space<vmem>>) target(%dma_start3A_239 : memref<10240x128xf32, #tpu.memory_space<vmem_shared>>) offsets(%dma_start3A_236 : memref<128xi32, #tpu.memory_space<vmem>>) semaphore(%arg13 : memref<!tpu.dma_semaphore, #tpu.memory_space<semaphore_mem>>) {add = true}
      %dma_wait3A_240 = arith.constant 8 : i32
      %dma_wait3A_241 = arith.constant 0 : i32
      %dma_wait3A_242 = tpu.memref_slice %arg7[%dma_wait3A_240, %dma_wait3A_241] : memref<16x128xi32, #tpu.memory_space<vmem>> -> memref<1x128xi32, #tpu.memory_space<vmem>>
      %dma_wait3A_243 = tpu.memref_squeeze %dma_wait3A_242 : memref<1x128xi32, #tpu.memory_space<vmem>> -> memref<128xi32, #tpu.memory_space<vmem>>
      %dma_wait3A_244 = arith.constant 0 : i32
      %dma_wait3A_245 = arith.constant 0 : i32
      %dma_wait3A_246 = tpu.memref_slice %arg10[%dma_wait3A_244, %dma_wait3A_245] : memref<10240x128xf32, #tpu.memory_space<vmem_shared>> -> memref<10240x128xf32, #tpu.memory_space<vmem_shared>>
      tpu.wait_indirect_dma semaphore(%arg13 : memref<!tpu.dma_semaphore, #tpu.memory_space<semaphore_mem>>) src(%arg8 : memref<128x128xf32, #tpu.memory_space<vmem>>) dst(%dma_wait3A_246 : memref<10240x128xf32, #tpu.memory_space<vmem_shared>>)
      %dma_start3A_247 = arith.constant 1280 : i32
      %dma_start3A_248 = tpu.memref_slice %arg6[%dma_start3A_247] : memref<2048xi32, #tpu.memory_space<vmem>> -> memref<128xi32, #tpu.memory_space<vmem>>
      %dma_start3A_249 = arith.constant 0 : i32
      %dma_start3A_250 = arith.constant 0 : i32
      %dma_start3A_251 = tpu.memref_slice %arg2[%dma_start3A_249, %dma_start3A_250] : memref<20480x128xf32, #tpu.memory_space<hbm>> -> memref<20480x128xf32, #tpu.memory_space<hbm>>
      tpu.enqueue_indirect_dma source(%dma_start3A_251 : memref<20480x128xf32, #tpu.memory_space<hbm>>) target(%arg8 : memref<128x128xf32, #tpu.memory_space<vmem>>) offsets(%dma_start3A_248 : memref<128xi32, #tpu.memory_space<vmem>>) semaphore(%arg11 : memref<!tpu.dma_semaphore, #tpu.memory_space<semaphore_mem>>)
      %dma_wait3A_252 = arith.constant 1152 : i32
      %dma_wait3A_253 = tpu.memref_slice %arg6[%dma_wait3A_252] : memref<2048xi32, #tpu.memory_space<vmem>> -> memref<128xi32, #tpu.memory_space<vmem>>
      %dma_wait3A_254 = arith.constant 0 : i32
      %dma_wait3A_255 = arith.constant 0 : i32
      %dma_wait3A_256 = tpu.memref_slice %arg2[%dma_wait3A_254, %dma_wait3A_255] : memref<20480x128xf32, #tpu.memory_space<hbm>> -> memref<20480x128xf32, #tpu.memory_space<hbm>>
      tpu.wait_indirect_dma semaphore(%arg12 : memref<!tpu.dma_semaphore, #tpu.memory_space<semaphore_mem>>) src(%dma_wait3A_256 : memref<20480x128xf32, #tpu.memory_space<hbm>>) dst(%arg9 : memref<128x128xf32, #tpu.memory_space<vmem>>)
      %dma_start3A_257 = arith.constant 9 : i32
      %dma_start3A_258 = arith.constant 0 : i32
      %dma_start3A_259 = tpu.memref_slice %arg7[%dma_start3A_257, %dma_start3A_258] : memref<16x128xi32, #tpu.memory_space<vmem>> -> memref<1x128xi32, #tpu.memory_space<vmem>>
      %dma_start3A_260 = tpu.memref_squeeze %dma_start3A_259 : memref<1x128xi32, #tpu.memory_space<vmem>> -> memref<128xi32, #tpu.memory_space<vmem>>
      %dma_start3A_261 = arith.constant 0 : i32
      %dma_start3A_262 = arith.constant 0 : i32
      %dma_start3A_263 = tpu.memref_slice %arg10[%dma_start3A_261, %dma_start3A_262] : memref<10240x128xf32, #tpu.memory_space<vmem_shared>> -> memref<10240x128xf32, #tpu.memory_space<vmem_shared>>
      tpu.enqueue_indirect_dma source(%arg9 : memref<128x128xf32, #tpu.memory_space<vmem>>) target(%dma_start3A_263 : memref<10240x128xf32, #tpu.memory_space<vmem_shared>>) offsets(%dma_start3A_260 : memref<128xi32, #tpu.memory_space<vmem>>) semaphore(%arg14 : memref<!tpu.dma_semaphore, #tpu.memory_space<semaphore_mem>>) {add = true}
      %dma_wait3A_264 = arith.constant 9 : i32
      %dma_wait3A_265 = arith.constant 0 : i32
      %dma_wait3A_266 = tpu.memref_slice %arg7[%dma_wait3A_264, %dma_wait3A_265] : memref<16x128xi32, #tpu.memory_space<vmem>> -> memref<1x128xi32, #tpu.memory_space<vmem>>
      %dma_wait3A_267 = tpu.memref_squeeze %dma_wait3A_266 : memref<1x128xi32, #tpu.memory_space<vmem>> -> memref<128xi32, #tpu.memory_space<vmem>>
      %dma_wait3A_268 = arith.constant 0 : i32
      %dma_wait3A_269 = arith.constant 0 : i32
      %dma_wait3A_270 = tpu.memref_slice %arg10[%dma_wait3A_268, %dma_wait3A_269] : memref<10240x128xf32, #tpu.memory_space<vmem_shared>> -> memref<10240x128xf32, #tpu.memory_space<vmem_shared>>
      tpu.wait_indirect_dma semaphore(%arg14 : memref<!tpu.dma_semaphore, #tpu.memory_space<semaphore_mem>>) src(%arg9 : memref<128x128xf32, #tpu.memory_space<vmem>>) dst(%dma_wait3A_270 : memref<10240x128xf32, #tpu.memory_space<vmem_shared>>)
      %dma_start3A_271 = arith.constant 1408 : i32
      %dma_start3A_272 = tpu.memref_slice %arg6[%dma_start3A_271] : memref<2048xi32, #tpu.memory_space<vmem>> -> memref<128xi32, #tpu.memory_space<vmem>>
      %dma_start3A_273 = arith.constant 0 : i32
      %dma_start3A_274 = arith.constant 0 : i32
      %dma_start3A_275 = tpu.memref_slice %arg2[%dma_start3A_273, %dma_start3A_274] : memref<20480x128xf32, #tpu.memory_space<hbm>> -> memref<20480x128xf32, #tpu.memory_space<hbm>>
      tpu.enqueue_indirect_dma source(%dma_start3A_275 : memref<20480x128xf32, #tpu.memory_space<hbm>>) target(%arg9 : memref<128x128xf32, #tpu.memory_space<vmem>>) offsets(%dma_start3A_272 : memref<128xi32, #tpu.memory_space<vmem>>) semaphore(%arg12 : memref<!tpu.dma_semaphore, #tpu.memory_space<semaphore_mem>>)
      %dma_wait3A_276 = arith.constant 1280 : i32
      %dma_wait3A_277 = tpu.memref_slice %arg6[%dma_wait3A_276] : memref<2048xi32, #tpu.memory_space<vmem>> -> memref<128xi32, #tpu.memory_space<vmem>>
      %dma_wait3A_278 = arith.constant 0 : i32
      %dma_wait3A_279 = arith.constant 0 : i32
      %dma_wait3A_280 = tpu.memref_slice %arg2[%dma_wait3A_278, %dma_wait3A_279] : memref<20480x128xf32, #tpu.memory_space<hbm>> -> memref<20480x128xf32, #tpu.memory_space<hbm>>
      tpu.wait_indirect_dma semaphore(%arg11 : memref<!tpu.dma_semaphore, #tpu.memory_space<semaphore_mem>>) src(%dma_wait3A_280 : memref<20480x128xf32, #tpu.memory_space<hbm>>) dst(%arg8 : memref<128x128xf32, #tpu.memory_space<vmem>>)
      %dma_start3A_281 = arith.constant 10 : i32
      %dma_start3A_282 = arith.constant 0 : i32
      %dma_start3A_283 = tpu.memref_slice %arg7[%dma_start3A_281, %dma_start3A_282] : memref<16x128xi32, #tpu.memory_space<vmem>> -> memref<1x128xi32, #tpu.memory_space<vmem>>
      %dma_start3A_284 = tpu.memref_squeeze %dma_start3A_283 : memref<1x128xi32, #tpu.memory_space<vmem>> -> memref<128xi32, #tpu.memory_space<vmem>>
      %dma_start3A_285 = arith.constant 0 : i32
      %dma_start3A_286 = arith.constant 0 : i32
      %dma_start3A_287 = tpu.memref_slice %arg10[%dma_start3A_285, %dma_start3A_286] : memref<10240x128xf32, #tpu.memory_space<vmem_shared>> -> memref<10240x128xf32, #tpu.memory_space<vmem_shared>>
      tpu.enqueue_indirect_dma source(%arg8 : memref<128x128xf32, #tpu.memory_space<vmem>>) target(%dma_start3A_287 : memref<10240x128xf32, #tpu.memory_space<vmem_shared>>) offsets(%dma_start3A_284 : memref<128xi32, #tpu.memory_space<vmem>>) semaphore(%arg13 : memref<!tpu.dma_semaphore, #tpu.memory_space<semaphore_mem>>) {add = true}
      %dma_wait3A_288 = arith.constant 10 : i32
      %dma_wait3A_289 = arith.constant 0 : i32
      %dma_wait3A_290 = tpu.memref_slice %arg7[%dma_wait3A_288, %dma_wait3A_289] : memref<16x128xi32, #tpu.memory_space<vmem>> -> memref<1x128xi32, #tpu.memory_space<vmem>>
      %dma_wait3A_291 = tpu.memref_squeeze %dma_wait3A_290 : memref<1x128xi32, #tpu.memory_space<vmem>> -> memref<128xi32, #tpu.memory_space<vmem>>
      %dma_wait3A_292 = arith.constant 0 : i32
      %dma_wait3A_293 = arith.constant 0 : i32
      %dma_wait3A_294 = tpu.memref_slice %arg10[%dma_wait3A_292, %dma_wait3A_293] : memref<10240x128xf32, #tpu.memory_space<vmem_shared>> -> memref<10240x128xf32, #tpu.memory_space<vmem_shared>>
      tpu.wait_indirect_dma semaphore(%arg13 : memref<!tpu.dma_semaphore, #tpu.memory_space<semaphore_mem>>) src(%arg8 : memref<128x128xf32, #tpu.memory_space<vmem>>) dst(%dma_wait3A_294 : memref<10240x128xf32, #tpu.memory_space<vmem_shared>>)
      %dma_start3A_295 = arith.constant 1536 : i32
      %dma_start3A_296 = tpu.memref_slice %arg6[%dma_start3A_295] : memref<2048xi32, #tpu.memory_space<vmem>> -> memref<128xi32, #tpu.memory_space<vmem>>
      %dma_start3A_297 = arith.constant 0 : i32
      %dma_start3A_298 = arith.constant 0 : i32
      %dma_start3A_299 = tpu.memref_slice %arg2[%dma_start3A_297, %dma_start3A_298] : memref<20480x128xf32, #tpu.memory_space<hbm>> -> memref<20480x128xf32, #tpu.memory_space<hbm>>
      tpu.enqueue_indirect_dma source(%dma_start3A_299 : memref<20480x128xf32, #tpu.memory_space<hbm>>) target(%arg8 : memref<128x128xf32, #tpu.memory_space<vmem>>) offsets(%dma_start3A_296 : memref<128xi32, #tpu.memory_space<vmem>>) semaphore(%arg11 : memref<!tpu.dma_semaphore, #tpu.memory_space<semaphore_mem>>)
      %dma_wait3A_300 = arith.constant 1408 : i32
      %dma_wait3A_301 = tpu.memref_slice %arg6[%dma_wait3A_300] : memref<2048xi32, #tpu.memory_space<vmem>> -> memref<128xi32, #tpu.memory_space<vmem>>
      %dma_wait3A_302 = arith.constant 0 : i32
      %dma_wait3A_303 = arith.constant 0 : i32
      %dma_wait3A_304 = tpu.memref_slice %arg2[%dma_wait3A_302, %dma_wait3A_303] : memref<20480x128xf32, #tpu.memory_space<hbm>> -> memref<20480x128xf32, #tpu.memory_space<hbm>>
      tpu.wait_indirect_dma semaphore(%arg12 : memref<!tpu.dma_semaphore, #tpu.memory_space<semaphore_mem>>) src(%dma_wait3A_304 : memref<20480x128xf32, #tpu.memory_space<hbm>>) dst(%arg9 : memref<128x128xf32, #tpu.memory_space<vmem>>)
      %dma_start3A_305 = arith.constant 11 : i32
      %dma_start3A_306 = arith.constant 0 : i32
      %dma_start3A_307 = tpu.memref_slice %arg7[%dma_start3A_305, %dma_start3A_306] : memref<16x128xi32, #tpu.memory_space<vmem>> -> memref<1x128xi32, #tpu.memory_space<vmem>>
      %dma_start3A_308 = tpu.memref_squeeze %dma_start3A_307 : memref<1x128xi32, #tpu.memory_space<vmem>> -> memref<128xi32, #tpu.memory_space<vmem>>
      %dma_start3A_309 = arith.constant 0 : i32
      %dma_start3A_310 = arith.constant 0 : i32
      %dma_start3A_311 = tpu.memref_slice %arg10[%dma_start3A_309, %dma_start3A_310] : memref<10240x128xf32, #tpu.memory_space<vmem_shared>> -> memref<10240x128xf32, #tpu.memory_space<vmem_shared>>
      tpu.enqueue_indirect_dma source(%arg9 : memref<128x128xf32, #tpu.memory_space<vmem>>) target(%dma_start3A_311 : memref<10240x128xf32, #tpu.memory_space<vmem_shared>>) offsets(%dma_start3A_308 : memref<128xi32, #tpu.memory_space<vmem>>) semaphore(%arg14 : memref<!tpu.dma_semaphore, #tpu.memory_space<semaphore_mem>>) {add = true}
      %dma_wait3A_312 = arith.constant 11 : i32
      %dma_wait3A_313 = arith.constant 0 : i32
      %dma_wait3A_314 = tpu.memref_slice %arg7[%dma_wait3A_312, %dma_wait3A_313] : memref<16x128xi32, #tpu.memory_space<vmem>> -> memref<1x128xi32, #tpu.memory_space<vmem>>
      %dma_wait3A_315 = tpu.memref_squeeze %dma_wait3A_314 : memref<1x128xi32, #tpu.memory_space<vmem>> -> memref<128xi32, #tpu.memory_space<vmem>>
      %dma_wait3A_316 = arith.constant 0 : i32
      %dma_wait3A_317 = arith.constant 0 : i32
      %dma_wait3A_318 = tpu.memref_slice %arg10[%dma_wait3A_316, %dma_wait3A_317] : memref<10240x128xf32, #tpu.memory_space<vmem_shared>> -> memref<10240x128xf32, #tpu.memory_space<vmem_shared>>
      tpu.wait_indirect_dma semaphore(%arg14 : memref<!tpu.dma_semaphore, #tpu.memory_space<semaphore_mem>>) src(%arg9 : memref<128x128xf32, #tpu.memory_space<vmem>>) dst(%dma_wait3A_318 : memref<10240x128xf32, #tpu.memory_space<vmem_shared>>)
      %dma_start3A_319 = arith.constant 1664 : i32
      %dma_start3A_320 = tpu.memref_slice %arg6[%dma_start3A_319] : memref<2048xi32, #tpu.memory_space<vmem>> -> memref<128xi32, #tpu.memory_space<vmem>>
      %dma_start3A_321 = arith.constant 0 : i32
      %dma_start3A_322 = arith.constant 0 : i32
      %dma_start3A_323 = tpu.memref_slice %arg2[%dma_start3A_321, %dma_start3A_322] : memref<20480x128xf32, #tpu.memory_space<hbm>> -> memref<20480x128xf32, #tpu.memory_space<hbm>>
      tpu.enqueue_indirect_dma source(%dma_start3A_323 : memref<20480x128xf32, #tpu.memory_space<hbm>>) target(%arg9 : memref<128x128xf32, #tpu.memory_space<vmem>>) offsets(%dma_start3A_320 : memref<128xi32, #tpu.memory_space<vmem>>) semaphore(%arg12 : memref<!tpu.dma_semaphore, #tpu.memory_space<semaphore_mem>>)
      %dma_wait3A_324 = arith.constant 1536 : i32
      %dma_wait3A_325 = tpu.memref_slice %arg6[%dma_wait3A_324] : memref<2048xi32, #tpu.memory_space<vmem>> -> memref<128xi32, #tpu.memory_space<vmem>>
      %dma_wait3A_326 = arith.constant 0 : i32
      %dma_wait3A_327 = arith.constant 0 : i32
      %dma_wait3A_328 = tpu.memref_slice %arg2[%dma_wait3A_326, %dma_wait3A_327] : memref<20480x128xf32, #tpu.memory_space<hbm>> -> memref<20480x128xf32, #tpu.memory_space<hbm>>
      tpu.wait_indirect_dma semaphore(%arg11 : memref<!tpu.dma_semaphore, #tpu.memory_space<semaphore_mem>>) src(%dma_wait3A_328 : memref<20480x128xf32, #tpu.memory_space<hbm>>) dst(%arg8 : memref<128x128xf32, #tpu.memory_space<vmem>>)
      %dma_start3A_329 = arith.constant 12 : i32
      %dma_start3A_330 = arith.constant 0 : i32
      %dma_start3A_331 = tpu.memref_slice %arg7[%dma_start3A_329, %dma_start3A_330] : memref<16x128xi32, #tpu.memory_space<vmem>> -> memref<1x128xi32, #tpu.memory_space<vmem>>
      %dma_start3A_332 = tpu.memref_squeeze %dma_start3A_331 : memref<1x128xi32, #tpu.memory_space<vmem>> -> memref<128xi32, #tpu.memory_space<vmem>>
      %dma_start3A_333 = arith.constant 0 : i32
      %dma_start3A_334 = arith.constant 0 : i32
      %dma_start3A_335 = tpu.memref_slice %arg10[%dma_start3A_333, %dma_start3A_334] : memref<10240x128xf32, #tpu.memory_space<vmem_shared>> -> memref<10240x128xf32, #tpu.memory_space<vmem_shared>>
      tpu.enqueue_indirect_dma source(%arg8 : memref<128x128xf32, #tpu.memory_space<vmem>>) target(%dma_start3A_335 : memref<10240x128xf32, #tpu.memory_space<vmem_shared>>) offsets(%dma_start3A_332 : memref<128xi32, #tpu.memory_space<vmem>>) semaphore(%arg13 : memref<!tpu.dma_semaphore, #tpu.memory_space<semaphore_mem>>) {add = true}
      %dma_wait3A_336 = arith.constant 12 : i32
      %dma_wait3A_337 = arith.constant 0 : i32
      %dma_wait3A_338 = tpu.memref_slice %arg7[%dma_wait3A_336, %dma_wait3A_337] : memref<16x128xi32, #tpu.memory_space<vmem>> -> memref<1x128xi32, #tpu.memory_space<vmem>>
      %dma_wait3A_339 = tpu.memref_squeeze %dma_wait3A_338 : memref<1x128xi32, #tpu.memory_space<vmem>> -> memref<128xi32, #tpu.memory_space<vmem>>
      %dma_wait3A_340 = arith.constant 0 : i32
      %dma_wait3A_341 = arith.constant 0 : i32
      %dma_wait3A_342 = tpu.memref_slice %arg10[%dma_wait3A_340, %dma_wait3A_341] : memref<10240x128xf32, #tpu.memory_space<vmem_shared>> -> memref<10240x128xf32, #tpu.memory_space<vmem_shared>>
      tpu.wait_indirect_dma semaphore(%arg13 : memref<!tpu.dma_semaphore, #tpu.memory_space<semaphore_mem>>) src(%arg8 : memref<128x128xf32, #tpu.memory_space<vmem>>) dst(%dma_wait3A_342 : memref<10240x128xf32, #tpu.memory_space<vmem_shared>>)
      %dma_start3A_343 = arith.constant 1792 : i32
      %dma_start3A_344 = tpu.memref_slice %arg6[%dma_start3A_343] : memref<2048xi32, #tpu.memory_space<vmem>> -> memref<128xi32, #tpu.memory_space<vmem>>
      %dma_start3A_345 = arith.constant 0 : i32
      %dma_start3A_346 = arith.constant 0 : i32
      %dma_start3A_347 = tpu.memref_slice %arg2[%dma_start3A_345, %dma_start3A_346] : memref<20480x128xf32, #tpu.memory_space<hbm>> -> memref<20480x128xf32, #tpu.memory_space<hbm>>
      tpu.enqueue_indirect_dma source(%dma_start3A_347 : memref<20480x128xf32, #tpu.memory_space<hbm>>) target(%arg8 : memref<128x128xf32, #tpu.memory_space<vmem>>) offsets(%dma_start3A_344 : memref<128xi32, #tpu.memory_space<vmem>>) semaphore(%arg11 : memref<!tpu.dma_semaphore, #tpu.memory_space<semaphore_mem>>)
      %dma_wait3A_348 = arith.constant 1664 : i32
      %dma_wait3A_349 = tpu.memref_slice %arg6[%dma_wait3A_348] : memref<2048xi32, #tpu.memory_space<vmem>> -> memref<128xi32, #tpu.memory_space<vmem>>
      %dma_wait3A_350 = arith.constant 0 : i32
      %dma_wait3A_351 = arith.constant 0 : i32
      %dma_wait3A_352 = tpu.memref_slice %arg2[%dma_wait3A_350, %dma_wait3A_351] : memref<20480x128xf32, #tpu.memory_space<hbm>> -> memref<20480x128xf32, #tpu.memory_space<hbm>>
      tpu.wait_indirect_dma semaphore(%arg12 : memref<!tpu.dma_semaphore, #tpu.memory_space<semaphore_mem>>) src(%dma_wait3A_352 : memref<20480x128xf32, #tpu.memory_space<hbm>>) dst(%arg9 : memref<128x128xf32, #tpu.memory_space<vmem>>)
      %dma_start3A_353 = arith.constant 13 : i32
      %dma_start3A_354 = arith.constant 0 : i32
      %dma_start3A_355 = tpu.memref_slice %arg7[%dma_start3A_353, %dma_start3A_354] : memref<16x128xi32, #tpu.memory_space<vmem>> -> memref<1x128xi32, #tpu.memory_space<vmem>>
      %dma_start3A_356 = tpu.memref_squeeze %dma_start3A_355 : memref<1x128xi32, #tpu.memory_space<vmem>> -> memref<128xi32, #tpu.memory_space<vmem>>
      %dma_start3A_357 = arith.constant 0 : i32
      %dma_start3A_358 = arith.constant 0 : i32
      %dma_start3A_359 = tpu.memref_slice %arg10[%dma_start3A_357, %dma_start3A_358] : memref<10240x128xf32, #tpu.memory_space<vmem_shared>> -> memref<10240x128xf32, #tpu.memory_space<vmem_shared>>
      tpu.enqueue_indirect_dma source(%arg9 : memref<128x128xf32, #tpu.memory_space<vmem>>) target(%dma_start3A_359 : memref<10240x128xf32, #tpu.memory_space<vmem_shared>>) offsets(%dma_start3A_356 : memref<128xi32, #tpu.memory_space<vmem>>) semaphore(%arg14 : memref<!tpu.dma_semaphore, #tpu.memory_space<semaphore_mem>>) {add = true}
      %dma_wait3A_360 = arith.constant 13 : i32
      %dma_wait3A_361 = arith.constant 0 : i32
      %dma_wait3A_362 = tpu.memref_slice %arg7[%dma_wait3A_360, %dma_wait3A_361] : memref<16x128xi32, #tpu.memory_space<vmem>> -> memref<1x128xi32, #tpu.memory_space<vmem>>
      %dma_wait3A_363 = tpu.memref_squeeze %dma_wait3A_362 : memref<1x128xi32, #tpu.memory_space<vmem>> -> memref<128xi32, #tpu.memory_space<vmem>>
      %dma_wait3A_364 = arith.constant 0 : i32
      %dma_wait3A_365 = arith.constant 0 : i32
      %dma_wait3A_366 = tpu.memref_slice %arg10[%dma_wait3A_364, %dma_wait3A_365] : memref<10240x128xf32, #tpu.memory_space<vmem_shared>> -> memref<10240x128xf32, #tpu.memory_space<vmem_shared>>
      tpu.wait_indirect_dma semaphore(%arg14 : memref<!tpu.dma_semaphore, #tpu.memory_space<semaphore_mem>>) src(%arg9 : memref<128x128xf32, #tpu.memory_space<vmem>>) dst(%dma_wait3A_366 : memref<10240x128xf32, #tpu.memory_space<vmem_shared>>)
      %dma_start3A_367 = arith.constant 1920 : i32
      %dma_start3A_368 = tpu.memref_slice %arg6[%dma_start3A_367] : memref<2048xi32, #tpu.memory_space<vmem>> -> memref<128xi32, #tpu.memory_space<vmem>>
      %dma_start3A_369 = arith.constant 0 : i32
      %dma_start3A_370 = arith.constant 0 : i32
      %dma_start3A_371 = tpu.memref_slice %arg2[%dma_start3A_369, %dma_start3A_370] : memref<20480x128xf32, #tpu.memory_space<hbm>> -> memref<20480x128xf32, #tpu.memory_space<hbm>>
      tpu.enqueue_indirect_dma source(%dma_start3A_371 : memref<20480x128xf32, #tpu.memory_space<hbm>>) target(%arg9 : memref<128x128xf32, #tpu.memory_space<vmem>>) offsets(%dma_start3A_368 : memref<128xi32, #tpu.memory_space<vmem>>) semaphore(%arg12 : memref<!tpu.dma_semaphore, #tpu.memory_space<semaphore_mem>>)
      %dma_wait3A_372 = arith.constant 1792 : i32
      %dma_wait3A_373 = tpu.memref_slice %arg6[%dma_wait3A_372] : memref<2048xi32, #tpu.memory_space<vmem>> -> memref<128xi32, #tpu.memory_space<vmem>>
      %dma_wait3A_374 = arith.constant 0 : i32
      %dma_wait3A_375 = arith.constant 0 : i32
      %dma_wait3A_376 = tpu.memref_slice %arg2[%dma_wait3A_374, %dma_wait3A_375] : memref<20480x128xf32, #tpu.memory_space<hbm>> -> memref<20480x128xf32, #tpu.memory_space<hbm>>
      tpu.wait_indirect_dma semaphore(%arg11 : memref<!tpu.dma_semaphore, #tpu.memory_space<semaphore_mem>>) src(%dma_wait3A_376 : memref<20480x128xf32, #tpu.memory_space<hbm>>) dst(%arg8 : memref<128x128xf32, #tpu.memory_space<vmem>>)
      %dma_start3A_377 = arith.constant 14 : i32
      %dma_start3A_378 = arith.constant 0 : i32
      %dma_start3A_379 = tpu.memref_slice %arg7[%dma_start3A_377, %dma_start3A_378] : memref<16x128xi32, #tpu.memory_space<vmem>> -> memref<1x128xi32, #tpu.memory_space<vmem>>
      %dma_start3A_380 = tpu.memref_squeeze %dma_start3A_379 : memref<1x128xi32, #tpu.memory_space<vmem>> -> memref<128xi32, #tpu.memory_space<vmem>>
      %dma_start3A_381 = arith.constant 0 : i32
      %dma_start3A_382 = arith.constant 0 : i32
      %dma_start3A_383 = tpu.memref_slice %arg10[%dma_start3A_381, %dma_start3A_382] : memref<10240x128xf32, #tpu.memory_space<vmem_shared>> -> memref<10240x128xf32, #tpu.memory_space<vmem_shared>>
      tpu.enqueue_indirect_dma source(%arg8 : memref<128x128xf32, #tpu.memory_space<vmem>>) target(%dma_start3A_383 : memref<10240x128xf32, #tpu.memory_space<vmem_shared>>) offsets(%dma_start3A_380 : memref<128xi32, #tpu.memory_space<vmem>>) semaphore(%arg13 : memref<!tpu.dma_semaphore, #tpu.memory_space<semaphore_mem>>) {add = true}
      %dma_wait3A_384 = arith.constant 1920 : i32
      %dma_wait3A_385 = tpu.memref_slice %arg6[%dma_wait3A_384] : memref<2048xi32, #tpu.memory_space<vmem>> -> memref<128xi32, #tpu.memory_space<vmem>>
      %dma_wait3A_386 = arith.constant 0 : i32
      %dma_wait3A_387 = arith.constant 0 : i32
      %dma_wait3A_388 = tpu.memref_slice %arg2[%dma_wait3A_386, %dma_wait3A_387] : memref<20480x128xf32, #tpu.memory_space<hbm>> -> memref<20480x128xf32, #tpu.memory_space<hbm>>
      tpu.wait_indirect_dma semaphore(%arg12 : memref<!tpu.dma_semaphore, #tpu.memory_space<semaphore_mem>>) src(%dma_wait3A_388 : memref<20480x128xf32, #tpu.memory_space<hbm>>) dst(%arg9 : memref<128x128xf32, #tpu.memory_space<vmem>>)
      %dma_start3A_389 = arith.constant 15 : i32
      %dma_start3A_390 = arith.constant 0 : i32
      %dma_start3A_391 = tpu.memref_slice %arg7[%dma_start3A_389, %dma_start3A_390] : memref<16x128xi32, #tpu.memory_space<vmem>> -> memref<1x128xi32, #tpu.memory_space<vmem>>
      %dma_start3A_392 = tpu.memref_squeeze %dma_start3A_391 : memref<1x128xi32, #tpu.memory_space<vmem>> -> memref<128xi32, #tpu.memory_space<vmem>>
      %dma_start3A_393 = arith.constant 0 : i32
      %dma_start3A_394 = arith.constant 0 : i32
      %dma_start3A_395 = tpu.memref_slice %arg10[%dma_start3A_393, %dma_start3A_394] : memref<10240x128xf32, #tpu.memory_space<vmem_shared>> -> memref<10240x128xf32, #tpu.memory_space<vmem_shared>>
      tpu.enqueue_indirect_dma source(%arg9 : memref<128x128xf32, #tpu.memory_space<vmem>>) target(%dma_start3A_395 : memref<10240x128xf32, #tpu.memory_space<vmem_shared>>) offsets(%dma_start3A_392 : memref<128xi32, #tpu.memory_space<vmem>>) semaphore(%arg14 : memref<!tpu.dma_semaphore, #tpu.memory_space<semaphore_mem>>) {add = true}
      %dma_wait3A_396 = arith.constant 14 : i32
      %dma_wait3A_397 = arith.constant 0 : i32
      %dma_wait3A_398 = tpu.memref_slice %arg7[%dma_wait3A_396, %dma_wait3A_397] : memref<16x128xi32, #tpu.memory_space<vmem>> -> memref<1x128xi32, #tpu.memory_space<vmem>>
      %dma_wait3A_399 = tpu.memref_squeeze %dma_wait3A_398 : memref<1x128xi32, #tpu.memory_space<vmem>> -> memref<128xi32, #tpu.memory_space<vmem>>
      %dma_wait3A_400 = arith.constant 0 : i32
      %dma_wait3A_401 = arith.constant 0 : i32
      %dma_wait3A_402 = tpu.memref_slice %arg10[%dma_wait3A_400, %dma_wait3A_401] : memref<10240x128xf32, #tpu.memory_space<vmem_shared>> -> memref<10240x128xf32, #tpu.memory_space<vmem_shared>>
      tpu.wait_indirect_dma semaphore(%arg13 : memref<!tpu.dma_semaphore, #tpu.memory_space<semaphore_mem>>) src(%arg8 : memref<128x128xf32, #tpu.memory_space<vmem>>) dst(%dma_wait3A_402 : memref<10240x128xf32, #tpu.memory_space<vmem_shared>>)
      %dma_wait3A_403 = arith.constant 15 : i32
      %dma_wait3A_404 = arith.constant 0 : i32
      %dma_wait3A_405 = tpu.memref_slice %arg7[%dma_wait3A_403, %dma_wait3A_404] : memref<16x128xi32, #tpu.memory_space<vmem>> -> memref<1x128xi32, #tpu.memory_space<vmem>>
      %dma_wait3A_406 = tpu.memref_squeeze %dma_wait3A_405 : memref<1x128xi32, #tpu.memory_space<vmem>> -> memref<128xi32, #tpu.memory_space<vmem>>
      %dma_wait3A_407 = arith.constant 0 : i32
      %dma_wait3A_408 = arith.constant 0 : i32
      %dma_wait3A_409 = tpu.memref_slice %arg10[%dma_wait3A_407, %dma_wait3A_408] : memref<10240x128xf32, #tpu.memory_space<vmem_shared>> -> memref<10240x128xf32, #tpu.memory_space<vmem_shared>>
      tpu.wait_indirect_dma semaphore(%arg14 : memref<!tpu.dma_semaphore, #tpu.memory_space<semaphore_mem>>) src(%arg9 : memref<128x128xf32, #tpu.memory_space<vmem>>) dst(%dma_wait3A_409 : memref<10240x128xf32, #tpu.memory_space<vmem_shared>>)
    }
    %scan3A_14 = arith.constant 5 : i32
    %barrier3A_15 = arith.constant 0 : index
    tpu.barrier barrier_id(%barrier3A_15)
    %mul3A_16 = arith.constant 10240 : i32
    %mul3A_17 = arith.muli %arg0, %mul3A_16 : i32
    %add3A_18 = arith.addi %mul3A_17, %mul3A_0 : i32
    "tpu.region"() ({
      %run_scoped3A = tpu.sem_alloc : memref<!tpu.dma_semaphore, #tpu.memory_space<semaphore_mem>>
      %dma_start3A = arith.constant 0 : i32
      %dma_start3A_19 = tpu.memref_slice %arg5[%add3A_18, %dma_start3A] : memref<20480x128xf32, #tpu.memory_space<hbm>> -> memref<640x128xf32, #tpu.memory_space<hbm>>
      %dma_start3A_20 = arith.constant 0 : i32
      %dma_start3A_21 = tpu.memref_slice %arg10[%mul3A_0, %dma_start3A_20] : memref<10240x128xf32, #tpu.memory_space<vmem_shared>> -> memref<640x128xf32, #tpu.memory_space<vmem_shared>>
      tpu.enqueue_dma source(%dma_start3A_21 : memref<640x128xf32, #tpu.memory_space<vmem_shared>>) target(%dma_start3A_19 : memref<640x128xf32, #tpu.memory_space<hbm>>) target_semaphore(%run_scoped3A : memref<!tpu.dma_semaphore, #tpu.memory_space<semaphore_mem>>)
      %dma_wait3A = arith.constant 0 : i32
      %dma_wait3A_22 = tpu.memref_slice %arg5[%add3A_18, %dma_wait3A] : memref<20480x128xf32, #tpu.memory_space<hbm>> -> memref<640x128xf32, #tpu.memory_space<hbm>>
      %dma_wait3A_23 = arith.constant 0 : i32
      %dma_wait3A_24 = tpu.memref_slice %arg10[%mul3A_0, %dma_wait3A_23] : memref<10240x128xf32, #tpu.memory_space<vmem_shared>> -> memref<640x128xf32, #tpu.memory_space<vmem_shared>>
      tpu.wait_dma2 semaphore(%run_scoped3A : memref<!tpu.dma_semaphore, #tpu.memory_space<semaphore_mem>>) src(%dma_wait3A_24 : memref<640x128xf32, #tpu.memory_space<vmem_shared>>) dst(%dma_wait3A_22 : memref<640x128xf32, #tpu.memory_space<hbm>>)
      tpu.yield
    }) : () -> ()
    return
  }
}

module attributes {stable_mosaic.version = 14 : i64} {
  func.func @_tc1_body(%arg0: i32, %arg1: i32, %arg2: memref<10240x128xf32, #tpu.memory_space<vmem>>, %arg3: memref<128x128xf32, #tpu.memory_space<vmem>>, %arg4: memref<2x10240xf32, #tpu.memory_space<vmem>>, %arg5: memref<10240x128xf32, #tpu.memory_space<vmem>>, %arg6: memref<10240x1xf32, #tpu.memory_space<vmem>>) attributes {dimension_semantics = [#tpu.dimension_semantics<arbitrary>, #tpu.dimension_semantics<arbitrary>], iteration_bounds = array<i64: 2, 1>, scalar_prefetch = 0 : i64, scratch_operands = 0 : i64, tpu.core_type = #tpu.core_type<tc>, window_params = [{transform_indices = @transform_0, window_bounds = array<i64: 10240, 128>}, {transform_indices = @transform_1, window_bounds = array<i64: 128, 128>}, {transform_indices = @transform_2, window_bounds = array<i64: 2, 10240>}, {transform_indices = @transform_3, window_bounds = array<i64: 10240, 128>}, {transform_indices = @transform_4, window_bounds = array<i64: 10240, 1>}]} {
    %get3A = arith.constant 0 : index
    %get3A_0 = arith.constant 0 : index
    %get3A_1 = vector.load %arg4[%get3A, %get3A_0] : memref<2x10240xf32, #tpu.memory_space<vmem>>, vector<1x10240xf32>
    %get3A_2 = vector.shape_cast %get3A_1 : vector<1x10240xf32> to vector<10240xf32>
    %get3A_3 = arith.constant 1 : index
    %get3A_4 = arith.constant 0 : index
    %get3A_5 = vector.load %arg4[%get3A_3, %get3A_4] : memref<2x10240xf32, #tpu.memory_space<vmem>>, vector<1x10240xf32>
    %get3A_6 = vector.shape_cast %get3A_5 : vector<1x10240xf32> to vector<10240xf32>
    %add3A = arith.addf %get3A_2, %get3A_6 : vector<10240xf32>
    %add3A_7 = arith.constant 1.000000e+00 : f32
    %add3A_8 = vector.broadcast %add3A_7 : f32 to vector<10240xf32>
    %add3A_9 = arith.addf %add3A, %add3A_8 : vector<10240xf32>
    %rsqrt3A = math.rsqrt %add3A_9 : vector<10240xf32>
    %get3A_10 = arith.constant 0 : index
    %get3A_11 = arith.constant 0 : index
    %get3A_12 = vector.load %arg2[%get3A_10, %get3A_11] : memref<10240x128xf32, #tpu.memory_space<vmem>>, vector<10240x128xf32>
    %get3A_13 = arith.constant 0 : index
    %get3A_14 = arith.constant 0 : index
    %get3A_15 = vector.load %arg3[%get3A_13, %get3A_14] : memref<128x128xf32, #tpu.memory_space<vmem>>, vector<128x128xf32>
    %dot_general3A = arith.constant dense<0.000000e+00> : vector<10240x128xf32>
    %dot_general3A_16 = tpu.matmul %get3A_12, %get3A_15, %dot_general3A {dimension_numbers = #tpu.dot_dimension_numbers<[1], [0], [0], [1], [0, 0, 1, 1], [], []>, transpose_lhs_hint = false} : vector<10240x128xf32>, vector<128x128xf32>, vector<10240x128xf32> -> vector<10240x128xf32>
    %broadcast_in_dim3A = vector.shape_cast %rsqrt3A : vector<10240xf32> to vector<10240x1xf32>
    %mul3A = vector.broadcast %broadcast_in_dim3A : vector<10240x1xf32> to vector<10240x128xf32>
    %mul3A_17 = arith.mulf %dot_general3A_16, %mul3A : vector<10240x128xf32>
    %swap3A = arith.constant 0 : index
    %swap3A_18 = arith.constant 0 : index
    %swap3A_19 = vector.load %arg5[%swap3A, %swap3A_18] : memref<10240x128xf32, #tpu.memory_space<vmem>>, vector<10240x128xf32>
    tpu.vector_store %arg5[%swap3A, %swap3A_18], %mul3A_17 {strides = array<i32>} : memref<10240x128xf32, #tpu.memory_space<vmem>>, vector<10240x128xf32>,
    %broadcast_in_dim3A_20 = vector.shape_cast %rsqrt3A : vector<10240xf32> to vector<10240x1xf32>
    %swap3A_21 = arith.constant 0 : index
    %swap3A_22 = arith.constant 0 : index
    %swap3A_23 = vector.load %arg6[%swap3A_21, %swap3A_22] : memref<10240x1xf32, #tpu.memory_space<vmem>>, vector<10240x1xf32>
    tpu.vector_store %arg6[%swap3A_21, %swap3A_22], %broadcast_in_dim3A_20 {strides = array<i32>} : memref<10240x1xf32, #tpu.memory_space<vmem>>, vector<10240x1xf32>,
    return
  }
  func.func @transform_0(%arg0: i32, %arg1: i32) -> (i32, i32) {
    %c0_i32 = arith.constant 0 : i32
    %c0_i32_0 = arith.constant 0 : i32
    return %arg1, %c0_i32 : i32, i32
  }
  func.func @transform_1(%arg0: i32, %arg1: i32) -> (i32, i32) {
    %c0_i32 = arith.constant 0 : i32
    %c0_i32_0 = arith.constant 0 : i32
    return %c0_i32, %arg0 : i32, i32
  }
  func.func @transform_2(%arg0: i32, %arg1: i32) -> (i32, i32) {
    %c0_i32 = arith.constant 0 : i32
    %c0_i32_0 = arith.constant 0 : i32
    return %c0_i32, %arg1 : i32, i32
  }
  func.func @transform_3(%arg0: i32, %arg1: i32) -> (i32, i32) {
    %mul3A = arith.constant 1 : i32
    %mul3A_0 = arith.muli %arg0, %mul3A : i32
    %add3A = arith.addi %mul3A_0, %arg1 : i32
    %c0_i32 = arith.constant 0 : i32
    %c0_i32_1 = arith.constant 0 : i32
    return %add3A, %c0_i32 : i32, i32
  }
  func.func @transform_4(%arg0: i32, %arg1: i32) -> (i32, i32) {
    %c0_i32 = arith.constant 0 : i32
    %c0_i32_0 = arith.constant 0 : i32
    return %arg1, %c0_i32 : i32, i32
  }
}

module attributes {stable_mosaic.version = 14 : i64} {
  func.func @_tc2_body(%arg0: i32, %arg1: i32, %arg2: memref<10240x128xf32, #tpu.memory_space<vmem>>, %arg3: memref<10240x128xf32, #tpu.memory_space<vmem>>, %arg4: memref<10240x1xf32, #tpu.memory_space<vmem>>, %arg5: memref<1x256xf32, #tpu.memory_space<vmem>>, %arg6: memref<256x128xf32, #tpu.memory_space<vmem>>, %arg7: memref<10240x128xf32, #tpu.memory_space<vmem>>) attributes {dimension_semantics = [#tpu.dimension_semantics<arbitrary>, #tpu.dimension_semantics<arbitrary>], iteration_bounds = array<i64: 2, 1>, scalar_prefetch = 0 : i64, scratch_operands = 0 : i64, tpu.core_type = #tpu.core_type<tc>, window_params = [{transform_indices = @transform_0, window_bounds = array<i64: 10240, 128>}, {transform_indices = @transform_1, window_bounds = array<i64: 10240, 128>}, {transform_indices = @transform_2, window_bounds = array<i64: 10240, 1>}, {pipeline_mode = #tpu.pipeline_mode<synchronous>, transform_indices = @transform_3, window_bounds = array<i64: 1, 256>}, {pipeline_mode = #tpu.pipeline_mode<synchronous>, transform_indices = @transform_4, window_bounds = array<i64: 256, 128>}, {transform_indices = @transform_5, window_bounds = array<i64: 10240, 128>}]} {
    %get3A = arith.constant 0 : index
    %get3A_0 = arith.constant 0 : index
    %get3A_1 = vector.load %arg2[%get3A, %get3A_0] : memref<10240x128xf32, #tpu.memory_space<vmem>>, vector<10240x128xf32>
    %get3A_2 = arith.constant 0 : index
    %get3A_3 = arith.constant 0 : index
    %get3A_4 = vector.load %arg3[%get3A_2, %get3A_3] : memref<10240x128xf32, #tpu.memory_space<vmem>>, vector<10240x128xf32>
    %concatenate3A = tpu.concatenate %get3A_1, %get3A_4 in 1 : vector<10240x128xf32>, vector<10240x128xf32> -> vector<10240x256xf32>
    %get3A_5 = arith.constant 0 : index
    %get3A_6 = arith.constant 0 : index
    %get3A_7 = vector.load %arg4[%get3A_5, %get3A_6] : memref<10240x1xf32, #tpu.memory_space<vmem>>, vector<10240x1xf32>
    %mul3A = vector.broadcast %get3A_7 : vector<10240x1xf32> to vector<10240x256xf32>
    %mul3A_8 = arith.mulf %concatenate3A, %mul3A : vector<10240x256xf32>
    %get3A_9 = arith.constant 0 : index
    %get3A_10 = arith.constant 0 : index
    %get3A_11 = vector.load %arg5[%get3A_9, %get3A_10] : memref<1x256xf32, #tpu.memory_space<vmem>>, vector<1x256xf32>
    %add3A = vector.broadcast %get3A_11 : vector<1x256xf32> to vector<10240x256xf32>
    %add3A_12 = arith.addf %mul3A_8, %add3A : vector<10240x256xf32>
    %gt3A = arith.constant 0.000000e+00 : f32
    %gt3A_13 = vector.broadcast %gt3A : f32 to vector<10240x256xf32>
    %gt3A_14 = arith.cmpf ogt, %add3A_12, %gt3A_13 : vector<10240x256xf32>
    %exp3A = math.exp %add3A_12 : vector<10240x256xf32>
    %sub3A = arith.constant 1.000000e+00 : f32
    %sub3A_15 = vector.broadcast %sub3A : f32 to vector<10240x256xf32>
    %sub3A_16 = arith.subf %exp3A, %sub3A_15 : vector<10240x256xf32>
    %select_n3A = arith.select %gt3A_14, %add3A_12, %sub3A_16 : vector<10240x256xi1>, vector<10240x256xf32>
    %get3A_17 = arith.constant 0 : index
    %get3A_18 = arith.constant 0 : index
    %get3A_19 = vector.load %arg6[%get3A_17, %get3A_18] : memref<256x128xf32, #tpu.memory_space<vmem>>, vector<256x128xf32>
    %dot_general3A = arith.constant dense<0.000000e+00> : vector<10240x128xf32>
    %dot_general3A_20 = tpu.matmul %select_n3A, %get3A_19, %dot_general3A {dimension_numbers = #tpu.dot_dimension_numbers<[1], [0], [0], [1], [0, 0, 1, 1], [], []>, transpose_lhs_hint = false} : vector<10240x256xf32>, vector<256x128xf32>, vector<10240x128xf32> -> vector<10240x128xf32>
    %mul3A_21 = vector.broadcast %get3A_7 : vector<10240x1xf32> to vector<10240x128xf32>
    %mul3A_22 = arith.mulf %dot_general3A_20, %mul3A_21 : vector<10240x128xf32>
    %eq3A = arith.constant 0 : i32
    %eq3A_23 = arith.cmpi eq, %arg0, %eq3A : i32
    %convert_element_type3A = arith.extui %eq3A_23 : i1 to i32
    %convert_element_type3A_24 = arith.sitofp %convert_element_type3A : i32 to f32
    %mul3A_25 = vector.broadcast %convert_element_type3A_24 : f32 to vector<10240x128xf32>
    %mul3A_26 = arith.mulf %mul3A_22, %mul3A_25 : vector<10240x128xf32>
    %swap3A = arith.constant 0 : index
    %swap3A_27 = arith.constant 0 : index
    %swap3A_28 = vector.load %arg7[%swap3A, %swap3A_27] : memref<10240x128xf32, #tpu.memory_space<vmem>>, vector<10240x128xf32>
    tpu.vector_store %arg7[%swap3A, %swap3A_27], %mul3A_26 {strides = array<i32>} : memref<10240x128xf32, #tpu.memory_space<vmem>>, vector<10240x128xf32>,
    return
  }
  func.func @transform_0(%arg0: i32, %arg1: i32) -> (i32, i32) {
    %c0_i32 = arith.constant 0 : i32
    %c0_i32_0 = arith.constant 0 : i32
    return %arg1, %c0_i32 : i32, i32
  }
  func.func @transform_1(%arg0: i32, %arg1: i32) -> (i32, i32) {
    %add3A = arith.constant 1 : i32
    %add3A_0 = arith.addi %add3A, %arg1 : i32
    %c0_i32 = arith.constant 0 : i32
    %c0_i32_1 = arith.constant 0 : i32
    return %add3A_0, %c0_i32 : i32, i32
  }
  func.func @transform_2(%arg0: i32, %arg1: i32) -> (i32, i32) {
    %c0_i32 = arith.constant 0 : i32
    %c0_i32_0 = arith.constant 0 : i32
    return %arg1, %c0_i32 : i32, i32
  }
  func.func @transform_3(%arg0: i32, %arg1: i32) -> (i32, i32) {
    %c0_i32 = arith.constant 0 : i32
    %c0_i32_0 = arith.constant 0 : i32
    %c0_i32_1 = arith.constant 0 : i32
    return %c0_i32, %c0_i32_0 : i32, i32
  }
  func.func @transform_4(%arg0: i32, %arg1: i32) -> (i32, i32) {
    %c0_i32 = arith.constant 0 : i32
    %c0_i32_0 = arith.constant 0 : i32
    %c0_i32_1 = arith.constant 0 : i32
    return %c0_i32, %c0_i32_0 : i32, i32
  }
  func.func @transform_5(%arg0: i32, %arg1: i32) -> (i32, i32) {
    %mul3A = arith.constant 1 : i32
    %mul3A_0 = arith.muli %arg0, %mul3A : i32
    %add3A = arith.addi %mul3A_0, %arg1 : i32
    %c0_i32 = arith.constant 0 : i32
    %c0_i32_1 = arith.constant 0 : i32
    return %add3A, %c0_i32 : i32, i32
  }
}

module attributes {stable_mosaic.version = 14 : i64} {
  func.func @_tc3_body(%arg0: i32, %arg1: memref<10240x128xf32, #tpu.memory_space<vmem>>, %arg2: memref<10240x128xf32, #tpu.memory_space<vmem>>, %arg3: memref<10240x1xf32, #tpu.memory_space<vmem>>, %arg4: memref<1x128xf32, #tpu.memory_space<vmem>>, %arg5: memref<1x1x10240xi32, #tpu.memory_space<vmem>>, %arg6: memref<64x128xf32, #tpu.memory_space<vmem>>, %arg7: memref<64x128xf32, #tpu.memory_space<vmem>>, %arg8: memref<64x1xf32, #tpu.memory_space<vmem>>) attributes {dimension_semantics = [#tpu.dimension_semantics<arbitrary>], iteration_bounds = array<i64: 1>, scalar_prefetch = 0 : i64, scratch_operands = 2 : i64, tpu.core_type = #tpu.core_type<tc>, window_params = [{transform_indices = @transform_0, window_bounds = array<i64: 10240, 128>}, {transform_indices = @transform_1, window_bounds = array<i64: 10240, 128>}, {transform_indices = @transform_2, window_bounds = array<i64: 10240, 1>}, {pipeline_mode = #tpu.pipeline_mode<synchronous>, transform_indices = @transform_3, window_bounds = array<i64: 1, 128>}, {transform_indices = @transform_4, window_bounds = array<i64: 1, 1, 10240>}, {pipeline_mode = #tpu.pipeline_mode<synchronous>, transform_indices = @transform_5, window_bounds = array<i64: 64, 128>}]} {
    %eq3A = arith.constant 0 : i32
    %eq3A_0 = arith.cmpi eq, %arg0, %eq3A : i32
    %convert_element_type3A = arith.extui %eq3A_0 : i1 to i32
    %cond3A = arith.constant 0 : i32
    %cond3A_1 = arith.cmpi ne, %convert_element_type3A, %cond3A : i32
    scf.if %cond3A_1 {
      %broadcast_in_dim3A_46 = arith.constant 0.000000e+00 : f32
      %broadcast_in_dim3A_47 = vector.broadcast %broadcast_in_dim3A_46 : f32 to vector<64x128xf32>
      %swap3A_48 = arith.constant 0 : index
      %swap3A_49 = arith.constant 0 : index
      %swap3A_50 = vector.load %arg7[%swap3A_48, %swap3A_49] : memref<64x128xf32, #tpu.memory_space<vmem>>, vector<64x128xf32>
      tpu.vector_store %arg7[%swap3A_48, %swap3A_49], %broadcast_in_dim3A_47 {strides = array<i32>} : memref<64x128xf32, #tpu.memory_space<vmem>>, vector<64x128xf32>,
      %broadcast_in_dim3A_51 = arith.constant 0.000000e+00 : f32
      %broadcast_in_dim3A_52 = vector.broadcast %broadcast_in_dim3A_51 : f32 to vector<64x1xf32>
      %swap3A_53 = arith.constant 0 : index
      %swap3A_54 = arith.constant 0 : index
      %swap3A_55 = vector.load %arg8[%swap3A_53, %swap3A_54] : memref<64x1xf32, #tpu.memory_space<vmem>>, vector<64x1xf32>
      tpu.vector_store %arg8[%swap3A_53, %swap3A_54], %broadcast_in_dim3A_52 {strides = array<i32>} : memref<64x1xf32, #tpu.memory_space<vmem>>, vector<64x1xf32>,
    } else {
    }
    %get3A = arith.constant 0 : index
    %get3A_2 = arith.constant 0 : index
    %get3A_3 = vector.load %arg1[%get3A, %get3A_2] : memref<10240x128xf32, #tpu.memory_space<vmem>>, vector<10240x128xf32>
    %get3A_4 = arith.constant 0 : index
    %get3A_5 = arith.constant 0 : index
    %get3A_6 = vector.load %arg2[%get3A_4, %get3A_5] : memref<10240x128xf32, #tpu.memory_space<vmem>>, vector<10240x128xf32>
    %add3A = arith.addf %get3A_3, %get3A_6 : vector<10240x128xf32>
    %get3A_7 = arith.constant 0 : index
    %get3A_8 = arith.constant 0 : index
    %get3A_9 = vector.load %arg3[%get3A_7, %get3A_8] : memref<10240x1xf32, #tpu.memory_space<vmem>>, vector<10240x1xf32>
    %mul3A = vector.broadcast %get3A_9 : vector<10240x1xf32> to vector<10240x128xf32>
    %mul3A_10 = arith.mulf %add3A, %mul3A : vector<10240x128xf32>
    %get3A_11 = arith.constant 0 : index
    %get3A_12 = arith.constant 0 : index
    %get3A_13 = vector.load %arg4[%get3A_11, %get3A_12] : memref<1x128xf32, #tpu.memory_space<vmem>>, vector<1x128xf32>
    %add3A_14 = vector.broadcast %get3A_13 : vector<1x128xf32> to vector<10240x128xf32>
    %add3A_15 = arith.addf %mul3A_10, %add3A_14 : vector<10240x128xf32>
    %get3A_16 = arith.constant 0 : index
    %get3A_17 = arith.constant 0 : index
    %get3A_18 = arith.constant 0 : index
    %get3A_19 = vector.load %arg5[%get3A_16, %get3A_17, %get3A_18] : memref<1x1x10240xi32, #tpu.memory_space<vmem>>, vector<1x1x10240xi32>
    %get3A_20 = vector.shape_cast %get3A_19 : vector<1x1x10240xi32> to vector<10240xi32>
    %broadcast_in_dim3A = vector.shape_cast %get3A_20 : vector<10240xi32> to vector<1x10240xi32>
    %iota3A = tpu.iota {dimensions = array<i32: 0>} : vector<64x10240xi32>
    %eq3A_21 = vector.broadcast %broadcast_in_dim3A : vector<1x10240xi32> to vector<64x10240xi32>
    %eq3A_22 = arith.cmpi eq, %eq3A_21, %iota3A : vector<64x10240xi32>
    %convert_element_type3A_23 = arith.extui %eq3A_22 : vector<64x10240xi1> to vector<64x10240xi32>
    %convert_element_type3A_24 = arith.sitofp %convert_element_type3A_23 : vector<64x10240xi32> to vector<64x10240xf32>
    %get3A_25 = arith.constant 0 : index
    %get3A_26 = arith.constant 0 : index
    %get3A_27 = vector.load %arg7[%get3A_25, %get3A_26] : memref<64x128xf32, #tpu.memory_space<vmem>>, vector<64x128xf32>
    %dot_general3A = arith.constant dense<0.000000e+00> : vector<64x128xf32>
    %dot_general3A_28 = tpu.matmul %convert_element_type3A_24, %add3A_15, %dot_general3A {dimension_numbers = #tpu.dot_dimension_numbers<[1], [0], [0], [1], [0, 0, 1, 1], [], []>, transpose_lhs_hint = false} : vector<64x10240xf32>, vector<10240x128xf32>, vector<64x128xf32> -> vector<64x128xf32>
    %add3A_29 = arith.addf %get3A_27, %dot_general3A_28 : vector<64x128xf32>
    %swap3A = arith.constant 0 : index
    %swap3A_30 = arith.constant 0 : index
    %swap3A_31 = vector.load %arg7[%swap3A, %swap3A_30] : memref<64x128xf32, #tpu.memory_space<vmem>>, vector<64x128xf32>
    tpu.vector_store %arg7[%swap3A, %swap3A_30], %add3A_29 {strides = array<i32>} : memref<64x128xf32, #tpu.memory_space<vmem>>, vector<64x128xf32>,
    %get3A_32 = arith.constant 0 : index
    %get3A_33 = arith.constant 0 : index
    %get3A_34 = vector.load %arg8[%get3A_32, %get3A_33] : memref<64x1xf32, #tpu.memory_space<vmem>>, vector<64x1xf32>
    %reduce_sum3A = arith.constant dense<0.000000e+00> : vector<64xf32>
    %reduce_sum3A_35 = vector.multi_reduction <add>, %convert_element_type3A_24, %reduce_sum3A [1] : vector<64x10240xf32> to vector<64xf32>
    %broadcast_in_dim3A_36 = vector.shape_cast %reduce_sum3A_35 : vector<64xf32> to vector<64x1xf32>
    %add3A_37 = arith.addf %get3A_34, %broadcast_in_dim3A_36 : vector<64x1xf32>
    %swap3A_38 = arith.constant 0 : index
    %swap3A_39 = arith.constant 0 : index
    %swap3A_40 = vector.load %arg8[%swap3A_38, %swap3A_39] : memref<64x1xf32, #tpu.memory_space<vmem>>, vector<64x1xf32>
    tpu.vector_store %arg8[%swap3A_38, %swap3A_39], %add3A_37 {strides = array<i32>} : memref<64x1xf32, #tpu.memory_space<vmem>>, vector<64x1xf32>,
    %eq3A_41 = arith.constant 0 : i32
    %eq3A_42 = arith.cmpi eq, %arg0, %eq3A_41 : i32
    %convert_element_type3A_43 = arith.extui %eq3A_42 : i1 to i32
    %cond3A_44 = arith.constant 0 : i32
    %cond3A_45 = arith.cmpi ne, %convert_element_type3A_43, %cond3A_44 : i32
    scf.if %cond3A_45 {
      %get3A_46 = arith.constant 0 : index
      %get3A_47 = arith.constant 0 : index
      %get3A_48 = vector.load %arg7[%get3A_46, %get3A_47] : memref<64x128xf32, #tpu.memory_space<vmem>>, vector<64x128xf32>
      %get3A_49 = arith.constant 0 : index
      %get3A_50 = arith.constant 0 : index
      %get3A_51 = vector.load %arg8[%get3A_49, %get3A_50] : memref<64x1xf32, #tpu.memory_space<vmem>>, vector<64x1xf32>
      %max3A = arith.constant 1.000000e+00 : f32
      %max3A_52 = vector.broadcast %max3A : f32 to vector<64x1xf32>
      %max3A_53 = arith.maximumf %get3A_51, %max3A_52 : vector<64x1xf32>
      %div3A = vector.broadcast %max3A_53 : vector<64x1xf32> to vector<64x128xf32>
      %div3A_54 = arith.divf %get3A_48, %div3A : vector<64x128xf32>
      %swap3A_55 = arith.constant 0 : index
      %swap3A_56 = arith.constant 0 : index
      %swap3A_57 = vector.load %arg6[%swap3A_55, %swap3A_56] : memref<64x128xf32, #tpu.memory_space<vmem>>, vector<64x128xf32>
      tpu.vector_store %arg6[%swap3A_55, %swap3A_56], %div3A_54 {strides = array<i32>} : memref<64x128xf32, #tpu.memory_space<vmem>>, vector<64x128xf32>,
    } else {
    }
    return
  }
  func.func @transform_0(%arg0: i32) -> (i32, i32) {
    %c0_i32 = arith.constant 0 : i32
    %c0_i32_0 = arith.constant 0 : i32
    return %arg0, %c0_i32 : i32, i32
  }
  func.func @transform_1(%arg0: i32) -> (i32, i32) {
    %add3A = arith.constant 1 : i32
    %add3A_0 = arith.addi %add3A, %arg0 : i32
    %c0_i32 = arith.constant 0 : i32
    %c0_i32_1 = arith.constant 0 : i32
    return %add3A_0, %c0_i32 : i32, i32
  }
  func.func @transform_2(%arg0: i32) -> (i32, i32) {
    %c0_i32 = arith.constant 0 : i32
    %c0_i32_0 = arith.constant 0 : i32
    return %arg0, %c0_i32 : i32, i32
  }
  func.func @transform_3(%arg0: i32) -> (i32, i32) {
    %c0_i32 = arith.constant 0 : i32
    %c0_i32_0 = arith.constant 0 : i32
    %c0_i32_1 = arith.constant 0 : i32
    return %c0_i32, %c0_i32_0 : i32, i32
  }
  func.func @transform_4(%arg0: i32) -> (i32, i32, i32) {
    %c0_i32 = arith.constant 0 : i32
    %c0_i32_0 = arith.constant 0 : i32
    %c0_i32_1 = arith.constant 0 : i32
    return %arg0, %c0_i32, %c0_i32_0 : i32, i32, i32
  }
  func.func @transform_5(%arg0: i32) -> (i32, i32) {
    %c0_i32 = arith.constant 0 : i32
    %c0_i32_0 = arith.constant 0 : i32
    %c0_i32_1 = arith.constant 0 : i32
    return %c0_i32, %c0_i32_0 : i32, i32
  }
}

</mosaic_0001>

<sc_bundles>
// kernel: kernel.11.cloned.1.call-start
scs
__scs_entry_jumppad:
0x0: {  	(pc) =	sbr.rel $0x88, $3  }
0x1: {  	(tag) =	ssettag $0x0;
	lr =	simm.s32 $0x1  }
0x2: {  	[smem:$0x3F9A] =	sst lr;
	_ =	strace $0xD0000000  }
0x3: {  	_ = 	snop  }
0x4: {  	_ = 	snop  }
0x5: {  	_ = 	snop  }
0x6: {  	_ = 	snop  }
0x7: {  	_ = 	snop  }
__scs_overlays_trampoline_lowered:
0x8: {  	[smem:$0x3FA9] =	sst s0  }
0x9: {  	[smem:$0x3FAA] =	sst s1  }
0xa: {  	[smem:$0x3FAB] =	sst s2  }
0xb: {  	[smem:$0x3FAC] =	sst s3  }
0xc: {  	[smem:$0x3FAD] =	sst s4  }
0xd: {  	[smem:$0x3FAE] =	sst s5  }
0xe: {  	[smem:$0x3FAF] =	sst s6  }
0xf: {  	[smem:$0x3FB0] =	sst s7  }
0x10: {  	[smem:$0x3FB1] =	sst s8  }
0x11: {  	[smem:$0x3FB2] =	sst s9;
	s0 =	simm.s32 @!p0 $0x0  }
0x12: {  	s1 =	sld [smem:$0x3F98];
	s0 =	simm.s32 @p0 $0x1  }
0x13: {  	[smem:$0x3FB3] =	sst s0;
	s0 =	simm.s32 @!p1 $0x0  }
0x14: {  	s2 =	sld [smem:$0x3F97];
	s0 =	simm.s32 @p1 $0x1  }
0x15: {  	[smem:$0x3FB4] =	sst s0;
	s0 =	simm.s32 @!p2 $0x0  }
0x16: {  	s3 =	sld [smem:$0x3FDB];
	s0 =	simm.s32 @p2 $0x1  }
0x17: {  	s4 =	simm.s32 $0x1BF5;
	[smem:$0x3FB6] =	sst s0  }
0x18: {  	s0 =	sld [smem:$0x3F99];
	_ =	swait.ge [sflag:s4], $0x0  }
0x19: {  	s7 =	sld [smem:$0x3F9A]  }
0x1a: {  	s8 =	sadd.s32 $0xFFFFE003, lr  }
0x1b: {  	s9 =	sadd.s32 $0xFFFFFEF7, lr;
	s5 =	simm.s32 $0xFFFFFFFF;
	p2 =	slt.u32 s8, $0xFFFFF086  }
0x1c: {  	p1 =	slt.u32 s9, $0xF7A;
	s5 =	simm.s32 @!p2 $0x0  }
0x1d: {  	s5 =	simm.s32 @p1 $0x1;
	p0 =	seq.s32 s7, s2  }
0x1e: {  	s7 =	smul.u32 @!p0 $0xF7A, s2;
	p2 =	seq.s32 @!p0 s5, $0x0  }
0x1f: {  	s9 =	smul.u32 $0xF7A, s1;
	s8 =	simm.s32 @!p0 $0x1BF5;
	p2 =	por !p2, p0  }
0x20: {  	[sflag:s8] =	ssyncset.s32 @!p0 $0xFFFFF086;
	s6 =	sadd.s32 @!p0 s3, s7;
	s7 =	simm.s32 @!p0 $0x108  }
0x21: {  	s3 =	sadd.s32 s3, s9;
	s6 =	sadd.s32 @!p0 $0x88, s6;
	s7 =	simm.s32 @p2 $0x1082  }
0x22: {  	[simem:s7], [sflag:s8] =	dma.local @!p0 [hbm:s6], $0xF7A  }
0x23: {  	s9 =	sor.u32 $0xD0000000, s2;
	s6 =	simm.s32 $0x108;
	_ =	swait.ge @!p0 [sflag:s8], $0x0  }
0x24: {  	s3 =	sadd.s32 $0x88, s3;
	s6 =	simm.s32 @!p1 $0x1082;
	[sflag:s4] =	ssyncset.s32 $0xFFFFF086  }
0x25: {  	[simem:s6], [sflag:s4] =	dma.local [hbm:s3], $0xF7A  }
0x26: {  	[smem:$0x3F9A] =	sst s1;
	(tag) =	ssettag s2;
	_ =	strace s9  }
0x27: {  	s1 =	sld [smem:$0x3FAA]  }
0x28: {  	s2 =	sld [smem:$0x3FAB]  }
0x29: {  	s4 =	sld [smem:$0x3FAD]  }
0x2a: {  	p0 =	seq.s32 s5, $0x0;
	s5 =	sld [smem:$0x3FAE]  }
0x2b: {  	s6 =	sld [smem:$0x3FAF]  }
0x2c: {  	s7 =	sld [smem:$0x3FB0]  }
0x2d: {  	s3 =	simm.s32 $0x108;
	s8 =	sld [smem:$0x3FB1]  }
0x2e: {  	s3 =	simm.s32 @!p0 $0x1082;
	s9 =	sld [smem:$0x3FB2]  }
0x2f: {  	lr =	sadd.s32 s0, s3;
	s0 =	sld [smem:$0x3FA9]  }
0x30: {  	s3 =	sld [smem:$0x3FAC]  }
0x31: {  	[smem:$0x3FB5] =	sst s10  }
0x32: {  	s10 =	sld [smem:$0x3FB3];
	_ =	sdelay $0x3  }
0x33: {  	p0 =	seq.s32 s10, $0x1;
	s10 =	sld [smem:$0x3FB5];
	_ =	sdelay $0x3  }
0x34: {  	[smem:$0x3FB5] =	sst s10  }
0x35: {  	s10 =	sld [smem:$0x3FB4];
	_ =	sdelay $0x3  }
0x36: {  	p1 =	seq.s32 s10, $0x1;
	s10 =	sld [smem:$0x3FB5];
	_ =	sdelay $0x3  }
0x37: {  	[smem:$0x3FB5] =	sst s10  }
0x38: {  	s10 =	sld [smem:$0x3FB6]  }
0x39: {  	_ = 	snop;
	(pc) =	sbr.ind lr, $3  }
0x3a: {  	_ = 	snop  }
0x3b: {  	_ = 	snop  }
0x3c: {  	p2 =	seq.s32 s10, $0x1;
	s10 =	sld [smem:$0x3FB5]  }
0x3d: {  	_ =	shalt  }
0x3e: {  	_ =	shalt  }
0x3f: {  	_ =	shalt  }
0x40: {  	_ =	shalt  }
0x41: {  	_ =	shalt  }
0x42: {  	_ =	shalt  }
0x43: {  	_ =	shalt  }
0x44: {  	_ =	shalt  }
0x45: {  	_ =	shalt  }
0x46: {  	_ =	shalt  }
0x47: {  	_ =	shalt  }
0x48: {  	_ =	shalt  }
0x49: {  	_ =	shalt  }
0x4a: {  	_ =	shalt  }
0x4b: {  	_ =	shalt  }
0x4c: {  	_ =	shalt  }
0x4d: {  	_ =	shalt  }
0x4e: {  	_ =	shalt  }
0x4f: {  	_ =	shalt  }
0x50: {  	_ =	shalt  }
0x51: {  	_ =	shalt  }
0x52: {  	_ =	shalt  }
0x53: {  	_ =	shalt  }
0x54: {  	_ =	shalt  }
0x55: {  	_ =	shalt  }
0x56: {  	_ =	shalt  }
0x57: {  	_ =	shalt  }
0x58: {  	_ =	shalt  }
0x59: {  	_ =	shalt  }
0x5a: {  	_ =	shalt  }
0x5b: {  	_ =	shalt  }
0x5c: {  	_ =	shalt  }
0x5d: {  	_ =	shalt  }
0x5e: {  	_ =	shalt  }
0x5f: {  	_ =	shalt  }
0x60: {  	_ =	shalt  }
0x61: {  	_ =	shalt  }
0x62: {  	_ =	shalt  }
0x63: {  	_ =	shalt  }
0x64: {  	_ =	shalt  }
0x65: {  	_ =	shalt  }
0x66: {  	_ =	shalt  }
0x67: {  	_ =	shalt  }
0x68: {  	_ =	shalt  }
0x69: {  	_ =	shalt  }
0x6a: {  	_ =	shalt  }
0x6b: {  	_ =	shalt  }
0x6c: {  	_ =	shalt  }
0x6d: {  	_ =	shalt  }
0x6e: {  	_ =	shalt  }
0x6f: {  	_ =	shalt  }
0x70: {  	_ =	shalt  }
0x71: {  	_ =	shalt  }
0x72: {  	_ =	shalt  }
0x73: {  	_ =	shalt  }
0x74: {  	_ =	shalt  }
0x75: {  	_ =	shalt  }
0x76: {  	_ =	shalt  }
0x77: {  	_ =	shalt  }
0x78: {  	_ =	shalt  }
0x79: {  	_ =	shalt  }
0x7a: {  	_ =	shalt  }
0x7b: {  	_ =	shalt  }
0x7c: {  	_ =	shalt  }
0x7d: {  	_ =	shalt  }
0x7e: {  	_ =	shalt  }
0x7f: {  	_ =	shalt  }
0x80: {  	_ =	shalt  }
0x81: {  	_ =	shalt  }
0x82: {  	_ =	shalt  }
0x83: {  	_ =	shalt  }
0x84: {  	_ =	shalt  }
0x85: {  	_ =	shalt  }
0x86: {  	_ =	shalt  }
0x87: {  	_ =	shalt  }
.Lfunc_end0:
.L_simem_size_0:
called_computation.1_lowered:
.L_overlay_start_0:
0x88: {  	s2 =	sld [smem:$0x3FD9]  }
0x89: {  	s3 =	sld [smem:$0x3FFE];
	_ =	sdelay $0x1  }
0x8a: {  	s1 =	srdreg.scid  }
0x8b: {  	s0 =	sand.u32 $0x1, s1  }
0x8c: {  	s16 =	sshll.u32 s0, $0xA;
	s2 =	sadd.s32 s3, s2  }
0x8d: {  	s2 =	sadd.s32 s2, s16  }
0x8e: {  	[smem:$0x3FC1] =	sst s2  }
0x8f: {  	_ = 	snop  }
0x90: {  	(tm) =	ssettm $0x1  }
0x91: {  	s17 =	sld [smem:$0x3FFB];
	_ =	sdelay $0x3  }
0x92: {  	_ =	strace s17  }
0x93: {  	s2 =	sld [smem:$0x3FFC];
	_ =	sdelay $0x3  }
0x94: {  	_ =	strace s2  }
0x95: {  	s2 =	sld [smem:$0x3FFD];
	_ =	sdelay $0x3  }
0x96: {  	_ =	strace s2  }
0x97: {  	_ =	strace $0x8FFFFFFF  }
0x98: {  	s18 =	sld [smem:$0x3FDB];
	_ =	sdelay $0x1  }
0x99: {  	s19 =	simm.s32 $_scs_section_size  }
0x9a: {  	s4 =	simm.s32 $_size__tile_overlayer_lowered;
	s5 =	simm.s32 $_tile_overlayer_lowered  }
0x9b: {  	s22 =	simm.s32 $0x1BFF;
	s21 =	sshll.u32 s5, $0x1;
	s2 =	sadd.s32 s19, s18  }
0x9c: {  	s6 =	simm.s32 $0x0;
	s20 =	sshll.u32 s4, $0x1;
	s4 =	sadd.s32 s21, s2  }
0x9d: {  	[timem:s6], [sflag:s22] =	dma.local [hbm:s4], s20  }
0x9e: {  	_ =	swait.ge [sflag:s22], s20  }
0x9f: {  	s3 =	ssub.s32 $0x0, s20;
	[sflag:s22] =	ssyncset.done $0x0  }
0xa0: {  	[sflag:s22] =	ssyncadd.s32 s3;
	_ =	sdelay $0x1  }
0xa1: {  	s23 =	simm.s32 $0x1B8B  }
0xa2: {  	_ =	swait.ge [sflag:s23], $0x1  }
0xa3: {  	[sflag:s23] =	ssyncset.done $0x0  }
0xa4: {  	s25 =	simm.s32 $0x1B8E;
	s24 =	sld [smem:$0x3FFE];
	[sflag:s23] =	ssyncadd.s32 $0xFFFFFFFF  }
0xa5: {  	s26 =	simm.s32 $execute0_lowered;
	[smem:$0x3FD2] =	sst s25  }
0xa6: {  	s4 =	sshll.u32 s26, $0x1;
	_ =	strace $0x80000049;
	[dreg:$0x1] =	wrdreg $0xFFFFFFFF  }
0xa7: {  	s28 =	simm.s32 $_size_execute0_lowered;
	s2 =	sadd.s32 s2, s4;
	[dreg:$0x0] =	wrdreg $0x0  }
0xa8: {  	s4 =	sshll.u32 s28, $0x1;
	[dreg:$0x2] =	wrdreg s2  }
0xa9: {  	[dreg:$0x3] =	wrdreg s4  }
0xaa: {  	[dreg:$0x4] =	wrdreg $0xC0  }
0xab: {  	_ =	task [dreg:s6], $0x5FFFF  }
0xac: {  	[dreg:$0x1] =	wrdreg $0xFFFFFFFF  }
0xad: {  	[dreg:$0x0] =	wrdreg $0x60  }
0xae: {  	[dreg:$0x2] =	wrdreg s24  }
0xaf: {  	[dreg:$0x3] =	wrdreg $0x90000  }
0xb0: {  	[dreg:$0x4] =	wrdreg $0x9  }
0xb1: {  	_ =	task.clear_ibuf [dreg:s6], $0x5FFFF;
	_ =	strace $0x90000049  }
0xb2: {  	s29 =	simm.s32 $0x9;
	_ =	strace $0x8000004B  }
0xb3: {  	_ =	swait.ge [sflag:s29], $0x1  }
0xb4: {  	[sflag:s29] =	ssyncadd.s32 $0xFFFFFFFF  }
0xb5: {  	_ =	strace $0x9000004B  }
0xb6: {  	_ =	sfence  }
0xb7: {  	s30 =	sld [smem:$0x0];
	_ =	sdelay $0x2  }
0xb8: {  	s31 =	sshll.u32 s1, $0xD;
	s1 =	sshrl.u32 s1, $0x2  }
0xb9: {  	s3 =	sand.u32 $0x4000, s31;
	s1 =	sadd.s32 s1, s30  }
0xba: {  	s0 =	sor.u32 s3, s0;
	s1 =	sshll.u32 s1, $0x11  }
0xbb: {  	s0 =	sor.u32 s1, s0  }
0xbc: {  	s0 =	sadd.s32 $0x8F2B, s0  }
0xbd: {  	[sflag:s0] =	ssyncadd.remote.s32 $0x1  }
0xbe: {  	_ =	sfence.sel $0xFFFF  }
0xbf: {  	[dreg:$0x0] =	wrdreg $0xFFFFFFFF;
	(pc) =	sbr.abs _section_cstart, $3  }
0xc0: {  	[dreg:$0x1] =	wrdreg $0xFFFFFFFF  }
0xc1: {  	_ =	task.clear_ibuf [dreg:s6], $0x2FFFF;
	_ =	strace $0x9FFFFFFF  }
0xc2: {  	(tm) =	ssettm $0x7FFFFFFF  }
0xc3: {  	_ =	shalt  }
tec
execute0_lowered:
.L_overlay_start_1:
0x0: {  	(tag) =	ssettag $0x1  }
0x1: {  	s0 =	rddreg [dreg:$0x0]  }
0x2: {  	s1 =	rddreg [dreg:$0x1];
	s2 =	srdreg.scid  }
0x3: {  	s3 =	simm.s32 $0x0;
	s10 =	stileid.u32;
	s13 =	simm.s32 $0x5  }
0x4: {  	s14 =	simm.s32 $0x800;
	s15 =	simm.s32 $0x80;
	s16 =	simm.s32 $0x1000  }
0x5: {  	s17 =	simm.s32 $0x5000;
	s18 =	simm.s32 $0x1;
	s19 =	simm.s32 $0x3  }
0x6: {  	s21 =	simm.s32 $0x2;
	s23 =	simm.s32 $0x4;
	s20 =	simm.s32 $0xC80  }
0x7: {  	s22 =	simm.s32 $0x580;
	s28 =	simm.s32 $0x680;
	s29 =	simm.s32 $0xE00  }
0x8: {  	s30 =	simm.s32 $0x700;
	s31 =	simm.s32 $0xE80;
	s12 =	simm.s32 $0x0  }
0x9: {  	s2 =	sand.u32 $0x1, s2;
	[smem:$0x7FF] =	sst s3;
	s24 =	smul.u32 $0x280, s10  }
0xa: {  	s4 =	sadd.s32 $0x16000, s0;
	s5 =	sadd.s32 $0x2000, s0;
	s8 =	smul.u32 $0x50000, s10  }
0xb: {  	s6 =	sadd.s32 $0xC000, s0;
	s25 =	sshll.u32 s10, $0x6;
	s7 =	smul.u32 $0x2800, s2  }
0xc: {  	_ =	strace $0x8000004A;
	s2 =	ssub.s32 $0x2, s2;
	s11 =	sor.u32 $0x1C05, s25  }
0xd: {  	s25 =	simm.s32 $0x600;
	s9 =	sshrl.u32 s2, $0x1;
	s8 =	sshrl.u32 s8, $0x2  }
0xe: {  	[dreg:$0x4] =	wrdreg s11;
	s3 =	sadd.s32 s24, s7;
	s2 =	ssub.s32 s2, s9  }
0xf: {  	s8 =	sadd.s32 s8, s1;
	s9 =	smul.u32 $0xA00, s10;
	s24 =	simm.s32 $0xD00  }
0x10: {  	v0 =	vmov s7;
	s7 =	simm.s32 $0xF80;
	s3 =	sshll.u32 s3, $0x4;
	s26 =	smax.u32 s2, $0x1  }
0x11: {  	s10 =	sshrl.u32 s8, $0x3;
	s2 =	simm.s32 $0xF00;
	[dreg:$0x6] =	wrdreg s26  }
0x12: {  	s0 =	sadd.s32 s3, s0;
	s3 =	sadd.s32 s4, s3;
	[dreg:$0x7] =	wrdreg s10  }
0x13: {  	s26 =	simm.s32 $0xD80;
	[dreg:$0x3] =	wrdreg s3;
	s0 =	sadd.s32 $0x66000, s0  }
0x14: {  	s3 =	simm.s32 $0x500;
	[dreg:$0x5] =	wrdreg s0;
	s0 =	simm.s32 $0x780  }
.LBB2_1:
0x15: {  	[dreg:$0x8] =	wrdreg s12  }
0x16: {  	s8 =	rddreg [dreg:$0x3]  }
0x17: {  	[spmem:s10], [sflag:s11] =	dma.local [hbm:s8], $0x2800  }
0x18: {  	_ =	swait.ge [sflag:s13], $0x2800  }
0x19: {  	[sflag:s13] =	ssyncset.done $0x0  }
0x1a: {  	[sflag:s13] =	ssyncadd.s32 $0xFFFFD800  }
0x1b: {  	s10 =	simm.s32 $0x0;
	[bflag:$0x0] =	sbarrier.arrive $0xFFFF  }
.LBB2_2:
0x1c: {  	s8 =	sshll.u32 s10, $0x8  }
0x1d: {  	s8 =	sadd.s32 s9, s8  }
0x1e: {  	s12 =	simm.s32 $0x0;
	s11 =	sadd.s32 s5, s8  }
0x1f: {  	[tilespmem:s12], [sflag:$0x5] =	stream.linear.gather [hbm4b:s11+s12], $0x800, $0x38;
	[tilespmem:$0x1D000] =	vst v63  }
0x20: {  	_ =	swait.ge [sflag:s13], $0x800  }
0x21: {  	[sflag:s13] =	ssyncset.done $0x0  }
0x22: {  	s8 =	sadd.s32 s6, s8;
	[sflag:s13] =	ssyncadd.s32 $0xFFFFF800  }
0x23: {  	[tilespmem:s14], [sflag:$0x5] =	stream.linear.gather [hbm4b:s8+s12], $0x800, $0x38;
	[tilespmem:$0x1D000] =	vst v63  }
0x24: {  	_ =	swait.ge [sflag:s13], $0x800  }
0x25: {  	[sflag:s13] =	ssyncset.done $0x0  }
0x26: {  	s11 =	simm.s32 $0x0;
	[sflag:s13] =	ssyncadd.s32 $0xFFFFF800  }
0x27: {  	v3 =	vld [tilespmem:s11+$0x0]  }
0x28: {  	v5 =	vld [tilespmem:s11+$0x10]  }
0x29: {  	v4 =	vld [tilespmem:s11+$0x20]  }
0x2a: {  	v2 =	vld [tilespmem:s11+$0x30]  }
0x2b: {  	v1 =	vld [tilespmem:s11+$0x40]  }
0x2c: {  	v6 =	vadd.s32 v0, v3;
	v3 =	vld [tilespmem:s11+$0x50]  }
0x2d: {  	s8 =	simm.s32 $0x200;
	[tilespmem:s11+$0x0] =	vst v6;
	v6 =	vadd.s32 v0, v5;
	v5 =	vld [tilespmem:s11+$0x60]  }
.LBB2_3:
0x2e: {  	s12 =	sshra.s32 s8, $0x2;
	p0 =	sne.s32 s8, $0x1E00;
	[tilespmem:s11+$0x10] =	vst v6;
	v4 =	vadd.s32 v0, v4;
	v6 =	vld [tilespmem:s11+$0x70]  }
0x2f: {  	v7 =	vld [tilespmem:s12+$0x0];
	[tilespmem:s11+$0x20] =	vst v4;
	v2 =	vadd.s32 v0, v2  }
0x30: {  	v8 =	vld [tilespmem:s12+$0x10];
	[tilespmem:s11+$0x30] =	vst v2;
	v1 =	vadd.s32 v0, v1  }
.Ltmp0:
0x31: {  	v4 =	vld [tilespmem:s12+$0x20];
	[tilespmem:s11+$0x40] =	vst v1;
	v1 =	vadd.s32 v0, v3;
	(pc) =	sbr.rel @p0 .LBB2_3-.Ltmp0, $4  }
0x32: {  	v2 =	vld [tilespmem:s12+$0x30];
	[tilespmem:s11+$0x50] =	vst v1;
	v3 =	vadd.s32 v0, v5  }
0x33: {  	v1 =	vld [tilespmem:s12+$0x40];
	[tilespmem:s11+$0x60] =	vst v3;
	v5 =	vadd.s32 v0, v6  }
0x34: {  	v6 =	vadd.s32 v0, v7;
	v3 =	vld [tilespmem:s12+$0x50];
	[tilespmem:s11+$0x70] =	vst v5;
	s11 =	smov.u32 s12  }
0x35: {  	s8 =	sadd.s32 $0x200, s8;
	[tilespmem:s11+$0x0] =	vst v6;
	v6 =	vadd.s32 v0, v8;
	v5 =	vld [tilespmem:s11+$0x60]  }
0x36: {  	[tilespmem:s11+$0x10] =	vst v6;
	v4 =	vadd.s32 v0, v4;
	v63 =	vld [tilespmem:s11+$0x70]  }
0x37: {  	[tilespmem:s11+$0x20] =	vst v4;
	v2 =	vadd.s32 v0, v2  }
0x38: {  	[tilespmem:s11+$0x30] =	vst v2;
	v1 =	vadd.s32 v0, v1  }
0x39: {  	[tilespmem:s11+$0x40] =	vst v1;
	v1 =	vadd.s32 v0, v3  }
0x3a: {  	[tilespmem:s11+$0x50] =	vst v1;
	v1 =	vadd.s32 v0, v5  }
0x3b: {  	[tilespmem:s11+$0x60] =	vst v1;
	v1 =	vadd.s32 v0, v63  }
0x3c: {  	s8 =	simm.s32 $0x0;
	[tilespmem:s11+$0x70] =	vst v1  }
0x3d: {  	[tilespmem:s16], [sflag:$0x1] =	stream.indirect.gather [hbm4b:s4+s15], $0x80, s8, s15, $0xb8;
	[tilespmem:$0x1D000] =	vst v63  }
0x3e: {  	_ = 	snop  }
0x3f: {  	[tilespmem:s17], [sflag:$0x2] =	stream.indirect.gather [hbm4b:s4+s15], $0x80, s15, s15, $0xb8;
	[tilespmem:$0x1D000] =	vst v63  }
0x40: {  	_ =	swait.ge [sflag:s18], $0x4000  }
0x41: {  	[sflag:s18] =	ssyncset.done $0x0  }
0x42: {  	[sflag:s18] =	ssyncadd.s32 $0xFFFFC000  }
0x43: {  	[spmem:s1] =	stream.indirect.scatter.add.f32 [tilespmem:s16], [sflag:$0x3], $0x80, s14, s15, $0xb8;
	[tilespmem:$0x1D000] =	vst v63  }
0x44: {  	_ =	swait.ge [sflag:s19], $0x4000  }
0x45: {  	[sflag:s19] =	ssyncset.done $0x0  }
0x46: {  	s11 =	simm.s32 $0x100;
	[sflag:s19] =	ssyncadd.s32 $0xFFFFC000  }
0x47: {  	[tilespmem:s16], [sflag:$0x1] =	stream.indirect.gather [hbm4b:s4+s15], $0x80, s11, s15, $0xb8;
	[tilespmem:$0x1D000] =	vst v63  }
0x48: {  	_ =	swait.ge [sflag:s21], $0x4000  }
0x49: {  	[sflag:s21] =	ssyncset.done $0x0  }
0x4a: {  	s12 =	simm.s32 $0x880;
	[sflag:s21] =	ssyncadd.s32 $0xFFFFC000  }
0x4b: {  	[spmem:s1] =	stream.indirect.scatter.add.f32 [tilespmem:s17], [sflag:$0x4], $0x80, s12, s15, $0xb8;
	[tilespmem:$0x1D000] =	vst v63  }
0x4c: {  	_ =	swait.ge [sflag:s23], $0x4000  }
0x4d: {  	[sflag:s23] =	ssyncset.done $0x0  }
0x4e: {  	s11 =	simm.s32 $0x180;
	[sflag:s23] =	ssyncadd.s32 $0xFFFFC000  }
0x4f: {  	[tilespmem:s17], [sflag:$0x2] =	stream.indirect.gather [hbm4b:s4+s15], $0x80, s11, s15, $0xb8;
	[tilespmem:$0x1D000] =	vst v63  }
0x50: {  	_ =	swait.ge [sflag:s18], $0x4000  }
0x51: {  	[sflag:s18] =	ssyncset.done $0x0  }
0x52: {  	s12 =	simm.s32 $0x900;
	[sflag:s18] =	ssyncadd.s32 $0xFFFFC000  }
0x53: {  	[spmem:s1] =	stream.indirect.scatter.add.f32 [tilespmem:s16], [sflag:$0x3], $0x80, s12, s15, $0xb8;
	[tilespmem:$0x1D000] =	vst v63  }
0x54: {  	_ =	swait.ge [sflag:s19], $0x4000  }
0x55: {  	[sflag:s19] =	ssyncset.done $0x0  }
0x56: {  	s11 =	simm.s32 $0x200;
	[sflag:s19] =	ssyncadd.s32 $0xFFFFC000  }
0x57: {  	[tilespmem:s16], [sflag:$0x1] =	stream.indirect.gather [hbm4b:s4+s15], $0x80, s11, s15, $0xb8;
	[tilespmem:$0x1D000] =	vst v63  }
0x58: {  	_ =	swait.ge [sflag:s21], $0x4000  }
0x59: {  	[sflag:s21] =	ssyncset.done $0x0  }
0x5a: {  	s12 =	simm.s32 $0x980;
	[sflag:s21] =	ssyncadd.s32 $0xFFFFC000  }
0x5b: {  	[spmem:s1] =	stream.indirect.scatter.add.f32 [tilespmem:s17], [sflag:$0x4], $0x80, s12, s15, $0xb8;
	[tilespmem:$0x1D000] =	vst v63  }
0x5c: {  	_ =	swait.ge [sflag:s23], $0x4000  }
0x5d: {  	[sflag:s23] =	ssyncset.done $0x0  }
0x5e: {  	s11 =	simm.s32 $0x280;
	[sflag:s23] =	ssyncadd.s32 $0xFFFFC000  }
0x5f: {  	[tilespmem:s17], [sflag:$0x2] =	stream.indirect.gather [hbm4b:s4+s15], $0x80, s11, s15, $0xb8;
	[tilespmem:$0x1D000] =	vst v63  }
0x60: {  	_ =	swait.ge [sflag:s18], $0x4000  }
0x61: {  	[sflag:s18] =	ssyncset.done $0x0  }
0x62: {  	s12 =	simm.s32 $0xA00;
	[sflag:s18] =	ssyncadd.s32 $0xFFFFC000  }
0x63: {  	[spmem:s1] =	stream.indirect.scatter.add.f32 [tilespmem:s16], [sflag:$0x3], $0x80, s12, s15, $0xb8;
	[tilespmem:$0x1D000] =	vst v63  }
0x64: {  	_ =	swait.ge [sflag:s19], $0x4000  }
0x65: {  	[sflag:s19] =	ssyncset.done $0x0  }
0x66: {  	s11 =	simm.s32 $0x300;
	[sflag:s19] =	ssyncadd.s32 $0xFFFFC000  }
0x67: {  	[tilespmem:s16], [sflag:$0x1] =	stream.indirect.gather [hbm4b:s4+s15], $0x80, s11, s15, $0xb8;
	[tilespmem:$0x1D000] =	vst v63  }
0x68: {  	_ =	swait.ge [sflag:s21], $0x4000  }
0x69: {  	[sflag:s21] =	ssyncset.done $0x0  }
0x6a: {  	s12 =	simm.s32 $0xA80;
	[sflag:s21] =	ssyncadd.s32 $0xFFFFC000  }
0x6b: {  	[spmem:s1] =	stream.indirect.scatter.add.f32 [tilespmem:s17], [sflag:$0x4], $0x80, s12, s15, $0xb8;
	[tilespmem:$0x1D000] =	vst v63  }
0x6c: {  	_ =	swait.ge [sflag:s23], $0x4000  }
0x6d: {  	[sflag:s23] =	ssyncset.done $0x0  }
0x6e: {  	s11 =	simm.s32 $0x380;
	[sflag:s23] =	ssyncadd.s32 $0xFFFFC000  }
0x6f: {  	[tilespmem:s17], [sflag:$0x2] =	stream.indirect.gather [hbm4b:s4+s15], $0x80, s11, s15, $0xb8;
	[tilespmem:$0x1D000] =	vst v63  }
0x70: {  	_ =	swait.ge [sflag:s18], $0x4000  }
0x71: {  	[sflag:s18] =	ssyncset.done $0x0  }
0x72: {  	s12 =	simm.s32 $0xB00;
	[sflag:s18] =	ssyncadd.s32 $0xFFFFC000  }
0x73: {  	[spmem:s1] =	stream.indirect.scatter.add.f32 [tilespmem:s16], [sflag:$0x3], $0x80, s12, s15, $0xb8;
	[tilespmem:$0x1D000] =	vst v63  }
0x74: {  	_ =	swait.ge [sflag:s19], $0x4000  }
0x75: {  	[sflag:s19] =	ssyncset.done $0x0  }
0x76: {  	s11 =	simm.s32 $0x400;
	[sflag:s19] =	ssyncadd.s32 $0xFFFFC000  }
0x77: {  	[tilespmem:s16], [sflag:$0x1] =	stream.indirect.gather [hbm4b:s4+s15], $0x80, s11, s15, $0xb8;
	[tilespmem:$0x1D000] =	vst v63  }
0x78: {  	_ =	swait.ge [sflag:s21], $0x4000  }
0x79: {  	[sflag:s21] =	ssyncset.done $0x0  }
0x7a: {  	s12 =	simm.s32 $0xB80;
	[sflag:s21] =	ssyncadd.s32 $0xFFFFC000  }
0x7b: {  	[spmem:s1] =	stream.indirect.scatter.add.f32 [tilespmem:s17], [sflag:$0x4], $0x80, s12, s15, $0xb8;
	[tilespmem:$0x1D000] =	vst v63  }
0x7c: {  	_ =	swait.ge [sflag:s23], $0x4000  }
0x7d: {  	[sflag:s23] =	ssyncset.done $0x0  }
0x7e: {  	s11 =	simm.s32 $0x480;
	[sflag:s23] =	ssyncadd.s32 $0xFFFFC000  }
0x7f: {  	[tilespmem:s17], [sflag:$0x2] =	stream.indirect.gather [hbm4b:s4+s15], $0x80, s11, s15, $0xb8;
	[tilespmem:$0x1D000] =	vst v63  }
0x80: {  	_ =	swait.ge [sflag:s18], $0x4000  }
0x81: {  	[sflag:s18] =	ssyncset.done $0x0  }
0x82: {  	s12 =	simm.s32 $0xC00;
	[sflag:s18] =	ssyncadd.s32 $0xFFFFC000  }
0x83: {  	[spmem:s1] =	stream.indirect.scatter.add.f32 [tilespmem:s16], [sflag:$0x3], $0x80, s12, s15, $0xb8;
	[tilespmem:$0x1D000] =	vst v63  }
0x84: {  	_ =	swait.ge [sflag:s19], $0x4000  }
0x85: {  	[sflag:s19] =	ssyncset.done $0x0  }
0x86: {  	[sflag:s19] =	ssyncadd.s32 $0xFFFFC000  }
0x87: {  	[tilespmem:s16], [sflag:$0x1] =	stream.indirect.gather [hbm4b:s4+s15], $0x80, s3, s15, $0xb8;
	[tilespmem:$0x1D000] =	vst v63  }
0x88: {  	_ =	swait.ge [sflag:s21], $0x4000  }
0x89: {  	[sflag:s21] =	ssyncset.done $0x0  }
0x8a: {  	[sflag:s21] =	ssyncadd.s32 $0xFFFFC000  }
0x8b: {  	[spmem:s1] =	stream.indirect.scatter.add.f32 [tilespmem:s17], [sflag:$0x4], $0x80, s20, s15, $0xb8;
	[tilespmem:$0x1D000] =	vst v63  }
0x8c: {  	_ =	swait.ge [sflag:s23], $0x4000  }
0x8d: {  	[sflag:s23] =	ssyncset.done $0x0  }
0x8e: {  	[sflag:s23] =	ssyncadd.s32 $0xFFFFC000  }
0x8f: {  	[tilespmem:s17], [sflag:$0x2] =	stream.indirect.gather [hbm4b:s4+s15], $0x80, s22, s15, $0xb8;
	[tilespmem:$0x1D000] =	vst v63  }
0x90: {  	_ =	swait.ge [sflag:s18], $0x4000  }
0x91: {  	[sflag:s18] =	ssyncset.done $0x0  }
0x92: {  	[sflag:s18] =	ssyncadd.s32 $0xFFFFC000  }
0x93: {  	[spmem:s1] =	stream.indirect.scatter.add.f32 [tilespmem:s16], [sflag:$0x3], $0x80, s24, s15, $0xb8;
	[tilespmem:$0x1D000] =	vst v63  }
0x94: {  	_ =	swait.ge [sflag:s19], $0x4000  }
0x95: {  	[sflag:s19] =	ssyncset.done $0x0  }
0x96: {  	[sflag:s19] =	ssyncadd.s32 $0xFFFFC000  }
0x97: {  	[tilespmem:s16], [sflag:$0x1] =	stream.indirect.gather [hbm4b:s4+s15], $0x80, s25, s15, $0xb8;
	[tilespmem:$0x1D000] =	vst v63  }
0x98: {  	_ =	swait.ge [sflag:s21], $0x4000  }
0x99: {  	[sflag:s21] =	ssyncset.done $0x0  }
0x9a: {  	[sflag:s21] =	ssyncadd.s32 $0xFFFFC000  }
0x9b: {  	[spmem:s1] =	stream.indirect.scatter.add.f32 [tilespmem:s17], [sflag:$0x4], $0x80, s26, s15, $0xb8;
	[tilespmem:$0x1D000] =	vst v63  }
0x9c: {  	_ =	swait.ge [sflag:s23], $0x4000  }
0x9d: {  	[sflag:s23] =	ssyncset.done $0x0  }
0x9e: {  	[sflag:s23] =	ssyncadd.s32 $0xFFFFC000  }
0x9f: {  	[tilespmem:s17], [sflag:$0x2] =	stream.indirect.gather [hbm4b:s4+s15], $0x80, s28, s15, $0xb8;
	[tilespmem:$0x1D000] =	vst v63  }
0xa0: {  	_ =	swait.ge [sflag:s18], $0x4000  }
0xa1: {  	[sflag:s18] =	ssyncset.done $0x0  }
0xa2: {  	[sflag:s18] =	ssyncadd.s32 $0xFFFFC000  }
0xa3: {  	[spmem:s1] =	stream.indirect.scatter.add.f32 [tilespmem:s16], [sflag:$0x3], $0x80, s29, s15, $0xb8;
	[tilespmem:$0x1D000] =	vst v63  }
0xa4: {  	_ =	swait.ge [sflag:s19], $0x4000  }
0xa5: {  	[sflag:s19] =	ssyncset.done $0x0  }
0xa6: {  	[sflag:s19] =	ssyncadd.s32 $0xFFFFC000  }
0xa7: {  	[tilespmem:s16], [sflag:$0x1] =	stream.indirect.gather [hbm4b:s4+s15], $0x80, s30, s15, $0xb8;
	[tilespmem:$0x1D000] =	vst v63  }
0xa8: {  	_ =	swait.ge [sflag:s21], $0x4000  }
0xa9: {  	[sflag:s21] =	ssyncset.done $0x0  }
0xaa: {  	[sflag:s21] =	ssyncadd.s32 $0xFFFFC000  }
0xab: {  	[spmem:s1] =	stream.indirect.scatter.add.f32 [tilespmem:s17], [sflag:$0x4], $0x80, s31, s15, $0xb8;
	[tilespmem:$0x1D000] =	vst v63  }
0xac: {  	_ =	swait.ge [sflag:s23], $0x4000  }
0xad: {  	[sflag:s23] =	ssyncset.done $0x0  }
0xae: {  	[sflag:s23] =	ssyncadd.s32 $0xFFFFC000  }
0xaf: {  	[tilespmem:s17], [sflag:$0x2] =	stream.indirect.gather [hbm4b:s4+s15], $0x80, s0, s15, $0xb8;
	[tilespmem:$0x1D000] =	vst v63  }
0xb0: {  	_ =	swait.ge [sflag:s18], $0x4000  }
0xb1: {  	[sflag:s18] =	ssyncset.done $0x0  }
0xb2: {  	[sflag:s18] =	ssyncadd.s32 $0xFFFFC000  }
0xb3: {  	[spmem:s1] =	stream.indirect.scatter.add.f32 [tilespmem:s16], [sflag:$0x3], $0x80, s2, s15, $0xb8;
	[tilespmem:$0x1D000] =	vst v63  }
0xb4: {  	_ =	swait.ge [sflag:s21], $0x4000  }
0xb5: {  	[sflag:s21] =	ssyncset.done $0x0  }
0xb6: {  	s10 =	sadd.s32 $0x1, s10;
	[sflag:s21] =	ssyncadd.s32 $0xFFFFC000  }
0xb7: {  	[spmem:s1] =	stream.indirect.scatter.add.f32 [tilespmem:s17], [sflag:$0x4], $0x80, s7, s15, $0xb8;
	[tilespmem:$0x1D000] =	vst v63  }
0xb8: {  	p0 =	sne.s32 s10, $0xA;
	_ =	swait.ge [sflag:s19], $0x4000  }
.Ltmp1:
0xb9: {  	[sflag:s19] =	ssyncset.done $0x0;
	(pc) =	sbr.rel @p0 .LBB2_2-.Ltmp1, $4  }
0xba: {  	[sflag:s19] =	ssyncadd.s32 $0xFFFFC000  }
0xbb: {  	_ =	swait.ge [sflag:s23], $0x4000  }
0xbc: {  	[sflag:s23] =	ssyncset.done $0x0  }
0xbd: {  	[sflag:s23] =	ssyncadd.s32 $0xFFFFC000  }
0xbe: {  	[bflag:$0x0] =	sbarrier.arrive $0xFFFF  }
0xbf: {  	s11 =	rddreg [dreg:$0x4]  }
0xc0: {  	s8 =	rddreg [dreg:$0x5]  }
0xc1: {  	s10 =	rddreg [dreg:$0x7]  }
0xc2: {  	[hbm:s8], [sflag:s11] =	dma.local [spmem:s10], $0x2800  }
0xc3: {  	_ =	swait.ge [sflag:s13], $0x2800  }
0xc4: {  	s12 =	rddreg [dreg:$0x8]  }
0xc5: {  	s8 =	rddreg [dreg:$0x6];
	s12 =	sadd.s32 $0x1, s12  }
0xc6: {  	p0 =	sne.s32 s12, s8  }
.Ltmp2:
0xc7: {  	_ = 	snop;
	(pc) =	sbr.rel @p0 .LBB2_1-.Ltmp2, $3  }
0xc8: {  	_ =	sdelay $0x1  }
0xc9: {  	[sflag:s13] =	ssyncset.done $0x0  }
0xca: {  	[sflag:s13] =	ssyncadd.s32 $0xFFFFD800  }
0xcb: {  	_ =	sfence.sel $0x180000  }
0xcc: {  	[bflag:$0x0] =	sbarrier.arrive $0xFFFF  }
0xcd: {  	_ =	strace $0x9000004A  }
0xce: {  	s0 =	stileid.u32;
	[bflag:$0x2] =	sbarrier.arrive $0xFFFF  }
0xcf: {  	p0 =	sne.s32 s0, $0x0;
	s0 =	rddreg [dreg:$0x2]  }
0xd0: {  	s0 =	sadd.s32 @!p0 $0x100000, s0  }
0xd1: {  	[sflag:s0] =	ssyncadd.tile.s32 @!p0 $0x1;
	_ =	shalt  }
.Lfunc_end2:
_tile_overlayer_lowered:
.L_overlay_start_2:
0xd2: {  	(tag) =	ssettag $0x2  }
0xd3: {  	s0 =	rddreg [dreg:$0x0];
	s2 =	stileid.u32  }
0xd4: {  	s1 =	rddreg [dreg:$0x1];
	p0 =	sne.s32 s2, $0x0  }
0xd5: {  	s3 =	rddreg [dreg:$0x2];
	[bflag:$0x3] =	sbarrier.arrive $0xFFFF;
	s2 =	simm.s32 @!p0 $0x1C05  }
0xd6: {  	[timem:s3], [sflag:s2] =	dma.local @!p0 [hbm:s0], s1  }
0xd7: {  	s0 =	simm.s32 @!p0 $0x5  }
0xd8: {  	_ =	swait.ge @!p0 [sflag:s0], s1  }
0xd9: {  	s1 =	ssub.s32 @!p0 $0x0, s1;
	[sflag:s0] =	ssyncset.done @!p0 $0x0  }
0xda: {  	[sflag:s0] =	ssyncadd.s32 @!p0 s1  }
0xdb: {  	[bflag:$0x3] =	sbarrier.arrive $0xFFFF  }
0xdc: {  	_ =	shalt  }

// kernel: kernel.14.cloned.1.call-start
scs
__scs_entry_jumppad:
0x0: {  	(pc) =	sbr.rel $0x88, $3  }
0x1: {  	(tag) =	ssettag $0x0;
	lr =	simm.s32 $0x1  }
0x2: {  	[smem:$0x3F9A] =	sst lr;
	_ =	strace $0xD0000000  }
0x3: {  	_ = 	snop  }
0x4: {  	_ = 	snop  }
0x5: {  	_ = 	snop  }
0x6: {  	_ = 	snop  }
0x7: {  	_ = 	snop  }
__scs_overlays_trampoline_lowered:
0x8: {  	[smem:$0x3FA9] =	sst s0  }
0x9: {  	[smem:$0x3FAA] =	sst s1  }
0xa: {  	[smem:$0x3FAB] =	sst s2  }
0xb: {  	[smem:$0x3FAC] =	sst s3  }
0xc: {  	[smem:$0x3FAD] =	sst s4  }
0xd: {  	[smem:$0x3FAE] =	sst s5  }
0xe: {  	[smem:$0x3FAF] =	sst s6  }
0xf: {  	[smem:$0x3FB0] =	sst s7  }
0x10: {  	[smem:$0x3FB1] =	sst s8  }
0x11: {  	[smem:$0x3FB2] =	sst s9;
	s0 =	simm.s32 @!p0 $0x0  }
0x12: {  	s1 =	sld [smem:$0x3F98];
	s0 =	simm.s32 @p0 $0x1  }
0x13: {  	[smem:$0x3FB3] =	sst s0;
	s0 =	simm.s32 @!p1 $0x0  }
0x14: {  	s2 =	sld [smem:$0x3F97];
	s0 =	simm.s32 @p1 $0x1  }
0x15: {  	[smem:$0x3FB4] =	sst s0;
	s0 =	simm.s32 @!p2 $0x0  }
0x16: {  	s3 =	sld [smem:$0x3FDB];
	s0 =	simm.s32 @p2 $0x1  }
0x17: {  	s4 =	simm.s32 $0x1BF5;
	[smem:$0x3FB6] =	sst s0  }
0x18: {  	s0 =	sld [smem:$0x3F99];
	_ =	swait.ge [sflag:s4], $0x0  }
0x19: {  	s7 =	sld [smem:$0x3F9A]  }
0x1a: {  	s8 =	sadd.s32 $0xFFFFE003, lr  }
0x1b: {  	s9 =	sadd.s32 $0xFFFFFEF7, lr;
	s5 =	simm.s32 $0xFFFFFFFF;
	p2 =	slt.u32 s8, $0xFFFFF086  }
0x1c: {  	p1 =	slt.u32 s9, $0xF7A;
	s5 =	simm.s32 @!p2 $0x0  }
0x1d: {  	s5 =	simm.s32 @p1 $0x1;
	p0 =	seq.s32 s7, s2  }
0x1e: {  	s7 =	smul.u32 @!p0 $0xF7A, s2;
	p2 =	seq.s32 @!p0 s5, $0x0  }
0x1f: {  	s9 =	smul.u32 $0xF7A, s1;
	s8 =	simm.s32 @!p0 $0x1BF5;
	p2 =	por !p2, p0  }
0x20: {  	[sflag:s8] =	ssyncset.s32 @!p0 $0xFFFFF086;
	s6 =	sadd.s32 @!p0 s3, s7;
	s7 =	simm.s32 @!p0 $0x108  }
0x21: {  	s3 =	sadd.s32 s3, s9;
	s6 =	sadd.s32 @!p0 $0x88, s6;
	s7 =	simm.s32 @p2 $0x1082  }
0x22: {  	[simem:s7], [sflag:s8] =	dma.local @!p0 [hbm:s6], $0xF7A  }
0x23: {  	s9 =	sor.u32 $0xD0000000, s2;
	s6 =	simm.s32 $0x108;
	_ =	swait.ge @!p0 [sflag:s8], $0x0  }
0x24: {  	s3 =	sadd.s32 $0x88, s3;
	s6 =	simm.s32 @!p1 $0x1082;
	[sflag:s4] =	ssyncset.s32 $0xFFFFF086  }
0x25: {  	[simem:s6], [sflag:s4] =	dma.local [hbm:s3], $0xF7A  }
0x26: {  	[smem:$0x3F9A] =	sst s1;
	(tag) =	ssettag s2;
	_ =	strace s9  }
0x27: {  	s1 =	sld [smem:$0x3FAA]  }
0x28: {  	s2 =	sld [smem:$0x3FAB]  }
0x29: {  	s4 =	sld [smem:$0x3FAD]  }
0x2a: {  	p0 =	seq.s32 s5, $0x0;
	s5 =	sld [smem:$0x3FAE]  }
0x2b: {  	s6 =	sld [smem:$0x3FAF]  }
0x2c: {  	s7 =	sld [smem:$0x3FB0]  }
0x2d: {  	s3 =	simm.s32 $0x108;
	s8 =	sld [smem:$0x3FB1]  }
0x2e: {  	s3 =	simm.s32 @!p0 $0x1082;
	s9 =	sld [smem:$0x3FB2]  }
0x2f: {  	lr =	sadd.s32 s0, s3;
	s0 =	sld [smem:$0x3FA9]  }
0x30: {  	s3 =	sld [smem:$0x3FAC]  }
0x31: {  	[smem:$0x3FB5] =	sst s10  }
0x32: {  	s10 =	sld [smem:$0x3FB3];
	_ =	sdelay $0x3  }
0x33: {  	p0 =	seq.s32 s10, $0x1;
	s10 =	sld [smem:$0x3FB5];
	_ =	sdelay $0x3  }
0x34: {  	[smem:$0x3FB5] =	sst s10  }
0x35: {  	s10 =	sld [smem:$0x3FB4];
	_ =	sdelay $0x3  }
0x36: {  	p1 =	seq.s32 s10, $0x1;
	s10 =	sld [smem:$0x3FB5];
	_ =	sdelay $0x3  }
0x37: {  	[smem:$0x3FB5] =	sst s10  }
0x38: {  	s10 =	sld [smem:$0x3FB6]  }
0x39: {  	_ = 	snop;
	(pc) =	sbr.ind lr, $3  }
0x3a: {  	_ = 	snop  }
0x3b: {  	_ = 	snop  }
0x3c: {  	p2 =	seq.s32 s10, $0x1;
	s10 =	sld [smem:$0x3FB5]  }
0x3d: {  	_ =	shalt  }
0x3e: {  	_ =	shalt  }
0x3f: {  	_ =	shalt  }
0x40: {  	_ =	shalt  }
0x41: {  	_ =	shalt  }
0x42: {  	_ =	shalt  }
0x43: {  	_ =	shalt  }
0x44: {  	_ =	shalt  }
0x45: {  	_ =	shalt  }
0x46: {  	_ =	shalt  }
0x47: {  	_ =	shalt  }
0x48: {  	_ =	shalt  }
0x49: {  	_ =	shalt  }
0x4a: {  	_ =	shalt  }
0x4b: {  	_ =	shalt  }
0x4c: {  	_ =	shalt  }
0x4d: {  	_ =	shalt  }
0x4e: {  	_ =	shalt  }
0x4f: {  	_ =	shalt  }
0x50: {  	_ =	shalt  }
0x51: {  	_ =	shalt  }
0x52: {  	_ =	shalt  }
0x53: {  	_ =	shalt  }
0x54: {  	_ =	shalt  }
0x55: {  	_ =	shalt  }
0x56: {  	_ =	shalt  }
0x57: {  	_ =	shalt  }
0x58: {  	_ =	shalt  }
0x59: {  	_ =	shalt  }
0x5a: {  	_ =	shalt  }
0x5b: {  	_ =	shalt  }
0x5c: {  	_ =	shalt  }
0x5d: {  	_ =	shalt  }
0x5e: {  	_ =	shalt  }
0x5f: {  	_ =	shalt  }
0x60: {  	_ =	shalt  }
0x61: {  	_ =	shalt  }
0x62: {  	_ =	shalt  }
0x63: {  	_ =	shalt  }
0x64: {  	_ =	shalt  }
0x65: {  	_ =	shalt  }
0x66: {  	_ =	shalt  }
0x67: {  	_ =	shalt  }
0x68: {  	_ =	shalt  }
0x69: {  	_ =	shalt  }
0x6a: {  	_ =	shalt  }
0x6b: {  	_ =	shalt  }
0x6c: {  	_ =	shalt  }
0x6d: {  	_ =	shalt  }
0x6e: {  	_ =	shalt  }
0x6f: {  	_ =	shalt  }
0x70: {  	_ =	shalt  }
0x71: {  	_ =	shalt  }
0x72: {  	_ =	shalt  }
0x73: {  	_ =	shalt  }
0x74: {  	_ =	shalt  }
0x75: {  	_ =	shalt  }
0x76: {  	_ =	shalt  }
0x77: {  	_ =	shalt  }
0x78: {  	_ =	shalt  }
0x79: {  	_ =	shalt  }
0x7a: {  	_ =	shalt  }
0x7b: {  	_ =	shalt  }
0x7c: {  	_ =	shalt  }
0x7d: {  	_ =	shalt  }
0x7e: {  	_ =	shalt  }
0x7f: {  	_ =	shalt  }
0x80: {  	_ =	shalt  }
0x81: {  	_ =	shalt  }
0x82: {  	_ =	shalt  }
0x83: {  	_ =	shalt  }
0x84: {  	_ =	shalt  }
0x85: {  	_ =	shalt  }
0x86: {  	_ =	shalt  }
0x87: {  	_ =	shalt  }
.Lfunc_end0:
.L_simem_size_0:
called_computation.2_lowered:
.L_overlay_start_0:
0x88: {  	s2 =	sld [smem:$0x3FD9]  }
0x89: {  	s3 =	sld [smem:$0x3FFE];
	_ =	sdelay $0x1  }
0x8a: {  	s1 =	srdreg.scid  }
0x8b: {  	s0 =	sand.u32 $0x1, s1  }
0x8c: {  	s16 =	sshll.u32 s0, $0xA;
	s2 =	sadd.s32 s3, s2  }
0x8d: {  	s2 =	sadd.s32 s2, s16  }
0x8e: {  	[smem:$0x3FC1] =	sst s2  }
0x8f: {  	_ = 	snop  }
0x90: {  	(tm) =	ssettm $0x1  }
0x91: {  	s17 =	sld [smem:$0x3FFB];
	_ =	sdelay $0x3  }
0x92: {  	_ =	strace s17  }
0x93: {  	s2 =	sld [smem:$0x3FFC];
	_ =	sdelay $0x3  }
0x94: {  	_ =	strace s2  }
0x95: {  	s2 =	sld [smem:$0x3FFD];
	_ =	sdelay $0x3  }
0x96: {  	_ =	strace s2  }
0x97: {  	_ =	strace $0x8FFFFFFF  }
0x98: {  	s18 =	sld [smem:$0x3FDB];
	_ =	sdelay $0x1  }
0x99: {  	s19 =	simm.s32 $_scs_section_size  }
0x9a: {  	s4 =	simm.s32 $_size__tile_overlayer_lowered;
	s5 =	simm.s32 $_tile_overlayer_lowered  }
0x9b: {  	s22 =	simm.s32 $0x1BFF;
	s21 =	sshll.u32 s5, $0x1;
	s2 =	sadd.s32 s19, s18  }
0x9c: {  	s6 =	simm.s32 $0x0;
	s20 =	sshll.u32 s4, $0x1;
	s4 =	sadd.s32 s21, s2  }
0x9d: {  	[timem:s6], [sflag:s22] =	dma.local [hbm:s4], s20  }
0x9e: {  	_ =	swait.ge [sflag:s22], s20  }
0x9f: {  	s3 =	ssub.s32 $0x0, s20;
	[sflag:s22] =	ssyncset.done $0x0  }
0xa0: {  	[sflag:s22] =	ssyncadd.s32 s3;
	_ =	sdelay $0x1  }
0xa1: {  	s23 =	simm.s32 $0x1B8B  }
0xa2: {  	_ =	swait.ge [sflag:s23], $0x1  }
0xa3: {  	[sflag:s23] =	ssyncset.done $0x0  }
0xa4: {  	s25 =	simm.s32 $0x1B8E;
	s24 =	sld [smem:$0x3FFE];
	[sflag:s23] =	ssyncadd.s32 $0xFFFFFFFF  }
0xa5: {  	s26 =	simm.s32 $execute0_lowered;
	[smem:$0x3FD2] =	sst s25  }
0xa6: {  	s4 =	sshll.u32 s26, $0x1;
	_ =	strace $0x8000004C;
	[dreg:$0x1] =	wrdreg $0xFFFFFFFF  }
0xa7: {  	s28 =	simm.s32 $_size_execute0_lowered;
	s2 =	sadd.s32 s2, s4;
	[dreg:$0x0] =	wrdreg $0x0  }
0xa8: {  	s4 =	sshll.u32 s28, $0x1;
	[dreg:$0x2] =	wrdreg s2  }
0xa9: {  	[dreg:$0x3] =	wrdreg s4  }
0xaa: {  	[dreg:$0x4] =	wrdreg $0xC0  }
0xab: {  	_ =	task [dreg:s6], $0x5FFFF  }
0xac: {  	[dreg:$0x1] =	wrdreg $0xFFFFFFFF  }
0xad: {  	[dreg:$0x0] =	wrdreg $0x60  }
0xae: {  	[dreg:$0x2] =	wrdreg s24  }
0xaf: {  	[dreg:$0x3] =	wrdreg $0x90000  }
0xb0: {  	[dreg:$0x4] =	wrdreg $0x9  }
0xb1: {  	_ =	task.clear_ibuf [dreg:s6], $0x5FFFF;
	_ =	strace $0x9000004C  }
0xb2: {  	s29 =	simm.s32 $0x9;
	_ =	strace $0x8000004E  }
0xb3: {  	_ =	swait.ge [sflag:s29], $0x1  }
0xb4: {  	[sflag:s29] =	ssyncadd.s32 $0xFFFFFFFF  }
0xb5: {  	_ =	strace $0x9000004E  }
0xb6: {  	_ =	sfence  }
0xb7: {  	s30 =	sld [smem:$0x0];
	_ =	sdelay $0x2  }
0xb8: {  	s31 =	sshll.u32 s1, $0xD;
	s1 =	sshrl.u32 s1, $0x2  }
0xb9: {  	s3 =	sand.u32 $0x4000, s31;
	s1 =	sadd.s32 s1, s30  }
0xba: {  	s0 =	sor.u32 s3, s0;
	s1 =	sshll.u32 s1, $0x11  }
0xbb: {  	s0 =	sor.u32 s1, s0  }
0xbc: {  	s0 =	sadd.s32 $0x8F2B, s0  }
0xbd: {  	[sflag:s0] =	ssyncadd.remote.s32 $0x1  }
0xbe: {  	_ =	sfence.sel $0xFFFF  }
0xbf: {  	[dreg:$0x0] =	wrdreg $0xFFFFFFFF;
	(pc) =	sbr.abs _section_cstart, $3  }
0xc0: {  	[dreg:$0x1] =	wrdreg $0xFFFFFFFF  }
0xc1: {  	_ =	task.clear_ibuf [dreg:s6], $0x2FFFF;
	_ =	strace $0x9FFFFFFF  }
0xc2: {  	(tm) =	ssettm $0x7FFFFFFF  }
0xc3: {  	_ =	shalt  }
tec
execute0_lowered:
.L_overlay_start_1:
0x0: {  	(tag) =	ssettag $0x1  }
0x1: {  	s0 =	rddreg [dreg:$0x0];
	s2 =	srdreg.scid  }
0x2: {  	s1 =	rddreg [dreg:$0x1];
	s3 =	simm.s32 $0x0;
	s10 =	stileid.u32  }
0x3: {  	s12 =	simm.s32 $0x100;
	s14 =	simm.s32 $0x880;
	s15 =	simm.s32 $0x180  }
0x4: {  	s16 =	simm.s32 $0x900;
	s17 =	simm.s32 $0x200;
	s18 =	simm.s32 $0x980  }
0x5: {  	s19 =	simm.s32 $0x280;
	s20 =	simm.s32 $0xA00;
	[smem:$0x7FF] =	sst s3  }
0x6: {  	s21 =	simm.s32 $0x300;
	_ =	strace $0x8000004D;
	[dreg:$0x5] =	wrdreg s12  }
0x7: {  	s22 =	simm.s32 $0xA80;
	s23 =	simm.s32 $0x380;
	[dreg:$0x6] =	wrdreg s14  }
0x8: {  	s24 =	simm.s32 $0xB00;
	s25 =	simm.s32 $0x400;
	[dreg:$0x7] =	wrdreg s15  }
0x9: {  	s28 =	simm.s32 $0x680;
	s29 =	simm.s32 $0xE00;
	[dreg:$0x8] =	wrdreg s16  }
0xa: {  	s30 =	simm.s32 $0x700;
	s31 =	simm.s32 $0xE80;
	[dreg:$0x9] =	wrdreg s17  }
0xb: {  	s2 =	sand.u32 $0x1, s2;
	s7 =	smul.u32 $0x280, s10;
	[dreg:$0xa] =	wrdreg s18  }
0xc: {  	s4 =	sadd.s32 $0x16000, s0;
	s26 =	smul.u32 $0x500, s10;
	[dreg:$0xb] =	wrdreg s19  }
0xd: {  	s8 =	smul.u32 $0x50000, s10;
	s13 =	sshll.u32 s10, $0x6;
	[dreg:$0xc] =	wrdreg s20  }
0xe: {  	s10 =	simm.s32 $0x5;
	s5 =	smul.u32 $0x5000, s2;
	[dreg:$0xd] =	wrdreg s21  }
0xf: {  	s6 =	smul.u32 $0x2800, s2;
	s2 =	ssub.s32 $0x2, s2;
	[dreg:$0xe] =	wrdreg s22  }
0x10: {  	s12 =	simm.s32 $0x80;
	s14 =	simm.s32 $0x5000;
	[dreg:$0xf] =	wrdreg s23  }
0x11: {  	s15 =	simm.s32 $0x1;
	s16 =	simm.s32 $0x3;
	[dreg:$0x10] =	wrdreg s24  }
0x12: {  	s17 =	simm.s32 $0x2;
	[dreg:$0x11] =	wrdreg s25;
	s18 =	simm.s32 $0x4  }
0x13: {  	s19 =	simm.s32 $0x480;
	s20 =	simm.s32 $0xC00;
	s21 =	simm.s32 $0x500  }
0x14: {  	s22 =	simm.s32 $0xC80;
	s23 =	simm.s32 $0x580;
	s24 =	simm.s32 $0xD00  }
0x15: {  	s25 =	simm.s32 $0x600;
	s9 =	sshrl.u32 s2, $0x1;
	s5 =	sadd.s32 s5, s0  }
0x16: {  	s6 =	sadd.s32 s7, s6;
	s2 =	ssub.s32 s2, s9;
	s9 =	sshrl.u32 s8, $0x2  }
0x17: {  	s8 =	sor.u32 $0x1C05, s13;
	s13 =	simm.s32 $0x1000;
	s6 =	sshll.u32 s6, $0x4  }
0x18: {  	s5 =	sadd.s32 s26, s5;
	s2 =	smax.u32 s2, $0x1;
	[dreg:$0x14] =	wrdreg s8  }
0x19: {  	s7 =	sadd.s32 s9, s1;
	s26 =	simm.s32 $0xB80;
	[dreg:$0x16] =	wrdreg s2  }
0x1a: {  	s9 =	simm.s32 $0x0;
	s11 =	sadd.s32 $0x2000, s5;
	[dreg:$0x12] =	wrdreg s26  }
0x1b: {  	s0 =	sadd.s32 s6, s0;
	s6 =	sadd.s32 s4, s6;
	[dreg:$0x3] =	wrdreg s11  }
0x1c: {  	s5 =	sadd.s32 $0xC000, s5;
	s7 =	sshrl.u32 s7, $0x3;
	[dreg:$0x13] =	wrdreg s6  }
0x1d: {  	s26 =	simm.s32 $0xD80;
	s2 =	simm.s32 $0xF00;
	[dreg:$0x4] =	wrdreg s5  }
0x1e: {  	s0 =	sadd.s32 $0x66000, s0;
	s11 =	simm.s32 $0x800;
	[dreg:$0x17] =	wrdreg s7  }
0x1f: {  	s5 =	simm.s32 $0xF80;
	[dreg:$0x15] =	wrdreg s0;
	s0 =	simm.s32 $0x780  }
.LBB2_1:
0x20: {  	[dreg:$0x18] =	wrdreg s9  }
0x21: {  	s6 =	rddreg [dreg:$0x13]  }
0x22: {  	[spmem:s7], [sflag:s8] =	dma.local [hbm:s6], $0x2800  }
0x23: {  	_ =	swait.ge [sflag:s10], $0x2800  }
0x24: {  	[sflag:s10] =	ssyncset.done $0x0  }
0x25: {  	[sflag:s10] =	ssyncadd.s32 $0xFFFFD800  }
0x26: {  	[bflag:$0x0] =	sbarrier.arrive $0xFFFF  }
0x27: {  	s9 =	rddreg [dreg:$0x3]  }
0x28: {  	s6 =	sadd.s32 $0x0, s9  }
0x29: {  	[tilespmem:s3], [sflag:$0x5] =	stream.linear.gather [hbm4b:s6+s3], $0x800, $0x38;
	[tilespmem:$0x1D000] =	vst v63  }
0x2a: {  	_ =	swait.ge [sflag:s10], $0x800  }
0x2b: {  	s7 =	rddreg [dreg:$0x4];
	[sflag:s10] =	ssyncset.done $0x0  }
0x2c: {  	[sflag:s10] =	ssyncadd.s32 $0xFFFFF800;
	s6 =	sadd.s32 $0x0, s7  }
0x2d: {  	[tilespmem:s11], [sflag:$0x5] =	stream.linear.gather [hbm4b:s6+s3], $0x800, $0x38;
	[tilespmem:$0x1D000] =	vst v63  }
0x2e: {  	_ =	swait.ge [sflag:s10], $0x800  }
0x2f: {  	[sflag:s10] =	ssyncset.done $0x0  }
0x30: {  	[sflag:s10] =	ssyncadd.s32 $0xFFFFF800  }
0x31: {  	[tilespmem:s13], [sflag:$0x1] =	stream.indirect.gather [hbm4b:s4+s12], $0x80, s3, s12, $0xb8;
	[tilespmem:$0x1D000] =	vst v63  }
0x32: {  	_ = 	snop  }
0x33: {  	[tilespmem:s14], [sflag:$0x2] =	stream.indirect.gather [hbm4b:s4+s12], $0x80, s12, s12, $0xb8;
	[tilespmem:$0x1D000] =	vst v63  }
0x34: {  	_ =	swait.ge [sflag:s15], $0x4000  }
0x35: {  	[sflag:s15] =	ssyncset.done $0x0  }
0x36: {  	[sflag:s15] =	ssyncadd.s32 $0xFFFFC000  }
0x37: {  	[spmem:s1] =	stream.indirect.scatter.add.f32 [tilespmem:s13], [sflag:$0x3], $0x80, s11, s12, $0xb8;
	[tilespmem:$0x1D000] =	vst v63  }
0x38: {  	_ =	swait.ge [sflag:s16], $0x4000  }
0x39: {  	[sflag:s16] =	ssyncset.done $0x0  }
0x3a: {  	s8 =	rddreg [dreg:$0x5];
	[sflag:s16] =	ssyncadd.s32 $0xFFFFC000  }
0x3b: {  	[tilespmem:s13], [sflag:$0x1] =	stream.indirect.gather [hbm4b:s4+s12], $0x80, s8, s12, $0xb8;
	[tilespmem:$0x1D000] =	vst v63  }
0x3c: {  	_ =	swait.ge [sflag:s17], $0x4000  }
0x3d: {  	[sflag:s17] =	ssyncset.done $0x0  }
0x3e: {  	s9 =	rddreg [dreg:$0x6];
	[sflag:s17] =	ssyncadd.s32 $0xFFFFC000  }
0x3f: {  	[spmem:s1] =	stream.indirect.scatter.add.f32 [tilespmem:s14], [sflag:$0x4], $0x80, s9, s12, $0xb8;
	[tilespmem:$0x1D000] =	vst v63  }
0x40: {  	_ =	swait.ge [sflag:s18], $0x4000  }
0x41: {  	[sflag:s18] =	ssyncset.done $0x0  }
0x42: {  	s7 =	rddreg [dreg:$0x7];
	[sflag:s18] =	ssyncadd.s32 $0xFFFFC000  }
0x43: {  	[tilespmem:s14], [sflag:$0x2] =	stream.indirect.gather [hbm4b:s4+s12], $0x80, s7, s12, $0xb8;
	[tilespmem:$0x1D000] =	vst v63  }
0x44: {  	_ =	swait.ge [sflag:s15], $0x4000  }
0x45: {  	[sflag:s15] =	ssyncset.done $0x0  }
0x46: {  	s8 =	rddreg [dreg:$0x8];
	[sflag:s15] =	ssyncadd.s32 $0xFFFFC000  }
0x47: {  	[spmem:s1] =	stream.indirect.scatter.add.f32 [tilespmem:s13], [sflag:$0x3], $0x80, s8, s12, $0xb8;
	[tilespmem:$0x1D000] =	vst v63  }
0x48: {  	_ =	swait.ge [sflag:s16], $0x4000  }
0x49: {  	[sflag:s16] =	ssyncset.done $0x0  }
0x4a: {  	s9 =	rddreg [dreg:$0x9];
	[sflag:s16] =	ssyncadd.s32 $0xFFFFC000  }
0x4b: {  	[tilespmem:s13], [sflag:$0x1] =	stream.indirect.gather [hbm4b:s4+s12], $0x80, s9, s12, $0xb8;
	[tilespmem:$0x1D000] =	vst v63  }
0x4c: {  	_ =	swait.ge [sflag:s17], $0x4000  }
0x4d: {  	[sflag:s17] =	ssyncset.done $0x0  }
0x4e: {  	s7 =	rddreg [dreg:$0xa];
	[sflag:s17] =	ssyncadd.s32 $0xFFFFC000  }
0x4f: {  	[spmem:s1] =	stream.indirect.scatter.add.f32 [tilespmem:s14], [sflag:$0x4], $0x80, s7, s12, $0xb8;
	[tilespmem:$0x1D000] =	vst v63  }
0x50: {  	_ =	swait.ge [sflag:s18], $0x4000  }
0x51: {  	[sflag:s18] =	ssyncset.done $0x0  }
0x52: {  	s8 =	rddreg [dreg:$0xb];
	[sflag:s18] =	ssyncadd.s32 $0xFFFFC000  }
0x53: {  	[tilespmem:s14], [sflag:$0x2] =	stream.indirect.gather [hbm4b:s4+s12], $0x80, s8, s12, $0xb8;
	[tilespmem:$0x1D000] =	vst v63  }
0x54: {  	_ =	swait.ge [sflag:s15], $0x4000  }
0x55: {  	[sflag:s15] =	ssyncset.done $0x0  }
0x56: {  	s9 =	rddreg [dreg:$0xc];
	[sflag:s15] =	ssyncadd.s32 $0xFFFFC000  }
0x57: {  	[spmem:s1] =	stream.indirect.scatter.add.f32 [tilespmem:s13], [sflag:$0x3], $0x80, s9, s12, $0xb8;
	[tilespmem:$0x1D000] =	vst v63  }
0x58: {  	_ =	swait.ge [sflag:s16], $0x4000  }
0x59: {  	[sflag:s16] =	ssyncset.done $0x0  }
0x5a: {  	s7 =	rddreg [dreg:$0xd];
	[sflag:s16] =	ssyncadd.s32 $0xFFFFC000  }
0x5b: {  	[tilespmem:s13], [sflag:$0x1] =	stream.indirect.gather [hbm4b:s4+s12], $0x80, s7, s12, $0xb8;
	[tilespmem:$0x1D000] =	vst v63  }
0x5c: {  	_ =	swait.ge [sflag:s17], $0x4000  }
0x5d: {  	[sflag:s17] =	ssyncset.done $0x0  }
0x5e: {  	s8 =	rddreg [dreg:$0xe];
	[sflag:s17] =	ssyncadd.s32 $0xFFFFC000  }
0x5f: {  	[spmem:s1] =	stream.indirect.scatter.add.f32 [tilespmem:s14], [sflag:$0x4], $0x80, s8, s12, $0xb8;
	[tilespmem:$0x1D000] =	vst v63  }
0x60: {  	_ =	swait.ge [sflag:s18], $0x4000  }
0x61: {  	[sflag:s18] =	ssyncset.done $0x0  }
0x62: {  	s9 =	rddreg [dreg:$0xf];
	[sflag:s18] =	ssyncadd.s32 $0xFFFFC000  }
0x63: {  	[tilespmem:s14], [sflag:$0x2] =	stream.indirect.gather [hbm4b:s4+s12], $0x80, s9, s12, $0xb8;
	[tilespmem:$0x1D000] =	vst v63  }
0x64: {  	_ =	swait.ge [sflag:s15], $0x4000  }
0x65: {  	[sflag:s15] =	ssyncset.done $0x0  }
0x66: {  	s7 =	rddreg [dreg:$0x10];
	[sflag:s15] =	ssyncadd.s32 $0xFFFFC000  }
0x67: {  	[spmem:s1] =	stream.indirect.scatter.add.f32 [tilespmem:s13], [sflag:$0x3], $0x80, s7, s12, $0xb8;
	[tilespmem:$0x1D000] =	vst v63  }
0x68: {  	_ =	swait.ge [sflag:s16], $0x4000  }
0x69: {  	[sflag:s16] =	ssyncset.done $0x0  }
0x6a: {  	s8 =	rddreg [dreg:$0x11];
	[sflag:s16] =	ssyncadd.s32 $0xFFFFC000  }
0x6b: {  	[tilespmem:s13], [sflag:$0x1] =	stream.indirect.gather [hbm4b:s4+s12], $0x80, s8, s12, $0xb8;
	[tilespmem:$0x1D000] =	vst v63  }
0x6c: {  	_ =	swait.ge [sflag:s17], $0x4000  }
0x6d: {  	[sflag:s17] =	ssyncset.done $0x0  }
0x6e: {  	s9 =	rddreg [dreg:$0x12];
	[sflag:s17] =	ssyncadd.s32 $0xFFFFC000  }
0x6f: {  	[spmem:s1] =	stream.indirect.scatter.add.f32 [tilespmem:s14], [sflag:$0x4], $0x80, s9, s12, $0xb8;
	[tilespmem:$0x1D000] =	vst v63  }
0x70: {  	_ =	swait.ge [sflag:s18], $0x4000  }
0x71: {  	[sflag:s18] =	ssyncset.done $0x0  }
0x72: {  	[sflag:s18] =	ssyncadd.s32 $0xFFFFC000  }
0x73: {  	[tilespmem:s14], [sflag:$0x2] =	stream.indirect.gather [hbm4b:s4+s12], $0x80, s19, s12, $0xb8;
	[tilespmem:$0x1D000] =	vst v63  }
0x74: {  	_ =	swait.ge [sflag:s15], $0x4000  }
0x75: {  	[sflag:s15] =	ssyncset.done $0x0  }
0x76: {  	[sflag:s15] =	ssyncadd.s32 $0xFFFFC000  }
0x77: {  	[spmem:s1] =	stream.indirect.scatter.add.f32 [tilespmem:s13], [sflag:$0x3], $0x80, s20, s12, $0xb8;
	[tilespmem:$0x1D000] =	vst v63  }
0x78: {  	_ =	swait.ge [sflag:s16], $0x4000  }
0x79: {  	[sflag:s16] =	ssyncset.done $0x0  }
0x7a: {  	[sflag:s16] =	ssyncadd.s32 $0xFFFFC000  }
0x7b: {  	[tilespmem:s13], [sflag:$0x1] =	stream.indirect.gather [hbm4b:s4+s12], $0x80, s21, s12, $0xb8;
	[tilespmem:$0x1D000] =	vst v63  }
0x7c: {  	_ =	swait.ge [sflag:s17], $0x4000  }
0x7d: {  	[sflag:s17] =	ssyncset.done $0x0  }
0x7e: {  	[sflag:s17] =	ssyncadd.s32 $0xFFFFC000  }
0x7f: {  	[spmem:s1] =	stream.indirect.scatter.add.f32 [tilespmem:s14], [sflag:$0x4], $0x80, s22, s12, $0xb8;
	[tilespmem:$0x1D000] =	vst v63  }
0x80: {  	_ =	swait.ge [sflag:s18], $0x4000  }
0x81: {  	[sflag:s18] =	ssyncset.done $0x0  }
0x82: {  	[sflag:s18] =	ssyncadd.s32 $0xFFFFC000  }
0x83: {  	[tilespmem:s14], [sflag:$0x2] =	stream.indirect.gather [hbm4b:s4+s12], $0x80, s23, s12, $0xb8;
	[tilespmem:$0x1D000] =	vst v63  }
0x84: {  	_ =	swait.ge [sflag:s15], $0x4000  }
0x85: {  	[sflag:s15] =	ssyncset.done $0x0  }
0x86: {  	[sflag:s15] =	ssyncadd.s32 $0xFFFFC000  }
0x87: {  	[spmem:s1] =	stream.indirect.scatter.add.f32 [tilespmem:s13], [sflag:$0x3], $0x80, s24, s12, $0xb8;
	[tilespmem:$0x1D000] =	vst v63  }
0x88: {  	_ =	swait.ge [sflag:s16], $0x4000  }
0x89: {  	[sflag:s16] =	ssyncset.done $0x0  }
0x8a: {  	[sflag:s16] =	ssyncadd.s32 $0xFFFFC000  }
0x8b: {  	[tilespmem:s13], [sflag:$0x1] =	stream.indirect.gather [hbm4b:s4+s12], $0x80, s25, s12, $0xb8;
	[tilespmem:$0x1D000] =	vst v63  }
0x8c: {  	_ =	swait.ge [sflag:s17], $0x4000  }
0x8d: {  	[sflag:s17] =	ssyncset.done $0x0  }
0x8e: {  	[sflag:s17] =	ssyncadd.s32 $0xFFFFC000  }
0x8f: {  	[spmem:s1] =	stream.indirect.scatter.add.f32 [tilespmem:s14], [sflag:$0x4], $0x80, s26, s12, $0xb8;
	[tilespmem:$0x1D000] =	vst v63  }
0x90: {  	_ =	swait.ge [sflag:s18], $0x4000  }
0x91: {  	[sflag:s18] =	ssyncset.done $0x0  }
0x92: {  	[sflag:s18] =	ssyncadd.s32 $0xFFFFC000  }
0x93: {  	[tilespmem:s14], [sflag:$0x2] =	stream.indirect.gather [hbm4b:s4+s12], $0x80, s28, s12, $0xb8;
	[tilespmem:$0x1D000] =	vst v63  }
0x94: {  	_ =	swait.ge [sflag:s15], $0x4000  }
0x95: {  	[sflag:s15] =	ssyncset.done $0x0  }
0x96: {  	[sflag:s15] =	ssyncadd.s32 $0xFFFFC000  }
0x97: {  	[spmem:s1] =	stream.indirect.scatter.add.f32 [tilespmem:s13], [sflag:$0x3], $0x80, s29, s12, $0xb8;
	[tilespmem:$0x1D000] =	vst v63  }
0x98: {  	_ =	swait.ge [sflag:s16], $0x4000  }
0x99: {  	[sflag:s16] =	ssyncset.done $0x0  }
0x9a: {  	[sflag:s16] =	ssyncadd.s32 $0xFFFFC000  }
0x9b: {  	[tilespmem:s13], [sflag:$0x1] =	stream.indirect.gather [hbm4b:s4+s12], $0x80, s30, s12, $0xb8;
	[tilespmem:$0x1D000] =	vst v63  }
0x9c: {  	_ =	swait.ge [sflag:s17], $0x4000  }
0x9d: {  	[sflag:s17] =	ssyncset.done $0x0  }
0x9e: {  	[sflag:s17] =	ssyncadd.s32 $0xFFFFC000  }
0x9f: {  	[spmem:s1] =	stream.indirect.scatter.add.f32 [tilespmem:s14], [sflag:$0x4], $0x80, s31, s12, $0xb8;
	[tilespmem:$0x1D000] =	vst v63  }
0xa0: {  	_ =	swait.ge [sflag:s18], $0x4000  }
0xa1: {  	[sflag:s18] =	ssyncset.done $0x0  }
0xa2: {  	[sflag:s18] =	ssyncadd.s32 $0xFFFFC000  }
0xa3: {  	[tilespmem:s14], [sflag:$0x2] =	stream.indirect.gather [hbm4b:s4+s12], $0x80, s0, s12, $0xb8;
	[tilespmem:$0x1D000] =	vst v63  }
0xa4: {  	_ =	swait.ge [sflag:s15], $0x4000  }
0xa5: {  	[sflag:s15] =	ssyncset.done $0x0  }
0xa6: {  	[sflag:s15] =	ssyncadd.s32 $0xFFFFC000  }
0xa7: {  	[spmem:s1] =	stream.indirect.scatter.add.f32 [tilespmem:s13], [sflag:$0x3], $0x80, s2, s12, $0xb8;
	[tilespmem:$0x1D000] =	vst v63  }
0xa8: {  	_ =	swait.ge [sflag:s17], $0x4000  }
0xa9: {  	[sflag:s17] =	ssyncset.done $0x0  }
0xaa: {  	[sflag:s17] =	ssyncadd.s32 $0xFFFFC000  }
0xab: {  	[spmem:s1] =	stream.indirect.scatter.add.f32 [tilespmem:s14], [sflag:$0x4], $0x80, s5, s12, $0xb8;
	[tilespmem:$0x1D000] =	vst v63  }
0xac: {  	_ =	swait.ge [sflag:s16], $0x4000  }
0xad: {  	[sflag:s16] =	ssyncset.done $0x0  }
0xae: {  	[sflag:s16] =	ssyncadd.s32 $0xFFFFC000  }
0xaf: {  	s6 =	simm.s32 $0x200;
	_ =	swait.ge [sflag:s18], $0x4000  }
0xb0: {  	s8 =	simm.s32 $0x100;
	s9 =	rddreg [dreg:$0x3];
	[sflag:s18] =	ssyncset.done $0x0  }
.LBB2_2:
0xb1: {  	[sflag:s18] =	ssyncadd.s32 $0xFFFFC000;
	s9 =	sadd.s32 s8, s9  }
0xb2: {  	[tilespmem:s3], [sflag:$0x5] =	stream.linear.gather [hbm4b:s9+s3], $0x800, $0x38;
	[tilespmem:$0x1D000] =	vst v63  }
0xb3: {  	_ =	swait.ge [sflag:s10], $0x800  }
0xb4: {  	s9 =	rddreg [dreg:$0x4];
	[sflag:s10] =	ssyncset.done $0x0  }
0xb5: {  	[sflag:s10] =	ssyncadd.s32 $0xFFFFF800;
	s9 =	sadd.s32 s8, s9  }
0xb6: {  	[tilespmem:s11], [sflag:$0x5] =	stream.linear.gather [hbm4b:s9+s3], $0x800, $0x38;
	[tilespmem:$0x1D000] =	vst v63  }
0xb7: {  	_ =	swait.ge [sflag:s10], $0x800  }
0xb8: {  	[sflag:s10] =	ssyncset.done $0x0  }
0xb9: {  	[sflag:s10] =	ssyncadd.s32 $0xFFFFF800  }
0xba: {  	[tilespmem:s13], [sflag:$0x1] =	stream.indirect.gather [hbm4b:s4+s12], $0x80, s3, s12, $0xb8;
	[tilespmem:$0x1D000] =	vst v63  }
0xbb: {  	_ = 	snop  }
0xbc: {  	[tilespmem:s14], [sflag:$0x2] =	stream.indirect.gather [hbm4b:s4+s12], $0x80, s12, s12, $0xb8;
	[tilespmem:$0x1D000] =	vst v63  }
0xbd: {  	_ =	swait.ge [sflag:s15], $0x4000  }
0xbe: {  	[sflag:s15] =	ssyncset.done $0x0  }
0xbf: {  	[sflag:s15] =	ssyncadd.s32 $0xFFFFC000  }
0xc0: {  	[spmem:s1] =	stream.indirect.scatter.add.f32 [tilespmem:s13], [sflag:$0x3], $0x80, s11, s12, $0xb8;
	[tilespmem:$0x1D000] =	vst v63  }
0xc1: {  	_ =	swait.ge [sflag:s16], $0x4000  }
0xc2: {  	[sflag:s16] =	ssyncset.done $0x0  }
0xc3: {  	s9 =	rddreg [dreg:$0x5];
	[sflag:s16] =	ssyncadd.s32 $0xFFFFC000  }
0xc4: {  	[tilespmem:s13], [sflag:$0x1] =	stream.indirect.gather [hbm4b:s4+s12], $0x80, s9, s12, $0xb8;
	[tilespmem:$0x1D000] =	vst v63  }
0xc5: {  	_ =	swait.ge [sflag:s17], $0x4000  }
0xc6: {  	[sflag:s17] =	ssyncset.done $0x0  }
0xc7: {  	s9 =	rddreg [dreg:$0x6];
	[sflag:s17] =	ssyncadd.s32 $0xFFFFC000  }
0xc8: {  	[spmem:s1] =	stream.indirect.scatter.add.f32 [tilespmem:s14], [sflag:$0x4], $0x80, s9, s12, $0xb8;
	[tilespmem:$0x1D000] =	vst v63  }
0xc9: {  	_ =	swait.ge [sflag:s18], $0x4000  }
0xca: {  	[sflag:s18] =	ssyncset.done $0x0  }
0xcb: {  	s9 =	rddreg [dreg:$0x7];
	[sflag:s18] =	ssyncadd.s32 $0xFFFFC000  }
0xcc: {  	[tilespmem:s14], [sflag:$0x2] =	stream.indirect.gather [hbm4b:s4+s12], $0x80, s9, s12, $0xb8;
	[tilespmem:$0x1D000] =	vst v63  }
0xcd: {  	_ =	swait.ge [sflag:s15], $0x4000  }
0xce: {  	[sflag:s15] =	ssyncset.done $0x0  }
0xcf: {  	s9 =	rddreg [dreg:$0x8];
	[sflag:s15] =	ssyncadd.s32 $0xFFFFC000  }
0xd0: {  	[spmem:s1] =	stream.indirect.scatter.add.f32 [tilespmem:s13], [sflag:$0x3], $0x80, s9, s12, $0xb8;
	[tilespmem:$0x1D000] =	vst v63  }
0xd1: {  	_ =	swait.ge [sflag:s16], $0x4000  }
0xd2: {  	[sflag:s16] =	ssyncset.done $0x0  }
0xd3: {  	s9 =	rddreg [dreg:$0x9];
	[sflag:s16] =	ssyncadd.s32 $0xFFFFC000  }
0xd4: {  	[tilespmem:s13], [sflag:$0x1] =	stream.indirect.gather [hbm4b:s4+s12], $0x80, s9, s12, $0xb8;
	[tilespmem:$0x1D000] =	vst v63  }
0xd5: {  	_ =	swait.ge [sflag:s17], $0x4000  }
0xd6: {  	[sflag:s17] =	ssyncset.done $0x0  }
0xd7: {  	s9 =	rddreg [dreg:$0xa];
	[sflag:s17] =	ssyncadd.s32 $0xFFFFC000  }
0xd8: {  	[spmem:s1] =	stream.indirect.scatter.add.f32 [tilespmem:s14], [sflag:$0x4], $0x80, s9, s12, $0xb8;
	[tilespmem:$0x1D000] =	vst v63  }
0xd9: {  	_ =	swait.ge [sflag:s18], $0x4000  }
0xda: {  	[sflag:s18] =	ssyncset.done $0x0  }
0xdb: {  	s9 =	rddreg [dreg:$0xb];
	[sflag:s18] =	ssyncadd.s32 $0xFFFFC000  }
0xdc: {  	[tilespmem:s14], [sflag:$0x2] =	stream.indirect.gather [hbm4b:s4+s12], $0x80, s9, s12, $0xb8;
	[tilespmem:$0x1D000] =	vst v63  }
0xdd: {  	_ =	swait.ge [sflag:s15], $0x4000  }
0xde: {  	[sflag:s15] =	ssyncset.done $0x0  }
0xdf: {  	s9 =	rddreg [dreg:$0xc];
	[sflag:s15] =	ssyncadd.s32 $0xFFFFC000  }
0xe0: {  	[spmem:s1] =	stream.indirect.scatter.add.f32 [tilespmem:s13], [sflag:$0x3], $0x80, s9, s12, $0xb8;
	[tilespmem:$0x1D000] =	vst v63  }
0xe1: {  	_ =	swait.ge [sflag:s16], $0x4000  }
0xe2: {  	[sflag:s16] =	ssyncset.done $0x0  }
0xe3: {  	s9 =	rddreg [dreg:$0xd];
	[sflag:s16] =	ssyncadd.s32 $0xFFFFC000  }
0xe4: {  	[tilespmem:s13], [sflag:$0x1] =	stream.indirect.gather [hbm4b:s4+s12], $0x80, s9, s12, $0xb8;
	[tilespmem:$0x1D000] =	vst v63  }
0xe5: {  	_ =	swait.ge [sflag:s17], $0x4000  }
0xe6: {  	[sflag:s17] =	ssyncset.done $0x0  }
0xe7: {  	s9 =	rddreg [dreg:$0xe];
	[sflag:s17] =	ssyncadd.s32 $0xFFFFC000  }
0xe8: {  	[spmem:s1] =	stream.indirect.scatter.add.f32 [tilespmem:s14], [sflag:$0x4], $0x80, s9, s12, $0xb8;
	[tilespmem:$0x1D000] =	vst v63  }
0xe9: {  	_ =	swait.ge [sflag:s18], $0x4000  }
0xea: {  	[sflag:s18] =	ssyncset.done $0x0  }
0xeb: {  	s9 =	rddreg [dreg:$0xf];
	[sflag:s18] =	ssyncadd.s32 $0xFFFFC000  }
0xec: {  	[tilespmem:s14], [sflag:$0x2] =	stream.indirect.gather [hbm4b:s4+s12], $0x80, s9, s12, $0xb8;
	[tilespmem:$0x1D000] =	vst v63  }
0xed: {  	_ =	swait.ge [sflag:s15], $0x4000  }
0xee: {  	[sflag:s15] =	ssyncset.done $0x0  }
0xef: {  	s9 =	rddreg [dreg:$0x10];
	[sflag:s15] =	ssyncadd.s32 $0xFFFFC000  }
0xf0: {  	[spmem:s1] =	stream.indirect.scatter.add.f32 [tilespmem:s13], [sflag:$0x3], $0x80, s9, s12, $0xb8;
	[tilespmem:$0x1D000] =	vst v63  }
0xf1: {  	_ =	swait.ge [sflag:s16], $0x4000  }
0xf2: {  	[sflag:s16] =	ssyncset.done $0x0  }
0xf3: {  	s9 =	rddreg [dreg:$0x11];
	[sflag:s16] =	ssyncadd.s32 $0xFFFFC000  }
0xf4: {  	[tilespmem:s13], [sflag:$0x1] =	stream.indirect.gather [hbm4b:s4+s12], $0x80, s9, s12, $0xb8;
	[tilespmem:$0x1D000] =	vst v63  }
0xf5: {  	_ =	swait.ge [sflag:s17], $0x4000  }
0xf6: {  	[sflag:s17] =	ssyncset.done $0x0  }
0xf7: {  	s9 =	rddreg [dreg:$0x12];
	[sflag:s17] =	ssyncadd.s32 $0xFFFFC000  }
0xf8: {  	[spmem:s1] =	stream.indirect.scatter.add.f32 [tilespmem:s14], [sflag:$0x4], $0x80, s9, s12, $0xb8;
	[tilespmem:$0x1D000] =	vst v63  }
0xf9: {  	_ =	swait.ge [sflag:s18], $0x4000  }
0xfa: {  	[sflag:s18] =	ssyncset.done $0x0  }
0xfb: {  	[sflag:s18] =	ssyncadd.s32 $0xFFFFC000  }
0xfc: {  	[tilespmem:s14], [sflag:$0x2] =	stream.indirect.gather [hbm4b:s4+s12], $0x80, s19, s12, $0xb8;
	[tilespmem:$0x1D000] =	vst v63  }
0xfd: {  	_ =	swait.ge [sflag:s15], $0x4000  }
0xfe: {  	[sflag:s15] =	ssyncset.done $0x0  }
0xff: {  	[sflag:s15] =	ssyncadd.s32 $0xFFFFC000  }
0x100: {  	[spmem:s1] =	stream.indirect.scatter.add.f32 [tilespmem:s13], [sflag:$0x3], $0x80, s20, s12, $0xb8;
	[tilespmem:$0x1D000] =	vst v63  }
0x101: {  	_ =	swait.ge [sflag:s16], $0x4000  }
0x102: {  	[sflag:s16] =	ssyncset.done $0x0  }
0x103: {  	[sflag:s16] =	ssyncadd.s32 $0xFFFFC000  }
0x104: {  	[tilespmem:s13], [sflag:$0x1] =	stream.indirect.gather [hbm4b:s4+s12], $0x80, s21, s12, $0xb8;
	[tilespmem:$0x1D000] =	vst v63  }
0x105: {  	_ =	swait.ge [sflag:s17], $0x4000  }
0x106: {  	[sflag:s17] =	ssyncset.done $0x0  }
0x107: {  	[sflag:s17] =	ssyncadd.s32 $0xFFFFC000  }
0x108: {  	[spmem:s1] =	stream.indirect.scatter.add.f32 [tilespmem:s14], [sflag:$0x4], $0x80, s22, s12, $0xb8;
	[tilespmem:$0x1D000] =	vst v63  }
0x109: {  	_ =	swait.ge [sflag:s18], $0x4000  }
0x10a: {  	[sflag:s18] =	ssyncset.done $0x0  }
0x10b: {  	[sflag:s18] =	ssyncadd.s32 $0xFFFFC000  }
0x10c: {  	[tilespmem:s14], [sflag:$0x2] =	stream.indirect.gather [hbm4b:s4+s12], $0x80, s23, s12, $0xb8;
	[tilespmem:$0x1D000] =	vst v63  }
0x10d: {  	_ =	swait.ge [sflag:s15], $0x4000  }
0x10e: {  	[sflag:s15] =	ssyncset.done $0x0  }
0x10f: {  	[sflag:s15] =	ssyncadd.s32 $0xFFFFC000  }
0x110: {  	[spmem:s1] =	stream.indirect.scatter.add.f32 [tilespmem:s13], [sflag:$0x3], $0x80, s24, s12, $0xb8;
	[tilespmem:$0x1D000] =	vst v63  }
0x111: {  	_ =	swait.ge [sflag:s16], $0x4000  }
0x112: {  	[sflag:s16] =	ssyncset.done $0x0  }
0x113: {  	[sflag:s16] =	ssyncadd.s32 $0xFFFFC000  }
0x114: {  	[tilespmem:s13], [sflag:$0x1] =	stream.indirect.gather [hbm4b:s4+s12], $0x80, s25, s12, $0xb8;
	[tilespmem:$0x1D000] =	vst v63  }
0x115: {  	_ =	swait.ge [sflag:s17], $0x4000  }
0x116: {  	[sflag:s17] =	ssyncset.done $0x0  }
0x117: {  	[sflag:s17] =	ssyncadd.s32 $0xFFFFC000  }
0x118: {  	[spmem:s1] =	stream.indirect.scatter.add.f32 [tilespmem:s14], [sflag:$0x4], $0x80, s26, s12, $0xb8;
	[tilespmem:$0x1D000] =	vst v63  }
0x119: {  	_ =	swait.ge [sflag:s18], $0x4000  }
0x11a: {  	[sflag:s18] =	ssyncset.done $0x0  }
0x11b: {  	[sflag:s18] =	ssyncadd.s32 $0xFFFFC000  }
0x11c: {  	[tilespmem:s14], [sflag:$0x2] =	stream.indirect.gather [hbm4b:s4+s12], $0x80, s28, s12, $0xb8;
	[tilespmem:$0x1D000] =	vst v63  }
0x11d: {  	_ =	swait.ge [sflag:s15], $0x4000  }
0x11e: {  	[sflag:s15] =	ssyncset.done $0x0  }
0x11f: {  	[sflag:s15] =	ssyncadd.s32 $0xFFFFC000  }
0x120: {  	[spmem:s1] =	stream.indirect.scatter.add.f32 [tilespmem:s13], [sflag:$0x3], $0x80, s29, s12, $0xb8;
	[tilespmem:$0x1D000] =	vst v63  }
0x121: {  	_ =	swait.ge [sflag:s16], $0x4000  }
0x122: {  	[sflag:s16] =	ssyncset.done $0x0  }
0x123: {  	[sflag:s16] =	ssyncadd.s32 $0xFFFFC000  }
0x124: {  	[tilespmem:s13], [sflag:$0x1] =	stream.indirect.gather [hbm4b:s4+s12], $0x80, s30, s12, $0xb8;
	[tilespmem:$0x1D000] =	vst v63  }
0x125: {  	_ =	swait.ge [sflag:s17], $0x4000  }
0x126: {  	[sflag:s17] =	ssyncset.done $0x0  }
0x127: {  	[sflag:s17] =	ssyncadd.s32 $0xFFFFC000  }
0x128: {  	[spmem:s1] =	stream.indirect.scatter.add.f32 [tilespmem:s14], [sflag:$0x4], $0x80, s31, s12, $0xb8;
	[tilespmem:$0x1D000] =	vst v63  }
0x129: {  	_ =	swait.ge [sflag:s18], $0x4000  }
0x12a: {  	[sflag:s18] =	ssyncset.done $0x0  }
0x12b: {  	[sflag:s18] =	ssyncadd.s32 $0xFFFFC000  }
0x12c: {  	[tilespmem:s14], [sflag:$0x2] =	stream.indirect.gather [hbm4b:s4+s12], $0x80, s0, s12, $0xb8;
	[tilespmem:$0x1D000] =	vst v63  }
0x12d: {  	_ =	swait.ge [sflag:s15], $0x4000  }
0x12e: {  	[sflag:s15] =	ssyncset.done $0x0  }
0x12f: {  	[sflag:s15] =	ssyncadd.s32 $0xFFFFC000  }
0x130: {  	[spmem:s1] =	stream.indirect.scatter.add.f32 [tilespmem:s13], [sflag:$0x3], $0x80, s2, s12, $0xb8;
	[tilespmem:$0x1D000] =	vst v63  }
0x131: {  	_ =	swait.ge [sflag:s17], $0x4000  }
0x132: {  	[sflag:s17] =	ssyncset.done $0x0  }
0x133: {  	p0 =	sne.s32 s6, $0x400;
	[sflag:s17] =	ssyncadd.s32 $0xFFFFC000  }
0x134: {  	[spmem:s1] =	stream.indirect.scatter.add.f32 [tilespmem:s14], [sflag:$0x4], $0x80, s5, s12, $0xb8;
	[tilespmem:$0x1D000] =	vst v63  }
.Ltmp0:
0x135: {  	_ =	swait.ge [sflag:s16], $0x4000;
	(pc) =	sbr.rel @p0 .LBB2_2-.Ltmp0, $4  }
0x136: {  	[sflag:s16] =	ssyncset.done $0x0  }
0x137: {  	[sflag:s16] =	ssyncadd.s32 $0xFFFFC000  }
0x138: {  	s7 =	smov.u32 s6;
	s6 =	sadd.s32 $0x100, s6;
	_ =	swait.ge [sflag:s18], $0x4000  }
0x139: {  	s8 =	smov.u32 s7;
	s9 =	rddreg [dreg:$0x3];
	[sflag:s18] =	ssyncset.done $0x0  }
0x13a: {  	[sflag:s18] =	ssyncadd.s32 $0xFFFFC000;
	s6 =	sadd.s32 s8, s9  }
0x13b: {  	[tilespmem:s3], [sflag:$0x5] =	stream.linear.gather [hbm4b:s6+s3], $0x800, $0x38;
	[tilespmem:$0x1D000] =	vst v63  }
0x13c: {  	_ =	swait.ge [sflag:s10], $0x800  }
0x13d: {  	s9 =	rddreg [dreg:$0x4];
	[sflag:s10] =	ssyncset.done $0x0  }
0x13e: {  	s6 =	sadd.s32 s8, s9;
	[sflag:s10] =	ssyncadd.s32 $0xFFFFF800  }
0x13f: {  	[tilespmem:s11], [sflag:$0x5] =	stream.linear.gather [hbm4b:s6+s3], $0x800, $0x38;
	[tilespmem:$0x1D000] =	vst v63  }
0x140: {  	_ =	swait.ge [sflag:s10], $0x800  }
0x141: {  	[sflag:s10] =	ssyncset.done $0x0  }
0x142: {  	[sflag:s10] =	ssyncadd.s32 $0xFFFFF800  }
0x143: {  	[tilespmem:s13], [sflag:$0x1] =	stream.indirect.gather [hbm4b:s4+s12], $0x80, s3, s12, $0xb8;
	[tilespmem:$0x1D000] =	vst v63  }
0x144: {  	_ = 	snop  }
0x145: {  	[tilespmem:s14], [sflag:$0x2] =	stream.indirect.gather [hbm4b:s4+s12], $0x80, s12, s12, $0xb8;
	[tilespmem:$0x1D000] =	vst v63  }
0x146: {  	_ =	swait.ge [sflag:s15], $0x4000  }
0x147: {  	[sflag:s15] =	ssyncset.done $0x0  }
0x148: {  	[sflag:s15] =	ssyncadd.s32 $0xFFFFC000  }
0x149: {  	[spmem:s1] =	stream.indirect.scatter.add.f32 [tilespmem:s13], [sflag:$0x3], $0x80, s11, s12, $0xb8;
	[tilespmem:$0x1D000] =	vst v63  }
0x14a: {  	_ =	swait.ge [sflag:s16], $0x4000  }
0x14b: {  	[sflag:s16] =	ssyncset.done $0x0  }
0x14c: {  	s7 =	rddreg [dreg:$0x5];
	[sflag:s16] =	ssyncadd.s32 $0xFFFFC000  }
0x14d: {  	[tilespmem:s13], [sflag:$0x1] =	stream.indirect.gather [hbm4b:s4+s12], $0x80, s7, s12, $0xb8;
	[tilespmem:$0x1D000] =	vst v63  }
0x14e: {  	_ =	swait.ge [sflag:s17], $0x4000  }
0x14f: {  	[sflag:s17] =	ssyncset.done $0x0  }
0x150: {  	s8 =	rddreg [dreg:$0x6];
	[sflag:s17] =	ssyncadd.s32 $0xFFFFC000  }
0x151: {  	[spmem:s1] =	stream.indirect.scatter.add.f32 [tilespmem:s14], [sflag:$0x4], $0x80, s8, s12, $0xb8;
	[tilespmem:$0x1D000] =	vst v63  }
0x152: {  	_ =	swait.ge [sflag:s18], $0x4000  }
0x153: {  	[sflag:s18] =	ssyncset.done $0x0  }
0x154: {  	s9 =	rddreg [dreg:$0x7];
	[sflag:s18] =	ssyncadd.s32 $0xFFFFC000  }
0x155: {  	[tilespmem:s14], [sflag:$0x2] =	stream.indirect.gather [hbm4b:s4+s12], $0x80, s9, s12, $0xb8;
	[tilespmem:$0x1D000] =	vst v63  }
0x156: {  	_ =	swait.ge [sflag:s15], $0x4000  }
0x157: {  	[sflag:s15] =	ssyncset.done $0x0  }
0x158: {  	s7 =	rddreg [dreg:$0x8];
	[sflag:s15] =	ssyncadd.s32 $0xFFFFC000  }
0x159: {  	[spmem:s1] =	stream.indirect.scatter.add.f32 [tilespmem:s13], [sflag:$0x3], $0x80, s7, s12, $0xb8;
	[tilespmem:$0x1D000] =	vst v63  }
0x15a: {  	_ =	swait.ge [sflag:s16], $0x4000  }
0x15b: {  	[sflag:s16] =	ssyncset.done $0x0  }
0x15c: {  	s8 =	rddreg [dreg:$0x9];
	[sflag:s16] =	ssyncadd.s32 $0xFFFFC000  }
0x15d: {  	[tilespmem:s13], [sflag:$0x1] =	stream.indirect.gather [hbm4b:s4+s12], $0x80, s8, s12, $0xb8;
	[tilespmem:$0x1D000] =	vst v63  }
0x15e: {  	_ =	swait.ge [sflag:s17], $0x4000  }
0x15f: {  	[sflag:s17] =	ssyncset.done $0x0  }
0x160: {  	s9 =	rddreg [dreg:$0xa];
	[sflag:s17] =	ssyncadd.s32 $0xFFFFC000  }
0x161: {  	[spmem:s1] =	stream.indirect.scatter.add.f32 [tilespmem:s14], [sflag:$0x4], $0x80, s9, s12, $0xb8;
	[tilespmem:$0x1D000] =	vst v63  }
0x162: {  	_ =	swait.ge [sflag:s18], $0x4000  }
0x163: {  	[sflag:s18] =	ssyncset.done $0x0  }
0x164: {  	s7 =	rddreg [dreg:$0xb];
	[sflag:s18] =	ssyncadd.s32 $0xFFFFC000  }
0x165: {  	[tilespmem:s14], [sflag:$0x2] =	stream.indirect.gather [hbm4b:s4+s12], $0x80, s7, s12, $0xb8;
	[tilespmem:$0x1D000] =	vst v63  }
0x166: {  	_ =	swait.ge [sflag:s15], $0x4000  }
0x167: {  	[sflag:s15] =	ssyncset.done $0x0  }
0x168: {  	s8 =	rddreg [dreg:$0xc];
	[sflag:s15] =	ssyncadd.s32 $0xFFFFC000  }
0x169: {  	[spmem:s1] =	stream.indirect.scatter.add.f32 [tilespmem:s13], [sflag:$0x3], $0x80, s8, s12, $0xb8;
	[tilespmem:$0x1D000] =	vst v63  }
0x16a: {  	_ =	swait.ge [sflag:s16], $0x4000  }
0x16b: {  	[sflag:s16] =	ssyncset.done $0x0  }
0x16c: {  	s9 =	rddreg [dreg:$0xd];
	[sflag:s16] =	ssyncadd.s32 $0xFFFFC000  }
0x16d: {  	[tilespmem:s13], [sflag:$0x1] =	stream.indirect.gather [hbm4b:s4+s12], $0x80, s9, s12, $0xb8;
	[tilespmem:$0x1D000] =	vst v63  }
0x16e: {  	_ =	swait.ge [sflag:s17], $0x4000  }
0x16f: {  	[sflag:s17] =	ssyncset.done $0x0  }
0x170: {  	s7 =	rddreg [dreg:$0xe];
	[sflag:s17] =	ssyncadd.s32 $0xFFFFC000  }
0x171: {  	[spmem:s1] =	stream.indirect.scatter.add.f32 [tilespmem:s14], [sflag:$0x4], $0x80, s7, s12, $0xb8;
	[tilespmem:$0x1D000] =	vst v63  }
0x172: {  	_ =	swait.ge [sflag:s18], $0x4000  }
0x173: {  	[sflag:s18] =	ssyncset.done $0x0  }
0x174: {  	s8 =	rddreg [dreg:$0xf];
	[sflag:s18] =	ssyncadd.s32 $0xFFFFC000  }
0x175: {  	[tilespmem:s14], [sflag:$0x2] =	stream.indirect.gather [hbm4b:s4+s12], $0x80, s8, s12, $0xb8;
	[tilespmem:$0x1D000] =	vst v63  }
0x176: {  	_ =	swait.ge [sflag:s15], $0x4000  }
0x177: {  	[sflag:s15] =	ssyncset.done $0x0  }
0x178: {  	s9 =	rddreg [dreg:$0x10];
	[sflag:s15] =	ssyncadd.s32 $0xFFFFC000  }
0x179: {  	[spmem:s1] =	stream.indirect.scatter.add.f32 [tilespmem:s13], [sflag:$0x3], $0x80, s9, s12, $0xb8;
	[tilespmem:$0x1D000] =	vst v63  }
0x17a: {  	_ =	swait.ge [sflag:s16], $0x4000  }
0x17b: {  	[sflag:s16] =	ssyncset.done $0x0  }
0x17c: {  	s7 =	rddreg [dreg:$0x11];
	[sflag:s16] =	ssyncadd.s32 $0xFFFFC000  }
0x17d: {  	[tilespmem:s13], [sflag:$0x1] =	stream.indirect.gather [hbm4b:s4+s12], $0x80, s7, s12, $0xb8;
	[tilespmem:$0x1D000] =	vst v63  }
0x17e: {  	_ =	swait.ge [sflag:s17], $0x4000  }
0x17f: {  	[sflag:s17] =	ssyncset.done $0x0  }
0x180: {  	s8 =	rddreg [dreg:$0x12];
	[sflag:s17] =	ssyncadd.s32 $0xFFFFC000  }
0x181: {  	[spmem:s1] =	stream.indirect.scatter.add.f32 [tilespmem:s14], [sflag:$0x4], $0x80, s8, s12, $0xb8;
	[tilespmem:$0x1D000] =	vst v63  }
0x182: {  	_ =	swait.ge [sflag:s18], $0x4000  }
0x183: {  	[sflag:s18] =	ssyncset.done $0x0  }
0x184: {  	[sflag:s18] =	ssyncadd.s32 $0xFFFFC000  }
0x185: {  	[tilespmem:s14], [sflag:$0x2] =	stream.indirect.gather [hbm4b:s4+s12], $0x80, s19, s12, $0xb8;
	[tilespmem:$0x1D000] =	vst v63  }
0x186: {  	_ =	swait.ge [sflag:s15], $0x4000  }
0x187: {  	[sflag:s15] =	ssyncset.done $0x0  }
0x188: {  	[sflag:s15] =	ssyncadd.s32 $0xFFFFC000  }
0x189: {  	[spmem:s1] =	stream.indirect.scatter.add.f32 [tilespmem:s13], [sflag:$0x3], $0x80, s20, s12, $0xb8;
	[tilespmem:$0x1D000] =	vst v63  }
0x18a: {  	_ =	swait.ge [sflag:s16], $0x4000  }
0x18b: {  	[sflag:s16] =	ssyncset.done $0x0  }
0x18c: {  	[sflag:s16] =	ssyncadd.s32 $0xFFFFC000  }
0x18d: {  	[tilespmem:s13], [sflag:$0x1] =	stream.indirect.gather [hbm4b:s4+s12], $0x80, s21, s12, $0xb8;
	[tilespmem:$0x1D000] =	vst v63  }
0x18e: {  	_ =	swait.ge [sflag:s17], $0x4000  }
0x18f: {  	[sflag:s17] =	ssyncset.done $0x0  }
0x190: {  	[sflag:s17] =	ssyncadd.s32 $0xFFFFC000  }
0x191: {  	[spmem:s1] =	stream.indirect.scatter.add.f32 [tilespmem:s14], [sflag:$0x4], $0x80, s22, s12, $0xb8;
	[tilespmem:$0x1D000] =	vst v63  }
0x192: {  	_ =	swait.ge [sflag:s18], $0x4000  }
0x193: {  	[sflag:s18] =	ssyncset.done $0x0  }
0x194: {  	[sflag:s18] =	ssyncadd.s32 $0xFFFFC000  }
0x195: {  	[tilespmem:s14], [sflag:$0x2] =	stream.indirect.gather [hbm4b:s4+s12], $0x80, s23, s12, $0xb8;
	[tilespmem:$0x1D000] =	vst v63  }
0x196: {  	_ =	swait.ge [sflag:s15], $0x4000  }
0x197: {  	[sflag:s15] =	ssyncset.done $0x0  }
0x198: {  	[sflag:s15] =	ssyncadd.s32 $0xFFFFC000  }
0x199: {  	[spmem:s1] =	stream.indirect.scatter.add.f32 [tilespmem:s13], [sflag:$0x3], $0x80, s24, s12, $0xb8;
	[tilespmem:$0x1D000] =	vst v63  }
0x19a: {  	_ =	swait.ge [sflag:s16], $0x4000  }
0x19b: {  	[sflag:s16] =	ssyncset.done $0x0  }
0x19c: {  	[sflag:s16] =	ssyncadd.s32 $0xFFFFC000  }
0x19d: {  	[tilespmem:s13], [sflag:$0x1] =	stream.indirect.gather [hbm4b:s4+s12], $0x80, s25, s12, $0xb8;
	[tilespmem:$0x1D000] =	vst v63  }
0x19e: {  	_ =	swait.ge [sflag:s17], $0x4000  }
0x19f: {  	[sflag:s17] =	ssyncset.done $0x0  }
0x1a0: {  	[sflag:s17] =	ssyncadd.s32 $0xFFFFC000  }
0x1a1: {  	[spmem:s1] =	stream.indirect.scatter.add.f32 [tilespmem:s14], [sflag:$0x4], $0x80, s26, s12, $0xb8;
	[tilespmem:$0x1D000] =	vst v63  }
0x1a2: {  	_ =	swait.ge [sflag:s18], $0x4000  }
0x1a3: {  	[sflag:s18] =	ssyncset.done $0x0  }
0x1a4: {  	[sflag:s18] =	ssyncadd.s32 $0xFFFFC000  }
0x1a5: {  	[tilespmem:s14], [sflag:$0x2] =	stream.indirect.gather [hbm4b:s4+s12], $0x80, s28, s12, $0xb8;
	[tilespmem:$0x1D000] =	vst v63  }
0x1a6: {  	_ =	swait.ge [sflag:s15], $0x4000  }
0x1a7: {  	[sflag:s15] =	ssyncset.done $0x0  }
0x1a8: {  	[sflag:s15] =	ssyncadd.s32 $0xFFFFC000  }
0x1a9: {  	[spmem:s1] =	stream.indirect.scatter.add.f32 [tilespmem:s13], [sflag:$0x3], $0x80, s29, s12, $0xb8;
	[tilespmem:$0x1D000] =	vst v63  }
0x1aa: {  	_ =	swait.ge [sflag:s16], $0x4000  }
0x1ab: {  	[sflag:s16] =	ssyncset.done $0x0  }
0x1ac: {  	[sflag:s16] =	ssyncadd.s32 $0xFFFFC000  }
0x1ad: {  	[tilespmem:s13], [sflag:$0x1] =	stream.indirect.gather [hbm4b:s4+s12], $0x80, s30, s12, $0xb8;
	[tilespmem:$0x1D000] =	vst v63  }
0x1ae: {  	_ =	swait.ge [sflag:s17], $0x4000  }
0x1af: {  	[sflag:s17] =	ssyncset.done $0x0  }
0x1b0: {  	[sflag:s17] =	ssyncadd.s32 $0xFFFFC000  }
0x1b1: {  	[spmem:s1] =	stream.indirect.scatter.add.f32 [tilespmem:s14], [sflag:$0x4], $0x80, s31, s12, $0xb8;
	[tilespmem:$0x1D000] =	vst v63  }
0x1b2: {  	_ =	swait.ge [sflag:s18], $0x4000  }
0x1b3: {  	[sflag:s18] =	ssyncset.done $0x0  }
0x1b4: {  	[sflag:s18] =	ssyncadd.s32 $0xFFFFC000  }
0x1b5: {  	[tilespmem:s14], [sflag:$0x2] =	stream.indirect.gather [hbm4b:s4+s12], $0x80, s0, s12, $0xb8;
	[tilespmem:$0x1D000] =	vst v63  }
0x1b6: {  	_ =	swait.ge [sflag:s15], $0x4000  }
0x1b7: {  	[sflag:s15] =	ssyncset.done $0x0  }
0x1b8: {  	[sflag:s15] =	ssyncadd.s32 $0xFFFFC000  }
0x1b9: {  	[spmem:s1] =	stream.indirect.scatter.add.f32 [tilespmem:s13], [sflag:$0x3], $0x80, s2, s12, $0xb8;
	[tilespmem:$0x1D000] =	vst v63  }
0x1ba: {  	_ =	swait.ge [sflag:s17], $0x4000  }
0x1bb: {  	[sflag:s17] =	ssyncset.done $0x0  }
0x1bc: {  	[sflag:s17] =	ssyncadd.s32 $0xFFFFC000  }
0x1bd: {  	[spmem:s1] =	stream.indirect.scatter.add.f32 [tilespmem:s14], [sflag:$0x4], $0x80, s5, s12, $0xb8;
	[tilespmem:$0x1D000] =	vst v63  }
0x1be: {  	_ =	swait.ge [sflag:s16], $0x4000  }
0x1bf: {  	[sflag:s16] =	ssyncset.done $0x0  }
0x1c0: {  	[sflag:s16] =	ssyncadd.s32 $0xFFFFC000  }
0x1c1: {  	_ =	swait.ge [sflag:s18], $0x4000  }
0x1c2: {  	[sflag:s18] =	ssyncset.done $0x0  }
0x1c3: {  	[sflag:s18] =	ssyncadd.s32 $0xFFFFC000  }
0x1c4: {  	[bflag:$0x0] =	sbarrier.arrive $0xFFFF  }
0x1c5: {  	s8 =	rddreg [dreg:$0x14]  }
0x1c6: {  	s9 =	rddreg [dreg:$0x15]  }
0x1c7: {  	s7 =	rddreg [dreg:$0x17]  }
0x1c8: {  	[hbm:s9], [sflag:s8] =	dma.local [spmem:s7], $0x2800  }
0x1c9: {  	_ =	swait.ge [sflag:s10], $0x2800  }
0x1ca: {  	s6 =	rddreg [dreg:$0x18]  }
0x1cb: {  	s9 =	sadd.s32 $0x1, s6;
	s6 =	rddreg [dreg:$0x16]  }
0x1cc: {  	p0 =	sne.s32 s9, s6  }
.Ltmp1:
0x1cd: {  	_ = 	snop;
	(pc) =	sbr.rel @p0 .LBB2_1-.Ltmp1, $3  }
0x1ce: {  	_ =	sdelay $0x1  }
0x1cf: {  	[sflag:s10] =	ssyncset.done $0x0  }
0x1d0: {  	[sflag:s10] =	ssyncadd.s32 $0xFFFFD800  }
0x1d1: {  	_ =	sfence.sel $0x180000  }
0x1d2: {  	[bflag:$0x0] =	sbarrier.arrive $0xFFFF  }
0x1d3: {  	_ =	strace $0x9000004D  }
0x1d4: {  	s0 =	stileid.u32;
	[bflag:$0x2] =	sbarrier.arrive $0xFFFF  }
0x1d5: {  	p0 =	sne.s32 s0, $0x0;
	s0 =	rddreg [dreg:$0x2]  }
0x1d6: {  	s0 =	sadd.s32 @!p0 $0x100000, s0  }
0x1d7: {  	[sflag:s0] =	ssyncadd.tile.s32 @!p0 $0x1;
	_ =	shalt  }
.Lfunc_end2:
_tile_overlayer_lowered:
.L_overlay_start_2:
0x1d8: {  	(tag) =	ssettag $0x2  }
0x1d9: {  	s0 =	rddreg [dreg:$0x0];
	s2 =	stileid.u32  }
0x1da: {  	s1 =	rddreg [dreg:$0x1];
	p0 =	sne.s32 s2, $0x0  }
0x1db: {  	s3 =	rddreg [dreg:$0x2];
	[bflag:$0x3] =	sbarrier.arrive $0xFFFF;
	s2 =	simm.s32 @!p0 $0x1C05  }
0x1dc: {  	[timem:s3], [sflag:s2] =	dma.local @!p0 [hbm:s0], s1  }
0x1dd: {  	s0 =	simm.s32 @!p0 $0x5  }
0x1de: {  	_ =	swait.ge @!p0 [sflag:s0], s1  }
0x1df: {  	s1 =	ssub.s32 @!p0 $0x0, s1;
	[sflag:s0] =	ssyncset.done @!p0 $0x0  }
0x1e0: {  	[sflag:s0] =	ssyncadd.s32 @!p0 s1  }
0x1e1: {  	[bflag:$0x3] =	sbarrier.arrive $0xFFFF  }
0x1e2: {  	_ =	shalt  }

// kernel: kernel.8.cloned.1.call-start
scs
__scs_entry_jumppad:
0x0: {  	(pc) =	sbr.rel $0x88, $3  }
0x1: {  	(tag) =	ssettag $0x0;
	lr =	simm.s32 $0x1  }
0x2: {  	[smem:$0x3F9A] =	sst lr;
	_ =	strace $0xD0000000  }
0x3: {  	_ = 	snop  }
0x4: {  	_ = 	snop  }
0x5: {  	_ = 	snop  }
0x6: {  	_ = 	snop  }
0x7: {  	_ = 	snop  }
__scs_overlays_trampoline_lowered:
0x8: {  	[smem:$0x3FA9] =	sst s0  }
0x9: {  	[smem:$0x3FAA] =	sst s1  }
0xa: {  	[smem:$0x3FAB] =	sst s2  }
0xb: {  	[smem:$0x3FAC] =	sst s3  }
0xc: {  	[smem:$0x3FAD] =	sst s4  }
0xd: {  	[smem:$0x3FAE] =	sst s5  }
0xe: {  	[smem:$0x3FAF] =	sst s6  }
0xf: {  	[smem:$0x3FB0] =	sst s7  }
0x10: {  	[smem:$0x3FB1] =	sst s8  }
0x11: {  	[smem:$0x3FB2] =	sst s9;
	s0 =	simm.s32 @!p0 $0x0  }
0x12: {  	s1 =	sld [smem:$0x3F98];
	s0 =	simm.s32 @p0 $0x1  }
0x13: {  	[smem:$0x3FB3] =	sst s0;
	s0 =	simm.s32 @!p1 $0x0  }
0x14: {  	s2 =	sld [smem:$0x3F97];
	s0 =	simm.s32 @p1 $0x1  }
0x15: {  	[smem:$0x3FB4] =	sst s0;
	s0 =	simm.s32 @!p2 $0x0  }
0x16: {  	s3 =	sld [smem:$0x3FDB];
	s0 =	simm.s32 @p2 $0x1  }
0x17: {  	s4 =	simm.s32 $0x1BF5;
	[smem:$0x3FB6] =	sst s0  }
0x18: {  	s0 =	sld [smem:$0x3F99];
	_ =	swait.ge [sflag:s4], $0x0  }
0x19: {  	s7 =	sld [smem:$0x3F9A]  }
0x1a: {  	s8 =	sadd.s32 $0xFFFFE003, lr  }
0x1b: {  	s9 =	sadd.s32 $0xFFFFFEF7, lr;
	s5 =	simm.s32 $0xFFFFFFFF;
	p2 =	slt.u32 s8, $0xFFFFF086  }
0x1c: {  	p1 =	slt.u32 s9, $0xF7A;
	s5 =	simm.s32 @!p2 $0x0  }
0x1d: {  	s5 =	simm.s32 @p1 $0x1;
	p0 =	seq.s32 s7, s2  }
0x1e: {  	s7 =	smul.u32 @!p0 $0xF7A, s2;
	p2 =	seq.s32 @!p0 s5, $0x0  }
0x1f: {  	s9 =	smul.u32 $0xF7A, s1;
	s8 =	simm.s32 @!p0 $0x1BF5;
	p2 =	por !p2, p0  }
0x20: {  	[sflag:s8] =	ssyncset.s32 @!p0 $0xFFFFF086;
	s6 =	sadd.s32 @!p0 s3, s7;
	s7 =	simm.s32 @!p0 $0x108  }
0x21: {  	s3 =	sadd.s32 s3, s9;
	s6 =	sadd.s32 @!p0 $0x88, s6;
	s7 =	simm.s32 @p2 $0x1082  }
0x22: {  	[simem:s7], [sflag:s8] =	dma.local @!p0 [hbm:s6], $0xF7A  }
0x23: {  	s9 =	sor.u32 $0xD0000000, s2;
	s6 =	simm.s32 $0x108;
	_ =	swait.ge @!p0 [sflag:s8], $0x0  }
0x24: {  	s3 =	sadd.s32 $0x88, s3;
	s6 =	simm.s32 @!p1 $0x1082;
	[sflag:s4] =	ssyncset.s32 $0xFFFFF086  }
0x25: {  	[simem:s6], [sflag:s4] =	dma.local [hbm:s3], $0xF7A  }
0x26: {  	[smem:$0x3F9A] =	sst s1;
	(tag) =	ssettag s2;
	_ =	strace s9  }
0x27: {  	s1 =	sld [smem:$0x3FAA]  }
0x28: {  	s2 =	sld [smem:$0x3FAB]  }
0x29: {  	s4 =	sld [smem:$0x3FAD]  }
0x2a: {  	p0 =	seq.s32 s5, $0x0;
	s5 =	sld [smem:$0x3FAE]  }
0x2b: {  	s6 =	sld [smem:$0x3FAF]  }
0x2c: {  	s7 =	sld [smem:$0x3FB0]  }
0x2d: {  	s3 =	simm.s32 $0x108;
	s8 =	sld [smem:$0x3FB1]  }
0x2e: {  	s3 =	simm.s32 @!p0 $0x1082;
	s9 =	sld [smem:$0x3FB2]  }
0x2f: {  	lr =	sadd.s32 s0, s3;
	s0 =	sld [smem:$0x3FA9]  }
0x30: {  	s3 =	sld [smem:$0x3FAC]  }
0x31: {  	[smem:$0x3FB5] =	sst s10  }
0x32: {  	s10 =	sld [smem:$0x3FB3];
	_ =	sdelay $0x3  }
0x33: {  	p0 =	seq.s32 s10, $0x1;
	s10 =	sld [smem:$0x3FB5];
	_ =	sdelay $0x3  }
0x34: {  	[smem:$0x3FB5] =	sst s10  }
0x35: {  	s10 =	sld [smem:$0x3FB4];
	_ =	sdelay $0x3  }
0x36: {  	p1 =	seq.s32 s10, $0x1;
	s10 =	sld [smem:$0x3FB5];
	_ =	sdelay $0x3  }
0x37: {  	[smem:$0x3FB5] =	sst s10  }
0x38: {  	s10 =	sld [smem:$0x3FB6]  }
0x39: {  	_ = 	snop;
	(pc) =	sbr.ind lr, $3  }
0x3a: {  	_ = 	snop  }
0x3b: {  	_ = 	snop  }
0x3c: {  	p2 =	seq.s32 s10, $0x1;
	s10 =	sld [smem:$0x3FB5]  }
0x3d: {  	_ =	shalt  }
0x3e: {  	_ =	shalt  }
0x3f: {  	_ =	shalt  }
0x40: {  	_ =	shalt  }
0x41: {  	_ =	shalt  }
0x42: {  	_ =	shalt  }
0x43: {  	_ =	shalt  }
0x44: {  	_ =	shalt  }
0x45: {  	_ =	shalt  }
0x46: {  	_ =	shalt  }
0x47: {  	_ =	shalt  }
0x48: {  	_ =	shalt  }
0x49: {  	_ =	shalt  }
0x4a: {  	_ =	shalt  }
0x4b: {  	_ =	shalt  }
0x4c: {  	_ =	shalt  }
0x4d: {  	_ =	shalt  }
0x4e: {  	_ =	shalt  }
0x4f: {  	_ =	shalt  }
0x50: {  	_ =	shalt  }
0x51: {  	_ =	shalt  }
0x52: {  	_ =	shalt  }
0x53: {  	_ =	shalt  }
0x54: {  	_ =	shalt  }
0x55: {  	_ =	shalt  }
0x56: {  	_ =	shalt  }
0x57: {  	_ =	shalt  }
0x58: {  	_ =	shalt  }
0x59: {  	_ =	shalt  }
0x5a: {  	_ =	shalt  }
0x5b: {  	_ =	shalt  }
0x5c: {  	_ =	shalt  }
0x5d: {  	_ =	shalt  }
0x5e: {  	_ =	shalt  }
0x5f: {  	_ =	shalt  }
0x60: {  	_ =	shalt  }
0x61: {  	_ =	shalt  }
0x62: {  	_ =	shalt  }
0x63: {  	_ =	shalt  }
0x64: {  	_ =	shalt  }
0x65: {  	_ =	shalt  }
0x66: {  	_ =	shalt  }
0x67: {  	_ =	shalt  }
0x68: {  	_ =	shalt  }
0x69: {  	_ =	shalt  }
0x6a: {  	_ =	shalt  }
0x6b: {  	_ =	shalt  }
0x6c: {  	_ =	shalt  }
0x6d: {  	_ =	shalt  }
0x6e: {  	_ =	shalt  }
0x6f: {  	_ =	shalt  }
0x70: {  	_ =	shalt  }
0x71: {  	_ =	shalt  }
0x72: {  	_ =	shalt  }
0x73: {  	_ =	shalt  }
0x74: {  	_ =	shalt  }
0x75: {  	_ =	shalt  }
0x76: {  	_ =	shalt  }
0x77: {  	_ =	shalt  }
0x78: {  	_ =	shalt  }
0x79: {  	_ =	shalt  }
0x7a: {  	_ =	shalt  }
0x7b: {  	_ =	shalt  }
0x7c: {  	_ =	shalt  }
0x7d: {  	_ =	shalt  }
0x7e: {  	_ =	shalt  }
0x7f: {  	_ =	shalt  }
0x80: {  	_ =	shalt  }
0x81: {  	_ =	shalt  }
0x82: {  	_ =	shalt  }
0x83: {  	_ =	shalt  }
0x84: {  	_ =	shalt  }
0x85: {  	_ =	shalt  }
0x86: {  	_ =	shalt  }
0x87: {  	_ =	shalt  }
.Lfunc_end0:
.L_simem_size_0:
called_computation_lowered:
.L_overlay_start_0:
0x88: {  	s2 =	sld [smem:$0x3FD9]  }
0x89: {  	s3 =	sld [smem:$0x3FFE];
	_ =	sdelay $0x1  }
0x8a: {  	s1 =	srdreg.scid  }
0x8b: {  	s0 =	sand.u32 $0x1, s1  }
0x8c: {  	s16 =	sshll.u32 s0, $0xA;
	s2 =	sadd.s32 s3, s2  }
0x8d: {  	s2 =	sadd.s32 s2, s16  }
0x8e: {  	[smem:$0x3FC1] =	sst s2  }
0x8f: {  	_ = 	snop  }
0x90: {  	(tm) =	ssettm $0x1  }
0x91: {  	s17 =	sld [smem:$0x3FFB];
	_ =	sdelay $0x3  }
0x92: {  	_ =	strace s17  }
0x93: {  	s2 =	sld [smem:$0x3FFC];
	_ =	sdelay $0x3  }
0x94: {  	_ =	strace s2  }
0x95: {  	s2 =	sld [smem:$0x3FFD];
	_ =	sdelay $0x3  }
0x96: {  	_ =	strace s2  }
0x97: {  	_ =	strace $0x8FFFFFFF  }
0x98: {  	s18 =	sld [smem:$0x3FDB];
	_ =	sdelay $0x1  }
0x99: {  	s19 =	simm.s32 $_scs_section_size  }
0x9a: {  	s4 =	simm.s32 $_size__tile_overlayer_lowered;
	s5 =	simm.s32 $_tile_overlayer_lowered  }
0x9b: {  	s22 =	simm.s32 $0x1BFF;
	s21 =	sshll.u32 s5, $0x1;
	s2 =	sadd.s32 s19, s18  }
0x9c: {  	s6 =	simm.s32 $0x0;
	s20 =	sshll.u32 s4, $0x1;
	s4 =	sadd.s32 s21, s2  }
0x9d: {  	[timem:s6], [sflag:s22] =	dma.local [hbm:s4], s20  }
0x9e: {  	_ =	swait.ge [sflag:s22], s20  }
0x9f: {  	s3 =	ssub.s32 $0x0, s20;
	[sflag:s22] =	ssyncset.done $0x0  }
0xa0: {  	[sflag:s22] =	ssyncadd.s32 s3;
	_ =	sdelay $0x1  }
0xa1: {  	s23 =	simm.s32 $0x1B8B  }
0xa2: {  	_ =	swait.ge [sflag:s23], $0x1  }
0xa3: {  	[sflag:s23] =	ssyncset.done $0x0  }
0xa4: {  	s25 =	simm.s32 $0x1B8E;
	s24 =	sld [smem:$0x3FFE];
	[sflag:s23] =	ssyncadd.s32 $0xFFFFFFFF  }
0xa5: {  	s26 =	simm.s32 $execute0_lowered;
	[smem:$0x3FD2] =	sst s25  }
0xa6: {  	s4 =	sshll.u32 s26, $0x1;
	_ =	strace $0x80000046;
	[dreg:$0x1] =	wrdreg $0xFFFFFFFF  }
0xa7: {  	s28 =	simm.s32 $_size_execute0_lowered;
	s2 =	sadd.s32 s2, s4;
	[dreg:$0x0] =	wrdreg $0x0  }
0xa8: {  	s4 =	sshll.u32 s28, $0x1;
	[dreg:$0x2] =	wrdreg s2  }
0xa9: {  	[dreg:$0x3] =	wrdreg s4  }
0xaa: {  	[dreg:$0x4] =	wrdreg $0xC0  }
0xab: {  	_ =	task [dreg:s6], $0x5FFFF  }
0xac: {  	[dreg:$0x1] =	wrdreg $0xFFFFFFFF  }
0xad: {  	[dreg:$0x0] =	wrdreg $0x60  }
0xae: {  	[dreg:$0x2] =	wrdreg s24  }
0xaf: {  	[dreg:$0x3] =	wrdreg $0x198800  }
0xb0: {  	[dreg:$0x4] =	wrdreg $0x9  }
0xb1: {  	_ =	task.clear_ibuf [dreg:s6], $0x5FFFF;
	_ =	strace $0x90000046  }
0xb2: {  	s29 =	simm.s32 $0x9;
	_ =	strace $0x80000048  }
0xb3: {  	_ =	swait.ge [sflag:s29], $0x1  }
0xb4: {  	[sflag:s29] =	ssyncadd.s32 $0xFFFFFFFF  }
0xb5: {  	_ =	strace $0x90000048  }
0xb6: {  	_ =	sfence  }
0xb7: {  	s30 =	sld [smem:$0x0];
	_ =	sdelay $0x2  }
0xb8: {  	s31 =	sshll.u32 s1, $0xD;
	s1 =	sshrl.u32 s1, $0x2  }
0xb9: {  	s3 =	sand.u32 $0x4000, s31;
	s1 =	sadd.s32 s1, s30  }
0xba: {  	s0 =	sor.u32 s3, s0;
	s1 =	sshll.u32 s1, $0x11  }
0xbb: {  	s0 =	sor.u32 s1, s0  }
0xbc: {  	s0 =	sadd.s32 $0x8F2B, s0  }
0xbd: {  	[sflag:s0] =	ssyncadd.remote.s32 $0x1  }
0xbe: {  	_ =	sfence.sel $0xFFFF  }
0xbf: {  	[dreg:$0x0] =	wrdreg $0xFFFFFFFF;
	(pc) =	sbr.abs _section_cstart, $3  }
0xc0: {  	[dreg:$0x1] =	wrdreg $0xFFFFFFFF  }
0xc1: {  	_ =	task.clear_ibuf [dreg:s6], $0x2FFFF;
	_ =	strace $0x9FFFFFFF  }
0xc2: {  	(tm) =	ssettm $0x7FFFFFFF  }
0xc3: {  	_ =	shalt  }
tec
execute0_lowered:
.L_overlay_start_1:
0x0: {  	(tag) =	ssettag $0x1  }
0x1: {  	s0 =	rddreg [dreg:$0x0];
	s1 =	srdreg.scid  }
0x2: {  	s9 =	stileid.u32;
	s2 =	rddreg [dreg:$0x1];
	s5 =	simm.s32 $0x0  }
0x3: {  	s24 =	simm.s32 $0x1;
	s28 =	simm.s32 $0x400;
	s1 =	sand.u32 $0x1, s1  }
0x4: {  	s3 =	smul.u32 $0x280, s9;
	[smem:$0x7FF] =	sst s5;
	s25 =	sshrl.u32 s9, $0x3  }
0x5: {  	s7 =	sshll.u32 s9, $0x1;
	s26 =	smul.u32 $0x5000, s9;
	s29 =	sshll.u32 s9, $0x7  }
0x6: {  	s4 =	smul.u32 $0x2800, s1;
	_ =	strace $0x80000047;
	s6 =	ssub.s32 $0x2, s1  }
0x7: {  	s5 =	smul.u32 $0x50000, s25;
	s1 =	sor.u32 s1, s7;
	s25 =	simm.s32 $0x800  }
0x8: {  	s8 =	sshrl.u32 s6, $0x1;
	s30 =	sshrl.u32 s26, $0x2;
	s26 =	simm.s32 $0x80  }
0x9: {  	s4 =	sadd.s32 s3, s4;
	s3 =	sadd.s32 $0xC000, s0;
	s5 =	sshrl.u32 s5, $0x2  }
0xa: {  	s23 =	ssub.s32 s6, s8;
	s4 =	sshrl.u32 s4, $0x3;
	s31 =	sadd.s32 s5, s2  }
0xb: {  	v0 =	vimm.s32 $0x1400F;
	vm0 =	vcmask $0x2320;
	s5 =	sadd.s32 s30, s2;
	s23 =	smax.u32 s23, $0x1;
	s0 =	sadd.s32 s4, s0  }
0xc: {  	v0 =	vsel vm0, $0x14008, v0;
	vm0 =	vcmask $0x2724;
	s4 =	smul.u32 $0x2800, s1;
	s1 =	sand.u32 $0x380, s29;
	s7 =	sadd.s32 $0x80, s5  }
0xd: {  	v4 =	vlaneseq.u32;
	v0 =	vsel vm0, $0x14009, v0;
	vm0 =	vcmask $0x2B28;
	s8 =	sadd.s32 $0x100, s5;
	s9 =	sadd.s32 $0x180, s5;
	s10 =	sadd.s32 $0x200, s5  }
0xe: {  	v3 =	vimm.f32 $1.000000000e+00;
	v0 =	vsel vm0, $0x1400A, v0;
	vm0 =	vcmask $0x2F2C;
	s11 =	sadd.s32 $0x280, s5;
	s12 =	sadd.s32 $0x300, s5;
	s13 =	sadd.s32 $0x380, s5  }
0xf: {  	v1 =	vand.u32 $0x7, v4;
	v0 =	vsel vm0, $0x1400B, v0;
	vm0 =	vcmask $0x3330;
	s14 =	sadd.s32 $0x14000, s5;
	s15 =	sadd.s32 $0x14080, s5;
	s16 =	sadd.s32 $0x14100, s5  }
0x10: {  	v4 =	vor.u32 $0x14000, v4;
	v0 =	vsel vm0, $0x1400C, v0;
	vm0 =	vcmask $0x3734;
	s17 =	sadd.s32 $0x14180, s5;
	s18 =	sadd.s32 $0x14200, s5;
	s19 =	sadd.s32 $0x14280, s5  }
0x11: {  	v1 =	vmul.u32 $0x2800, v1;
	s20 =	sadd.s32 $0x14300, s5;
	s21 =	sadd.s32 $0x14380, s5;
	v2 =	vsel vm0, $0x1400D, v0;
	vm0 =	vcmask $0x3B38;
	s6 =	sadd.s32 s1, s31  }
0x12: {  	v0 =	vimm.f32 $0.0e+00;
	s22 =	sadd.s32 $0x16000, s0;
	v2 =	vsel vm0, $0x1400E, v2;
	vm0 =	vmmov $0xff;
	s1 =	simm.s32 $0x14880;
	s0 =	simm.s32 $0x0  }
.LBB2_1:
0x13: {  	s29 =	simm.s32 $0x0;
	s2 =	simm.s32 $0x200  }
.LBB2_2:
0x14: {  	p0 =	sne.s32 s2, $0x50000;
	[tilespmem:s29+$0x870] =	vst v0  }
0x15: {  	[tilespmem:s29+$0x800] =	vst v0  }
0x16: {  	[tilespmem:s29+$0x810] =	vst v0  }
.Ltmp0:
0x17: {  	[tilespmem:s29+$0x820] =	vst v0;
	(pc) =	sbr.rel @p0 .LBB2_2-.Ltmp0, $4  }
0x18: {  	[tilespmem:s29+$0x830] =	vst v0  }
0x19: {  	[tilespmem:s29+$0x840] =	vst v0  }
0x1a: {  	[tilespmem:s29+$0x850] =	vst v0  }
0x1b: {  	[tilespmem:s29+$0x860] =	vst v0;
	s29 =	sshra.s32 s2, $0x2;
	s2 =	sadd.s32 $0x200, s2  }
0x1c: {  	[tilespmem:s29+$0x870] =	vst v0  }
0x1d: {  	[tilespmem:s29+$0x800] =	vst v0  }
0x1e: {  	[tilespmem:s29+$0x810] =	vst v0  }
0x1f: {  	[tilespmem:s29+$0x820] =	vst v0  }
0x20: {  	[tilespmem:s29+$0x830] =	vst v0  }
0x21: {  	[tilespmem:s29+$0x840] =	vst v0  }
0x22: {  	[tilespmem:s29+$0x850] =	vst v0  }
0x23: {  	s2 =	simm.s32 $0x0;
	[tilespmem:s29+$0x860] =	vst v0;
	s29 =	simm.s32 $0x0  }
.LBB2_4:
0x24: {  	s30 =	sshll.u32 s29, $0xB  }
0x25: {  	s30 =	sadd.s32 s4, s30  }
0x26: {  	s30 =	sshrl.u32 s30, $0x3  }
0x27: {  	s30 =	sadd.s32 s3, s30  }
0x28: {  	[tilespmem:s2], [sflag:$0x1] =	stream.linear.gather [hbm4b:s30+s2], $0x800, $0x38;
	[tilespmem:$0x1C080] =	vst v63  }
0x29: {  	_ =	swait.ge [sflag:s24], $0x800  }
0x2a: {  	[sflag:s24] =	ssyncset.done $0x0  }
0x2b: {  	s30 =	simm.s32 $0x0;
	[sflag:s24] =	ssyncadd.s32 $0xFFFFF800  }
.LBB2_5:
0x2c: {  	s31 =	sshra.s32 s30, $0x2  }
0x2d: {  	v5 =	vld [tilespmem:s31+$0x0];
	_ =	sdelay $0x4  }
0x2e: {  	v5 =	vadd.s32 v1, v5  }
0x2f: {  	v6 =	vsel vm0, v5, v2  }
0x30: {  	v5 =	vsel vm0, v4, v5;
	_ =	sdelay $0x3  }
0x31: {  	[tilespmem:v6+s25+$0x0] =	vst.idx.add.f32.msk $0xffff, v3  }
0x32: {  	[tilespmem:v5+s25+$0x0] =	vst.idx.add.f32.msk $0xffff, v3  }
0x33: {  	v5 =	vld [tilespmem:s31+$0x10];
	_ =	sdelay $0x4  }
0x34: {  	v5 =	vadd.s32 v1, v5  }
0x35: {  	v6 =	vsel vm0, v5, v2  }
0x36: {  	v5 =	vsel vm0, v4, v5;
	_ =	sdelay $0x3  }
0x37: {  	[tilespmem:v6+s25+$0x0] =	vst.idx.add.f32.msk $0xffff, v3  }
0x38: {  	[tilespmem:v5+s25+$0x0] =	vst.idx.add.f32.msk $0xffff, v3  }
0x39: {  	v5 =	vld [tilespmem:s31+$0x20];
	_ =	sdelay $0x4  }
0x3a: {  	v5 =	vadd.s32 v1, v5  }
0x3b: {  	v6 =	vsel vm0, v5, v2  }
0x3c: {  	v5 =	vsel vm0, v4, v5;
	_ =	sdelay $0x3  }
0x3d: {  	[tilespmem:v6+s25+$0x0] =	vst.idx.add.f32.msk $0xffff, v3  }
0x3e: {  	[tilespmem:v5+s25+$0x0] =	vst.idx.add.f32.msk $0xffff, v3  }
0x3f: {  	v5 =	vld [tilespmem:s31+$0x30];
	_ =	sdelay $0x4  }
0x40: {  	v5 =	vadd.s32 v1, v5  }
0x41: {  	v6 =	vsel vm0, v5, v2  }
0x42: {  	p0 =	sne.s32 s30, $0x1F00;
	v5 =	vsel vm0, v4, v5  }
.Ltmp1:
0x43: {  	_ = 	snop;
	(pc) =	sbr.rel @p0 .LBB2_5-.Ltmp1, $3  }
0x44: {  	_ =	sdelay $0x1  }
0x45: {  	[tilespmem:v6+s25+$0x0] =	vst.idx.add.f32.msk $0xffff, v3  }
0x46: {  	s30 =	sadd.s32 $0x100, s30;
	[tilespmem:v5+s25+$0x0] =	vst.idx.add.f32.msk $0xffff, v3  }
0x47: {  	s29 =	sadd.s32 $0x1, s29  }
0x48: {  	p0 =	sne.s32 s29, $0x5  }
.Ltmp2:
0x49: {  	_ = 	snop;
	(pc) =	sbr.rel @p0 .LBB2_4-.Ltmp2, $1  }
0x4a: {  	_ =	sdelay $0x3  }
0x4b: {  	s2 =	simm.s32 $0x0;
	s29 =	simm.s32 $0x800  }
0x4c: {  	s2 =	sand.u32 $0x3FF0, s2;
	v6 =	vld [tilespmem:s29+$0x0]  }
0x4d: {  	v5 =	vld [tilespmem:s2+$0x3000];
	_ =	sdelay $0x1  }
0x4e: {  	v7 =	vld [tilespmem:s2+$0x5800];
	_ =	sdelay $0x1  }
0x4f: {  	v8 =	vld [tilespmem:s2+$0x8000]  }
0x50: {  	v5 =	vadd.f32 v5, v6  }
0x51: {  	v6 =	vld [tilespmem:s2+$0xA800]  }
0x52: {  	v5 =	vadd.f32 v7, v5  }
0x53: {  	v7 =	vld [tilespmem:s2+$0xD000]  }
0x54: {  	v5 =	vadd.f32 v8, v5  }
0x55: {  	v63 =	vld [tilespmem:s2+$0xF800]  }
0x56: {  	v5 =	vadd.f32 v6, v5  }
0x57: {  	v6 =	vld [tilespmem:s2+$0x12000]  }
0x58: {  	v5 =	vadd.f32 v7, v5;
	_ =	sdelay $0x1  }
0x59: {  	v5 =	vadd.f32 v63, v5;
	_ =	sdelay $0x1  }
0x5a: {  	v5 =	vadd.f32 v6, v5  }
0x5b: {  	s29 =	simm.s32 $0x10;
	s2 =	simm.s32 $0x14880  }
0x5c: {  	s29 =	sand.u32 $0x3FF0, s29;
	[tilespmem:s2+$0x0] =	vst v5  }
0x5d: {  	s31 =	simm.s32 $0x20;
	s30 =	simm.s32 $0x810;
	v5 =	vld [tilespmem:s29+$0x3000]  }
.LBB2_8:
0x5e: {  	p0 =	sne.s32 s31, $0x27F0;
	v6 =	vld [tilespmem:s30+$0x0];
	_ =	sdelay $0x1  }
0x5f: {  	v7 =	vld [tilespmem:s29+$0x5800];
	_ =	sdelay $0x1  }
0x60: {  	v8 =	vld [tilespmem:s29+$0x8000]  }
0x61: {  	v5 =	vadd.f32 v5, v6  }
0x62: {  	v6 =	vld [tilespmem:s29+$0xA800]  }
0x63: {  	v5 =	vadd.f32 v7, v5  }
0x64: {  	v7 =	vld [tilespmem:s29+$0xD000]  }
0x65: {  	v5 =	vadd.f32 v8, v5  }
0x66: {  	v8 =	vld [tilespmem:s29+$0xF800]  }
0x67: {  	v5 =	vadd.f32 v6, v5  }
0x68: {  	v6 =	vld [tilespmem:s29+$0x12000]  }
0x69: {  	v5 =	vadd.f32 v7, v5;
	_ =	sdelay $0x1  }
0x6a: {  	v5 =	vadd.f32 v8, v5  }
.Ltmp3:
0x6b: {  	(pc) =	sbr.rel @p0 .LBB2_8-.Ltmp3, $4  }
0x6c: {  	v5 =	vadd.f32 v6, v5  }
0x6d: {  	s2 =	sadd.s32 $0x10, s2  }
0x6e: {  	s29 =	sand.u32 $0x3FF0, s31;
	[tilespmem:s2+$0x0] =	vst v5  }
0x6f: {  	s30 =	sadd.s32 $0x10, s30;
	s31 =	sadd.s32 $0x10, s31;
	v5 =	vld [tilespmem:s29+$0x3000]  }
0x70: {  	v6 =	vld [tilespmem:s30+$0x0];
	_ =	sdelay $0x1  }
0x71: {  	v7 =	vld [tilespmem:s29+$0x5800];
	_ =	sdelay $0x1  }
0x72: {  	v8 =	vld [tilespmem:s29+$0x8000]  }
0x73: {  	v5 =	vadd.f32 v5, v6  }
0x74: {  	v6 =	vld [tilespmem:s29+$0xA800]  }
0x75: {  	v5 =	vadd.f32 v7, v5  }
0x76: {  	v7 =	vld [tilespmem:s29+$0xD000]  }
0x77: {  	v5 =	vadd.f32 v8, v5  }
0x78: {  	v58 =	vld [tilespmem:s29+$0xF800]  }
0x79: {  	v5 =	vadd.f32 v6, v5  }
0x7a: {  	v6 =	vld [tilespmem:s29+$0x12000]  }
0x7b: {  	v5 =	vadd.f32 v7, v5;
	_ =	sdelay $0x1  }
0x7c: {  	v5 =	vadd.f32 v58, v5;
	_ =	sdelay $0x1  }
0x7d: {  	v5 =	vadd.f32 v6, v5  }
0x7e: {  	s2 =	sadd.s32 $0x10, s2  }
0x7f: {  	[tilespmem:s2+$0x0] =	vst v5;
	s2 =	simm.s32 $0x14880  }
0x80: {  	[spmem:s6] =	stream.strided.scatter [tilespmem:s2], [sflag:$0x1], $0x2800, s28, s26, $0x38;
	[tilespmem:$0x1C080] =	vst v63  }
0x81: {  	_ =	swait.ge [sflag:s24], $0x2800  }
0x82: {  	[sflag:s24] =	ssyncset.done $0x0  }
0x83: {  	[sflag:s24] =	ssyncadd.s32 $0xFFFFD800  }
0x84: {  	s29 =	simm.s32 $0x17080;
	[bflag:$0x0] =	sbarrier.arrive $0xFFFF  }
0x85: {  	[tilespmem:s29], [sflag:$0x1] =	stream.strided.gather [spmem:s5], $0x280, s28, s26, $0x38;
	[tilespmem:$0x1C080] =	vst v63  }
0x86: {  	_ =	swait.ge [sflag:s24], $0x280  }
0x87: {  	[sflag:s24] =	ssyncset.done $0x0  }
0x88: {  	s30 =	simm.s32 $0x17300;
	[sflag:s24] =	ssyncadd.s32 $0xFFFFFD80  }
0x89: {  	[tilespmem:s30], [sflag:$0x1] =	stream.strided.gather [spmem:s7], $0x280, s28, s26, $0x38;
	[tilespmem:$0x1C080] =	vst v63  }
0x8a: {  	_ =	swait.ge [sflag:s24], $0x280  }
0x8b: {  	[sflag:s24] =	ssyncset.done $0x0  }
0x8c: {  	s30 =	simm.s32 $0x17580;
	[sflag:s24] =	ssyncadd.s32 $0xFFFFFD80  }
0x8d: {  	[tilespmem:s30], [sflag:$0x1] =	stream.strided.gather [spmem:s8], $0x280, s28, s26, $0x38;
	[tilespmem:$0x1C080] =	vst v63  }
0x8e: {  	_ =	swait.ge [sflag:s24], $0x280  }
0x8f: {  	[sflag:s24] =	ssyncset.done $0x0  }
0x90: {  	s30 =	simm.s32 $0x17800;
	[sflag:s24] =	ssyncadd.s32 $0xFFFFFD80  }
0x91: {  	[tilespmem:s30], [sflag:$0x1] =	stream.strided.gather [spmem:s9], $0x280, s28, s26, $0x38;
	[tilespmem:$0x1C080] =	vst v63  }
0x92: {  	_ =	swait.ge [sflag:s24], $0x280  }
0x93: {  	[sflag:s24] =	ssyncset.done $0x0  }
0x94: {  	s30 =	simm.s32 $0x17A80;
	[sflag:s24] =	ssyncadd.s32 $0xFFFFFD80  }
0x95: {  	[tilespmem:s30], [sflag:$0x1] =	stream.strided.gather [spmem:s10], $0x280, s28, s26, $0x38;
	[tilespmem:$0x1C080] =	vst v63  }
0x96: {  	_ =	swait.ge [sflag:s24], $0x280  }
0x97: {  	[sflag:s24] =	ssyncset.done $0x0  }
0x98: {  	s30 =	simm.s32 $0x17D00;
	[sflag:s24] =	ssyncadd.s32 $0xFFFFFD80  }
0x99: {  	[tilespmem:s30], [sflag:$0x1] =	stream.strided.gather [spmem:s11], $0x280, s28, s26, $0x38;
	[tilespmem:$0x1C080] =	vst v63  }
0x9a: {  	_ =	swait.ge [sflag:s24], $0x280  }
0x9b: {  	[sflag:s24] =	ssyncset.done $0x0  }
0x9c: {  	s30 =	simm.s32 $0x17F80;
	[sflag:s24] =	ssyncadd.s32 $0xFFFFFD80  }
0x9d: {  	[tilespmem:s30], [sflag:$0x1] =	stream.strided.gather [spmem:s12], $0x280, s28, s26, $0x38;
	[tilespmem:$0x1C080] =	vst v63  }
0x9e: {  	_ =	swait.ge [sflag:s24], $0x280  }
0x9f: {  	[sflag:s24] =	ssyncset.done $0x0  }
0xa0: {  	s30 =	simm.s32 $0x18200;
	[sflag:s24] =	ssyncadd.s32 $0xFFFFFD80  }
0xa1: {  	[tilespmem:s30], [sflag:$0x1] =	stream.strided.gather [spmem:s13], $0x280, s28, s26, $0x38;
	[tilespmem:$0x1C080] =	vst v63  }
0xa2: {  	_ =	swait.ge [sflag:s24], $0x280  }
0xa3: {  	[sflag:s24] =	ssyncset.done $0x0  }
0xa4: {  	s30 =	simm.s32 $0x18480;
	[sflag:s24] =	ssyncadd.s32 $0xFFFFFD80  }
0xa5: {  	[tilespmem:s30], [sflag:$0x1] =	stream.strided.gather [spmem:s14], $0x280, s28, s26, $0x38;
	[tilespmem:$0x1C080] =	vst v63  }
0xa6: {  	_ =	swait.ge [sflag:s24], $0x280  }
0xa7: {  	[sflag:s24] =	ssyncset.done $0x0  }
0xa8: {  	s30 =	simm.s32 $0x18700;
	[sflag:s24] =	ssyncadd.s32 $0xFFFFFD80  }
0xa9: {  	[tilespmem:s30], [sflag:$0x1] =	stream.strided.gather [spmem:s15], $0x280, s28, s26, $0x38;
	[tilespmem:$0x1C080] =	vst v63  }
0xaa: {  	_ =	swait.ge [sflag:s24], $0x280  }
0xab: {  	[sflag:s24] =	ssyncset.done $0x0  }
0xac: {  	s30 =	simm.s32 $0x18980;
	[sflag:s24] =	ssyncadd.s32 $0xFFFFFD80  }
0xad: {  	[tilespmem:s30], [sflag:$0x1] =	stream.strided.gather [spmem:s16], $0x280, s28, s26, $0x38;
	[tilespmem:$0x1C080] =	vst v63  }
0xae: {  	_ =	swait.ge [sflag:s24], $0x280  }
0xaf: {  	[sflag:s24] =	ssyncset.done $0x0  }
0xb0: {  	s30 =	simm.s32 $0x18C00;
	[sflag:s24] =	ssyncadd.s32 $0xFFFFFD80  }
0xb1: {  	[tilespmem:s30], [sflag:$0x1] =	stream.strided.gather [spmem:s17], $0x280, s28, s26, $0x38;
	[tilespmem:$0x1C080] =	vst v63  }
0xb2: {  	_ =	swait.ge [sflag:s24], $0x280  }
0xb3: {  	[sflag:s24] =	ssyncset.done $0x0  }
0xb4: {  	s30 =	simm.s32 $0x18E80;
	[sflag:s24] =	ssyncadd.s32 $0xFFFFFD80  }
0xb5: {  	[tilespmem:s30], [sflag:$0x1] =	stream.strided.gather [spmem:s18], $0x280, s28, s26, $0x38;
	[tilespmem:$0x1C080] =	vst v63  }
0xb6: {  	_ =	swait.ge [sflag:s24], $0x280  }
0xb7: {  	[sflag:s24] =	ssyncset.done $0x0  }
0xb8: {  	s30 =	simm.s32 $0x19100;
	[sflag:s24] =	ssyncadd.s32 $0xFFFFFD80  }
0xb9: {  	[tilespmem:s30], [sflag:$0x1] =	stream.strided.gather [spmem:s19], $0x280, s28, s26, $0x38;
	[tilespmem:$0x1C080] =	vst v63  }
0xba: {  	_ =	swait.ge [sflag:s24], $0x280  }
0xbb: {  	[sflag:s24] =	ssyncset.done $0x0  }
0xbc: {  	s30 =	simm.s32 $0x19380;
	[sflag:s24] =	ssyncadd.s32 $0xFFFFFD80  }
0xbd: {  	[tilespmem:s30], [sflag:$0x1] =	stream.strided.gather [spmem:s20], $0x280, s28, s26, $0x38;
	[tilespmem:$0x1C080] =	vst v63  }
0xbe: {  	_ =	swait.ge [sflag:s24], $0x280  }
0xbf: {  	[sflag:s24] =	ssyncset.done $0x0  }
0xc0: {  	s30 =	simm.s32 $0x19600;
	[sflag:s24] =	ssyncadd.s32 $0xFFFFFD80  }
0xc1: {  	[tilespmem:s30], [sflag:$0x1] =	stream.strided.gather [spmem:s21], $0x280, s28, s26, $0x38;
	[tilespmem:$0x1C080] =	vst v63  }
0xc2: {  	_ =	swait.ge [sflag:s24], $0x280  }
0xc3: {  	s30 =	simm.s32 $0x0;
	[sflag:s24] =	ssyncset.done $0x0  }
0xc4: {  	s30 =	sand.u32 $0x3F0, s30;
	[sflag:s24] =	ssyncadd.s32 $0xFFFFFD80  }
0xc5: {  	v5 =	vld [tilespmem:s30+$0x17300]  }
0xc6: {  	v6 =	vld [tilespmem:s29+$0x0];
	_ =	sdelay $0x1  }
0xc7: {  	v7 =	vld [tilespmem:s30+$0x17580];
	_ =	sdelay $0x1  }
0xc8: {  	v59 =	vld [tilespmem:s30+$0x17800]  }
0xc9: {  	v5 =	vadd.f32 v5, v6  }
0xca: {  	v6 =	vld [tilespmem:s30+$0x17A80]  }
0xcb: {  	v5 =	vadd.f32 v7, v5  }
0xcc: {  	v7 =	vld [tilespmem:s30+$0x17D00]  }
0xcd: {  	v5 =	vadd.f32 v59, v5  }
0xce: {  	v60 =	vld [tilespmem:s30+$0x17F80]  }
0xcf: {  	v5 =	vadd.f32 v6, v5  }
0xd0: {  	v6 =	vld [tilespmem:s30+$0x18200]  }
0xd1: {  	v5 =	vadd.f32 v7, v5  }
0xd2: {  	v7 =	vld [tilespmem:s30+$0x18480]  }
0xd3: {  	v5 =	vadd.f32 v60, v5  }
0xd4: {  	v61 =	vld [tilespmem:s30+$0x18700]  }
0xd5: {  	v5 =	vadd.f32 v6, v5  }
0xd6: {  	v6 =	vld [tilespmem:s30+$0x18980]  }
0xd7: {  	v5 =	vadd.f32 v7, v5  }
0xd8: {  	v7 =	vld [tilespmem:s30+$0x18C00]  }
0xd9: {  	v5 =	vadd.f32 v61, v5  }
0xda: {  	v62 =	vld [tilespmem:s30+$0x18E80]  }
0xdb: {  	v5 =	vadd.f32 v6, v5  }
0xdc: {  	v6 =	vld [tilespmem:s30+$0x19100]  }
0xdd: {  	v5 =	vadd.f32 v7, v5  }
0xde: {  	v7 =	vld [tilespmem:s30+$0x19380]  }
0xdf: {  	v5 =	vadd.f32 v62, v5  }
0xe0: {  	v63 =	vld [tilespmem:s30+$0x19600]  }
0xe1: {  	v5 =	vadd.f32 v6, v5;
	_ =	sdelay $0x1  }
0xe2: {  	v5 =	vadd.f32 v7, v5;
	_ =	sdelay $0x1  }
0xe3: {  	v5 =	vadd.f32 v63, v5  }
0xe4: {  	s29 =	simm.s32 $0x10  }
0xe5: {  	s29 =	sand.u32 $0x3F0, s29;
	[tilespmem:s2+$0x0] =	vst v5  }
0xe6: {  	s31 =	simm.s32 $0x20;
	s30 =	simm.s32 $0x17090;
	v5 =	vld [tilespmem:s29+$0x17300]  }
.LBB2_10:
0xe7: {  	p0 =	sne.s32 s31, $0x270;
	v6 =	vld [tilespmem:s30+$0x0];
	_ =	sdelay $0x1  }
0xe8: {  	v7 =	vld [tilespmem:s29+$0x17580];
	_ =	sdelay $0x1  }
0xe9: {  	v8 =	vld [tilespmem:s29+$0x17800]  }
0xea: {  	v5 =	vadd.f32 v5, v6  }
0xeb: {  	v6 =	vld [tilespmem:s29+$0x17A80]  }
0xec: {  	v5 =	vadd.f32 v7, v5  }
0xed: {  	v7 =	vld [tilespmem:s29+$0x17D00]  }
0xee: {  	v5 =	vadd.f32 v8, v5  }
0xef: {  	v8 =	vld [tilespmem:s29+$0x17F80]  }
0xf0: {  	v5 =	vadd.f32 v6, v5  }
0xf1: {  	v6 =	vld [tilespmem:s29+$0x18200]  }
0xf2: {  	v5 =	vadd.f32 v7, v5  }
0xf3: {  	v7 =	vld [tilespmem:s29+$0x18480]  }
0xf4: {  	v5 =	vadd.f32 v8, v5  }
0xf5: {  	v8 =	vld [tilespmem:s29+$0x18700]  }
0xf6: {  	v5 =	vadd.f32 v6, v5  }
0xf7: {  	v6 =	vld [tilespmem:s29+$0x18980]  }
0xf8: {  	v5 =	vadd.f32 v7, v5  }
0xf9: {  	v7 =	vld [tilespmem:s29+$0x18C00]  }
0xfa: {  	v5 =	vadd.f32 v8, v5  }
0xfb: {  	v8 =	vld [tilespmem:s29+$0x18E80]  }
0xfc: {  	v5 =	vadd.f32 v6, v5  }
0xfd: {  	v6 =	vld [tilespmem:s29+$0x19100]  }
0xfe: {  	v5 =	vadd.f32 v7, v5  }
0xff: {  	v7 =	vld [tilespmem:s29+$0x19380]  }
0x100: {  	v5 =	vadd.f32 v8, v5  }
0x101: {  	v8 =	vld [tilespmem:s29+$0x19600]  }
0x102: {  	v5 =	vadd.f32 v6, v5;
	_ =	sdelay $0x1  }
0x103: {  	v5 =	vadd.f32 v7, v5  }
.Ltmp4:
0x104: {  	(pc) =	sbr.rel @p0 .LBB2_10-.Ltmp4, $4  }
0x105: {  	v5 =	vadd.f32 v8, v5  }
0x106: {  	s2 =	sadd.s32 $0x10, s2  }
0x107: {  	s29 =	sand.u32 $0x3F0, s31;
	[tilespmem:s2+$0x0] =	vst v5  }
0x108: {  	s30 =	sadd.s32 $0x10, s30;
	s31 =	sadd.s32 $0x10, s31;
	v5 =	vld [tilespmem:s29+$0x17300]  }
0x109: {  	v6 =	vld [tilespmem:s30+$0x0];
	_ =	sdelay $0x1  }
0x10a: {  	v7 =	vld [tilespmem:s29+$0x17580];
	_ =	sdelay $0x1  }
0x10b: {  	v8 =	vld [tilespmem:s29+$0x17800]  }
0x10c: {  	v5 =	vadd.f32 v5, v6  }
0x10d: {  	v6 =	vld [tilespmem:s29+$0x17A80]  }
0x10e: {  	v5 =	vadd.f32 v7, v5  }
0x10f: {  	v7 =	vld [tilespmem:s29+$0x17D00]  }
0x110: {  	v5 =	vadd.f32 v8, v5  }
0x111: {  	v60 =	vld [tilespmem:s29+$0x17F80]  }
0x112: {  	v5 =	vadd.f32 v6, v5  }
0x113: {  	v6 =	vld [tilespmem:s29+$0x18200]  }
0x114: {  	v5 =	vadd.f32 v7, v5  }
0x115: {  	v7 =	vld [tilespmem:s29+$0x18480]  }
0x116: {  	v5 =	vadd.f32 v60, v5  }
0x117: {  	v61 =	vld [tilespmem:s29+$0x18700]  }
0x118: {  	v5 =	vadd.f32 v6, v5  }
0x119: {  	v6 =	vld [tilespmem:s29+$0x18980]  }
0x11a: {  	v5 =	vadd.f32 v7, v5  }
0x11b: {  	v7 =	vld [tilespmem:s29+$0x18C00]  }
0x11c: {  	v5 =	vadd.f32 v61, v5  }
0x11d: {  	v62 =	vld [tilespmem:s29+$0x18E80]  }
0x11e: {  	v5 =	vadd.f32 v6, v5  }
0x11f: {  	v6 =	vld [tilespmem:s29+$0x19100]  }
0x120: {  	v5 =	vadd.f32 v7, v5  }
0x121: {  	v7 =	vld [tilespmem:s29+$0x19380]  }
0x122: {  	v5 =	vadd.f32 v62, v5  }
0x123: {  	v63 =	vld [tilespmem:s29+$0x19600]  }
0x124: {  	v5 =	vadd.f32 v6, v5;
	_ =	sdelay $0x1  }
0x125: {  	v5 =	vadd.f32 v7, v5;
	_ =	sdelay $0x1  }
0x126: {  	s0 =	sadd.s32 $0x1, s0;
	v5 =	vadd.f32 v63, v5  }
0x127: {  	s2 =	sadd.s32 $0x10, s2;
	p0 =	sne.s32 s0, s23  }
.Ltmp5:
0x128: {  	s31 =	simm.s32 $0x0;
	[tilespmem:s2+$0x0] =	vst v5;
	(pc) =	sbr.rel @p0 .LBB2_1-.Ltmp5, $4  }
0x129: {  	[hbm4b:s22+s31] =	stream.linear.scatter [tilespmem:s1], [sflag:$0x1], $0x280, $0x38;
	[tilespmem:$0x1C080] =	vst v63  }
0x12a: {  	_ =	swait.ge [sflag:s24], $0x280  }
0x12b: {  	[sflag:s24] =	ssyncset.done $0x0  }
0x12c: {  	[sflag:s24] =	ssyncadd.s32 $0xFFFFFD80  }
0x12d: {  	_ =	sfence.sel $0x180000  }
0x12e: {  	[bflag:$0x0] =	sbarrier.arrive $0xFFFF  }
0x12f: {  	_ =	strace $0x90000047  }
0x130: {  	s0 =	stileid.u32;
	[bflag:$0x2] =	sbarrier.arrive $0xFFFF  }
0x131: {  	p0 =	sne.s32 s0, $0x0;
	s0 =	rddreg [dreg:$0x2]  }
0x132: {  	s0 =	sadd.s32 @!p0 $0x100000, s0  }
0x133: {  	[sflag:s0] =	ssyncadd.tile.s32 @!p0 $0x1;
	_ =	shalt  }
.Lfunc_end2:
_tile_overlayer_lowered:
.L_overlay_start_2:
0x134: {  	(tag) =	ssettag $0x2  }
0x135: {  	s0 =	rddreg [dreg:$0x0];
	s2 =	stileid.u32  }
0x136: {  	s1 =	rddreg [dreg:$0x1];
	p0 =	sne.s32 s2, $0x0  }
0x137: {  	s3 =	rddreg [dreg:$0x2];
	[bflag:$0x3] =	sbarrier.arrive $0xFFFF;
	s2 =	simm.s32 @!p0 $0x1C01  }
0x138: {  	[timem:s3], [sflag:s2] =	dma.local @!p0 [hbm:s0], s1  }
0x139: {  	s0 =	simm.s32 @!p0 $0x1  }
0x13a: {  	_ =	swait.ge @!p0 [sflag:s0], s1  }
0x13b: {  	s1 =	ssub.s32 @!p0 $0x0, s1;
	[sflag:s0] =	ssyncset.done @!p0 $0x0  }
0x13c: {  	[sflag:s0] =	ssyncadd.s32 @!p0 s1  }
0x13d: {  	[bflag:$0x3] =	sbarrier.arrive $0xFFFF  }
0x13e: {  	_ =	shalt  }

</sc_bundles>
